<compile_context>
chip_gen: v7x
topology: tpu7x:2x2x1
jax: 0.10.2.dev20260603
libtpu: 0.0.44.dev20260713+nightly
codegen_flags: <defaults>
</compile_context>

<pallas_src>
import jax
import jax.numpy as jnp
from jax import lax
from jax.experimental import pallas as pl
from jax.experimental.pallas import tpu as pltpu
from jax.experimental.pallas import tpu_sc as plsc

M = 1_000_000
D = 64
B = 16384

NC = 2
NS = 16
IPT = B // NS
RP = 31264
HALFP = NS * RP
MP = NC * HALFP
SH = HALFP + 256
ZP = SH // NS

CC = 49152
GRID = -(-M // CC)
MPAD = GRID * CC


def _mask_body(idx_hbm, zeros_hbm, mask_hbm, idx_v, idxc_v, ones_v, stage_v,
               shared, sem):
    cid = lax.axis_index("c")
    sid = lax.axis_index("s")

    z0 = pl.multiple_of(sid * ZP, 8)
    pltpu.sync_copy(zeros_hbm, stage_v)
    pltpu.sync_copy(stage_v, shared.at[pl.ds(z0, ZP)])
    pltpu.sync_copy(idx_hbm.at[sid], idx_v)
    for k in range(8):
        ones_v[pl.ds(k * 16, 16)] = jnp.ones((16,), jnp.float32)

    plsc.subcore_barrier()

    lo = cid * HALFP
    for k in range(IPT // 16):
        iv = idx_v[pl.ds(k * 16, 16)]
        loc = iv - lo
        ok = (loc >= 0) & (loc < HALFP)
        locc = jnp.where(ok, loc, jnp.int32(HALFP))
        idxc_v[k // 8, pl.ds((k % 8) * 16, 16)] = locc

    def _scatter():
        for j in range(IPT // 128):
            pltpu.sync_copy(ones_v, shared.at[idxc_v.at[j]], add=True)

    for turn in range(NS):
        pl.when(sid == turn)(_scatter)
        plsc.subcore_barrier()

    s0 = pl.multiple_of(sid * RP, 8)
    d0 = pl.multiple_of(cid * HALFP + sid * RP, 8)
    pltpu.sync_copy(shared.at[pl.ds(s0, RP)], stage_v.at[pl.ds(0, RP)])
    pltpu.sync_copy(stage_v.at[pl.ds(0, RP)], mask_hbm.at[pl.ds(d0, RP)])


def _select_body(v_sm, t_ref, m_ref, o_ref):
    m = m_ref[...]
    o_ref[...] = jnp.where(m[None, :] != 0.0, v_sm[0, 0], t_ref[...])


def kernel(t, idx, v):
    tT = t.T
    idx2 = idx.astype(jnp.int32).reshape(NS, IPT)
    zeros = jnp.zeros((ZP,), jnp.float32)
    v2 = jnp.reshape(v, (1, 1))

    build_mask = pl.kernel(
        _mask_body,
        out_type=jax.ShapeDtypeStruct((MPAD,), jnp.float32),
        mesh=plsc.VectorSubcoreMesh(core_axis_name="c", subcore_axis_name="s"),
        scratch_types=[
            pltpu.VMEM((IPT,), jnp.int32),
            pltpu.VMEM((IPT // 128, 128), jnp.int32),
            pltpu.VMEM((128,), jnp.float32),
            pltpu.VMEM((ZP,), jnp.float32),
            pltpu.VMEM_SHARED((SH,), jnp.float32),
            pltpu.SemaphoreType.DMA,
        ],
    )
    mask = build_mask(idx2, zeros)

    outT = pl.pallas_call(
        _select_body,
        grid=(GRID,),
        in_specs=[
            pl.BlockSpec(memory_space=pltpu.SMEM),
            pl.BlockSpec((D, CC), lambda i: (0, i)),
            pl.BlockSpec((CC,), lambda i: (i,)),
        ],
        out_specs=pl.BlockSpec((D, CC), lambda i: (0, i)),
        out_shape=jax.ShapeDtypeStruct((D, M), jnp.float32),
        compiler_params=pltpu.CompilerParams(vmem_limit_bytes=128 * 1024 * 1024),
    )(v2, tT, mask)

    return outT.T

# --- scband reference (transcript-rebuilt; emitter-appended) ---
"""Pipeline reference for scband-my-model-61933428416036 (READ-ONLY COPY).

The authoritative reference and input builder live on the scoring server;
editing this copy changes nothing except your own understanding.
"""

import jax, jax.numpy as jnp
import numpy as np

M = 1000000
D = 64
B = 16384

def setup_inputs(seed: int = 0) -> dict:
    key = jax.random.key(seed)
    k1, k2, k3 = jax.random.split(key, 3)
    # module buffers/parameters (self.t, self.idx) materialized at production scale
    t = jax.random.normal(k1, (M, D), dtype=jnp.float32)
    idx = jax.random.randint(k2, (B,), 0, M, dtype=jnp.int64)
    # forward arg: scalar fill value (self.v analog passed in)
    v = jax.random.normal(k3, (), dtype=jnp.float32)
    return {"t": t, "idx": idx, "v": v}

def reference(t, idx, v):
    # torch: t.index_fill(0, idx, v) -> overwrite rows idx of t along dim 0 with scalar v
    # jax: scatter-overwrite with broadcast of scalar to full rows
    out = t.at[idx].set(v)
    return out

if __name__ == "__main__":
    import jax
    _d = setup_inputs()
    print(jax.jit(kernel)(*tuple(_d.values())))

</pallas_src>

<mosaic_0001>
#map = affine_map<(d0, d1) -> (0, 0)>
#map1 = affine_map<(d0, d1) -> (0)>
module attributes {stable_mosaic.version = 14 : i64} {
  func.func @_mask_body(%arg0: i32, %arg1: i32, %arg2: memref<16x1024xi32, #tpu.memory_space<hbm>>, %arg3: memref<31280xf32, #tpu.memory_space<hbm>>, %arg4: memref<1032192xf32, #tpu.memory_space<hbm>>, %arg5: memref<1024xi32, #tpu.memory_space<vmem>>, %arg6: memref<8x128xi32, #tpu.memory_space<vmem>>, %arg7: memref<128xf32, #tpu.memory_space<vmem>>, %arg8: memref<31280xf32, #tpu.memory_space<vmem>>, %arg9: memref<500480xf32, #tpu.memory_space<vmem_shared>>, %arg10: memref<!tpu.dma_semaphore, #tpu.memory_space<semaphore_mem>>) attributes {dimension_semantics = [#tpu.dimension_semantics<core_parallel>, #tpu.dimension_semantics<subcore_parallel>], iteration_bounds = array<i64: 2, 16>, scalar_prefetch = 0 : i64, scratch_operands = 6 : i64, tpu.core_type = #tpu.core_type<sc_vector_subcore>, window_params = [{transform_indices = #map}, {transform_indices = #map1}, {transform_indices = #map1}]} {
    %mul3A = arith.constant 31280 : i32
    %mul3A_0 = arith.muli %arg1, %mul3A : i32
    %multiple_of3A = tpu.assume_multiple %mul3A_0, 8 : i32
    "tpu.region"() ({
      %run_scoped3A = tpu.sem_alloc : memref<!tpu.dma_semaphore, #tpu.memory_space<semaphore_mem>>
      tpu.enqueue_dma source(%arg3 : memref<31280xf32, #tpu.memory_space<hbm>>) target(%arg8 : memref<31280xf32, #tpu.memory_space<vmem>>) target_semaphore(%run_scoped3A : memref<!tpu.dma_semaphore, #tpu.memory_space<semaphore_mem>>)
      tpu.wait_dma2 semaphore(%run_scoped3A : memref<!tpu.dma_semaphore, #tpu.memory_space<semaphore_mem>>) src(%arg3 : memref<31280xf32, #tpu.memory_space<hbm>>) dst(%arg8 : memref<31280xf32, #tpu.memory_space<vmem>>)
      tpu.yield
    }) : () -> ()
    "tpu.region"() ({
      %run_scoped3A = tpu.sem_alloc : memref<!tpu.dma_semaphore, #tpu.memory_space<semaphore_mem>>
      %dma_start3A = tpu.memref_slice %arg9[%multiple_of3A] : memref<500480xf32, #tpu.memory_space<vmem_shared>> -> memref<31280xf32, #tpu.memory_space<vmem_shared>>
      %dma_start3A_1487 = tpu.memref_slice %arg9[%multiple_of3A] : memref<500480xf32, #tpu.memory_space<vmem_shared>> -> memref<31280xf32, #tpu.memory_space<vmem_shared>>
      tpu.enqueue_dma source(%arg8 : memref<31280xf32, #tpu.memory_space<vmem>>) target(%dma_start3A_1487 : memref<31280xf32, #tpu.memory_space<vmem_shared>>) target_semaphore(%run_scoped3A : memref<!tpu.dma_semaphore, #tpu.memory_space<semaphore_mem>>)
      %dma_wait3A = tpu.memref_slice %arg9[%multiple_of3A] : memref<500480xf32, #tpu.memory_space<vmem_shared>> -> memref<31280xf32, #tpu.memory_space<vmem_shared>>
      %dma_wait3A_1488 = tpu.memref_slice %arg9[%multiple_of3A] : memref<500480xf32, #tpu.memory_space<vmem_shared>> -> memref<31280xf32, #tpu.memory_space<vmem_shared>>
      tpu.wait_dma2 semaphore(%run_scoped3A : memref<!tpu.dma_semaphore, #tpu.memory_space<semaphore_mem>>) src(%arg8 : memref<31280xf32, #tpu.memory_space<vmem>>) dst(%dma_wait3A_1488 : memref<31280xf32, #tpu.memory_space<vmem_shared>>)
      tpu.yield
    }) : () -> ()
    "tpu.region"() ({
      %run_scoped3A = tpu.sem_alloc : memref<!tpu.dma_semaphore, #tpu.memory_space<semaphore_mem>>
      %dma_start3A = arith.constant 0 : i32
      %dma_start3A_1487 = tpu.memref_slice %arg2[%arg1, %dma_start3A] : memref<16x1024xi32, #tpu.memory_space<hbm>> -> memref<1x1024xi32, #tpu.memory_space<hbm>>
      %dma_start3A_1488 = tpu.memref_squeeze %dma_start3A_1487 : memref<1x1024xi32, #tpu.memory_space<hbm>> -> memref<1024xi32, #tpu.memory_space<hbm>>
      %dma_start3A_1489 = arith.constant 0 : i32
      %dma_start3A_1490 = tpu.memref_slice %arg2[%arg1, %dma_start3A_1489] : memref<16x1024xi32, #tpu.memory_space<hbm>> -> memref<1x1024xi32, #tpu.memory_space<hbm>>
      %dma_start3A_1491 = tpu.memref_squeeze %dma_start3A_1490 : memref<1x1024xi32, #tpu.memory_space<hbm>> -> memref<1024xi32, #tpu.memory_space<hbm>>
      tpu.enqueue_dma source(%dma_start3A_1491 : memref<1024xi32, #tpu.memory_space<hbm>>) target(%arg5 : memref<1024xi32, #tpu.memory_space<vmem>>) target_semaphore(%run_scoped3A : memref<!tpu.dma_semaphore, #tpu.memory_space<semaphore_mem>>)
      %dma_wait3A = arith.constant 0 : i32
      %dma_wait3A_1492 = tpu.memref_slice %arg2[%arg1, %dma_wait3A] : memref<16x1024xi32, #tpu.memory_space<hbm>> -> memref<1x1024xi32, #tpu.memory_space<hbm>>
      %dma_wait3A_1493 = tpu.memref_squeeze %dma_wait3A_1492 : memref<1x1024xi32, #tpu.memory_space<hbm>> -> memref<1024xi32, #tpu.memory_space<hbm>>
      %dma_wait3A_1494 = arith.constant 0 : i32
      %dma_wait3A_1495 = tpu.memref_slice %arg2[%arg1, %dma_wait3A_1494] : memref<16x1024xi32, #tpu.memory_space<hbm>> -> memref<1x1024xi32, #tpu.memory_space<hbm>>
      %dma_wait3A_1496 = tpu.memref_squeeze %dma_wait3A_1495 : memref<1x1024xi32, #tpu.memory_space<hbm>> -> memref<1024xi32, #tpu.memory_space<hbm>>
      tpu.wait_dma2 semaphore(%run_scoped3A : memref<!tpu.dma_semaphore, #tpu.memory_space<semaphore_mem>>) src(%dma_wait3A_1496 : memref<1024xi32, #tpu.memory_space<hbm>>) dst(%arg5 : memref<1024xi32, #tpu.memory_space<vmem>>)
      tpu.yield
    }) : () -> ()
    %broadcast_in_dim3A = arith.constant 1.000000e+00 : f32
    %broadcast_in_dim3A_1 = vector.broadcast %broadcast_in_dim3A : f32 to vector<16xf32>
    %swap3A = arith.constant 0 : index
    %swap3A_2 = tpu.vector_load %arg7[%swap3A] {strides = array<i32>} : memref<128xf32, #tpu.memory_space<vmem>>, vector<16xf32>,
    %swap3A_3 = vector.shape_cast %swap3A_2 : vector<16xf32> to vector<16xf32>
    %swap3A_4 = vector.shape_cast %broadcast_in_dim3A_1 : vector<16xf32> to vector<16xf32>
    tpu.vector_store %arg7[%swap3A], %swap3A_4 {strides = array<i32>} : memref<128xf32, #tpu.memory_space<vmem>>, vector<16xf32>,
    %broadcast_in_dim3A_5 = arith.constant 1.000000e+00 : f32
    %broadcast_in_dim3A_6 = vector.broadcast %broadcast_in_dim3A_5 : f32 to vector<16xf32>
    %swap3A_7 = arith.constant 16 : index
    %swap3A_8 = tpu.vector_load %arg7[%swap3A_7] {strides = array<i32>} : memref<128xf32, #tpu.memory_space<vmem>>, vector<16xf32>,
    %swap3A_9 = vector.shape_cast %swap3A_8 : vector<16xf32> to vector<16xf32>
    %swap3A_10 = vector.shape_cast %broadcast_in_dim3A_6 : vector<16xf32> to vector<16xf32>
    tpu.vector_store %arg7[%swap3A_7], %swap3A_10 {strides = array<i32>} : memref<128xf32, #tpu.memory_space<vmem>>, vector<16xf32>,
    %broadcast_in_dim3A_11 = arith.constant 1.000000e+00 : f32
    %broadcast_in_dim3A_12 = vector.broadcast %broadcast_in_dim3A_11 : f32 to vector<16xf32>
    %swap3A_13 = arith.constant 32 : index
    %swap3A_14 = tpu.vector_load %arg7[%swap3A_13] {strides = array<i32>} : memref<128xf32, #tpu.memory_space<vmem>>, vector<16xf32>,
    %swap3A_15 = vector.shape_cast %swap3A_14 : vector<16xf32> to vector<16xf32>
    %swap3A_16 = vector.shape_cast %broadcast_in_dim3A_12 : vector<16xf32> to vector<16xf32>
    tpu.vector_store %arg7[%swap3A_13], %swap3A_16 {strides = array<i32>} : memref<128xf32, #tpu.memory_space<vmem>>, vector<16xf32>,
    %broadcast_in_dim3A_17 = arith.constant 1.000000e+00 : f32
    %broadcast_in_dim3A_18 = vector.broadcast %broadcast_in_dim3A_17 : f32 to vector<16xf32>
    %swap3A_19 = arith.constant 48 : index
    %swap3A_20 = tpu.vector_load %arg7[%swap3A_19] {strides = array<i32>} : memref<128xf32, #tpu.memory_space<vmem>>, vector<16xf32>,
    %swap3A_21 = vector.shape_cast %swap3A_20 : vector<16xf32> to vector<16xf32>
    %swap3A_22 = vector.shape_cast %broadcast_in_dim3A_18 : vector<16xf32> to vector<16xf32>
    tpu.vector_store %arg7[%swap3A_19], %swap3A_22 {strides = array<i32>} : memref<128xf32, #tpu.memory_space<vmem>>, vector<16xf32>,
    %broadcast_in_dim3A_23 = arith.constant 1.000000e+00 : f32
    %broadcast_in_dim3A_24 = vector.broadcast %broadcast_in_dim3A_23 : f32 to vector<16xf32>
    %swap3A_25 = arith.constant 64 : index
    %swap3A_26 = tpu.vector_load %arg7[%swap3A_25] {strides = array<i32>} : memref<128xf32, #tpu.memory_space<vmem>>, vector<16xf32>,
    %swap3A_27 = vector.shape_cast %swap3A_26 : vector<16xf32> to vector<16xf32>
    %swap3A_28 = vector.shape_cast %broadcast_in_dim3A_24 : vector<16xf32> to vector<16xf32>
    tpu.vector_store %arg7[%swap3A_25], %swap3A_28 {strides = array<i32>} : memref<128xf32, #tpu.memory_space<vmem>>, vector<16xf32>,
    %broadcast_in_dim3A_29 = arith.constant 1.000000e+00 : f32
    %broadcast_in_dim3A_30 = vector.broadcast %broadcast_in_dim3A_29 : f32 to vector<16xf32>
    %swap3A_31 = arith.constant 80 : index
    %swap3A_32 = tpu.vector_load %arg7[%swap3A_31] {strides = array<i32>} : memref<128xf32, #tpu.memory_space<vmem>>, vector<16xf32>,
    %swap3A_33 = vector.shape_cast %swap3A_32 : vector<16xf32> to vector<16xf32>
    %swap3A_34 = vector.shape_cast %broadcast_in_dim3A_30 : vector<16xf32> to vector<16xf32>
    tpu.vector_store %arg7[%swap3A_31], %swap3A_34 {strides = array<i32>} : memref<128xf32, #tpu.memory_space<vmem>>, vector<16xf32>,
    %broadcast_in_dim3A_35 = arith.constant 1.000000e+00 : f32
    %broadcast_in_dim3A_36 = vector.broadcast %broadcast_in_dim3A_35 : f32 to vector<16xf32>
    %swap3A_37 = arith.constant 96 : index
    %swap3A_38 = tpu.vector_load %arg7[%swap3A_37] {strides = array<i32>} : memref<128xf32, #tpu.memory_space<vmem>>, vector<16xf32>,
    %swap3A_39 = vector.shape_cast %swap3A_38 : vector<16xf32> to vector<16xf32>
    %swap3A_40 = vector.shape_cast %broadcast_in_dim3A_36 : vector<16xf32> to vector<16xf32>
    tpu.vector_store %arg7[%swap3A_37], %swap3A_40 {strides = array<i32>} : memref<128xf32, #tpu.memory_space<vmem>>, vector<16xf32>,
    %broadcast_in_dim3A_41 = arith.constant 1.000000e+00 : f32
    %broadcast_in_dim3A_42 = vector.broadcast %broadcast_in_dim3A_41 : f32 to vector<16xf32>
    %swap3A_43 = arith.constant 112 : index
    %swap3A_44 = tpu.vector_load %arg7[%swap3A_43] {strides = array<i32>} : memref<128xf32, #tpu.memory_space<vmem>>, vector<16xf32>,
    %swap3A_45 = vector.shape_cast %swap3A_44 : vector<16xf32> to vector<16xf32>
    %swap3A_46 = vector.shape_cast %broadcast_in_dim3A_42 : vector<16xf32> to vector<16xf32>
    tpu.vector_store %arg7[%swap3A_43], %swap3A_46 {strides = array<i32>} : memref<128xf32, #tpu.memory_space<vmem>>, vector<16xf32>,
    %barrier3A = arith.constant 0 : index
    tpu.barrier barrier_id(%barrier3A)
    %mul3A_47 = arith.constant 500224 : i32
    %mul3A_48 = arith.muli %arg0, %mul3A_47 : i32
    %get3A = arith.constant 0 : index
    %get3A_49 = tpu.vector_load %arg5[%get3A] {strides = array<i32>} : memref<1024xi32, #tpu.memory_space<vmem>>, vector<16xi32>,
    %get3A_50 = vector.shape_cast %get3A_49 : vector<16xi32> to vector<16xi32>
    %sub3A = vector.broadcast %mul3A_48 : i32 to vector<16xi32>
    %sub3A_51 = arith.subi %get3A_50, %sub3A : vector<16xi32>
    %ge3A = arith.constant 0 : i32
    %ge3A_52 = vector.broadcast %ge3A : i32 to vector<16xi32>
    %ge3A_53 = arith.cmpi sge, %sub3A_51, %ge3A_52 : vector<16xi32>
    %lt3A = arith.constant 500224 : i32
    %lt3A_54 = vector.broadcast %lt3A : i32 to vector<16xi32>
    %lt3A_55 = arith.cmpi slt, %sub3A_51, %lt3A_54 : vector<16xi32>
    %and3A = arith.andi %ge3A_53, %lt3A_55 : vector<16xi1>
    %jit3A = arith.constant 500224 : i32
    %broadcast_in_dim3A_56 = vector.broadcast %jit3A : i32 to vector<16xi32>
    %select_n3A = arith.select %and3A, %sub3A_51, %broadcast_in_dim3A_56 : vector<16xi1>, vector<16xi32>
    %swap3A_57 = arith.constant 0 : i32
    %swap3A_58 = arith.index_cast %swap3A_57 : i32 to index
    %swap3A_59 = arith.constant 0 : index
    %swap3A_60 = tpu.vector_load %arg6[%swap3A_58, %swap3A_59] {strides = array<i32>} : memref<8x128xi32, #tpu.memory_space<vmem>>, vector<1x16xi32>,
    %swap3A_61 = vector.shape_cast %swap3A_60 : vector<1x16xi32> to vector<16xi32>
    %swap3A_62 = vector.shape_cast %select_n3A : vector<16xi32> to vector<1x16xi32>
    tpu.vector_store %arg6[%swap3A_58, %swap3A_59], %swap3A_62 {strides = array<i32>} : memref<8x128xi32, #tpu.memory_space<vmem>>, vector<1x16xi32>,
    %get3A_63 = arith.constant 16 : index
    %get3A_64 = tpu.vector_load %arg5[%get3A_63] {strides = array<i32>} : memref<1024xi32, #tpu.memory_space<vmem>>, vector<16xi32>,
    %get3A_65 = vector.shape_cast %get3A_64 : vector<16xi32> to vector<16xi32>
    %sub3A_66 = vector.broadcast %mul3A_48 : i32 to vector<16xi32>
    %sub3A_67 = arith.subi %get3A_65, %sub3A_66 : vector<16xi32>
    %ge3A_68 = arith.constant 0 : i32
    %ge3A_69 = vector.broadcast %ge3A_68 : i32 to vector<16xi32>
    %ge3A_70 = arith.cmpi sge, %sub3A_67, %ge3A_69 : vector<16xi32>
    %lt3A_71 = arith.constant 500224 : i32
    %lt3A_72 = vector.broadcast %lt3A_71 : i32 to vector<16xi32>
    %lt3A_73 = arith.cmpi slt, %sub3A_67, %lt3A_72 : vector<16xi32>
    %and3A_74 = arith.andi %ge3A_70, %lt3A_73 : vector<16xi1>
    %jit3A_75 = arith.constant 500224 : i32
    %broadcast_in_dim3A_76 = vector.broadcast %jit3A_75 : i32 to vector<16xi32>
    %select_n3A_77 = arith.select %and3A_74, %sub3A_67, %broadcast_in_dim3A_76 : vector<16xi1>, vector<16xi32>
    %swap3A_78 = arith.constant 0 : i32
    %swap3A_79 = arith.index_cast %swap3A_78 : i32 to index
    %swap3A_80 = arith.constant 16 : index
    %swap3A_81 = tpu.vector_load %arg6[%swap3A_79, %swap3A_80] {strides = array<i32>} : memref<8x128xi32, #tpu.memory_space<vmem>>, vector<1x16xi32>,
    %swap3A_82 = vector.shape_cast %swap3A_81 : vector<1x16xi32> to vector<16xi32>
    %swap3A_83 = vector.shape_cast %select_n3A_77 : vector<16xi32> to vector<1x16xi32>
    tpu.vector_store %arg6[%swap3A_79, %swap3A_80], %swap3A_83 {strides = array<i32>} : memref<8x128xi32, #tpu.memory_space<vmem>>, vector<1x16xi32>,
    %get3A_84 = arith.constant 32 : index
    %get3A_85 = tpu.vector_load %arg5[%get3A_84] {strides = array<i32>} : memref<1024xi32, #tpu.memory_space<vmem>>, vector<16xi32>,
    %get3A_86 = vector.shape_cast %get3A_85 : vector<16xi32> to vector<16xi32>
    %sub3A_87 = vector.broadcast %mul3A_48 : i32 to vector<16xi32>
    %sub3A_88 = arith.subi %get3A_86, %sub3A_87 : vector<16xi32>
    %ge3A_89 = arith.constant 0 : i32
    %ge3A_90 = vector.broadcast %ge3A_89 : i32 to vector<16xi32>
    %ge3A_91 = arith.cmpi sge, %sub3A_88, %ge3A_90 : vector<16xi32>
    %lt3A_92 = arith.constant 500224 : i32
    %lt3A_93 = vector.broadcast %lt3A_92 : i32 to vector<16xi32>
    %lt3A_94 = arith.cmpi slt, %sub3A_88, %lt3A_93 : vector<16xi32>
    %and3A_95 = arith.andi %ge3A_91, %lt3A_94 : vector<16xi1>
    %jit3A_96 = arith.constant 500224 : i32
    %broadcast_in_dim3A_97 = vector.broadcast %jit3A_96 : i32 to vector<16xi32>
    %select_n3A_98 = arith.select %and3A_95, %sub3A_88, %broadcast_in_dim3A_97 : vector<16xi1>, vector<16xi32>
    %swap3A_99 = arith.constant 0 : i32
    %swap3A_100 = arith.index_cast %swap3A_99 : i32 to index
    %swap3A_101 = arith.constant 32 : index
    %swap3A_102 = tpu.vector_load %arg6[%swap3A_100, %swap3A_101] {strides = array<i32>} : memref<8x128xi32, #tpu.memory_space<vmem>>, vector<1x16xi32>,
    %swap3A_103 = vector.shape_cast %swap3A_102 : vector<1x16xi32> to vector<16xi32>
    %swap3A_104 = vector.shape_cast %select_n3A_98 : vector<16xi32> to vector<1x16xi32>
    tpu.vector_store %arg6[%swap3A_100, %swap3A_101], %swap3A_104 {strides = array<i32>} : memref<8x128xi32, #tpu.memory_space<vmem>>, vector<1x16xi32>,
    %get3A_105 = arith.constant 48 : index
    %get3A_106 = tpu.vector_load %arg5[%get3A_105] {strides = array<i32>} : memref<1024xi32, #tpu.memory_space<vmem>>, vector<16xi32>,
    %get3A_107 = vector.shape_cast %get3A_106 : vector<16xi32> to vector<16xi32>
    %sub3A_108 = vector.broadcast %mul3A_48 : i32 to vector<16xi32>
    %sub3A_109 = arith.subi %get3A_107, %sub3A_108 : vector<16xi32>
    %ge3A_110 = arith.constant 0 : i32
    %ge3A_111 = vector.broadcast %ge3A_110 : i32 to vector<16xi32>
    %ge3A_112 = arith.cmpi sge, %sub3A_109, %ge3A_111 : vector<16xi32>
    %lt3A_113 = arith.constant 500224 : i32
    %lt3A_114 = vector.broadcast %lt3A_113 : i32 to vector<16xi32>
    %lt3A_115 = arith.cmpi slt, %sub3A_109, %lt3A_114 : vector<16xi32>
    %and3A_116 = arith.andi %ge3A_112, %lt3A_115 : vector<16xi1>
    %jit3A_117 = arith.constant 500224 : i32
    %broadcast_in_dim3A_118 = vector.broadcast %jit3A_117 : i32 to vector<16xi32>
    %select_n3A_119 = arith.select %and3A_116, %sub3A_109, %broadcast_in_dim3A_118 : vector<16xi1>, vector<16xi32>
    %swap3A_120 = arith.constant 0 : i32
    %swap3A_121 = arith.index_cast %swap3A_120 : i32 to index
    %swap3A_122 = arith.constant 48 : index
    %swap3A_123 = tpu.vector_load %arg6[%swap3A_121, %swap3A_122] {strides = array<i32>} : memref<8x128xi32, #tpu.memory_space<vmem>>, vector<1x16xi32>,
    %swap3A_124 = vector.shape_cast %swap3A_123 : vector<1x16xi32> to vector<16xi32>
    %swap3A_125 = vector.shape_cast %select_n3A_119 : vector<16xi32> to vector<1x16xi32>
    tpu.vector_store %arg6[%swap3A_121, %swap3A_122], %swap3A_125 {strides = array<i32>} : memref<8x128xi32, #tpu.memory_space<vmem>>, vector<1x16xi32>,
    %get3A_126 = arith.constant 64 : index
    %get3A_127 = tpu.vector_load %arg5[%get3A_126] {strides = array<i32>} : memref<1024xi32, #tpu.memory_space<vmem>>, vector<16xi32>,
    %get3A_128 = vector.shape_cast %get3A_127 : vector<16xi32> to vector<16xi32>
    %sub3A_129 = vector.broadcast %mul3A_48 : i32 to vector<16xi32>
    %sub3A_130 = arith.subi %get3A_128, %sub3A_129 : vector<16xi32>
    %ge3A_131 = arith.constant 0 : i32
    %ge3A_132 = vector.broadcast %ge3A_131 : i32 to vector<16xi32>
    %ge3A_133 = arith.cmpi sge, %sub3A_130, %ge3A_132 : vector<16xi32>
    %lt3A_134 = arith.constant 500224 : i32
    %lt3A_135 = vector.broadcast %lt3A_134 : i32 to vector<16xi32>
    %lt3A_136 = arith.cmpi slt, %sub3A_130, %lt3A_135 : vector<16xi32>
    %and3A_137 = arith.andi %ge3A_133, %lt3A_136 : vector<16xi1>
    %jit3A_138 = arith.constant 500224 : i32
    %broadcast_in_dim3A_139 = vector.broadcast %jit3A_138 : i32 to vector<16xi32>
    %select_n3A_140 = arith.select %and3A_137, %sub3A_130, %broadcast_in_dim3A_139 : vector<16xi1>, vector<16xi32>
    %swap3A_141 = arith.constant 0 : i32
    %swap3A_142 = arith.index_cast %swap3A_141 : i32 to index
    %swap3A_143 = arith.constant 64 : index
    %swap3A_144 = tpu.vector_load %arg6[%swap3A_142, %swap3A_143] {strides = array<i32>} : memref<8x128xi32, #tpu.memory_space<vmem>>, vector<1x16xi32>,
    %swap3A_145 = vector.shape_cast %swap3A_144 : vector<1x16xi32> to vector<16xi32>
    %swap3A_146 = vector.shape_cast %select_n3A_140 : vector<16xi32> to vector<1x16xi32>
    tpu.vector_store %arg6[%swap3A_142, %swap3A_143], %swap3A_146 {strides = array<i32>} : memref<8x128xi32, #tpu.memory_space<vmem>>, vector<1x16xi32>,
    %get3A_147 = arith.constant 80 : index
    %get3A_148 = tpu.vector_load %arg5[%get3A_147] {strides = array<i32>} : memref<1024xi32, #tpu.memory_space<vmem>>, vector<16xi32>,
    %get3A_149 = vector.shape_cast %get3A_148 : vector<16xi32> to vector<16xi32>
    %sub3A_150 = vector.broadcast %mul3A_48 : i32 to vector<16xi32>
    %sub3A_151 = arith.subi %get3A_149, %sub3A_150 : vector<16xi32>
    %ge3A_152 = arith.constant 0 : i32
    %ge3A_153 = vector.broadcast %ge3A_152 : i32 to vector<16xi32>
    %ge3A_154 = arith.cmpi sge, %sub3A_151, %ge3A_153 : vector<16xi32>
    %lt3A_155 = arith.constant 500224 : i32
    %lt3A_156 = vector.broadcast %lt3A_155 : i32 to vector<16xi32>
    %lt3A_157 = arith.cmpi slt, %sub3A_151, %lt3A_156 : vector<16xi32>
    %and3A_158 = arith.andi %ge3A_154, %lt3A_157 : vector<16xi1>
    %jit3A_159 = arith.constant 500224 : i32
    %broadcast_in_dim3A_160 = vector.broadcast %jit3A_159 : i32 to vector<16xi32>
    %select_n3A_161 = arith.select %and3A_158, %sub3A_151, %broadcast_in_dim3A_160 : vector<16xi1>, vector<16xi32>
    %swap3A_162 = arith.constant 0 : i32
    %swap3A_163 = arith.index_cast %swap3A_162 : i32 to index
    %swap3A_164 = arith.constant 80 : index
    %swap3A_165 = tpu.vector_load %arg6[%swap3A_163, %swap3A_164] {strides = array<i32>} : memref<8x128xi32, #tpu.memory_space<vmem>>, vector<1x16xi32>,
    %swap3A_166 = vector.shape_cast %swap3A_165 : vector<1x16xi32> to vector<16xi32>
    %swap3A_167 = vector.shape_cast %select_n3A_161 : vector<16xi32> to vector<1x16xi32>
    tpu.vector_store %arg6[%swap3A_163, %swap3A_164], %swap3A_167 {strides = array<i32>} : memref<8x128xi32, #tpu.memory_space<vmem>>, vector<1x16xi32>,
    %get3A_168 = arith.constant 96 : index
    %get3A_169 = tpu.vector_load %arg5[%get3A_168] {strides = array<i32>} : memref<1024xi32, #tpu.memory_space<vmem>>, vector<16xi32>,
    %get3A_170 = vector.shape_cast %get3A_169 : vector<16xi32> to vector<16xi32>
    %sub3A_171 = vector.broadcast %mul3A_48 : i32 to vector<16xi32>
    %sub3A_172 = arith.subi %get3A_170, %sub3A_171 : vector<16xi32>
    %ge3A_173 = arith.constant 0 : i32
    %ge3A_174 = vector.broadcast %ge3A_173 : i32 to vector<16xi32>
    %ge3A_175 = arith.cmpi sge, %sub3A_172, %ge3A_174 : vector<16xi32>
    %lt3A_176 = arith.constant 500224 : i32
    %lt3A_177 = vector.broadcast %lt3A_176 : i32 to vector<16xi32>
    %lt3A_178 = arith.cmpi slt, %sub3A_172, %lt3A_177 : vector<16xi32>
    %and3A_179 = arith.andi %ge3A_175, %lt3A_178 : vector<16xi1>
    %jit3A_180 = arith.constant 500224 : i32
    %broadcast_in_dim3A_181 = vector.broadcast %jit3A_180 : i32 to vector<16xi32>
    %select_n3A_182 = arith.select %and3A_179, %sub3A_172, %broadcast_in_dim3A_181 : vector<16xi1>, vector<16xi32>
    %swap3A_183 = arith.constant 0 : i32
    %swap3A_184 = arith.index_cast %swap3A_183 : i32 to index
    %swap3A_185 = arith.constant 96 : index
    %swap3A_186 = tpu.vector_load %arg6[%swap3A_184, %swap3A_185] {strides = array<i32>} : memref<8x128xi32, #tpu.memory_space<vmem>>, vector<1x16xi32>,
    %swap3A_187 = vector.shape_cast %swap3A_186 : vector<1x16xi32> to vector<16xi32>
    %swap3A_188 = vector.shape_cast %select_n3A_182 : vector<16xi32> to vector<1x16xi32>
    tpu.vector_store %arg6[%swap3A_184, %swap3A_185], %swap3A_188 {strides = array<i32>} : memref<8x128xi32, #tpu.memory_space<vmem>>, vector<1x16xi32>,
    %get3A_189 = arith.constant 112 : index
    %get3A_190 = tpu.vector_load %arg5[%get3A_189] {strides = array<i32>} : memref<1024xi32, #tpu.memory_space<vmem>>, vector<16xi32>,
    %get3A_191 = vector.shape_cast %get3A_190 : vector<16xi32> to vector<16xi32>
    %sub3A_192 = vector.broadcast %mul3A_48 : i32 to vector<16xi32>
    %sub3A_193 = arith.subi %get3A_191, %sub3A_192 : vector<16xi32>
    %ge3A_194 = arith.constant 0 : i32
    %ge3A_195 = vector.broadcast %ge3A_194 : i32 to vector<16xi32>
    %ge3A_196 = arith.cmpi sge, %sub3A_193, %ge3A_195 : vector<16xi32>
    %lt3A_197 = arith.constant 500224 : i32
    %lt3A_198 = vector.broadcast %lt3A_197 : i32 to vector<16xi32>
    %lt3A_199 = arith.cmpi slt, %sub3A_193, %lt3A_198 : vector<16xi32>
    %and3A_200 = arith.andi %ge3A_196, %lt3A_199 : vector<16xi1>
    %jit3A_201 = arith.constant 500224 : i32
    %broadcast_in_dim3A_202 = vector.broadcast %jit3A_201 : i32 to vector<16xi32>
    %select_n3A_203 = arith.select %and3A_200, %sub3A_193, %broadcast_in_dim3A_202 : vector<16xi1>, vector<16xi32>
    %swap3A_204 = arith.constant 0 : i32
    %swap3A_205 = arith.index_cast %swap3A_204 : i32 to index
    %swap3A_206 = arith.constant 112 : index
    %swap3A_207 = tpu.vector_load %arg6[%swap3A_205, %swap3A_206] {strides = array<i32>} : memref<8x128xi32, #tpu.memory_space<vmem>>, vector<1x16xi32>,
    %swap3A_208 = vector.shape_cast %swap3A_207 : vector<1x16xi32> to vector<16xi32>
    %swap3A_209 = vector.shape_cast %select_n3A_203 : vector<16xi32> to vector<1x16xi32>
    tpu.vector_store %arg6[%swap3A_205, %swap3A_206], %swap3A_209 {strides = array<i32>} : memref<8x128xi32, #tpu.memory_space<vmem>>, vector<1x16xi32>,
    %get3A_210 = arith.constant 128 : index
    %get3A_211 = tpu.vector_load %arg5[%get3A_210] {strides = array<i32>} : memref<1024xi32, #tpu.memory_space<vmem>>, vector<16xi32>,
    %get3A_212 = vector.shape_cast %get3A_211 : vector<16xi32> to vector<16xi32>
    %sub3A_213 = vector.broadcast %mul3A_48 : i32 to vector<16xi32>
    %sub3A_214 = arith.subi %get3A_212, %sub3A_213 : vector<16xi32>
    %ge3A_215 = arith.constant 0 : i32
    %ge3A_216 = vector.broadcast %ge3A_215 : i32 to vector<16xi32>
    %ge3A_217 = arith.cmpi sge, %sub3A_214, %ge3A_216 : vector<16xi32>
    %lt3A_218 = arith.constant 500224 : i32
    %lt3A_219 = vector.broadcast %lt3A_218 : i32 to vector<16xi32>
    %lt3A_220 = arith.cmpi slt, %sub3A_214, %lt3A_219 : vector<16xi32>
    %and3A_221 = arith.andi %ge3A_217, %lt3A_220 : vector<16xi1>
    %jit3A_222 = arith.constant 500224 : i32
    %broadcast_in_dim3A_223 = vector.broadcast %jit3A_222 : i32 to vector<16xi32>
    %select_n3A_224 = arith.select %and3A_221, %sub3A_214, %broadcast_in_dim3A_223 : vector<16xi1>, vector<16xi32>
    %swap3A_225 = arith.constant 1 : i32
    %swap3A_226 = arith.index_cast %swap3A_225 : i32 to index
    %swap3A_227 = arith.constant 0 : index
    %swap3A_228 = tpu.vector_load %arg6[%swap3A_226, %swap3A_227] {strides = array<i32>} : memref<8x128xi32, #tpu.memory_space<vmem>>, vector<1x16xi32>,
    %swap3A_229 = vector.shape_cast %swap3A_228 : vector<1x16xi32> to vector<16xi32>
    %swap3A_230 = vector.shape_cast %select_n3A_224 : vector<16xi32> to vector<1x16xi32>
    tpu.vector_store %arg6[%swap3A_226, %swap3A_227], %swap3A_230 {strides = array<i32>} : memref<8x128xi32, #tpu.memory_space<vmem>>, vector<1x16xi32>,
    %get3A_231 = arith.constant 144 : index
    %get3A_232 = tpu.vector_load %arg5[%get3A_231] {strides = array<i32>} : memref<1024xi32, #tpu.memory_space<vmem>>, vector<16xi32>,
    %get3A_233 = vector.shape_cast %get3A_232 : vector<16xi32> to vector<16xi32>
    %sub3A_234 = vector.broadcast %mul3A_48 : i32 to vector<16xi32>
    %sub3A_235 = arith.subi %get3A_233, %sub3A_234 : vector<16xi32>
    %ge3A_236 = arith.constant 0 : i32
    %ge3A_237 = vector.broadcast %ge3A_236 : i32 to vector<16xi32>
    %ge3A_238 = arith.cmpi sge, %sub3A_235, %ge3A_237 : vector<16xi32>
    %lt3A_239 = arith.constant 500224 : i32
    %lt3A_240 = vector.broadcast %lt3A_239 : i32 to vector<16xi32>
    %lt3A_241 = arith.cmpi slt, %sub3A_235, %lt3A_240 : vector<16xi32>
    %and3A_242 = arith.andi %ge3A_238, %lt3A_241 : vector<16xi1>
    %jit3A_243 = arith.constant 500224 : i32
    %broadcast_in_dim3A_244 = vector.broadcast %jit3A_243 : i32 to vector<16xi32>
    %select_n3A_245 = arith.select %and3A_242, %sub3A_235, %broadcast_in_dim3A_244 : vector<16xi1>, vector<16xi32>
    %swap3A_246 = arith.constant 1 : i32
    %swap3A_247 = arith.index_cast %swap3A_246 : i32 to index
    %swap3A_248 = arith.constant 16 : index
    %swap3A_249 = tpu.vector_load %arg6[%swap3A_247, %swap3A_248] {strides = array<i32>} : memref<8x128xi32, #tpu.memory_space<vmem>>, vector<1x16xi32>,
    %swap3A_250 = vector.shape_cast %swap3A_249 : vector<1x16xi32> to vector<16xi32>
    %swap3A_251 = vector.shape_cast %select_n3A_245 : vector<16xi32> to vector<1x16xi32>
    tpu.vector_store %arg6[%swap3A_247, %swap3A_248], %swap3A_251 {strides = array<i32>} : memref<8x128xi32, #tpu.memory_space<vmem>>, vector<1x16xi32>,
    %get3A_252 = arith.constant 160 : index
    %get3A_253 = tpu.vector_load %arg5[%get3A_252] {strides = array<i32>} : memref<1024xi32, #tpu.memory_space<vmem>>, vector<16xi32>,
    %get3A_254 = vector.shape_cast %get3A_253 : vector<16xi32> to vector<16xi32>
    %sub3A_255 = vector.broadcast %mul3A_48 : i32 to vector<16xi32>
    %sub3A_256 = arith.subi %get3A_254, %sub3A_255 : vector<16xi32>
    %ge3A_257 = arith.constant 0 : i32
    %ge3A_258 = vector.broadcast %ge3A_257 : i32 to vector<16xi32>
    %ge3A_259 = arith.cmpi sge, %sub3A_256, %ge3A_258 : vector<16xi32>
    %lt3A_260 = arith.constant 500224 : i32
    %lt3A_261 = vector.broadcast %lt3A_260 : i32 to vector<16xi32>
    %lt3A_262 = arith.cmpi slt, %sub3A_256, %lt3A_261 : vector<16xi32>
    %and3A_263 = arith.andi %ge3A_259, %lt3A_262 : vector<16xi1>
    %jit3A_264 = arith.constant 500224 : i32
    %broadcast_in_dim3A_265 = vector.broadcast %jit3A_264 : i32 to vector<16xi32>
    %select_n3A_266 = arith.select %and3A_263, %sub3A_256, %broadcast_in_dim3A_265 : vector<16xi1>, vector<16xi32>
    %swap3A_267 = arith.constant 1 : i32
    %swap3A_268 = arith.index_cast %swap3A_267 : i32 to index
    %swap3A_269 = arith.constant 32 : index
    %swap3A_270 = tpu.vector_load %arg6[%swap3A_268, %swap3A_269] {strides = array<i32>} : memref<8x128xi32, #tpu.memory_space<vmem>>, vector<1x16xi32>,
    %swap3A_271 = vector.shape_cast %swap3A_270 : vector<1x16xi32> to vector<16xi32>
    %swap3A_272 = vector.shape_cast %select_n3A_266 : vector<16xi32> to vector<1x16xi32>
    tpu.vector_store %arg6[%swap3A_268, %swap3A_269], %swap3A_272 {strides = array<i32>} : memref<8x128xi32, #tpu.memory_space<vmem>>, vector<1x16xi32>,
    %get3A_273 = arith.constant 176 : index
    %get3A_274 = tpu.vector_load %arg5[%get3A_273] {strides = array<i32>} : memref<1024xi32, #tpu.memory_space<vmem>>, vector<16xi32>,
    %get3A_275 = vector.shape_cast %get3A_274 : vector<16xi32> to vector<16xi32>
    %sub3A_276 = vector.broadcast %mul3A_48 : i32 to vector<16xi32>
    %sub3A_277 = arith.subi %get3A_275, %sub3A_276 : vector<16xi32>
    %ge3A_278 = arith.constant 0 : i32
    %ge3A_279 = vector.broadcast %ge3A_278 : i32 to vector<16xi32>
    %ge3A_280 = arith.cmpi sge, %sub3A_277, %ge3A_279 : vector<16xi32>
    %lt3A_281 = arith.constant 500224 : i32
    %lt3A_282 = vector.broadcast %lt3A_281 : i32 to vector<16xi32>
    %lt3A_283 = arith.cmpi slt, %sub3A_277, %lt3A_282 : vector<16xi32>
    %and3A_284 = arith.andi %ge3A_280, %lt3A_283 : vector<16xi1>
    %jit3A_285 = arith.constant 500224 : i32
    %broadcast_in_dim3A_286 = vector.broadcast %jit3A_285 : i32 to vector<16xi32>
    %select_n3A_287 = arith.select %and3A_284, %sub3A_277, %broadcast_in_dim3A_286 : vector<16xi1>, vector<16xi32>
    %swap3A_288 = arith.constant 1 : i32
    %swap3A_289 = arith.index_cast %swap3A_288 : i32 to index
    %swap3A_290 = arith.constant 48 : index
    %swap3A_291 = tpu.vector_load %arg6[%swap3A_289, %swap3A_290] {strides = array<i32>} : memref<8x128xi32, #tpu.memory_space<vmem>>, vector<1x16xi32>,
    %swap3A_292 = vector.shape_cast %swap3A_291 : vector<1x16xi32> to vector<16xi32>
    %swap3A_293 = vector.shape_cast %select_n3A_287 : vector<16xi32> to vector<1x16xi32>
    tpu.vector_store %arg6[%swap3A_289, %swap3A_290], %swap3A_293 {strides = array<i32>} : memref<8x128xi32, #tpu.memory_space<vmem>>, vector<1x16xi32>,
    %get3A_294 = arith.constant 192 : index
    %get3A_295 = tpu.vector_load %arg5[%get3A_294] {strides = array<i32>} : memref<1024xi32, #tpu.memory_space<vmem>>, vector<16xi32>,
    %get3A_296 = vector.shape_cast %get3A_295 : vector<16xi32> to vector<16xi32>
    %sub3A_297 = vector.broadcast %mul3A_48 : i32 to vector<16xi32>
    %sub3A_298 = arith.subi %get3A_296, %sub3A_297 : vector<16xi32>
    %ge3A_299 = arith.constant 0 : i32
    %ge3A_300 = vector.broadcast %ge3A_299 : i32 to vector<16xi32>
    %ge3A_301 = arith.cmpi sge, %sub3A_298, %ge3A_300 : vector<16xi32>
    %lt3A_302 = arith.constant 500224 : i32
    %lt3A_303 = vector.broadcast %lt3A_302 : i32 to vector<16xi32>
    %lt3A_304 = arith.cmpi slt, %sub3A_298, %lt3A_303 : vector<16xi32>
    %and3A_305 = arith.andi %ge3A_301, %lt3A_304 : vector<16xi1>
    %jit3A_306 = arith.constant 500224 : i32
    %broadcast_in_dim3A_307 = vector.broadcast %jit3A_306 : i32 to vector<16xi32>
    %select_n3A_308 = arith.select %and3A_305, %sub3A_298, %broadcast_in_dim3A_307 : vector<16xi1>, vector<16xi32>
    %swap3A_309 = arith.constant 1 : i32
    %swap3A_310 = arith.index_cast %swap3A_309 : i32 to index
    %swap3A_311 = arith.constant 64 : index
    %swap3A_312 = tpu.vector_load %arg6[%swap3A_310, %swap3A_311] {strides = array<i32>} : memref<8x128xi32, #tpu.memory_space<vmem>>, vector<1x16xi32>,
    %swap3A_313 = vector.shape_cast %swap3A_312 : vector<1x16xi32> to vector<16xi32>
    %swap3A_314 = vector.shape_cast %select_n3A_308 : vector<16xi32> to vector<1x16xi32>
    tpu.vector_store %arg6[%swap3A_310, %swap3A_311], %swap3A_314 {strides = array<i32>} : memref<8x128xi32, #tpu.memory_space<vmem>>, vector<1x16xi32>,
    %get3A_315 = arith.constant 208 : index
    %get3A_316 = tpu.vector_load %arg5[%get3A_315] {strides = array<i32>} : memref<1024xi32, #tpu.memory_space<vmem>>, vector<16xi32>,
    %get3A_317 = vector.shape_cast %get3A_316 : vector<16xi32> to vector<16xi32>
    %sub3A_318 = vector.broadcast %mul3A_48 : i32 to vector<16xi32>
    %sub3A_319 = arith.subi %get3A_317, %sub3A_318 : vector<16xi32>
    %ge3A_320 = arith.constant 0 : i32
    %ge3A_321 = vector.broadcast %ge3A_320 : i32 to vector<16xi32>
    %ge3A_322 = arith.cmpi sge, %sub3A_319, %ge3A_321 : vector<16xi32>
    %lt3A_323 = arith.constant 500224 : i32
    %lt3A_324 = vector.broadcast %lt3A_323 : i32 to vector<16xi32>
    %lt3A_325 = arith.cmpi slt, %sub3A_319, %lt3A_324 : vector<16xi32>
    %and3A_326 = arith.andi %ge3A_322, %lt3A_325 : vector<16xi1>
    %jit3A_327 = arith.constant 500224 : i32
    %broadcast_in_dim3A_328 = vector.broadcast %jit3A_327 : i32 to vector<16xi32>
    %select_n3A_329 = arith.select %and3A_326, %sub3A_319, %broadcast_in_dim3A_328 : vector<16xi1>, vector<16xi32>
    %swap3A_330 = arith.constant 1 : i32
    %swap3A_331 = arith.index_cast %swap3A_330 : i32 to index
    %swap3A_332 = arith.constant 80 : index
    %swap3A_333 = tpu.vector_load %arg6[%swap3A_331, %swap3A_332] {strides = array<i32>} : memref<8x128xi32, #tpu.memory_space<vmem>>, vector<1x16xi32>,
    %swap3A_334 = vector.shape_cast %swap3A_333 : vector<1x16xi32> to vector<16xi32>
    %swap3A_335 = vector.shape_cast %select_n3A_329 : vector<16xi32> to vector<1x16xi32>
    tpu.vector_store %arg6[%swap3A_331, %swap3A_332], %swap3A_335 {strides = array<i32>} : memref<8x128xi32, #tpu.memory_space<vmem>>, vector<1x16xi32>,
    %get3A_336 = arith.constant 224 : index
    %get3A_337 = tpu.vector_load %arg5[%get3A_336] {strides = array<i32>} : memref<1024xi32, #tpu.memory_space<vmem>>, vector<16xi32>,
    %get3A_338 = vector.shape_cast %get3A_337 : vector<16xi32> to vector<16xi32>
    %sub3A_339 = vector.broadcast %mul3A_48 : i32 to vector<16xi32>
    %sub3A_340 = arith.subi %get3A_338, %sub3A_339 : vector<16xi32>
    %ge3A_341 = arith.constant 0 : i32
    %ge3A_342 = vector.broadcast %ge3A_341 : i32 to vector<16xi32>
    %ge3A_343 = arith.cmpi sge, %sub3A_340, %ge3A_342 : vector<16xi32>
    %lt3A_344 = arith.constant 500224 : i32
    %lt3A_345 = vector.broadcast %lt3A_344 : i32 to vector<16xi32>
    %lt3A_346 = arith.cmpi slt, %sub3A_340, %lt3A_345 : vector<16xi32>
    %and3A_347 = arith.andi %ge3A_343, %lt3A_346 : vector<16xi1>
    %jit3A_348 = arith.constant 500224 : i32
    %broadcast_in_dim3A_349 = vector.broadcast %jit3A_348 : i32 to vector<16xi32>
    %select_n3A_350 = arith.select %and3A_347, %sub3A_340, %broadcast_in_dim3A_349 : vector<16xi1>, vector<16xi32>
    %swap3A_351 = arith.constant 1 : i32
    %swap3A_352 = arith.index_cast %swap3A_351 : i32 to index
    %swap3A_353 = arith.constant 96 : index
    %swap3A_354 = tpu.vector_load %arg6[%swap3A_352, %swap3A_353] {strides = array<i32>} : memref<8x128xi32, #tpu.memory_space<vmem>>, vector<1x16xi32>,
    %swap3A_355 = vector.shape_cast %swap3A_354 : vector<1x16xi32> to vector<16xi32>
    %swap3A_356 = vector.shape_cast %select_n3A_350 : vector<16xi32> to vector<1x16xi32>
    tpu.vector_store %arg6[%swap3A_352, %swap3A_353], %swap3A_356 {strides = array<i32>} : memref<8x128xi32, #tpu.memory_space<vmem>>, vector<1x16xi32>,
    %get3A_357 = arith.constant 240 : index
    %get3A_358 = tpu.vector_load %arg5[%get3A_357] {strides = array<i32>} : memref<1024xi32, #tpu.memory_space<vmem>>, vector<16xi32>,
    %get3A_359 = vector.shape_cast %get3A_358 : vector<16xi32> to vector<16xi32>
    %sub3A_360 = vector.broadcast %mul3A_48 : i32 to vector<16xi32>
    %sub3A_361 = arith.subi %get3A_359, %sub3A_360 : vector<16xi32>
    %ge3A_362 = arith.constant 0 : i32
    %ge3A_363 = vector.broadcast %ge3A_362 : i32 to vector<16xi32>
    %ge3A_364 = arith.cmpi sge, %sub3A_361, %ge3A_363 : vector<16xi32>
    %lt3A_365 = arith.constant 500224 : i32
    %lt3A_366 = vector.broadcast %lt3A_365 : i32 to vector<16xi32>
    %lt3A_367 = arith.cmpi slt, %sub3A_361, %lt3A_366 : vector<16xi32>
    %and3A_368 = arith.andi %ge3A_364, %lt3A_367 : vector<16xi1>
    %jit3A_369 = arith.constant 500224 : i32
    %broadcast_in_dim3A_370 = vector.broadcast %jit3A_369 : i32 to vector<16xi32>
    %select_n3A_371 = arith.select %and3A_368, %sub3A_361, %broadcast_in_dim3A_370 : vector<16xi1>, vector<16xi32>
    %swap3A_372 = arith.constant 1 : i32
    %swap3A_373 = arith.index_cast %swap3A_372 : i32 to index
    %swap3A_374 = arith.constant 112 : index
    %swap3A_375 = tpu.vector_load %arg6[%swap3A_373, %swap3A_374] {strides = array<i32>} : memref<8x128xi32, #tpu.memory_space<vmem>>, vector<1x16xi32>,
    %swap3A_376 = vector.shape_cast %swap3A_375 : vector<1x16xi32> to vector<16xi32>
    %swap3A_377 = vector.shape_cast %select_n3A_371 : vector<16xi32> to vector<1x16xi32>
    tpu.vector_store %arg6[%swap3A_373, %swap3A_374], %swap3A_377 {strides = array<i32>} : memref<8x128xi32, #tpu.memory_space<vmem>>, vector<1x16xi32>,
    %get3A_378 = arith.constant 256 : index
    %get3A_379 = tpu.vector_load %arg5[%get3A_378] {strides = array<i32>} : memref<1024xi32, #tpu.memory_space<vmem>>, vector<16xi32>,
    %get3A_380 = vector.shape_cast %get3A_379 : vector<16xi32> to vector<16xi32>
    %sub3A_381 = vector.broadcast %mul3A_48 : i32 to vector<16xi32>
    %sub3A_382 = arith.subi %get3A_380, %sub3A_381 : vector<16xi32>
    %ge3A_383 = arith.constant 0 : i32
    %ge3A_384 = vector.broadcast %ge3A_383 : i32 to vector<16xi32>
    %ge3A_385 = arith.cmpi sge, %sub3A_382, %ge3A_384 : vector<16xi32>
    %lt3A_386 = arith.constant 500224 : i32
    %lt3A_387 = vector.broadcast %lt3A_386 : i32 to vector<16xi32>
    %lt3A_388 = arith.cmpi slt, %sub3A_382, %lt3A_387 : vector<16xi32>
    %and3A_389 = arith.andi %ge3A_385, %lt3A_388 : vector<16xi1>
    %jit3A_390 = arith.constant 500224 : i32
    %broadcast_in_dim3A_391 = vector.broadcast %jit3A_390 : i32 to vector<16xi32>
    %select_n3A_392 = arith.select %and3A_389, %sub3A_382, %broadcast_in_dim3A_391 : vector<16xi1>, vector<16xi32>
    %swap3A_393 = arith.constant 2 : i32
    %swap3A_394 = arith.index_cast %swap3A_393 : i32 to index
    %swap3A_395 = arith.constant 0 : index
    %swap3A_396 = tpu.vector_load %arg6[%swap3A_394, %swap3A_395] {strides = array<i32>} : memref<8x128xi32, #tpu.memory_space<vmem>>, vector<1x16xi32>,
    %swap3A_397 = vector.shape_cast %swap3A_396 : vector<1x16xi32> to vector<16xi32>
    %swap3A_398 = vector.shape_cast %select_n3A_392 : vector<16xi32> to vector<1x16xi32>
    tpu.vector_store %arg6[%swap3A_394, %swap3A_395], %swap3A_398 {strides = array<i32>} : memref<8x128xi32, #tpu.memory_space<vmem>>, vector<1x16xi32>,
    %get3A_399 = arith.constant 272 : index
    %get3A_400 = tpu.vector_load %arg5[%get3A_399] {strides = array<i32>} : memref<1024xi32, #tpu.memory_space<vmem>>, vector<16xi32>,
    %get3A_401 = vector.shape_cast %get3A_400 : vector<16xi32> to vector<16xi32>
    %sub3A_402 = vector.broadcast %mul3A_48 : i32 to vector<16xi32>
    %sub3A_403 = arith.subi %get3A_401, %sub3A_402 : vector<16xi32>
    %ge3A_404 = arith.constant 0 : i32
    %ge3A_405 = vector.broadcast %ge3A_404 : i32 to vector<16xi32>
    %ge3A_406 = arith.cmpi sge, %sub3A_403, %ge3A_405 : vector<16xi32>
    %lt3A_407 = arith.constant 500224 : i32
    %lt3A_408 = vector.broadcast %lt3A_407 : i32 to vector<16xi32>
    %lt3A_409 = arith.cmpi slt, %sub3A_403, %lt3A_408 : vector<16xi32>
    %and3A_410 = arith.andi %ge3A_406, %lt3A_409 : vector<16xi1>
    %jit3A_411 = arith.constant 500224 : i32
    %broadcast_in_dim3A_412 = vector.broadcast %jit3A_411 : i32 to vector<16xi32>
    %select_n3A_413 = arith.select %and3A_410, %sub3A_403, %broadcast_in_dim3A_412 : vector<16xi1>, vector<16xi32>
    %swap3A_414 = arith.constant 2 : i32
    %swap3A_415 = arith.index_cast %swap3A_414 : i32 to index
    %swap3A_416 = arith.constant 16 : index
    %swap3A_417 = tpu.vector_load %arg6[%swap3A_415, %swap3A_416] {strides = array<i32>} : memref<8x128xi32, #tpu.memory_space<vmem>>, vector<1x16xi32>,
    %swap3A_418 = vector.shape_cast %swap3A_417 : vector<1x16xi32> to vector<16xi32>
    %swap3A_419 = vector.shape_cast %select_n3A_413 : vector<16xi32> to vector<1x16xi32>
    tpu.vector_store %arg6[%swap3A_415, %swap3A_416], %swap3A_419 {strides = array<i32>} : memref<8x128xi32, #tpu.memory_space<vmem>>, vector<1x16xi32>,
    %get3A_420 = arith.constant 288 : index
    %get3A_421 = tpu.vector_load %arg5[%get3A_420] {strides = array<i32>} : memref<1024xi32, #tpu.memory_space<vmem>>, vector<16xi32>,
    %get3A_422 = vector.shape_cast %get3A_421 : vector<16xi32> to vector<16xi32>
    %sub3A_423 = vector.broadcast %mul3A_48 : i32 to vector<16xi32>
    %sub3A_424 = arith.subi %get3A_422, %sub3A_423 : vector<16xi32>
    %ge3A_425 = arith.constant 0 : i32
    %ge3A_426 = vector.broadcast %ge3A_425 : i32 to vector<16xi32>
    %ge3A_427 = arith.cmpi sge, %sub3A_424, %ge3A_426 : vector<16xi32>
    %lt3A_428 = arith.constant 500224 : i32
    %lt3A_429 = vector.broadcast %lt3A_428 : i32 to vector<16xi32>
    %lt3A_430 = arith.cmpi slt, %sub3A_424, %lt3A_429 : vector<16xi32>
    %and3A_431 = arith.andi %ge3A_427, %lt3A_430 : vector<16xi1>
    %jit3A_432 = arith.constant 500224 : i32
    %broadcast_in_dim3A_433 = vector.broadcast %jit3A_432 : i32 to vector<16xi32>
    %select_n3A_434 = arith.select %and3A_431, %sub3A_424, %broadcast_in_dim3A_433 : vector<16xi1>, vector<16xi32>
    %swap3A_435 = arith.constant 2 : i32
    %swap3A_436 = arith.index_cast %swap3A_435 : i32 to index
    %swap3A_437 = arith.constant 32 : index
    %swap3A_438 = tpu.vector_load %arg6[%swap3A_436, %swap3A_437] {strides = array<i32>} : memref<8x128xi32, #tpu.memory_space<vmem>>, vector<1x16xi32>,
    %swap3A_439 = vector.shape_cast %swap3A_438 : vector<1x16xi32> to vector<16xi32>
    %swap3A_440 = vector.shape_cast %select_n3A_434 : vector<16xi32> to vector<1x16xi32>
    tpu.vector_store %arg6[%swap3A_436, %swap3A_437], %swap3A_440 {strides = array<i32>} : memref<8x128xi32, #tpu.memory_space<vmem>>, vector<1x16xi32>,
    %get3A_441 = arith.constant 304 : index
    %get3A_442 = tpu.vector_load %arg5[%get3A_441] {strides = array<i32>} : memref<1024xi32, #tpu.memory_space<vmem>>, vector<16xi32>,
    %get3A_443 = vector.shape_cast %get3A_442 : vector<16xi32> to vector<16xi32>
    %sub3A_444 = vector.broadcast %mul3A_48 : i32 to vector<16xi32>
    %sub3A_445 = arith.subi %get3A_443, %sub3A_444 : vector<16xi32>
    %ge3A_446 = arith.constant 0 : i32
    %ge3A_447 = vector.broadcast %ge3A_446 : i32 to vector<16xi32>
    %ge3A_448 = arith.cmpi sge, %sub3A_445, %ge3A_447 : vector<16xi32>
    %lt3A_449 = arith.constant 500224 : i32
    %lt3A_450 = vector.broadcast %lt3A_449 : i32 to vector<16xi32>
    %lt3A_451 = arith.cmpi slt, %sub3A_445, %lt3A_450 : vector<16xi32>
    %and3A_452 = arith.andi %ge3A_448, %lt3A_451 : vector<16xi1>
    %jit3A_453 = arith.constant 500224 : i32
    %broadcast_in_dim3A_454 = vector.broadcast %jit3A_453 : i32 to vector<16xi32>
    %select_n3A_455 = arith.select %and3A_452, %sub3A_445, %broadcast_in_dim3A_454 : vector<16xi1>, vector<16xi32>
    %swap3A_456 = arith.constant 2 : i32
    %swap3A_457 = arith.index_cast %swap3A_456 : i32 to index
    %swap3A_458 = arith.constant 48 : index
    %swap3A_459 = tpu.vector_load %arg6[%swap3A_457, %swap3A_458] {strides = array<i32>} : memref<8x128xi32, #tpu.memory_space<vmem>>, vector<1x16xi32>,
    %swap3A_460 = vector.shape_cast %swap3A_459 : vector<1x16xi32> to vector<16xi32>
    %swap3A_461 = vector.shape_cast %select_n3A_455 : vector<16xi32> to vector<1x16xi32>
    tpu.vector_store %arg6[%swap3A_457, %swap3A_458], %swap3A_461 {strides = array<i32>} : memref<8x128xi32, #tpu.memory_space<vmem>>, vector<1x16xi32>,
    %get3A_462 = arith.constant 320 : index
    %get3A_463 = tpu.vector_load %arg5[%get3A_462] {strides = array<i32>} : memref<1024xi32, #tpu.memory_space<vmem>>, vector<16xi32>,
    %get3A_464 = vector.shape_cast %get3A_463 : vector<16xi32> to vector<16xi32>
    %sub3A_465 = vector.broadcast %mul3A_48 : i32 to vector<16xi32>
    %sub3A_466 = arith.subi %get3A_464, %sub3A_465 : vector<16xi32>
    %ge3A_467 = arith.constant 0 : i32
    %ge3A_468 = vector.broadcast %ge3A_467 : i32 to vector<16xi32>
    %ge3A_469 = arith.cmpi sge, %sub3A_466, %ge3A_468 : vector<16xi32>
    %lt3A_470 = arith.constant 500224 : i32
    %lt3A_471 = vector.broadcast %lt3A_470 : i32 to vector<16xi32>
    %lt3A_472 = arith.cmpi slt, %sub3A_466, %lt3A_471 : vector<16xi32>
    %and3A_473 = arith.andi %ge3A_469, %lt3A_472 : vector<16xi1>
    %jit3A_474 = arith.constant 500224 : i32
    %broadcast_in_dim3A_475 = vector.broadcast %jit3A_474 : i32 to vector<16xi32>
    %select_n3A_476 = arith.select %and3A_473, %sub3A_466, %broadcast_in_dim3A_475 : vector<16xi1>, vector<16xi32>
    %swap3A_477 = arith.constant 2 : i32
    %swap3A_478 = arith.index_cast %swap3A_477 : i32 to index
    %swap3A_479 = arith.constant 64 : index
    %swap3A_480 = tpu.vector_load %arg6[%swap3A_478, %swap3A_479] {strides = array<i32>} : memref<8x128xi32, #tpu.memory_space<vmem>>, vector<1x16xi32>,
    %swap3A_481 = vector.shape_cast %swap3A_480 : vector<1x16xi32> to vector<16xi32>
    %swap3A_482 = vector.shape_cast %select_n3A_476 : vector<16xi32> to vector<1x16xi32>
    tpu.vector_store %arg6[%swap3A_478, %swap3A_479], %swap3A_482 {strides = array<i32>} : memref<8x128xi32, #tpu.memory_space<vmem>>, vector<1x16xi32>,
    %get3A_483 = arith.constant 336 : index
    %get3A_484 = tpu.vector_load %arg5[%get3A_483] {strides = array<i32>} : memref<1024xi32, #tpu.memory_space<vmem>>, vector<16xi32>,
    %get3A_485 = vector.shape_cast %get3A_484 : vector<16xi32> to vector<16xi32>
    %sub3A_486 = vector.broadcast %mul3A_48 : i32 to vector<16xi32>
    %sub3A_487 = arith.subi %get3A_485, %sub3A_486 : vector<16xi32>
    %ge3A_488 = arith.constant 0 : i32
    %ge3A_489 = vector.broadcast %ge3A_488 : i32 to vector<16xi32>
    %ge3A_490 = arith.cmpi sge, %sub3A_487, %ge3A_489 : vector<16xi32>
    %lt3A_491 = arith.constant 500224 : i32
    %lt3A_492 = vector.broadcast %lt3A_491 : i32 to vector<16xi32>
    %lt3A_493 = arith.cmpi slt, %sub3A_487, %lt3A_492 : vector<16xi32>
    %and3A_494 = arith.andi %ge3A_490, %lt3A_493 : vector<16xi1>
    %jit3A_495 = arith.constant 500224 : i32
    %broadcast_in_dim3A_496 = vector.broadcast %jit3A_495 : i32 to vector<16xi32>
    %select_n3A_497 = arith.select %and3A_494, %sub3A_487, %broadcast_in_dim3A_496 : vector<16xi1>, vector<16xi32>
    %swap3A_498 = arith.constant 2 : i32
    %swap3A_499 = arith.index_cast %swap3A_498 : i32 to index
    %swap3A_500 = arith.constant 80 : index
    %swap3A_501 = tpu.vector_load %arg6[%swap3A_499, %swap3A_500] {strides = array<i32>} : memref<8x128xi32, #tpu.memory_space<vmem>>, vector<1x16xi32>,
    %swap3A_502 = vector.shape_cast %swap3A_501 : vector<1x16xi32> to vector<16xi32>
    %swap3A_503 = vector.shape_cast %select_n3A_497 : vector<16xi32> to vector<1x16xi32>
    tpu.vector_store %arg6[%swap3A_499, %swap3A_500], %swap3A_503 {strides = array<i32>} : memref<8x128xi32, #tpu.memory_space<vmem>>, vector<1x16xi32>,
    %get3A_504 = arith.constant 352 : index
    %get3A_505 = tpu.vector_load %arg5[%get3A_504] {strides = array<i32>} : memref<1024xi32, #tpu.memory_space<vmem>>, vector<16xi32>,
    %get3A_506 = vector.shape_cast %get3A_505 : vector<16xi32> to vector<16xi32>
    %sub3A_507 = vector.broadcast %mul3A_48 : i32 to vector<16xi32>
    %sub3A_508 = arith.subi %get3A_506, %sub3A_507 : vector<16xi32>
    %ge3A_509 = arith.constant 0 : i32
    %ge3A_510 = vector.broadcast %ge3A_509 : i32 to vector<16xi32>
    %ge3A_511 = arith.cmpi sge, %sub3A_508, %ge3A_510 : vector<16xi32>
    %lt3A_512 = arith.constant 500224 : i32
    %lt3A_513 = vector.broadcast %lt3A_512 : i32 to vector<16xi32>
    %lt3A_514 = arith.cmpi slt, %sub3A_508, %lt3A_513 : vector<16xi32>
    %and3A_515 = arith.andi %ge3A_511, %lt3A_514 : vector<16xi1>
    %jit3A_516 = arith.constant 500224 : i32
    %broadcast_in_dim3A_517 = vector.broadcast %jit3A_516 : i32 to vector<16xi32>
    %select_n3A_518 = arith.select %and3A_515, %sub3A_508, %broadcast_in_dim3A_517 : vector<16xi1>, vector<16xi32>
    %swap3A_519 = arith.constant 2 : i32
    %swap3A_520 = arith.index_cast %swap3A_519 : i32 to index
    %swap3A_521 = arith.constant 96 : index
    %swap3A_522 = tpu.vector_load %arg6[%swap3A_520, %swap3A_521] {strides = array<i32>} : memref<8x128xi32, #tpu.memory_space<vmem>>, vector<1x16xi32>,
    %swap3A_523 = vector.shape_cast %swap3A_522 : vector<1x16xi32> to vector<16xi32>
    %swap3A_524 = vector.shape_cast %select_n3A_518 : vector<16xi32> to vector<1x16xi32>
    tpu.vector_store %arg6[%swap3A_520, %swap3A_521], %swap3A_524 {strides = array<i32>} : memref<8x128xi32, #tpu.memory_space<vmem>>, vector<1x16xi32>,
    %get3A_525 = arith.constant 368 : index
    %get3A_526 = tpu.vector_load %arg5[%get3A_525] {strides = array<i32>} : memref<1024xi32, #tpu.memory_space<vmem>>, vector<16xi32>,
    %get3A_527 = vector.shape_cast %get3A_526 : vector<16xi32> to vector<16xi32>
    %sub3A_528 = vector.broadcast %mul3A_48 : i32 to vector<16xi32>
    %sub3A_529 = arith.subi %get3A_527, %sub3A_528 : vector<16xi32>
    %ge3A_530 = arith.constant 0 : i32
    %ge3A_531 = vector.broadcast %ge3A_530 : i32 to vector<16xi32>
    %ge3A_532 = arith.cmpi sge, %sub3A_529, %ge3A_531 : vector<16xi32>
    %lt3A_533 = arith.constant 500224 : i32
    %lt3A_534 = vector.broadcast %lt3A_533 : i32 to vector<16xi32>
    %lt3A_535 = arith.cmpi slt, %sub3A_529, %lt3A_534 : vector<16xi32>
    %and3A_536 = arith.andi %ge3A_532, %lt3A_535 : vector<16xi1>
    %jit3A_537 = arith.constant 500224 : i32
    %broadcast_in_dim3A_538 = vector.broadcast %jit3A_537 : i32 to vector<16xi32>
    %select_n3A_539 = arith.select %and3A_536, %sub3A_529, %broadcast_in_dim3A_538 : vector<16xi1>, vector<16xi32>
    %swap3A_540 = arith.constant 2 : i32
    %swap3A_541 = arith.index_cast %swap3A_540 : i32 to index
    %swap3A_542 = arith.constant 112 : index
    %swap3A_543 = tpu.vector_load %arg6[%swap3A_541, %swap3A_542] {strides = array<i32>} : memref<8x128xi32, #tpu.memory_space<vmem>>, vector<1x16xi32>,
    %swap3A_544 = vector.shape_cast %swap3A_543 : vector<1x16xi32> to vector<16xi32>
    %swap3A_545 = vector.shape_cast %select_n3A_539 : vector<16xi32> to vector<1x16xi32>
    tpu.vector_store %arg6[%swap3A_541, %swap3A_542], %swap3A_545 {strides = array<i32>} : memref<8x128xi32, #tpu.memory_space<vmem>>, vector<1x16xi32>,
    %get3A_546 = arith.constant 384 : index
    %get3A_547 = tpu.vector_load %arg5[%get3A_546] {strides = array<i32>} : memref<1024xi32, #tpu.memory_space<vmem>>, vector<16xi32>,
    %get3A_548 = vector.shape_cast %get3A_547 : vector<16xi32> to vector<16xi32>
    %sub3A_549 = vector.broadcast %mul3A_48 : i32 to vector<16xi32>
    %sub3A_550 = arith.subi %get3A_548, %sub3A_549 : vector<16xi32>
    %ge3A_551 = arith.constant 0 : i32
    %ge3A_552 = vector.broadcast %ge3A_551 : i32 to vector<16xi32>
    %ge3A_553 = arith.cmpi sge, %sub3A_550, %ge3A_552 : vector<16xi32>
    %lt3A_554 = arith.constant 500224 : i32
    %lt3A_555 = vector.broadcast %lt3A_554 : i32 to vector<16xi32>
    %lt3A_556 = arith.cmpi slt, %sub3A_550, %lt3A_555 : vector<16xi32>
    %and3A_557 = arith.andi %ge3A_553, %lt3A_556 : vector<16xi1>
    %jit3A_558 = arith.constant 500224 : i32
    %broadcast_in_dim3A_559 = vector.broadcast %jit3A_558 : i32 to vector<16xi32>
    %select_n3A_560 = arith.select %and3A_557, %sub3A_550, %broadcast_in_dim3A_559 : vector<16xi1>, vector<16xi32>
    %swap3A_561 = arith.constant 3 : i32
    %swap3A_562 = arith.index_cast %swap3A_561 : i32 to index
    %swap3A_563 = arith.constant 0 : index
    %swap3A_564 = tpu.vector_load %arg6[%swap3A_562, %swap3A_563] {strides = array<i32>} : memref<8x128xi32, #tpu.memory_space<vmem>>, vector<1x16xi32>,
    %swap3A_565 = vector.shape_cast %swap3A_564 : vector<1x16xi32> to vector<16xi32>
    %swap3A_566 = vector.shape_cast %select_n3A_560 : vector<16xi32> to vector<1x16xi32>
    tpu.vector_store %arg6[%swap3A_562, %swap3A_563], %swap3A_566 {strides = array<i32>} : memref<8x128xi32, #tpu.memory_space<vmem>>, vector<1x16xi32>,
    %get3A_567 = arith.constant 400 : index
    %get3A_568 = tpu.vector_load %arg5[%get3A_567] {strides = array<i32>} : memref<1024xi32, #tpu.memory_space<vmem>>, vector<16xi32>,
    %get3A_569 = vector.shape_cast %get3A_568 : vector<16xi32> to vector<16xi32>
    %sub3A_570 = vector.broadcast %mul3A_48 : i32 to vector<16xi32>
    %sub3A_571 = arith.subi %get3A_569, %sub3A_570 : vector<16xi32>
    %ge3A_572 = arith.constant 0 : i32
    %ge3A_573 = vector.broadcast %ge3A_572 : i32 to vector<16xi32>
    %ge3A_574 = arith.cmpi sge, %sub3A_571, %ge3A_573 : vector<16xi32>
    %lt3A_575 = arith.constant 500224 : i32
    %lt3A_576 = vector.broadcast %lt3A_575 : i32 to vector<16xi32>
    %lt3A_577 = arith.cmpi slt, %sub3A_571, %lt3A_576 : vector<16xi32>
    %and3A_578 = arith.andi %ge3A_574, %lt3A_577 : vector<16xi1>
    %jit3A_579 = arith.constant 500224 : i32
    %broadcast_in_dim3A_580 = vector.broadcast %jit3A_579 : i32 to vector<16xi32>
    %select_n3A_581 = arith.select %and3A_578, %sub3A_571, %broadcast_in_dim3A_580 : vector<16xi1>, vector<16xi32>
    %swap3A_582 = arith.constant 3 : i32
    %swap3A_583 = arith.index_cast %swap3A_582 : i32 to index
    %swap3A_584 = arith.constant 16 : index
    %swap3A_585 = tpu.vector_load %arg6[%swap3A_583, %swap3A_584] {strides = array<i32>} : memref<8x128xi32, #tpu.memory_space<vmem>>, vector<1x16xi32>,
    %swap3A_586 = vector.shape_cast %swap3A_585 : vector<1x16xi32> to vector<16xi32>
    %swap3A_587 = vector.shape_cast %select_n3A_581 : vector<16xi32> to vector<1x16xi32>
    tpu.vector_store %arg6[%swap3A_583, %swap3A_584], %swap3A_587 {strides = array<i32>} : memref<8x128xi32, #tpu.memory_space<vmem>>, vector<1x16xi32>,
    %get3A_588 = arith.constant 416 : index
    %get3A_589 = tpu.vector_load %arg5[%get3A_588] {strides = array<i32>} : memref<1024xi32, #tpu.memory_space<vmem>>, vector<16xi32>,
    %get3A_590 = vector.shape_cast %get3A_589 : vector<16xi32> to vector<16xi32>
    %sub3A_591 = vector.broadcast %mul3A_48 : i32 to vector<16xi32>
    %sub3A_592 = arith.subi %get3A_590, %sub3A_591 : vector<16xi32>
    %ge3A_593 = arith.constant 0 : i32
    %ge3A_594 = vector.broadcast %ge3A_593 : i32 to vector<16xi32>
    %ge3A_595 = arith.cmpi sge, %sub3A_592, %ge3A_594 : vector<16xi32>
    %lt3A_596 = arith.constant 500224 : i32
    %lt3A_597 = vector.broadcast %lt3A_596 : i32 to vector<16xi32>
    %lt3A_598 = arith.cmpi slt, %sub3A_592, %lt3A_597 : vector<16xi32>
    %and3A_599 = arith.andi %ge3A_595, %lt3A_598 : vector<16xi1>
    %jit3A_600 = arith.constant 500224 : i32
    %broadcast_in_dim3A_601 = vector.broadcast %jit3A_600 : i32 to vector<16xi32>
    %select_n3A_602 = arith.select %and3A_599, %sub3A_592, %broadcast_in_dim3A_601 : vector<16xi1>, vector<16xi32>
    %swap3A_603 = arith.constant 3 : i32
    %swap3A_604 = arith.index_cast %swap3A_603 : i32 to index
    %swap3A_605 = arith.constant 32 : index
    %swap3A_606 = tpu.vector_load %arg6[%swap3A_604, %swap3A_605] {strides = array<i32>} : memref<8x128xi32, #tpu.memory_space<vmem>>, vector<1x16xi32>,
    %swap3A_607 = vector.shape_cast %swap3A_606 : vector<1x16xi32> to vector<16xi32>
    %swap3A_608 = vector.shape_cast %select_n3A_602 : vector<16xi32> to vector<1x16xi32>
    tpu.vector_store %arg6[%swap3A_604, %swap3A_605], %swap3A_608 {strides = array<i32>} : memref<8x128xi32, #tpu.memory_space<vmem>>, vector<1x16xi32>,
    %get3A_609 = arith.constant 432 : index
    %get3A_610 = tpu.vector_load %arg5[%get3A_609] {strides = array<i32>} : memref<1024xi32, #tpu.memory_space<vmem>>, vector<16xi32>,
    %get3A_611 = vector.shape_cast %get3A_610 : vector<16xi32> to vector<16xi32>
    %sub3A_612 = vector.broadcast %mul3A_48 : i32 to vector<16xi32>
    %sub3A_613 = arith.subi %get3A_611, %sub3A_612 : vector<16xi32>
    %ge3A_614 = arith.constant 0 : i32
    %ge3A_615 = vector.broadcast %ge3A_614 : i32 to vector<16xi32>
    %ge3A_616 = arith.cmpi sge, %sub3A_613, %ge3A_615 : vector<16xi32>
    %lt3A_617 = arith.constant 500224 : i32
    %lt3A_618 = vector.broadcast %lt3A_617 : i32 to vector<16xi32>
    %lt3A_619 = arith.cmpi slt, %sub3A_613, %lt3A_618 : vector<16xi32>
    %and3A_620 = arith.andi %ge3A_616, %lt3A_619 : vector<16xi1>
    %jit3A_621 = arith.constant 500224 : i32
    %broadcast_in_dim3A_622 = vector.broadcast %jit3A_621 : i32 to vector<16xi32>
    %select_n3A_623 = arith.select %and3A_620, %sub3A_613, %broadcast_in_dim3A_622 : vector<16xi1>, vector<16xi32>
    %swap3A_624 = arith.constant 3 : i32
    %swap3A_625 = arith.index_cast %swap3A_624 : i32 to index
    %swap3A_626 = arith.constant 48 : index
    %swap3A_627 = tpu.vector_load %arg6[%swap3A_625, %swap3A_626] {strides = array<i32>} : memref<8x128xi32, #tpu.memory_space<vmem>>, vector<1x16xi32>,
    %swap3A_628 = vector.shape_cast %swap3A_627 : vector<1x16xi32> to vector<16xi32>
    %swap3A_629 = vector.shape_cast %select_n3A_623 : vector<16xi32> to vector<1x16xi32>
    tpu.vector_store %arg6[%swap3A_625, %swap3A_626], %swap3A_629 {strides = array<i32>} : memref<8x128xi32, #tpu.memory_space<vmem>>, vector<1x16xi32>,
    %get3A_630 = arith.constant 448 : index
    %get3A_631 = tpu.vector_load %arg5[%get3A_630] {strides = array<i32>} : memref<1024xi32, #tpu.memory_space<vmem>>, vector<16xi32>,
    %get3A_632 = vector.shape_cast %get3A_631 : vector<16xi32> to vector<16xi32>
    %sub3A_633 = vector.broadcast %mul3A_48 : i32 to vector<16xi32>
    %sub3A_634 = arith.subi %get3A_632, %sub3A_633 : vector<16xi32>
    %ge3A_635 = arith.constant 0 : i32
    %ge3A_636 = vector.broadcast %ge3A_635 : i32 to vector<16xi32>
    %ge3A_637 = arith.cmpi sge, %sub3A_634, %ge3A_636 : vector<16xi32>
    %lt3A_638 = arith.constant 500224 : i32
    %lt3A_639 = vector.broadcast %lt3A_638 : i32 to vector<16xi32>
    %lt3A_640 = arith.cmpi slt, %sub3A_634, %lt3A_639 : vector<16xi32>
    %and3A_641 = arith.andi %ge3A_637, %lt3A_640 : vector<16xi1>
    %jit3A_642 = arith.constant 500224 : i32
    %broadcast_in_dim3A_643 = vector.broadcast %jit3A_642 : i32 to vector<16xi32>
    %select_n3A_644 = arith.select %and3A_641, %sub3A_634, %broadcast_in_dim3A_643 : vector<16xi1>, vector<16xi32>
    %swap3A_645 = arith.constant 3 : i32
    %swap3A_646 = arith.index_cast %swap3A_645 : i32 to index
    %swap3A_647 = arith.constant 64 : index
    %swap3A_648 = tpu.vector_load %arg6[%swap3A_646, %swap3A_647] {strides = array<i32>} : memref<8x128xi32, #tpu.memory_space<vmem>>, vector<1x16xi32>,
    %swap3A_649 = vector.shape_cast %swap3A_648 : vector<1x16xi32> to vector<16xi32>
    %swap3A_650 = vector.shape_cast %select_n3A_644 : vector<16xi32> to vector<1x16xi32>
    tpu.vector_store %arg6[%swap3A_646, %swap3A_647], %swap3A_650 {strides = array<i32>} : memref<8x128xi32, #tpu.memory_space<vmem>>, vector<1x16xi32>,
    %get3A_651 = arith.constant 464 : index
    %get3A_652 = tpu.vector_load %arg5[%get3A_651] {strides = array<i32>} : memref<1024xi32, #tpu.memory_space<vmem>>, vector<16xi32>,
    %get3A_653 = vector.shape_cast %get3A_652 : vector<16xi32> to vector<16xi32>
    %sub3A_654 = vector.broadcast %mul3A_48 : i32 to vector<16xi32>
    %sub3A_655 = arith.subi %get3A_653, %sub3A_654 : vector<16xi32>
    %ge3A_656 = arith.constant 0 : i32
    %ge3A_657 = vector.broadcast %ge3A_656 : i32 to vector<16xi32>
    %ge3A_658 = arith.cmpi sge, %sub3A_655, %ge3A_657 : vector<16xi32>
    %lt3A_659 = arith.constant 500224 : i32
    %lt3A_660 = vector.broadcast %lt3A_659 : i32 to vector<16xi32>
    %lt3A_661 = arith.cmpi slt, %sub3A_655, %lt3A_660 : vector<16xi32>
    %and3A_662 = arith.andi %ge3A_658, %lt3A_661 : vector<16xi1>
    %jit3A_663 = arith.constant 500224 : i32
    %broadcast_in_dim3A_664 = vector.broadcast %jit3A_663 : i32 to vector<16xi32>
    %select_n3A_665 = arith.select %and3A_662, %sub3A_655, %broadcast_in_dim3A_664 : vector<16xi1>, vector<16xi32>
    %swap3A_666 = arith.constant 3 : i32
    %swap3A_667 = arith.index_cast %swap3A_666 : i32 to index
    %swap3A_668 = arith.constant 80 : index
    %swap3A_669 = tpu.vector_load %arg6[%swap3A_667, %swap3A_668] {strides = array<i32>} : memref<8x128xi32, #tpu.memory_space<vmem>>, vector<1x16xi32>,
    %swap3A_670 = vector.shape_cast %swap3A_669 : vector<1x16xi32> to vector<16xi32>
    %swap3A_671 = vector.shape_cast %select_n3A_665 : vector<16xi32> to vector<1x16xi32>
    tpu.vector_store %arg6[%swap3A_667, %swap3A_668], %swap3A_671 {strides = array<i32>} : memref<8x128xi32, #tpu.memory_space<vmem>>, vector<1x16xi32>,
    %get3A_672 = arith.constant 480 : index
    %get3A_673 = tpu.vector_load %arg5[%get3A_672] {strides = array<i32>} : memref<1024xi32, #tpu.memory_space<vmem>>, vector<16xi32>,
    %get3A_674 = vector.shape_cast %get3A_673 : vector<16xi32> to vector<16xi32>
    %sub3A_675 = vector.broadcast %mul3A_48 : i32 to vector<16xi32>
    %sub3A_676 = arith.subi %get3A_674, %sub3A_675 : vector<16xi32>
    %ge3A_677 = arith.constant 0 : i32
    %ge3A_678 = vector.broadcast %ge3A_677 : i32 to vector<16xi32>
    %ge3A_679 = arith.cmpi sge, %sub3A_676, %ge3A_678 : vector<16xi32>
    %lt3A_680 = arith.constant 500224 : i32
    %lt3A_681 = vector.broadcast %lt3A_680 : i32 to vector<16xi32>
    %lt3A_682 = arith.cmpi slt, %sub3A_676, %lt3A_681 : vector<16xi32>
    %and3A_683 = arith.andi %ge3A_679, %lt3A_682 : vector<16xi1>
    %jit3A_684 = arith.constant 500224 : i32
    %broadcast_in_dim3A_685 = vector.broadcast %jit3A_684 : i32 to vector<16xi32>
    %select_n3A_686 = arith.select %and3A_683, %sub3A_676, %broadcast_in_dim3A_685 : vector<16xi1>, vector<16xi32>
    %swap3A_687 = arith.constant 3 : i32
    %swap3A_688 = arith.index_cast %swap3A_687 : i32 to index
    %swap3A_689 = arith.constant 96 : index
    %swap3A_690 = tpu.vector_load %arg6[%swap3A_688, %swap3A_689] {strides = array<i32>} : memref<8x128xi32, #tpu.memory_space<vmem>>, vector<1x16xi32>,
    %swap3A_691 = vector.shape_cast %swap3A_690 : vector<1x16xi32> to vector<16xi32>
    %swap3A_692 = vector.shape_cast %select_n3A_686 : vector<16xi32> to vector<1x16xi32>
    tpu.vector_store %arg6[%swap3A_688, %swap3A_689], %swap3A_692 {strides = array<i32>} : memref<8x128xi32, #tpu.memory_space<vmem>>, vector<1x16xi32>,
    %get3A_693 = arith.constant 496 : index
    %get3A_694 = tpu.vector_load %arg5[%get3A_693] {strides = array<i32>} : memref<1024xi32, #tpu.memory_space<vmem>>, vector<16xi32>,
    %get3A_695 = vector.shape_cast %get3A_694 : vector<16xi32> to vector<16xi32>
    %sub3A_696 = vector.broadcast %mul3A_48 : i32 to vector<16xi32>
    %sub3A_697 = arith.subi %get3A_695, %sub3A_696 : vector<16xi32>
    %ge3A_698 = arith.constant 0 : i32
    %ge3A_699 = vector.broadcast %ge3A_698 : i32 to vector<16xi32>
    %ge3A_700 = arith.cmpi sge, %sub3A_697, %ge3A_699 : vector<16xi32>
    %lt3A_701 = arith.constant 500224 : i32
    %lt3A_702 = vector.broadcast %lt3A_701 : i32 to vector<16xi32>
    %lt3A_703 = arith.cmpi slt, %sub3A_697, %lt3A_702 : vector<16xi32>
    %and3A_704 = arith.andi %ge3A_700, %lt3A_703 : vector<16xi1>
    %jit3A_705 = arith.constant 500224 : i32
    %broadcast_in_dim3A_706 = vector.broadcast %jit3A_705 : i32 to vector<16xi32>
    %select_n3A_707 = arith.select %and3A_704, %sub3A_697, %broadcast_in_dim3A_706 : vector<16xi1>, vector<16xi32>
    %swap3A_708 = arith.constant 3 : i32
    %swap3A_709 = arith.index_cast %swap3A_708 : i32 to index
    %swap3A_710 = arith.constant 112 : index
    %swap3A_711 = tpu.vector_load %arg6[%swap3A_709, %swap3A_710] {strides = array<i32>} : memref<8x128xi32, #tpu.memory_space<vmem>>, vector<1x16xi32>,
    %swap3A_712 = vector.shape_cast %swap3A_711 : vector<1x16xi32> to vector<16xi32>
    %swap3A_713 = vector.shape_cast %select_n3A_707 : vector<16xi32> to vector<1x16xi32>
    tpu.vector_store %arg6[%swap3A_709, %swap3A_710], %swap3A_713 {strides = array<i32>} : memref<8x128xi32, #tpu.memory_space<vmem>>, vector<1x16xi32>,
    %get3A_714 = arith.constant 512 : index
    %get3A_715 = tpu.vector_load %arg5[%get3A_714] {strides = array<i32>} : memref<1024xi32, #tpu.memory_space<vmem>>, vector<16xi32>,
    %get3A_716 = vector.shape_cast %get3A_715 : vector<16xi32> to vector<16xi32>
    %sub3A_717 = vector.broadcast %mul3A_48 : i32 to vector<16xi32>
    %sub3A_718 = arith.subi %get3A_716, %sub3A_717 : vector<16xi32>
    %ge3A_719 = arith.constant 0 : i32
    %ge3A_720 = vector.broadcast %ge3A_719 : i32 to vector<16xi32>
    %ge3A_721 = arith.cmpi sge, %sub3A_718, %ge3A_720 : vector<16xi32>
    %lt3A_722 = arith.constant 500224 : i32
    %lt3A_723 = vector.broadcast %lt3A_722 : i32 to vector<16xi32>
    %lt3A_724 = arith.cmpi slt, %sub3A_718, %lt3A_723 : vector<16xi32>
    %and3A_725 = arith.andi %ge3A_721, %lt3A_724 : vector<16xi1>
    %jit3A_726 = arith.constant 500224 : i32
    %broadcast_in_dim3A_727 = vector.broadcast %jit3A_726 : i32 to vector<16xi32>
    %select_n3A_728 = arith.select %and3A_725, %sub3A_718, %broadcast_in_dim3A_727 : vector<16xi1>, vector<16xi32>
    %swap3A_729 = arith.constant 4 : i32
    %swap3A_730 = arith.index_cast %swap3A_729 : i32 to index
    %swap3A_731 = arith.constant 0 : index
    %swap3A_732 = tpu.vector_load %arg6[%swap3A_730, %swap3A_731] {strides = array<i32>} : memref<8x128xi32, #tpu.memory_space<vmem>>, vector<1x16xi32>,
    %swap3A_733 = vector.shape_cast %swap3A_732 : vector<1x16xi32> to vector<16xi32>
    %swap3A_734 = vector.shape_cast %select_n3A_728 : vector<16xi32> to vector<1x16xi32>
    tpu.vector_store %arg6[%swap3A_730, %swap3A_731], %swap3A_734 {strides = array<i32>} : memref<8x128xi32, #tpu.memory_space<vmem>>, vector<1x16xi32>,
    %get3A_735 = arith.constant 528 : index
    %get3A_736 = tpu.vector_load %arg5[%get3A_735] {strides = array<i32>} : memref<1024xi32, #tpu.memory_space<vmem>>, vector<16xi32>,
    %get3A_737 = vector.shape_cast %get3A_736 : vector<16xi32> to vector<16xi32>
    %sub3A_738 = vector.broadcast %mul3A_48 : i32 to vector<16xi32>
    %sub3A_739 = arith.subi %get3A_737, %sub3A_738 : vector<16xi32>
    %ge3A_740 = arith.constant 0 : i32
    %ge3A_741 = vector.broadcast %ge3A_740 : i32 to vector<16xi32>
    %ge3A_742 = arith.cmpi sge, %sub3A_739, %ge3A_741 : vector<16xi32>
    %lt3A_743 = arith.constant 500224 : i32
    %lt3A_744 = vector.broadcast %lt3A_743 : i32 to vector<16xi32>
    %lt3A_745 = arith.cmpi slt, %sub3A_739, %lt3A_744 : vector<16xi32>
    %and3A_746 = arith.andi %ge3A_742, %lt3A_745 : vector<16xi1>
    %jit3A_747 = arith.constant 500224 : i32
    %broadcast_in_dim3A_748 = vector.broadcast %jit3A_747 : i32 to vector<16xi32>
    %select_n3A_749 = arith.select %and3A_746, %sub3A_739, %broadcast_in_dim3A_748 : vector<16xi1>, vector<16xi32>
    %swap3A_750 = arith.constant 4 : i32
    %swap3A_751 = arith.index_cast %swap3A_750 : i32 to index
    %swap3A_752 = arith.constant 16 : index
    %swap3A_753 = tpu.vector_load %arg6[%swap3A_751, %swap3A_752] {strides = array<i32>} : memref<8x128xi32, #tpu.memory_space<vmem>>, vector<1x16xi32>,
    %swap3A_754 = vector.shape_cast %swap3A_753 : vector<1x16xi32> to vector<16xi32>
    %swap3A_755 = vector.shape_cast %select_n3A_749 : vector<16xi32> to vector<1x16xi32>
    tpu.vector_store %arg6[%swap3A_751, %swap3A_752], %swap3A_755 {strides = array<i32>} : memref<8x128xi32, #tpu.memory_space<vmem>>, vector<1x16xi32>,
    %get3A_756 = arith.constant 544 : index
    %get3A_757 = tpu.vector_load %arg5[%get3A_756] {strides = array<i32>} : memref<1024xi32, #tpu.memory_space<vmem>>, vector<16xi32>,
    %get3A_758 = vector.shape_cast %get3A_757 : vector<16xi32> to vector<16xi32>
    %sub3A_759 = vector.broadcast %mul3A_48 : i32 to vector<16xi32>
    %sub3A_760 = arith.subi %get3A_758, %sub3A_759 : vector<16xi32>
    %ge3A_761 = arith.constant 0 : i32
    %ge3A_762 = vector.broadcast %ge3A_761 : i32 to vector<16xi32>
    %ge3A_763 = arith.cmpi sge, %sub3A_760, %ge3A_762 : vector<16xi32>
    %lt3A_764 = arith.constant 500224 : i32
    %lt3A_765 = vector.broadcast %lt3A_764 : i32 to vector<16xi32>
    %lt3A_766 = arith.cmpi slt, %sub3A_760, %lt3A_765 : vector<16xi32>
    %and3A_767 = arith.andi %ge3A_763, %lt3A_766 : vector<16xi1>
    %jit3A_768 = arith.constant 500224 : i32
    %broadcast_in_dim3A_769 = vector.broadcast %jit3A_768 : i32 to vector<16xi32>
    %select_n3A_770 = arith.select %and3A_767, %sub3A_760, %broadcast_in_dim3A_769 : vector<16xi1>, vector<16xi32>
    %swap3A_771 = arith.constant 4 : i32
    %swap3A_772 = arith.index_cast %swap3A_771 : i32 to index
    %swap3A_773 = arith.constant 32 : index
    %swap3A_774 = tpu.vector_load %arg6[%swap3A_772, %swap3A_773] {strides = array<i32>} : memref<8x128xi32, #tpu.memory_space<vmem>>, vector<1x16xi32>,
    %swap3A_775 = vector.shape_cast %swap3A_774 : vector<1x16xi32> to vector<16xi32>
    %swap3A_776 = vector.shape_cast %select_n3A_770 : vector<16xi32> to vector<1x16xi32>
    tpu.vector_store %arg6[%swap3A_772, %swap3A_773], %swap3A_776 {strides = array<i32>} : memref<8x128xi32, #tpu.memory_space<vmem>>, vector<1x16xi32>,
    %get3A_777 = arith.constant 560 : index
    %get3A_778 = tpu.vector_load %arg5[%get3A_777] {strides = array<i32>} : memref<1024xi32, #tpu.memory_space<vmem>>, vector<16xi32>,
    %get3A_779 = vector.shape_cast %get3A_778 : vector<16xi32> to vector<16xi32>
    %sub3A_780 = vector.broadcast %mul3A_48 : i32 to vector<16xi32>
    %sub3A_781 = arith.subi %get3A_779, %sub3A_780 : vector<16xi32>
    %ge3A_782 = arith.constant 0 : i32
    %ge3A_783 = vector.broadcast %ge3A_782 : i32 to vector<16xi32>
    %ge3A_784 = arith.cmpi sge, %sub3A_781, %ge3A_783 : vector<16xi32>
    %lt3A_785 = arith.constant 500224 : i32
    %lt3A_786 = vector.broadcast %lt3A_785 : i32 to vector<16xi32>
    %lt3A_787 = arith.cmpi slt, %sub3A_781, %lt3A_786 : vector<16xi32>
    %and3A_788 = arith.andi %ge3A_784, %lt3A_787 : vector<16xi1>
    %jit3A_789 = arith.constant 500224 : i32
    %broadcast_in_dim3A_790 = vector.broadcast %jit3A_789 : i32 to vector<16xi32>
    %select_n3A_791 = arith.select %and3A_788, %sub3A_781, %broadcast_in_dim3A_790 : vector<16xi1>, vector<16xi32>
    %swap3A_792 = arith.constant 4 : i32
    %swap3A_793 = arith.index_cast %swap3A_792 : i32 to index
    %swap3A_794 = arith.constant 48 : index
    %swap3A_795 = tpu.vector_load %arg6[%swap3A_793, %swap3A_794] {strides = array<i32>} : memref<8x128xi32, #tpu.memory_space<vmem>>, vector<1x16xi32>,
    %swap3A_796 = vector.shape_cast %swap3A_795 : vector<1x16xi32> to vector<16xi32>
    %swap3A_797 = vector.shape_cast %select_n3A_791 : vector<16xi32> to vector<1x16xi32>
    tpu.vector_store %arg6[%swap3A_793, %swap3A_794], %swap3A_797 {strides = array<i32>} : memref<8x128xi32, #tpu.memory_space<vmem>>, vector<1x16xi32>,
    %get3A_798 = arith.constant 576 : index
    %get3A_799 = tpu.vector_load %arg5[%get3A_798] {strides = array<i32>} : memref<1024xi32, #tpu.memory_space<vmem>>, vector<16xi32>,
    %get3A_800 = vector.shape_cast %get3A_799 : vector<16xi32> to vector<16xi32>
    %sub3A_801 = vector.broadcast %mul3A_48 : i32 to vector<16xi32>
    %sub3A_802 = arith.subi %get3A_800, %sub3A_801 : vector<16xi32>
    %ge3A_803 = arith.constant 0 : i32
    %ge3A_804 = vector.broadcast %ge3A_803 : i32 to vector<16xi32>
    %ge3A_805 = arith.cmpi sge, %sub3A_802, %ge3A_804 : vector<16xi32>
    %lt3A_806 = arith.constant 500224 : i32
    %lt3A_807 = vector.broadcast %lt3A_806 : i32 to vector<16xi32>
    %lt3A_808 = arith.cmpi slt, %sub3A_802, %lt3A_807 : vector<16xi32>
    %and3A_809 = arith.andi %ge3A_805, %lt3A_808 : vector<16xi1>
    %jit3A_810 = arith.constant 500224 : i32
    %broadcast_in_dim3A_811 = vector.broadcast %jit3A_810 : i32 to vector<16xi32>
    %select_n3A_812 = arith.select %and3A_809, %sub3A_802, %broadcast_in_dim3A_811 : vector<16xi1>, vector<16xi32>
    %swap3A_813 = arith.constant 4 : i32
    %swap3A_814 = arith.index_cast %swap3A_813 : i32 to index
    %swap3A_815 = arith.constant 64 : index
    %swap3A_816 = tpu.vector_load %arg6[%swap3A_814, %swap3A_815] {strides = array<i32>} : memref<8x128xi32, #tpu.memory_space<vmem>>, vector<1x16xi32>,
    %swap3A_817 = vector.shape_cast %swap3A_816 : vector<1x16xi32> to vector<16xi32>
    %swap3A_818 = vector.shape_cast %select_n3A_812 : vector<16xi32> to vector<1x16xi32>
    tpu.vector_store %arg6[%swap3A_814, %swap3A_815], %swap3A_818 {strides = array<i32>} : memref<8x128xi32, #tpu.memory_space<vmem>>, vector<1x16xi32>,
    %get3A_819 = arith.constant 592 : index
    %get3A_820 = tpu.vector_load %arg5[%get3A_819] {strides = array<i32>} : memref<1024xi32, #tpu.memory_space<vmem>>, vector<16xi32>,
    %get3A_821 = vector.shape_cast %get3A_820 : vector<16xi32> to vector<16xi32>
    %sub3A_822 = vector.broadcast %mul3A_48 : i32 to vector<16xi32>
    %sub3A_823 = arith.subi %get3A_821, %sub3A_822 : vector<16xi32>
    %ge3A_824 = arith.constant 0 : i32
    %ge3A_825 = vector.broadcast %ge3A_824 : i32 to vector<16xi32>
    %ge3A_826 = arith.cmpi sge, %sub3A_823, %ge3A_825 : vector<16xi32>
    %lt3A_827 = arith.constant 500224 : i32
    %lt3A_828 = vector.broadcast %lt3A_827 : i32 to vector<16xi32>
    %lt3A_829 = arith.cmpi slt, %sub3A_823, %lt3A_828 : vector<16xi32>
    %and3A_830 = arith.andi %ge3A_826, %lt3A_829 : vector<16xi1>
    %jit3A_831 = arith.constant 500224 : i32
    %broadcast_in_dim3A_832 = vector.broadcast %jit3A_831 : i32 to vector<16xi32>
    %select_n3A_833 = arith.select %and3A_830, %sub3A_823, %broadcast_in_dim3A_832 : vector<16xi1>, vector<16xi32>
    %swap3A_834 = arith.constant 4 : i32
    %swap3A_835 = arith.index_cast %swap3A_834 : i32 to index
    %swap3A_836 = arith.constant 80 : index
    %swap3A_837 = tpu.vector_load %arg6[%swap3A_835, %swap3A_836] {strides = array<i32>} : memref<8x128xi32, #tpu.memory_space<vmem>>, vector<1x16xi32>,
    %swap3A_838 = vector.shape_cast %swap3A_837 : vector<1x16xi32> to vector<16xi32>
    %swap3A_839 = vector.shape_cast %select_n3A_833 : vector<16xi32> to vector<1x16xi32>
    tpu.vector_store %arg6[%swap3A_835, %swap3A_836], %swap3A_839 {strides = array<i32>} : memref<8x128xi32, #tpu.memory_space<vmem>>, vector<1x16xi32>,
    %get3A_840 = arith.constant 608 : index
    %get3A_841 = tpu.vector_load %arg5[%get3A_840] {strides = array<i32>} : memref<1024xi32, #tpu.memory_space<vmem>>, vector<16xi32>,
    %get3A_842 = vector.shape_cast %get3A_841 : vector<16xi32> to vector<16xi32>
    %sub3A_843 = vector.broadcast %mul3A_48 : i32 to vector<16xi32>
    %sub3A_844 = arith.subi %get3A_842, %sub3A_843 : vector<16xi32>
    %ge3A_845 = arith.constant 0 : i32
    %ge3A_846 = vector.broadcast %ge3A_845 : i32 to vector<16xi32>
    %ge3A_847 = arith.cmpi sge, %sub3A_844, %ge3A_846 : vector<16xi32>
    %lt3A_848 = arith.constant 500224 : i32
    %lt3A_849 = vector.broadcast %lt3A_848 : i32 to vector<16xi32>
    %lt3A_850 = arith.cmpi slt, %sub3A_844, %lt3A_849 : vector<16xi32>
    %and3A_851 = arith.andi %ge3A_847, %lt3A_850 : vector<16xi1>
    %jit3A_852 = arith.constant 500224 : i32
    %broadcast_in_dim3A_853 = vector.broadcast %jit3A_852 : i32 to vector<16xi32>
    %select_n3A_854 = arith.select %and3A_851, %sub3A_844, %broadcast_in_dim3A_853 : vector<16xi1>, vector<16xi32>
    %swap3A_855 = arith.constant 4 : i32
    %swap3A_856 = arith.index_cast %swap3A_855 : i32 to index
    %swap3A_857 = arith.constant 96 : index
    %swap3A_858 = tpu.vector_load %arg6[%swap3A_856, %swap3A_857] {strides = array<i32>} : memref<8x128xi32, #tpu.memory_space<vmem>>, vector<1x16xi32>,
    %swap3A_859 = vector.shape_cast %swap3A_858 : vector<1x16xi32> to vector<16xi32>
    %swap3A_860 = vector.shape_cast %select_n3A_854 : vector<16xi32> to vector<1x16xi32>
    tpu.vector_store %arg6[%swap3A_856, %swap3A_857], %swap3A_860 {strides = array<i32>} : memref<8x128xi32, #tpu.memory_space<vmem>>, vector<1x16xi32>,
    %get3A_861 = arith.constant 624 : index
    %get3A_862 = tpu.vector_load %arg5[%get3A_861] {strides = array<i32>} : memref<1024xi32, #tpu.memory_space<vmem>>, vector<16xi32>,
    %get3A_863 = vector.shape_cast %get3A_862 : vector<16xi32> to vector<16xi32>
    %sub3A_864 = vector.broadcast %mul3A_48 : i32 to vector<16xi32>
    %sub3A_865 = arith.subi %get3A_863, %sub3A_864 : vector<16xi32>
    %ge3A_866 = arith.constant 0 : i32
    %ge3A_867 = vector.broadcast %ge3A_866 : i32 to vector<16xi32>
    %ge3A_868 = arith.cmpi sge, %sub3A_865, %ge3A_867 : vector<16xi32>
    %lt3A_869 = arith.constant 500224 : i32
    %lt3A_870 = vector.broadcast %lt3A_869 : i32 to vector<16xi32>
    %lt3A_871 = arith.cmpi slt, %sub3A_865, %lt3A_870 : vector<16xi32>
    %and3A_872 = arith.andi %ge3A_868, %lt3A_871 : vector<16xi1>
    %jit3A_873 = arith.constant 500224 : i32
    %broadcast_in_dim3A_874 = vector.broadcast %jit3A_873 : i32 to vector<16xi32>
    %select_n3A_875 = arith.select %and3A_872, %sub3A_865, %broadcast_in_dim3A_874 : vector<16xi1>, vector<16xi32>
    %swap3A_876 = arith.constant 4 : i32
    %swap3A_877 = arith.index_cast %swap3A_876 : i32 to index
    %swap3A_878 = arith.constant 112 : index
    %swap3A_879 = tpu.vector_load %arg6[%swap3A_877, %swap3A_878] {strides = array<i32>} : memref<8x128xi32, #tpu.memory_space<vmem>>, vector<1x16xi32>,
    %swap3A_880 = vector.shape_cast %swap3A_879 : vector<1x16xi32> to vector<16xi32>
    %swap3A_881 = vector.shape_cast %select_n3A_875 : vector<16xi32> to vector<1x16xi32>
    tpu.vector_store %arg6[%swap3A_877, %swap3A_878], %swap3A_881 {strides = array<i32>} : memref<8x128xi32, #tpu.memory_space<vmem>>, vector<1x16xi32>,
    %get3A_882 = arith.constant 640 : index
    %get3A_883 = tpu.vector_load %arg5[%get3A_882] {strides = array<i32>} : memref<1024xi32, #tpu.memory_space<vmem>>, vector<16xi32>,
    %get3A_884 = vector.shape_cast %get3A_883 : vector<16xi32> to vector<16xi32>
    %sub3A_885 = vector.broadcast %mul3A_48 : i32 to vector<16xi32>
    %sub3A_886 = arith.subi %get3A_884, %sub3A_885 : vector<16xi32>
    %ge3A_887 = arith.constant 0 : i32
    %ge3A_888 = vector.broadcast %ge3A_887 : i32 to vector<16xi32>
    %ge3A_889 = arith.cmpi sge, %sub3A_886, %ge3A_888 : vector<16xi32>
    %lt3A_890 = arith.constant 500224 : i32
    %lt3A_891 = vector.broadcast %lt3A_890 : i32 to vector<16xi32>
    %lt3A_892 = arith.cmpi slt, %sub3A_886, %lt3A_891 : vector<16xi32>
    %and3A_893 = arith.andi %ge3A_889, %lt3A_892 : vector<16xi1>
    %jit3A_894 = arith.constant 500224 : i32
    %broadcast_in_dim3A_895 = vector.broadcast %jit3A_894 : i32 to vector<16xi32>
    %select_n3A_896 = arith.select %and3A_893, %sub3A_886, %broadcast_in_dim3A_895 : vector<16xi1>, vector<16xi32>
    %swap3A_897 = arith.constant 5 : i32
    %swap3A_898 = arith.index_cast %swap3A_897 : i32 to index
    %swap3A_899 = arith.constant 0 : index
    %swap3A_900 = tpu.vector_load %arg6[%swap3A_898, %swap3A_899] {strides = array<i32>} : memref<8x128xi32, #tpu.memory_space<vmem>>, vector<1x16xi32>,
    %swap3A_901 = vector.shape_cast %swap3A_900 : vector<1x16xi32> to vector<16xi32>
    %swap3A_902 = vector.shape_cast %select_n3A_896 : vector<16xi32> to vector<1x16xi32>
    tpu.vector_store %arg6[%swap3A_898, %swap3A_899], %swap3A_902 {strides = array<i32>} : memref<8x128xi32, #tpu.memory_space<vmem>>, vector<1x16xi32>,
    %get3A_903 = arith.constant 656 : index
    %get3A_904 = tpu.vector_load %arg5[%get3A_903] {strides = array<i32>} : memref<1024xi32, #tpu.memory_space<vmem>>, vector<16xi32>,
    %get3A_905 = vector.shape_cast %get3A_904 : vector<16xi32> to vector<16xi32>
    %sub3A_906 = vector.broadcast %mul3A_48 : i32 to vector<16xi32>
    %sub3A_907 = arith.subi %get3A_905, %sub3A_906 : vector<16xi32>
    %ge3A_908 = arith.constant 0 : i32
    %ge3A_909 = vector.broadcast %ge3A_908 : i32 to vector<16xi32>
    %ge3A_910 = arith.cmpi sge, %sub3A_907, %ge3A_909 : vector<16xi32>
    %lt3A_911 = arith.constant 500224 : i32
    %lt3A_912 = vector.broadcast %lt3A_911 : i32 to vector<16xi32>
    %lt3A_913 = arith.cmpi slt, %sub3A_907, %lt3A_912 : vector<16xi32>
    %and3A_914 = arith.andi %ge3A_910, %lt3A_913 : vector<16xi1>
    %jit3A_915 = arith.constant 500224 : i32
    %broadcast_in_dim3A_916 = vector.broadcast %jit3A_915 : i32 to vector<16xi32>
    %select_n3A_917 = arith.select %and3A_914, %sub3A_907, %broadcast_in_dim3A_916 : vector<16xi1>, vector<16xi32>
    %swap3A_918 = arith.constant 5 : i32
    %swap3A_919 = arith.index_cast %swap3A_918 : i32 to index
    %swap3A_920 = arith.constant 16 : index
    %swap3A_921 = tpu.vector_load %arg6[%swap3A_919, %swap3A_920] {strides = array<i32>} : memref<8x128xi32, #tpu.memory_space<vmem>>, vector<1x16xi32>,
    %swap3A_922 = vector.shape_cast %swap3A_921 : vector<1x16xi32> to vector<16xi32>
    %swap3A_923 = vector.shape_cast %select_n3A_917 : vector<16xi32> to vector<1x16xi32>
    tpu.vector_store %arg6[%swap3A_919, %swap3A_920], %swap3A_923 {strides = array<i32>} : memref<8x128xi32, #tpu.memory_space<vmem>>, vector<1x16xi32>,
    %get3A_924 = arith.constant 672 : index
    %get3A_925 = tpu.vector_load %arg5[%get3A_924] {strides = array<i32>} : memref<1024xi32, #tpu.memory_space<vmem>>, vector<16xi32>,
    %get3A_926 = vector.shape_cast %get3A_925 : vector<16xi32> to vector<16xi32>
    %sub3A_927 = vector.broadcast %mul3A_48 : i32 to vector<16xi32>
    %sub3A_928 = arith.subi %get3A_926, %sub3A_927 : vector<16xi32>
    %ge3A_929 = arith.constant 0 : i32
    %ge3A_930 = vector.broadcast %ge3A_929 : i32 to vector<16xi32>
    %ge3A_931 = arith.cmpi sge, %sub3A_928, %ge3A_930 : vector<16xi32>
    %lt3A_932 = arith.constant 500224 : i32
    %lt3A_933 = vector.broadcast %lt3A_932 : i32 to vector<16xi32>
    %lt3A_934 = arith.cmpi slt, %sub3A_928, %lt3A_933 : vector<16xi32>
    %and3A_935 = arith.andi %ge3A_931, %lt3A_934 : vector<16xi1>
    %jit3A_936 = arith.constant 500224 : i32
    %broadcast_in_dim3A_937 = vector.broadcast %jit3A_936 : i32 to vector<16xi32>
    %select_n3A_938 = arith.select %and3A_935, %sub3A_928, %broadcast_in_dim3A_937 : vector<16xi1>, vector<16xi32>
    %swap3A_939 = arith.constant 5 : i32
    %swap3A_940 = arith.index_cast %swap3A_939 : i32 to index
    %swap3A_941 = arith.constant 32 : index
    %swap3A_942 = tpu.vector_load %arg6[%swap3A_940, %swap3A_941] {strides = array<i32>} : memref<8x128xi32, #tpu.memory_space<vmem>>, vector<1x16xi32>,
    %swap3A_943 = vector.shape_cast %swap3A_942 : vector<1x16xi32> to vector<16xi32>
    %swap3A_944 = vector.shape_cast %select_n3A_938 : vector<16xi32> to vector<1x16xi32>
    tpu.vector_store %arg6[%swap3A_940, %swap3A_941], %swap3A_944 {strides = array<i32>} : memref<8x128xi32, #tpu.memory_space<vmem>>, vector<1x16xi32>,
    %get3A_945 = arith.constant 688 : index
    %get3A_946 = tpu.vector_load %arg5[%get3A_945] {strides = array<i32>} : memref<1024xi32, #tpu.memory_space<vmem>>, vector<16xi32>,
    %get3A_947 = vector.shape_cast %get3A_946 : vector<16xi32> to vector<16xi32>
    %sub3A_948 = vector.broadcast %mul3A_48 : i32 to vector<16xi32>
    %sub3A_949 = arith.subi %get3A_947, %sub3A_948 : vector<16xi32>
    %ge3A_950 = arith.constant 0 : i32
    %ge3A_951 = vector.broadcast %ge3A_950 : i32 to vector<16xi32>
    %ge3A_952 = arith.cmpi sge, %sub3A_949, %ge3A_951 : vector<16xi32>
    %lt3A_953 = arith.constant 500224 : i32
    %lt3A_954 = vector.broadcast %lt3A_953 : i32 to vector<16xi32>
    %lt3A_955 = arith.cmpi slt, %sub3A_949, %lt3A_954 : vector<16xi32>
    %and3A_956 = arith.andi %ge3A_952, %lt3A_955 : vector<16xi1>
    %jit3A_957 = arith.constant 500224 : i32
    %broadcast_in_dim3A_958 = vector.broadcast %jit3A_957 : i32 to vector<16xi32>
    %select_n3A_959 = arith.select %and3A_956, %sub3A_949, %broadcast_in_dim3A_958 : vector<16xi1>, vector<16xi32>
    %swap3A_960 = arith.constant 5 : i32
    %swap3A_961 = arith.index_cast %swap3A_960 : i32 to index
    %swap3A_962 = arith.constant 48 : index
    %swap3A_963 = tpu.vector_load %arg6[%swap3A_961, %swap3A_962] {strides = array<i32>} : memref<8x128xi32, #tpu.memory_space<vmem>>, vector<1x16xi32>,
    %swap3A_964 = vector.shape_cast %swap3A_963 : vector<1x16xi32> to vector<16xi32>
    %swap3A_965 = vector.shape_cast %select_n3A_959 : vector<16xi32> to vector<1x16xi32>
    tpu.vector_store %arg6[%swap3A_961, %swap3A_962], %swap3A_965 {strides = array<i32>} : memref<8x128xi32, #tpu.memory_space<vmem>>, vector<1x16xi32>,
    %get3A_966 = arith.constant 704 : index
    %get3A_967 = tpu.vector_load %arg5[%get3A_966] {strides = array<i32>} : memref<1024xi32, #tpu.memory_space<vmem>>, vector<16xi32>,
    %get3A_968 = vector.shape_cast %get3A_967 : vector<16xi32> to vector<16xi32>
    %sub3A_969 = vector.broadcast %mul3A_48 : i32 to vector<16xi32>
    %sub3A_970 = arith.subi %get3A_968, %sub3A_969 : vector<16xi32>
    %ge3A_971 = arith.constant 0 : i32
    %ge3A_972 = vector.broadcast %ge3A_971 : i32 to vector<16xi32>
    %ge3A_973 = arith.cmpi sge, %sub3A_970, %ge3A_972 : vector<16xi32>
    %lt3A_974 = arith.constant 500224 : i32
    %lt3A_975 = vector.broadcast %lt3A_974 : i32 to vector<16xi32>
    %lt3A_976 = arith.cmpi slt, %sub3A_970, %lt3A_975 : vector<16xi32>
    %and3A_977 = arith.andi %ge3A_973, %lt3A_976 : vector<16xi1>
    %jit3A_978 = arith.constant 500224 : i32
    %broadcast_in_dim3A_979 = vector.broadcast %jit3A_978 : i32 to vector<16xi32>
    %select_n3A_980 = arith.select %and3A_977, %sub3A_970, %broadcast_in_dim3A_979 : vector<16xi1>, vector<16xi32>
    %swap3A_981 = arith.constant 5 : i32
    %swap3A_982 = arith.index_cast %swap3A_981 : i32 to index
    %swap3A_983 = arith.constant 64 : index
    %swap3A_984 = tpu.vector_load %arg6[%swap3A_982, %swap3A_983] {strides = array<i32>} : memref<8x128xi32, #tpu.memory_space<vmem>>, vector<1x16xi32>,
    %swap3A_985 = vector.shape_cast %swap3A_984 : vector<1x16xi32> to vector<16xi32>
    %swap3A_986 = vector.shape_cast %select_n3A_980 : vector<16xi32> to vector<1x16xi32>
    tpu.vector_store %arg6[%swap3A_982, %swap3A_983], %swap3A_986 {strides = array<i32>} : memref<8x128xi32, #tpu.memory_space<vmem>>, vector<1x16xi32>,
    %get3A_987 = arith.constant 720 : index
    %get3A_988 = tpu.vector_load %arg5[%get3A_987] {strides = array<i32>} : memref<1024xi32, #tpu.memory_space<vmem>>, vector<16xi32>,
    %get3A_989 = vector.shape_cast %get3A_988 : vector<16xi32> to vector<16xi32>
    %sub3A_990 = vector.broadcast %mul3A_48 : i32 to vector<16xi32>
    %sub3A_991 = arith.subi %get3A_989, %sub3A_990 : vector<16xi32>
    %ge3A_992 = arith.constant 0 : i32
    %ge3A_993 = vector.broadcast %ge3A_992 : i32 to vector<16xi32>
    %ge3A_994 = arith.cmpi sge, %sub3A_991, %ge3A_993 : vector<16xi32>
    %lt3A_995 = arith.constant 500224 : i32
    %lt3A_996 = vector.broadcast %lt3A_995 : i32 to vector<16xi32>
    %lt3A_997 = arith.cmpi slt, %sub3A_991, %lt3A_996 : vector<16xi32>
    %and3A_998 = arith.andi %ge3A_994, %lt3A_997 : vector<16xi1>
    %jit3A_999 = arith.constant 500224 : i32
    %broadcast_in_dim3A_1000 = vector.broadcast %jit3A_999 : i32 to vector<16xi32>
    %select_n3A_1001 = arith.select %and3A_998, %sub3A_991, %broadcast_in_dim3A_1000 : vector<16xi1>, vector<16xi32>
    %swap3A_1002 = arith.constant 5 : i32
    %swap3A_1003 = arith.index_cast %swap3A_1002 : i32 to index
    %swap3A_1004 = arith.constant 80 : index
    %swap3A_1005 = tpu.vector_load %arg6[%swap3A_1003, %swap3A_1004] {strides = array<i32>} : memref<8x128xi32, #tpu.memory_space<vmem>>, vector<1x16xi32>,
    %swap3A_1006 = vector.shape_cast %swap3A_1005 : vector<1x16xi32> to vector<16xi32>
    %swap3A_1007 = vector.shape_cast %select_n3A_1001 : vector<16xi32> to vector<1x16xi32>
    tpu.vector_store %arg6[%swap3A_1003, %swap3A_1004], %swap3A_1007 {strides = array<i32>} : memref<8x128xi32, #tpu.memory_space<vmem>>, vector<1x16xi32>,
    %get3A_1008 = arith.constant 736 : index
    %get3A_1009 = tpu.vector_load %arg5[%get3A_1008] {strides = array<i32>} : memref<1024xi32, #tpu.memory_space<vmem>>, vector<16xi32>,
    %get3A_1010 = vector.shape_cast %get3A_1009 : vector<16xi32> to vector<16xi32>
    %sub3A_1011 = vector.broadcast %mul3A_48 : i32 to vector<16xi32>
    %sub3A_1012 = arith.subi %get3A_1010, %sub3A_1011 : vector<16xi32>
    %ge3A_1013 = arith.constant 0 : i32
    %ge3A_1014 = vector.broadcast %ge3A_1013 : i32 to vector<16xi32>
    %ge3A_1015 = arith.cmpi sge, %sub3A_1012, %ge3A_1014 : vector<16xi32>
    %lt3A_1016 = arith.constant 500224 : i32
    %lt3A_1017 = vector.broadcast %lt3A_1016 : i32 to vector<16xi32>
    %lt3A_1018 = arith.cmpi slt, %sub3A_1012, %lt3A_1017 : vector<16xi32>
    %and3A_1019 = arith.andi %ge3A_1015, %lt3A_1018 : vector<16xi1>
    %jit3A_1020 = arith.constant 500224 : i32
    %broadcast_in_dim3A_1021 = vector.broadcast %jit3A_1020 : i32 to vector<16xi32>
    %select_n3A_1022 = arith.select %and3A_1019, %sub3A_1012, %broadcast_in_dim3A_1021 : vector<16xi1>, vector<16xi32>
    %swap3A_1023 = arith.constant 5 : i32
    %swap3A_1024 = arith.index_cast %swap3A_1023 : i32 to index
    %swap3A_1025 = arith.constant 96 : index
    %swap3A_1026 = tpu.vector_load %arg6[%swap3A_1024, %swap3A_1025] {strides = array<i32>} : memref<8x128xi32, #tpu.memory_space<vmem>>, vector<1x16xi32>,
    %swap3A_1027 = vector.shape_cast %swap3A_1026 : vector<1x16xi32> to vector<16xi32>
    %swap3A_1028 = vector.shape_cast %select_n3A_1022 : vector<16xi32> to vector<1x16xi32>
    tpu.vector_store %arg6[%swap3A_1024, %swap3A_1025], %swap3A_1028 {strides = array<i32>} : memref<8x128xi32, #tpu.memory_space<vmem>>, vector<1x16xi32>,
    %get3A_1029 = arith.constant 752 : index
    %get3A_1030 = tpu.vector_load %arg5[%get3A_1029] {strides = array<i32>} : memref<1024xi32, #tpu.memory_space<vmem>>, vector<16xi32>,
    %get3A_1031 = vector.shape_cast %get3A_1030 : vector<16xi32> to vector<16xi32>
    %sub3A_1032 = vector.broadcast %mul3A_48 : i32 to vector<16xi32>
    %sub3A_1033 = arith.subi %get3A_1031, %sub3A_1032 : vector<16xi32>
    %ge3A_1034 = arith.constant 0 : i32
    %ge3A_1035 = vector.broadcast %ge3A_1034 : i32 to vector<16xi32>
    %ge3A_1036 = arith.cmpi sge, %sub3A_1033, %ge3A_1035 : vector<16xi32>
    %lt3A_1037 = arith.constant 500224 : i32
    %lt3A_1038 = vector.broadcast %lt3A_1037 : i32 to vector<16xi32>
    %lt3A_1039 = arith.cmpi slt, %sub3A_1033, %lt3A_1038 : vector<16xi32>
    %and3A_1040 = arith.andi %ge3A_1036, %lt3A_1039 : vector<16xi1>
    %jit3A_1041 = arith.constant 500224 : i32
    %broadcast_in_dim3A_1042 = vector.broadcast %jit3A_1041 : i32 to vector<16xi32>
    %select_n3A_1043 = arith.select %and3A_1040, %sub3A_1033, %broadcast_in_dim3A_1042 : vector<16xi1>, vector<16xi32>
    %swap3A_1044 = arith.constant 5 : i32
    %swap3A_1045 = arith.index_cast %swap3A_1044 : i32 to index
    %swap3A_1046 = arith.constant 112 : index
    %swap3A_1047 = tpu.vector_load %arg6[%swap3A_1045, %swap3A_1046] {strides = array<i32>} : memref<8x128xi32, #tpu.memory_space<vmem>>, vector<1x16xi32>,
    %swap3A_1048 = vector.shape_cast %swap3A_1047 : vector<1x16xi32> to vector<16xi32>
    %swap3A_1049 = vector.shape_cast %select_n3A_1043 : vector<16xi32> to vector<1x16xi32>
    tpu.vector_store %arg6[%swap3A_1045, %swap3A_1046], %swap3A_1049 {strides = array<i32>} : memref<8x128xi32, #tpu.memory_space<vmem>>, vector<1x16xi32>,
    %get3A_1050 = arith.constant 768 : index
    %get3A_1051 = tpu.vector_load %arg5[%get3A_1050] {strides = array<i32>} : memref<1024xi32, #tpu.memory_space<vmem>>, vector<16xi32>,
    %get3A_1052 = vector.shape_cast %get3A_1051 : vector<16xi32> to vector<16xi32>
    %sub3A_1053 = vector.broadcast %mul3A_48 : i32 to vector<16xi32>
    %sub3A_1054 = arith.subi %get3A_1052, %sub3A_1053 : vector<16xi32>
    %ge3A_1055 = arith.constant 0 : i32
    %ge3A_1056 = vector.broadcast %ge3A_1055 : i32 to vector<16xi32>
    %ge3A_1057 = arith.cmpi sge, %sub3A_1054, %ge3A_1056 : vector<16xi32>
    %lt3A_1058 = arith.constant 500224 : i32
    %lt3A_1059 = vector.broadcast %lt3A_1058 : i32 to vector<16xi32>
    %lt3A_1060 = arith.cmpi slt, %sub3A_1054, %lt3A_1059 : vector<16xi32>
    %and3A_1061 = arith.andi %ge3A_1057, %lt3A_1060 : vector<16xi1>
    %jit3A_1062 = arith.constant 500224 : i32
    %broadcast_in_dim3A_1063 = vector.broadcast %jit3A_1062 : i32 to vector<16xi32>
    %select_n3A_1064 = arith.select %and3A_1061, %sub3A_1054, %broadcast_in_dim3A_1063 : vector<16xi1>, vector<16xi32>
    %swap3A_1065 = arith.constant 6 : i32
    %swap3A_1066 = arith.index_cast %swap3A_1065 : i32 to index
    %swap3A_1067 = arith.constant 0 : index
    %swap3A_1068 = tpu.vector_load %arg6[%swap3A_1066, %swap3A_1067] {strides = array<i32>} : memref<8x128xi32, #tpu.memory_space<vmem>>, vector<1x16xi32>,
    %swap3A_1069 = vector.shape_cast %swap3A_1068 : vector<1x16xi32> to vector<16xi32>
    %swap3A_1070 = vector.shape_cast %select_n3A_1064 : vector<16xi32> to vector<1x16xi32>
    tpu.vector_store %arg6[%swap3A_1066, %swap3A_1067], %swap3A_1070 {strides = array<i32>} : memref<8x128xi32, #tpu.memory_space<vmem>>, vector<1x16xi32>,
    %get3A_1071 = arith.constant 784 : index
    %get3A_1072 = tpu.vector_load %arg5[%get3A_1071] {strides = array<i32>} : memref<1024xi32, #tpu.memory_space<vmem>>, vector<16xi32>,
    %get3A_1073 = vector.shape_cast %get3A_1072 : vector<16xi32> to vector<16xi32>
    %sub3A_1074 = vector.broadcast %mul3A_48 : i32 to vector<16xi32>
    %sub3A_1075 = arith.subi %get3A_1073, %sub3A_1074 : vector<16xi32>
    %ge3A_1076 = arith.constant 0 : i32
    %ge3A_1077 = vector.broadcast %ge3A_1076 : i32 to vector<16xi32>
    %ge3A_1078 = arith.cmpi sge, %sub3A_1075, %ge3A_1077 : vector<16xi32>
    %lt3A_1079 = arith.constant 500224 : i32
    %lt3A_1080 = vector.broadcast %lt3A_1079 : i32 to vector<16xi32>
    %lt3A_1081 = arith.cmpi slt, %sub3A_1075, %lt3A_1080 : vector<16xi32>
    %and3A_1082 = arith.andi %ge3A_1078, %lt3A_1081 : vector<16xi1>
    %jit3A_1083 = arith.constant 500224 : i32
    %broadcast_in_dim3A_1084 = vector.broadcast %jit3A_1083 : i32 to vector<16xi32>
    %select_n3A_1085 = arith.select %and3A_1082, %sub3A_1075, %broadcast_in_dim3A_1084 : vector<16xi1>, vector<16xi32>
    %swap3A_1086 = arith.constant 6 : i32
    %swap3A_1087 = arith.index_cast %swap3A_1086 : i32 to index
    %swap3A_1088 = arith.constant 16 : index
    %swap3A_1089 = tpu.vector_load %arg6[%swap3A_1087, %swap3A_1088] {strides = array<i32>} : memref<8x128xi32, #tpu.memory_space<vmem>>, vector<1x16xi32>,
    %swap3A_1090 = vector.shape_cast %swap3A_1089 : vector<1x16xi32> to vector<16xi32>
    %swap3A_1091 = vector.shape_cast %select_n3A_1085 : vector<16xi32> to vector<1x16xi32>
    tpu.vector_store %arg6[%swap3A_1087, %swap3A_1088], %swap3A_1091 {strides = array<i32>} : memref<8x128xi32, #tpu.memory_space<vmem>>, vector<1x16xi32>,
    %get3A_1092 = arith.constant 800 : index
    %get3A_1093 = tpu.vector_load %arg5[%get3A_1092] {strides = array<i32>} : memref<1024xi32, #tpu.memory_space<vmem>>, vector<16xi32>,
    %get3A_1094 = vector.shape_cast %get3A_1093 : vector<16xi32> to vector<16xi32>
    %sub3A_1095 = vector.broadcast %mul3A_48 : i32 to vector<16xi32>
    %sub3A_1096 = arith.subi %get3A_1094, %sub3A_1095 : vector<16xi32>
    %ge3A_1097 = arith.constant 0 : i32
    %ge3A_1098 = vector.broadcast %ge3A_1097 : i32 to vector<16xi32>
    %ge3A_1099 = arith.cmpi sge, %sub3A_1096, %ge3A_1098 : vector<16xi32>
    %lt3A_1100 = arith.constant 500224 : i32
    %lt3A_1101 = vector.broadcast %lt3A_1100 : i32 to vector<16xi32>
    %lt3A_1102 = arith.cmpi slt, %sub3A_1096, %lt3A_1101 : vector<16xi32>
    %and3A_1103 = arith.andi %ge3A_1099, %lt3A_1102 : vector<16xi1>
    %jit3A_1104 = arith.constant 500224 : i32
    %broadcast_in_dim3A_1105 = vector.broadcast %jit3A_1104 : i32 to vector<16xi32>
    %select_n3A_1106 = arith.select %and3A_1103, %sub3A_1096, %broadcast_in_dim3A_1105 : vector<16xi1>, vector<16xi32>
    %swap3A_1107 = arith.constant 6 : i32
    %swap3A_1108 = arith.index_cast %swap3A_1107 : i32 to index
    %swap3A_1109 = arith.constant 32 : index
    %swap3A_1110 = tpu.vector_load %arg6[%swap3A_1108, %swap3A_1109] {strides = array<i32>} : memref<8x128xi32, #tpu.memory_space<vmem>>, vector<1x16xi32>,
    %swap3A_1111 = vector.shape_cast %swap3A_1110 : vector<1x16xi32> to vector<16xi32>
    %swap3A_1112 = vector.shape_cast %select_n3A_1106 : vector<16xi32> to vector<1x16xi32>
    tpu.vector_store %arg6[%swap3A_1108, %swap3A_1109], %swap3A_1112 {strides = array<i32>} : memref<8x128xi32, #tpu.memory_space<vmem>>, vector<1x16xi32>,
    %get3A_1113 = arith.constant 816 : index
    %get3A_1114 = tpu.vector_load %arg5[%get3A_1113] {strides = array<i32>} : memref<1024xi32, #tpu.memory_space<vmem>>, vector<16xi32>,
    %get3A_1115 = vector.shape_cast %get3A_1114 : vector<16xi32> to vector<16xi32>
    %sub3A_1116 = vector.broadcast %mul3A_48 : i32 to vector<16xi32>
    %sub3A_1117 = arith.subi %get3A_1115, %sub3A_1116 : vector<16xi32>
    %ge3A_1118 = arith.constant 0 : i32
    %ge3A_1119 = vector.broadcast %ge3A_1118 : i32 to vector<16xi32>
    %ge3A_1120 = arith.cmpi sge, %sub3A_1117, %ge3A_1119 : vector<16xi32>
    %lt3A_1121 = arith.constant 500224 : i32
    %lt3A_1122 = vector.broadcast %lt3A_1121 : i32 to vector<16xi32>
    %lt3A_1123 = arith.cmpi slt, %sub3A_1117, %lt3A_1122 : vector<16xi32>
    %and3A_1124 = arith.andi %ge3A_1120, %lt3A_1123 : vector<16xi1>
    %jit3A_1125 = arith.constant 500224 : i32
    %broadcast_in_dim3A_1126 = vector.broadcast %jit3A_1125 : i32 to vector<16xi32>
    %select_n3A_1127 = arith.select %and3A_1124, %sub3A_1117, %broadcast_in_dim3A_1126 : vector<16xi1>, vector<16xi32>
    %swap3A_1128 = arith.constant 6 : i32
    %swap3A_1129 = arith.index_cast %swap3A_1128 : i32 to index
    %swap3A_1130 = arith.constant 48 : index
    %swap3A_1131 = tpu.vector_load %arg6[%swap3A_1129, %swap3A_1130] {strides = array<i32>} : memref<8x128xi32, #tpu.memory_space<vmem>>, vector<1x16xi32>,
    %swap3A_1132 = vector.shape_cast %swap3A_1131 : vector<1x16xi32> to vector<16xi32>
    %swap3A_1133 = vector.shape_cast %select_n3A_1127 : vector<16xi32> to vector<1x16xi32>
    tpu.vector_store %arg6[%swap3A_1129, %swap3A_1130], %swap3A_1133 {strides = array<i32>} : memref<8x128xi32, #tpu.memory_space<vmem>>, vector<1x16xi32>,
    %get3A_1134 = arith.constant 832 : index
    %get3A_1135 = tpu.vector_load %arg5[%get3A_1134] {strides = array<i32>} : memref<1024xi32, #tpu.memory_space<vmem>>, vector<16xi32>,
    %get3A_1136 = vector.shape_cast %get3A_1135 : vector<16xi32> to vector<16xi32>
    %sub3A_1137 = vector.broadcast %mul3A_48 : i32 to vector<16xi32>
    %sub3A_1138 = arith.subi %get3A_1136, %sub3A_1137 : vector<16xi32>
    %ge3A_1139 = arith.constant 0 : i32
    %ge3A_1140 = vector.broadcast %ge3A_1139 : i32 to vector<16xi32>
    %ge3A_1141 = arith.cmpi sge, %sub3A_1138, %ge3A_1140 : vector<16xi32>
    %lt3A_1142 = arith.constant 500224 : i32
    %lt3A_1143 = vector.broadcast %lt3A_1142 : i32 to vector<16xi32>
    %lt3A_1144 = arith.cmpi slt, %sub3A_1138, %lt3A_1143 : vector<16xi32>
    %and3A_1145 = arith.andi %ge3A_1141, %lt3A_1144 : vector<16xi1>
    %jit3A_1146 = arith.constant 500224 : i32
    %broadcast_in_dim3A_1147 = vector.broadcast %jit3A_1146 : i32 to vector<16xi32>
    %select_n3A_1148 = arith.select %and3A_1145, %sub3A_1138, %broadcast_in_dim3A_1147 : vector<16xi1>, vector<16xi32>
    %swap3A_1149 = arith.constant 6 : i32
    %swap3A_1150 = arith.index_cast %swap3A_1149 : i32 to index
    %swap3A_1151 = arith.constant 64 : index
    %swap3A_1152 = tpu.vector_load %arg6[%swap3A_1150, %swap3A_1151] {strides = array<i32>} : memref<8x128xi32, #tpu.memory_space<vmem>>, vector<1x16xi32>,
    %swap3A_1153 = vector.shape_cast %swap3A_1152 : vector<1x16xi32> to vector<16xi32>
    %swap3A_1154 = vector.shape_cast %select_n3A_1148 : vector<16xi32> to vector<1x16xi32>
    tpu.vector_store %arg6[%swap3A_1150, %swap3A_1151], %swap3A_1154 {strides = array<i32>} : memref<8x128xi32, #tpu.memory_space<vmem>>, vector<1x16xi32>,
    %get3A_1155 = arith.constant 848 : index
    %get3A_1156 = tpu.vector_load %arg5[%get3A_1155] {strides = array<i32>} : memref<1024xi32, #tpu.memory_space<vmem>>, vector<16xi32>,
    %get3A_1157 = vector.shape_cast %get3A_1156 : vector<16xi32> to vector<16xi32>
    %sub3A_1158 = vector.broadcast %mul3A_48 : i32 to vector<16xi32>
    %sub3A_1159 = arith.subi %get3A_1157, %sub3A_1158 : vector<16xi32>
    %ge3A_1160 = arith.constant 0 : i32
    %ge3A_1161 = vector.broadcast %ge3A_1160 : i32 to vector<16xi32>
    %ge3A_1162 = arith.cmpi sge, %sub3A_1159, %ge3A_1161 : vector<16xi32>
    %lt3A_1163 = arith.constant 500224 : i32
    %lt3A_1164 = vector.broadcast %lt3A_1163 : i32 to vector<16xi32>
    %lt3A_1165 = arith.cmpi slt, %sub3A_1159, %lt3A_1164 : vector<16xi32>
    %and3A_1166 = arith.andi %ge3A_1162, %lt3A_1165 : vector<16xi1>
    %jit3A_1167 = arith.constant 500224 : i32
    %broadcast_in_dim3A_1168 = vector.broadcast %jit3A_1167 : i32 to vector<16xi32>
    %select_n3A_1169 = arith.select %and3A_1166, %sub3A_1159, %broadcast_in_dim3A_1168 : vector<16xi1>, vector<16xi32>
    %swap3A_1170 = arith.constant 6 : i32
    %swap3A_1171 = arith.index_cast %swap3A_1170 : i32 to index
    %swap3A_1172 = arith.constant 80 : index
    %swap3A_1173 = tpu.vector_load %arg6[%swap3A_1171, %swap3A_1172] {strides = array<i32>} : memref<8x128xi32, #tpu.memory_space<vmem>>, vector<1x16xi32>,
    %swap3A_1174 = vector.shape_cast %swap3A_1173 : vector<1x16xi32> to vector<16xi32>
    %swap3A_1175 = vector.shape_cast %select_n3A_1169 : vector<16xi32> to vector<1x16xi32>
    tpu.vector_store %arg6[%swap3A_1171, %swap3A_1172], %swap3A_1175 {strides = array<i32>} : memref<8x128xi32, #tpu.memory_space<vmem>>, vector<1x16xi32>,
    %get3A_1176 = arith.constant 864 : index
    %get3A_1177 = tpu.vector_load %arg5[%get3A_1176] {strides = array<i32>} : memref<1024xi32, #tpu.memory_space<vmem>>, vector<16xi32>,
    %get3A_1178 = vector.shape_cast %get3A_1177 : vector<16xi32> to vector<16xi32>
    %sub3A_1179 = vector.broadcast %mul3A_48 : i32 to vector<16xi32>
    %sub3A_1180 = arith.subi %get3A_1178, %sub3A_1179 : vector<16xi32>
    %ge3A_1181 = arith.constant 0 : i32
    %ge3A_1182 = vector.broadcast %ge3A_1181 : i32 to vector<16xi32>
    %ge3A_1183 = arith.cmpi sge, %sub3A_1180, %ge3A_1182 : vector<16xi32>
    %lt3A_1184 = arith.constant 500224 : i32
    %lt3A_1185 = vector.broadcast %lt3A_1184 : i32 to vector<16xi32>
    %lt3A_1186 = arith.cmpi slt, %sub3A_1180, %lt3A_1185 : vector<16xi32>
    %and3A_1187 = arith.andi %ge3A_1183, %lt3A_1186 : vector<16xi1>
    %jit3A_1188 = arith.constant 500224 : i32
    %broadcast_in_dim3A_1189 = vector.broadcast %jit3A_1188 : i32 to vector<16xi32>
    %select_n3A_1190 = arith.select %and3A_1187, %sub3A_1180, %broadcast_in_dim3A_1189 : vector<16xi1>, vector<16xi32>
    %swap3A_1191 = arith.constant 6 : i32
    %swap3A_1192 = arith.index_cast %swap3A_1191 : i32 to index
    %swap3A_1193 = arith.constant 96 : index
    %swap3A_1194 = tpu.vector_load %arg6[%swap3A_1192, %swap3A_1193] {strides = array<i32>} : memref<8x128xi32, #tpu.memory_space<vmem>>, vector<1x16xi32>,
    %swap3A_1195 = vector.shape_cast %swap3A_1194 : vector<1x16xi32> to vector<16xi32>
    %swap3A_1196 = vector.shape_cast %select_n3A_1190 : vector<16xi32> to vector<1x16xi32>
    tpu.vector_store %arg6[%swap3A_1192, %swap3A_1193], %swap3A_1196 {strides = array<i32>} : memref<8x128xi32, #tpu.memory_space<vmem>>, vector<1x16xi32>,
    %get3A_1197 = arith.constant 880 : index
    %get3A_1198 = tpu.vector_load %arg5[%get3A_1197] {strides = array<i32>} : memref<1024xi32, #tpu.memory_space<vmem>>, vector<16xi32>,
    %get3A_1199 = vector.shape_cast %get3A_1198 : vector<16xi32> to vector<16xi32>
    %sub3A_1200 = vector.broadcast %mul3A_48 : i32 to vector<16xi32>
    %sub3A_1201 = arith.subi %get3A_1199, %sub3A_1200 : vector<16xi32>
    %ge3A_1202 = arith.constant 0 : i32
    %ge3A_1203 = vector.broadcast %ge3A_1202 : i32 to vector<16xi32>
    %ge3A_1204 = arith.cmpi sge, %sub3A_1201, %ge3A_1203 : vector<16xi32>
    %lt3A_1205 = arith.constant 500224 : i32
    %lt3A_1206 = vector.broadcast %lt3A_1205 : i32 to vector<16xi32>
    %lt3A_1207 = arith.cmpi slt, %sub3A_1201, %lt3A_1206 : vector<16xi32>
    %and3A_1208 = arith.andi %ge3A_1204, %lt3A_1207 : vector<16xi1>
    %jit3A_1209 = arith.constant 500224 : i32
    %broadcast_in_dim3A_1210 = vector.broadcast %jit3A_1209 : i32 to vector<16xi32>
    %select_n3A_1211 = arith.select %and3A_1208, %sub3A_1201, %broadcast_in_dim3A_1210 : vector<16xi1>, vector<16xi32>
    %swap3A_1212 = arith.constant 6 : i32
    %swap3A_1213 = arith.index_cast %swap3A_1212 : i32 to index
    %swap3A_1214 = arith.constant 112 : index
    %swap3A_1215 = tpu.vector_load %arg6[%swap3A_1213, %swap3A_1214] {strides = array<i32>} : memref<8x128xi32, #tpu.memory_space<vmem>>, vector<1x16xi32>,
    %swap3A_1216 = vector.shape_cast %swap3A_1215 : vector<1x16xi32> to vector<16xi32>
    %swap3A_1217 = vector.shape_cast %select_n3A_1211 : vector<16xi32> to vector<1x16xi32>
    tpu.vector_store %arg6[%swap3A_1213, %swap3A_1214], %swap3A_1217 {strides = array<i32>} : memref<8x128xi32, #tpu.memory_space<vmem>>, vector<1x16xi32>,
    %get3A_1218 = arith.constant 896 : index
    %get3A_1219 = tpu.vector_load %arg5[%get3A_1218] {strides = array<i32>} : memref<1024xi32, #tpu.memory_space<vmem>>, vector<16xi32>,
    %get3A_1220 = vector.shape_cast %get3A_1219 : vector<16xi32> to vector<16xi32>
    %sub3A_1221 = vector.broadcast %mul3A_48 : i32 to vector<16xi32>
    %sub3A_1222 = arith.subi %get3A_1220, %sub3A_1221 : vector<16xi32>
    %ge3A_1223 = arith.constant 0 : i32
    %ge3A_1224 = vector.broadcast %ge3A_1223 : i32 to vector<16xi32>
    %ge3A_1225 = arith.cmpi sge, %sub3A_1222, %ge3A_1224 : vector<16xi32>
    %lt3A_1226 = arith.constant 500224 : i32
    %lt3A_1227 = vector.broadcast %lt3A_1226 : i32 to vector<16xi32>
    %lt3A_1228 = arith.cmpi slt, %sub3A_1222, %lt3A_1227 : vector<16xi32>
    %and3A_1229 = arith.andi %ge3A_1225, %lt3A_1228 : vector<16xi1>
    %jit3A_1230 = arith.constant 500224 : i32
    %broadcast_in_dim3A_1231 = vector.broadcast %jit3A_1230 : i32 to vector<16xi32>
    %select_n3A_1232 = arith.select %and3A_1229, %sub3A_1222, %broadcast_in_dim3A_1231 : vector<16xi1>, vector<16xi32>
    %swap3A_1233 = arith.constant 7 : i32
    %swap3A_1234 = arith.index_cast %swap3A_1233 : i32 to index
    %swap3A_1235 = arith.constant 0 : index
    %swap3A_1236 = tpu.vector_load %arg6[%swap3A_1234, %swap3A_1235] {strides = array<i32>} : memref<8x128xi32, #tpu.memory_space<vmem>>, vector<1x16xi32>,
    %swap3A_1237 = vector.shape_cast %swap3A_1236 : vector<1x16xi32> to vector<16xi32>
    %swap3A_1238 = vector.shape_cast %select_n3A_1232 : vector<16xi32> to vector<1x16xi32>
    tpu.vector_store %arg6[%swap3A_1234, %swap3A_1235], %swap3A_1238 {strides = array<i32>} : memref<8x128xi32, #tpu.memory_space<vmem>>, vector<1x16xi32>,
    %get3A_1239 = arith.constant 912 : index
    %get3A_1240 = tpu.vector_load %arg5[%get3A_1239] {strides = array<i32>} : memref<1024xi32, #tpu.memory_space<vmem>>, vector<16xi32>,
    %get3A_1241 = vector.shape_cast %get3A_1240 : vector<16xi32> to vector<16xi32>
    %sub3A_1242 = vector.broadcast %mul3A_48 : i32 to vector<16xi32>
    %sub3A_1243 = arith.subi %get3A_1241, %sub3A_1242 : vector<16xi32>
    %ge3A_1244 = arith.constant 0 : i32
    %ge3A_1245 = vector.broadcast %ge3A_1244 : i32 to vector<16xi32>
    %ge3A_1246 = arith.cmpi sge, %sub3A_1243, %ge3A_1245 : vector<16xi32>
    %lt3A_1247 = arith.constant 500224 : i32
    %lt3A_1248 = vector.broadcast %lt3A_1247 : i32 to vector<16xi32>
    %lt3A_1249 = arith.cmpi slt, %sub3A_1243, %lt3A_1248 : vector<16xi32>
    %and3A_1250 = arith.andi %ge3A_1246, %lt3A_1249 : vector<16xi1>
    %jit3A_1251 = arith.constant 500224 : i32
    %broadcast_in_dim3A_1252 = vector.broadcast %jit3A_1251 : i32 to vector<16xi32>
    %select_n3A_1253 = arith.select %and3A_1250, %sub3A_1243, %broadcast_in_dim3A_1252 : vector<16xi1>, vector<16xi32>
    %swap3A_1254 = arith.constant 7 : i32
    %swap3A_1255 = arith.index_cast %swap3A_1254 : i32 to index
    %swap3A_1256 = arith.constant 16 : index
    %swap3A_1257 = tpu.vector_load %arg6[%swap3A_1255, %swap3A_1256] {strides = array<i32>} : memref<8x128xi32, #tpu.memory_space<vmem>>, vector<1x16xi32>,
    %swap3A_1258 = vector.shape_cast %swap3A_1257 : vector<1x16xi32> to vector<16xi32>
    %swap3A_1259 = vector.shape_cast %select_n3A_1253 : vector<16xi32> to vector<1x16xi32>
    tpu.vector_store %arg6[%swap3A_1255, %swap3A_1256], %swap3A_1259 {strides = array<i32>} : memref<8x128xi32, #tpu.memory_space<vmem>>, vector<1x16xi32>,
    %get3A_1260 = arith.constant 928 : index
    %get3A_1261 = tpu.vector_load %arg5[%get3A_1260] {strides = array<i32>} : memref<1024xi32, #tpu.memory_space<vmem>>, vector<16xi32>,
    %get3A_1262 = vector.shape_cast %get3A_1261 : vector<16xi32> to vector<16xi32>
    %sub3A_1263 = vector.broadcast %mul3A_48 : i32 to vector<16xi32>
    %sub3A_1264 = arith.subi %get3A_1262, %sub3A_1263 : vector<16xi32>
    %ge3A_1265 = arith.constant 0 : i32
    %ge3A_1266 = vector.broadcast %ge3A_1265 : i32 to vector<16xi32>
    %ge3A_1267 = arith.cmpi sge, %sub3A_1264, %ge3A_1266 : vector<16xi32>
    %lt3A_1268 = arith.constant 500224 : i32
    %lt3A_1269 = vector.broadcast %lt3A_1268 : i32 to vector<16xi32>
    %lt3A_1270 = arith.cmpi slt, %sub3A_1264, %lt3A_1269 : vector<16xi32>
    %and3A_1271 = arith.andi %ge3A_1267, %lt3A_1270 : vector<16xi1>
    %jit3A_1272 = arith.constant 500224 : i32
    %broadcast_in_dim3A_1273 = vector.broadcast %jit3A_1272 : i32 to vector<16xi32>
    %select_n3A_1274 = arith.select %and3A_1271, %sub3A_1264, %broadcast_in_dim3A_1273 : vector<16xi1>, vector<16xi32>
    %swap3A_1275 = arith.constant 7 : i32
    %swap3A_1276 = arith.index_cast %swap3A_1275 : i32 to index
    %swap3A_1277 = arith.constant 32 : index
    %swap3A_1278 = tpu.vector_load %arg6[%swap3A_1276, %swap3A_1277] {strides = array<i32>} : memref<8x128xi32, #tpu.memory_space<vmem>>, vector<1x16xi32>,
    %swap3A_1279 = vector.shape_cast %swap3A_1278 : vector<1x16xi32> to vector<16xi32>
    %swap3A_1280 = vector.shape_cast %select_n3A_1274 : vector<16xi32> to vector<1x16xi32>
    tpu.vector_store %arg6[%swap3A_1276, %swap3A_1277], %swap3A_1280 {strides = array<i32>} : memref<8x128xi32, #tpu.memory_space<vmem>>, vector<1x16xi32>,
    %get3A_1281 = arith.constant 944 : index
    %get3A_1282 = tpu.vector_load %arg5[%get3A_1281] {strides = array<i32>} : memref<1024xi32, #tpu.memory_space<vmem>>, vector<16xi32>,
    %get3A_1283 = vector.shape_cast %get3A_1282 : vector<16xi32> to vector<16xi32>
    %sub3A_1284 = vector.broadcast %mul3A_48 : i32 to vector<16xi32>
    %sub3A_1285 = arith.subi %get3A_1283, %sub3A_1284 : vector<16xi32>
    %ge3A_1286 = arith.constant 0 : i32
    %ge3A_1287 = vector.broadcast %ge3A_1286 : i32 to vector<16xi32>
    %ge3A_1288 = arith.cmpi sge, %sub3A_1285, %ge3A_1287 : vector<16xi32>
    %lt3A_1289 = arith.constant 500224 : i32
    %lt3A_1290 = vector.broadcast %lt3A_1289 : i32 to vector<16xi32>
    %lt3A_1291 = arith.cmpi slt, %sub3A_1285, %lt3A_1290 : vector<16xi32>
    %and3A_1292 = arith.andi %ge3A_1288, %lt3A_1291 : vector<16xi1>
    %jit3A_1293 = arith.constant 500224 : i32
    %broadcast_in_dim3A_1294 = vector.broadcast %jit3A_1293 : i32 to vector<16xi32>
    %select_n3A_1295 = arith.select %and3A_1292, %sub3A_1285, %broadcast_in_dim3A_1294 : vector<16xi1>, vector<16xi32>
    %swap3A_1296 = arith.constant 7 : i32
    %swap3A_1297 = arith.index_cast %swap3A_1296 : i32 to index
    %swap3A_1298 = arith.constant 48 : index
    %swap3A_1299 = tpu.vector_load %arg6[%swap3A_1297, %swap3A_1298] {strides = array<i32>} : memref<8x128xi32, #tpu.memory_space<vmem>>, vector<1x16xi32>,
    %swap3A_1300 = vector.shape_cast %swap3A_1299 : vector<1x16xi32> to vector<16xi32>
    %swap3A_1301 = vector.shape_cast %select_n3A_1295 : vector<16xi32> to vector<1x16xi32>
    tpu.vector_store %arg6[%swap3A_1297, %swap3A_1298], %swap3A_1301 {strides = array<i32>} : memref<8x128xi32, #tpu.memory_space<vmem>>, vector<1x16xi32>,
    %get3A_1302 = arith.constant 960 : index
    %get3A_1303 = tpu.vector_load %arg5[%get3A_1302] {strides = array<i32>} : memref<1024xi32, #tpu.memory_space<vmem>>, vector<16xi32>,
    %get3A_1304 = vector.shape_cast %get3A_1303 : vector<16xi32> to vector<16xi32>
    %sub3A_1305 = vector.broadcast %mul3A_48 : i32 to vector<16xi32>
    %sub3A_1306 = arith.subi %get3A_1304, %sub3A_1305 : vector<16xi32>
    %ge3A_1307 = arith.constant 0 : i32
    %ge3A_1308 = vector.broadcast %ge3A_1307 : i32 to vector<16xi32>
    %ge3A_1309 = arith.cmpi sge, %sub3A_1306, %ge3A_1308 : vector<16xi32>
    %lt3A_1310 = arith.constant 500224 : i32
    %lt3A_1311 = vector.broadcast %lt3A_1310 : i32 to vector<16xi32>
    %lt3A_1312 = arith.cmpi slt, %sub3A_1306, %lt3A_1311 : vector<16xi32>
    %and3A_1313 = arith.andi %ge3A_1309, %lt3A_1312 : vector<16xi1>
    %jit3A_1314 = arith.constant 500224 : i32
    %broadcast_in_dim3A_1315 = vector.broadcast %jit3A_1314 : i32 to vector<16xi32>
    %select_n3A_1316 = arith.select %and3A_1313, %sub3A_1306, %broadcast_in_dim3A_1315 : vector<16xi1>, vector<16xi32>
    %swap3A_1317 = arith.constant 7 : i32
    %swap3A_1318 = arith.index_cast %swap3A_1317 : i32 to index
    %swap3A_1319 = arith.constant 64 : index
    %swap3A_1320 = tpu.vector_load %arg6[%swap3A_1318, %swap3A_1319] {strides = array<i32>} : memref<8x128xi32, #tpu.memory_space<vmem>>, vector<1x16xi32>,
    %swap3A_1321 = vector.shape_cast %swap3A_1320 : vector<1x16xi32> to vector<16xi32>
    %swap3A_1322 = vector.shape_cast %select_n3A_1316 : vector<16xi32> to vector<1x16xi32>
    tpu.vector_store %arg6[%swap3A_1318, %swap3A_1319], %swap3A_1322 {strides = array<i32>} : memref<8x128xi32, #tpu.memory_space<vmem>>, vector<1x16xi32>,
    %get3A_1323 = arith.constant 976 : index
    %get3A_1324 = tpu.vector_load %arg5[%get3A_1323] {strides = array<i32>} : memref<1024xi32, #tpu.memory_space<vmem>>, vector<16xi32>,
    %get3A_1325 = vector.shape_cast %get3A_1324 : vector<16xi32> to vector<16xi32>
    %sub3A_1326 = vector.broadcast %mul3A_48 : i32 to vector<16xi32>
    %sub3A_1327 = arith.subi %get3A_1325, %sub3A_1326 : vector<16xi32>
    %ge3A_1328 = arith.constant 0 : i32
    %ge3A_1329 = vector.broadcast %ge3A_1328 : i32 to vector<16xi32>
    %ge3A_1330 = arith.cmpi sge, %sub3A_1327, %ge3A_1329 : vector<16xi32>
    %lt3A_1331 = arith.constant 500224 : i32
    %lt3A_1332 = vector.broadcast %lt3A_1331 : i32 to vector<16xi32>
    %lt3A_1333 = arith.cmpi slt, %sub3A_1327, %lt3A_1332 : vector<16xi32>
    %and3A_1334 = arith.andi %ge3A_1330, %lt3A_1333 : vector<16xi1>
    %jit3A_1335 = arith.constant 500224 : i32
    %broadcast_in_dim3A_1336 = vector.broadcast %jit3A_1335 : i32 to vector<16xi32>
    %select_n3A_1337 = arith.select %and3A_1334, %sub3A_1327, %broadcast_in_dim3A_1336 : vector<16xi1>, vector<16xi32>
    %swap3A_1338 = arith.constant 7 : i32
    %swap3A_1339 = arith.index_cast %swap3A_1338 : i32 to index
    %swap3A_1340 = arith.constant 80 : index
    %swap3A_1341 = tpu.vector_load %arg6[%swap3A_1339, %swap3A_1340] {strides = array<i32>} : memref<8x128xi32, #tpu.memory_space<vmem>>, vector<1x16xi32>,
    %swap3A_1342 = vector.shape_cast %swap3A_1341 : vector<1x16xi32> to vector<16xi32>
    %swap3A_1343 = vector.shape_cast %select_n3A_1337 : vector<16xi32> to vector<1x16xi32>
    tpu.vector_store %arg6[%swap3A_1339, %swap3A_1340], %swap3A_1343 {strides = array<i32>} : memref<8x128xi32, #tpu.memory_space<vmem>>, vector<1x16xi32>,
    %get3A_1344 = arith.constant 992 : index
    %get3A_1345 = tpu.vector_load %arg5[%get3A_1344] {strides = array<i32>} : memref<1024xi32, #tpu.memory_space<vmem>>, vector<16xi32>,
    %get3A_1346 = vector.shape_cast %get3A_1345 : vector<16xi32> to vector<16xi32>
    %sub3A_1347 = vector.broadcast %mul3A_48 : i32 to vector<16xi32>
    %sub3A_1348 = arith.subi %get3A_1346, %sub3A_1347 : vector<16xi32>
    %ge3A_1349 = arith.constant 0 : i32
    %ge3A_1350 = vector.broadcast %ge3A_1349 : i32 to vector<16xi32>
    %ge3A_1351 = arith.cmpi sge, %sub3A_1348, %ge3A_1350 : vector<16xi32>
    %lt3A_1352 = arith.constant 500224 : i32
    %lt3A_1353 = vector.broadcast %lt3A_1352 : i32 to vector<16xi32>
    %lt3A_1354 = arith.cmpi slt, %sub3A_1348, %lt3A_1353 : vector<16xi32>
    %and3A_1355 = arith.andi %ge3A_1351, %lt3A_1354 : vector<16xi1>
    %jit3A_1356 = arith.constant 500224 : i32
    %broadcast_in_dim3A_1357 = vector.broadcast %jit3A_1356 : i32 to vector<16xi32>
    %select_n3A_1358 = arith.select %and3A_1355, %sub3A_1348, %broadcast_in_dim3A_1357 : vector<16xi1>, vector<16xi32>
    %swap3A_1359 = arith.constant 7 : i32
    %swap3A_1360 = arith.index_cast %swap3A_1359 : i32 to index
    %swap3A_1361 = arith.constant 96 : index
    %swap3A_1362 = tpu.vector_load %arg6[%swap3A_1360, %swap3A_1361] {strides = array<i32>} : memref<8x128xi32, #tpu.memory_space<vmem>>, vector<1x16xi32>,
    %swap3A_1363 = vector.shape_cast %swap3A_1362 : vector<1x16xi32> to vector<16xi32>
    %swap3A_1364 = vector.shape_cast %select_n3A_1358 : vector<16xi32> to vector<1x16xi32>
    tpu.vector_store %arg6[%swap3A_1360, %swap3A_1361], %swap3A_1364 {strides = array<i32>} : memref<8x128xi32, #tpu.memory_space<vmem>>, vector<1x16xi32>,
    %get3A_1365 = arith.constant 1008 : index
    %get3A_1366 = tpu.vector_load %arg5[%get3A_1365] {strides = array<i32>} : memref<1024xi32, #tpu.memory_space<vmem>>, vector<16xi32>,
    %get3A_1367 = vector.shape_cast %get3A_1366 : vector<16xi32> to vector<16xi32>
    %sub3A_1368 = vector.broadcast %mul3A_48 : i32 to vector<16xi32>
    %sub3A_1369 = arith.subi %get3A_1367, %sub3A_1368 : vector<16xi32>
    %ge3A_1370 = arith.constant 0 : i32
    %ge3A_1371 = vector.broadcast %ge3A_1370 : i32 to vector<16xi32>
    %ge3A_1372 = arith.cmpi sge, %sub3A_1369, %ge3A_1371 : vector<16xi32>
    %lt3A_1373 = arith.constant 500224 : i32
    %lt3A_1374 = vector.broadcast %lt3A_1373 : i32 to vector<16xi32>
    %lt3A_1375 = arith.cmpi slt, %sub3A_1369, %lt3A_1374 : vector<16xi32>
    %and3A_1376 = arith.andi %ge3A_1372, %lt3A_1375 : vector<16xi1>
    %jit3A_1377 = arith.constant 500224 : i32
    %broadcast_in_dim3A_1378 = vector.broadcast %jit3A_1377 : i32 to vector<16xi32>
    %select_n3A_1379 = arith.select %and3A_1376, %sub3A_1369, %broadcast_in_dim3A_1378 : vector<16xi1>, vector<16xi32>
    %swap3A_1380 = arith.constant 7 : i32
    %swap3A_1381 = arith.index_cast %swap3A_1380 : i32 to index
    %swap3A_1382 = arith.constant 112 : index
    %swap3A_1383 = tpu.vector_load %arg6[%swap3A_1381, %swap3A_1382] {strides = array<i32>} : memref<8x128xi32, #tpu.memory_space<vmem>>, vector<1x16xi32>,
    %swap3A_1384 = vector.shape_cast %swap3A_1383 : vector<1x16xi32> to vector<16xi32>
    %swap3A_1385 = vector.shape_cast %select_n3A_1379 : vector<16xi32> to vector<1x16xi32>
    tpu.vector_store %arg6[%swap3A_1381, %swap3A_1382], %swap3A_1385 {strides = array<i32>} : memref<8x128xi32, #tpu.memory_space<vmem>>, vector<1x16xi32>,
    %eq3A = arith.constant 0 : i32
    %eq3A_1386 = arith.cmpi eq, %arg1, %eq3A : i32
    %convert_element_type3A = arith.extui %eq3A_1386 : i1 to i32
    %cond3A = arith.constant 0 : i32
    %cond3A_1387 = arith.cmpi ne, %convert_element_type3A, %cond3A : i32
    scf.if %cond3A_1387 {
      %run_scoped3A = arith.constant 0 : i32
      "tpu.region"() ({
        %run_scoped3A_1494 = tpu.sem_alloc : memref<!tpu.dma_semaphore, #tpu.memory_space<semaphore_mem>>
        %dma_start3A = arith.constant 0 : i32
        %dma_start3A_1495 = tpu.memref_slice %arg6[%run_scoped3A, %dma_start3A] : memref<8x128xi32, #tpu.memory_space<vmem>> -> memref<1x128xi32, #tpu.memory_space<vmem>>
        %dma_start3A_1496 = tpu.memref_squeeze %dma_start3A_1495 : memref<1x128xi32, #tpu.memory_space<vmem>> -> memref<128xi32, #tpu.memory_space<vmem>>
        %dma_start3A_1497 = arith.constant 0 : i32
        %dma_start3A_1498 = tpu.memref_slice %arg9[%dma_start3A_1497] : memref<500480xf32, #tpu.memory_space<vmem_shared>> -> memref<500480xf32, #tpu.memory_space<vmem_shared>>
        tpu.enqueue_indirect_dma source(%arg7 : memref<128xf32, #tpu.memory_space<vmem>>) target(%dma_start3A_1498 : memref<500480xf32, #tpu.memory_space<vmem_shared>>) offsets(%dma_start3A_1496 : memref<128xi32, #tpu.memory_space<vmem>>) semaphore(%run_scoped3A_1494 : memref<!tpu.dma_semaphore, #tpu.memory_space<semaphore_mem>>) {add = true}
        %dma_wait3A = arith.constant 0 : i32
        %dma_wait3A_1499 = tpu.memref_slice %arg6[%run_scoped3A, %dma_wait3A] : memref<8x128xi32, #tpu.memory_space<vmem>> -> memref<1x128xi32, #tpu.memory_space<vmem>>
        %dma_wait3A_1500 = tpu.memref_squeeze %dma_wait3A_1499 : memref<1x128xi32, #tpu.memory_space<vmem>> -> memref<128xi32, #tpu.memory_space<vmem>>
        %dma_wait3A_1501 = arith.constant 0 : i32
        %dma_wait3A_1502 = tpu.memref_slice %arg9[%dma_wait3A_1501] : memref<500480xf32, #tpu.memory_space<vmem_shared>> -> memref<500480xf32, #tpu.memory_space<vmem_shared>>
        tpu.wait_indirect_dma semaphore(%run_scoped3A_1494 : memref<!tpu.dma_semaphore, #tpu.memory_space<semaphore_mem>>) src(%arg7 : memref<128xf32, #tpu.memory_space<vmem>>) dst(%dma_wait3A_1502 : memref<500480xf32, #tpu.memory_space<vmem_shared>>)
        tpu.yield
      }) : () -> ()
      %run_scoped3A_1487 = arith.constant 1 : i32
      "tpu.region"() ({
        %run_scoped3A_1494 = tpu.sem_alloc : memref<!tpu.dma_semaphore, #tpu.memory_space<semaphore_mem>>
        %dma_start3A = arith.constant 0 : i32
        %dma_start3A_1495 = tpu.memref_slice %arg6[%run_scoped3A_1487, %dma_start3A] : memref<8x128xi32, #tpu.memory_space<vmem>> -> memref<1x128xi32, #tpu.memory_space<vmem>>
        %dma_start3A_1496 = tpu.memref_squeeze %dma_start3A_1495 : memref<1x128xi32, #tpu.memory_space<vmem>> -> memref<128xi32, #tpu.memory_space<vmem>>
        %dma_start3A_1497 = arith.constant 0 : i32
        %dma_start3A_1498 = tpu.memref_slice %arg9[%dma_start3A_1497] : memref<500480xf32, #tpu.memory_space<vmem_shared>> -> memref<500480xf32, #tpu.memory_space<vmem_shared>>
        tpu.enqueue_indirect_dma source(%arg7 : memref<128xf32, #tpu.memory_space<vmem>>) target(%dma_start3A_1498 : memref<500480xf32, #tpu.memory_space<vmem_shared>>) offsets(%dma_start3A_1496 : memref<128xi32, #tpu.memory_space<vmem>>) semaphore(%run_scoped3A_1494 : memref<!tpu.dma_semaphore, #tpu.memory_space<semaphore_mem>>) {add = true}
        %dma_wait3A = arith.constant 0 : i32
        %dma_wait3A_1499 = tpu.memref_slice %arg6[%run_scoped3A_1487, %dma_wait3A] : memref<8x128xi32, #tpu.memory_space<vmem>> -> memref<1x128xi32, #tpu.memory_space<vmem>>
        %dma_wait3A_1500 = tpu.memref_squeeze %dma_wait3A_1499 : memref<1x128xi32, #tpu.memory_space<vmem>> -> memref<128xi32, #tpu.memory_space<vmem>>
        %dma_wait3A_1501 = arith.constant 0 : i32
        %dma_wait3A_1502 = tpu.memref_slice %arg9[%dma_wait3A_1501] : memref<500480xf32, #tpu.memory_space<vmem_shared>> -> memref<500480xf32, #tpu.memory_space<vmem_shared>>
        tpu.wait_indirect_dma semaphore(%run_scoped3A_1494 : memref<!tpu.dma_semaphore, #tpu.memory_space<semaphore_mem>>) src(%arg7 : memref<128xf32, #tpu.memory_space<vmem>>) dst(%dma_wait3A_1502 : memref<500480xf32, #tpu.memory_space<vmem_shared>>)
        tpu.yield
      }) : () -> ()
      %run_scoped3A_1488 = arith.constant 2 : i32
      "tpu.region"() ({
        %run_scoped3A_1494 = tpu.sem_alloc : memref<!tpu.dma_semaphore, #tpu.memory_space<semaphore_mem>>
        %dma_start3A = arith.constant 0 : i32
        %dma_start3A_1495 = tpu.memref_slice %arg6[%run_scoped3A_1488, %dma_start3A] : memref<8x128xi32, #tpu.memory_space<vmem>> -> memref<1x128xi32, #tpu.memory_space<vmem>>
        %dma_start3A_1496 = tpu.memref_squeeze %dma_start3A_1495 : memref<1x128xi32, #tpu.memory_space<vmem>> -> memref<128xi32, #tpu.memory_space<vmem>>
        %dma_start3A_1497 = arith.constant 0 : i32
        %dma_start3A_1498 = tpu.memref_slice %arg9[%dma_start3A_1497] : memref<500480xf32, #tpu.memory_space<vmem_shared>> -> memref<500480xf32, #tpu.memory_space<vmem_shared>>
        tpu.enqueue_indirect_dma source(%arg7 : memref<128xf32, #tpu.memory_space<vmem>>) target(%dma_start3A_1498 : memref<500480xf32, #tpu.memory_space<vmem_shared>>) offsets(%dma_start3A_1496 : memref<128xi32, #tpu.memory_space<vmem>>) semaphore(%run_scoped3A_1494 : memref<!tpu.dma_semaphore, #tpu.memory_space<semaphore_mem>>) {add = true}
        %dma_wait3A = arith.constant 0 : i32
        %dma_wait3A_1499 = tpu.memref_slice %arg6[%run_scoped3A_1488, %dma_wait3A] : memref<8x128xi32, #tpu.memory_space<vmem>> -> memref<1x128xi32, #tpu.memory_space<vmem>>
        %dma_wait3A_1500 = tpu.memref_squeeze %dma_wait3A_1499 : memref<1x128xi32, #tpu.memory_space<vmem>> -> memref<128xi32, #tpu.memory_space<vmem>>
        %dma_wait3A_1501 = arith.constant 0 : i32
        %dma_wait3A_1502 = tpu.memref_slice %arg9[%dma_wait3A_1501] : memref<500480xf32, #tpu.memory_space<vmem_shared>> -> memref<500480xf32, #tpu.memory_space<vmem_shared>>
        tpu.wait_indirect_dma semaphore(%run_scoped3A_1494 : memref<!tpu.dma_semaphore, #tpu.memory_space<semaphore_mem>>) src(%arg7 : memref<128xf32, #tpu.memory_space<vmem>>) dst(%dma_wait3A_1502 : memref<500480xf32, #tpu.memory_space<vmem_shared>>)
        tpu.yield
      }) : () -> ()
      %run_scoped3A_1489 = arith.constant 3 : i32
      "tpu.region"() ({
        %run_scoped3A_1494 = tpu.sem_alloc : memref<!tpu.dma_semaphore, #tpu.memory_space<semaphore_mem>>
        %dma_start3A = arith.constant 0 : i32
        %dma_start3A_1495 = tpu.memref_slice %arg6[%run_scoped3A_1489, %dma_start3A] : memref<8x128xi32, #tpu.memory_space<vmem>> -> memref<1x128xi32, #tpu.memory_space<vmem>>
        %dma_start3A_1496 = tpu.memref_squeeze %dma_start3A_1495 : memref<1x128xi32, #tpu.memory_space<vmem>> -> memref<128xi32, #tpu.memory_space<vmem>>
        %dma_start3A_1497 = arith.constant 0 : i32
        %dma_start3A_1498 = tpu.memref_slice %arg9[%dma_start3A_1497] : memref<500480xf32, #tpu.memory_space<vmem_shared>> -> memref<500480xf32, #tpu.memory_space<vmem_shared>>
        tpu.enqueue_indirect_dma source(%arg7 : memref<128xf32, #tpu.memory_space<vmem>>) target(%dma_start3A_1498 : memref<500480xf32, #tpu.memory_space<vmem_shared>>) offsets(%dma_start3A_1496 : memref<128xi32, #tpu.memory_space<vmem>>) semaphore(%run_scoped3A_1494 : memref<!tpu.dma_semaphore, #tpu.memory_space<semaphore_mem>>) {add = true}
        %dma_wait3A = arith.constant 0 : i32
        %dma_wait3A_1499 = tpu.memref_slice %arg6[%run_scoped3A_1489, %dma_wait3A] : memref<8x128xi32, #tpu.memory_space<vmem>> -> memref<1x128xi32, #tpu.memory_space<vmem>>
        %dma_wait3A_1500 = tpu.memref_squeeze %dma_wait3A_1499 : memref<1x128xi32, #tpu.memory_space<vmem>> -> memref<128xi32, #tpu.memory_space<vmem>>
        %dma_wait3A_1501 = arith.constant 0 : i32
        %dma_wait3A_1502 = tpu.memref_slice %arg9[%dma_wait3A_1501] : memref<500480xf32, #tpu.memory_space<vmem_shared>> -> memref<500480xf32, #tpu.memory_space<vmem_shared>>
        tpu.wait_indirect_dma semaphore(%run_scoped3A_1494 : memref<!tpu.dma_semaphore, #tpu.memory_space<semaphore_mem>>) src(%arg7 : memref<128xf32, #tpu.memory_space<vmem>>) dst(%dma_wait3A_1502 : memref<500480xf32, #tpu.memory_space<vmem_shared>>)
        tpu.yield
      }) : () -> ()
      %run_scoped3A_1490 = arith.constant 4 : i32
      "tpu.region"() ({
        %run_scoped3A_1494 = tpu.sem_alloc : memref<!tpu.dma_semaphore, #tpu.memory_space<semaphore_mem>>
        %dma_start3A = arith.constant 0 : i32
        %dma_start3A_1495 = tpu.memref_slice %arg6[%run_scoped3A_1490, %dma_start3A] : memref<8x128xi32, #tpu.memory_space<vmem>> -> memref<1x128xi32, #tpu.memory_space<vmem>>
        %dma_start3A_1496 = tpu.memref_squeeze %dma_start3A_1495 : memref<1x128xi32, #tpu.memory_space<vmem>> -> memref<128xi32, #tpu.memory_space<vmem>>
        %dma_start3A_1497 = arith.constant 0 : i32
        %dma_start3A_1498 = tpu.memref_slice %arg9[%dma_start3A_1497] : memref<500480xf32, #tpu.memory_space<vmem_shared>> -> memref<500480xf32, #tpu.memory_space<vmem_shared>>
        tpu.enqueue_indirect_dma source(%arg7 : memref<128xf32, #tpu.memory_space<vmem>>) target(%dma_start3A_1498 : memref<500480xf32, #tpu.memory_space<vmem_shared>>) offsets(%dma_start3A_1496 : memref<128xi32, #tpu.memory_space<vmem>>) semaphore(%run_scoped3A_1494 : memref<!tpu.dma_semaphore, #tpu.memory_space<semaphore_mem>>) {add = true}
        %dma_wait3A = arith.constant 0 : i32
        %dma_wait3A_1499 = tpu.memref_slice %arg6[%run_scoped3A_1490, %dma_wait3A] : memref<8x128xi32, #tpu.memory_space<vmem>> -> memref<1x128xi32, #tpu.memory_space<vmem>>
        %dma_wait3A_1500 = tpu.memref_squeeze %dma_wait3A_1499 : memref<1x128xi32, #tpu.memory_space<vmem>> -> memref<128xi32, #tpu.memory_space<vmem>>
        %dma_wait3A_1501 = arith.constant 0 : i32
        %dma_wait3A_1502 = tpu.memref_slice %arg9[%dma_wait3A_1501] : memref<500480xf32, #tpu.memory_space<vmem_shared>> -> memref<500480xf32, #tpu.memory_space<vmem_shared>>
        tpu.wait_indirect_dma semaphore(%run_scoped3A_1494 : memref<!tpu.dma_semaphore, #tpu.memory_space<semaphore_mem>>) src(%arg7 : memref<128xf32, #tpu.memory_space<vmem>>) dst(%dma_wait3A_1502 : memref<500480xf32, #tpu.memory_space<vmem_shared>>)
        tpu.yield
      }) : () -> ()
      %run_scoped3A_1491 = arith.constant 5 : i32
      "tpu.region"() ({
        %run_scoped3A_1494 = tpu.sem_alloc : memref<!tpu.dma_semaphore, #tpu.memory_space<semaphore_mem>>
        %dma_start3A = arith.constant 0 : i32
        %dma_start3A_1495 = tpu.memref_slice %arg6[%run_scoped3A_1491, %dma_start3A] : memref<8x128xi32, #tpu.memory_space<vmem>> -> memref<1x128xi32, #tpu.memory_space<vmem>>
        %dma_start3A_1496 = tpu.memref_squeeze %dma_start3A_1495 : memref<1x128xi32, #tpu.memory_space<vmem>> -> memref<128xi32, #tpu.memory_space<vmem>>
        %dma_start3A_1497 = arith.constant 0 : i32
        %dma_start3A_1498 = tpu.memref_slice %arg9[%dma_start3A_1497] : memref<500480xf32, #tpu.memory_space<vmem_shared>> -> memref<500480xf32, #tpu.memory_space<vmem_shared>>
        tpu.enqueue_indirect_dma source(%arg7 : memref<128xf32, #tpu.memory_space<vmem>>) target(%dma_start3A_1498 : memref<500480xf32, #tpu.memory_space<vmem_shared>>) offsets(%dma_start3A_1496 : memref<128xi32, #tpu.memory_space<vmem>>) semaphore(%run_scoped3A_1494 : memref<!tpu.dma_semaphore, #tpu.memory_space<semaphore_mem>>) {add = true}
        %dma_wait3A = arith.constant 0 : i32
        %dma_wait3A_1499 = tpu.memref_slice %arg6[%run_scoped3A_1491, %dma_wait3A] : memref<8x128xi32, #tpu.memory_space<vmem>> -> memref<1x128xi32, #tpu.memory_space<vmem>>
        %dma_wait3A_1500 = tpu.memref_squeeze %dma_wait3A_1499 : memref<1x128xi32, #tpu.memory_space<vmem>> -> memref<128xi32, #tpu.memory_space<vmem>>
        %dma_wait3A_1501 = arith.constant 0 : i32
        %dma_wait3A_1502 = tpu.memref_slice %arg9[%dma_wait3A_1501] : memref<500480xf32, #tpu.memory_space<vmem_shared>> -> memref<500480xf32, #tpu.memory_space<vmem_shared>>
        tpu.wait_indirect_dma semaphore(%run_scoped3A_1494 : memref<!tpu.dma_semaphore, #tpu.memory_space<semaphore_mem>>) src(%arg7 : memref<128xf32, #tpu.memory_space<vmem>>) dst(%dma_wait3A_1502 : memref<500480xf32, #tpu.memory_space<vmem_shared>>)
        tpu.yield
      }) : () -> ()
      %run_scoped3A_1492 = arith.constant 6 : i32
      "tpu.region"() ({
        %run_scoped3A_1494 = tpu.sem_alloc : memref<!tpu.dma_semaphore, #tpu.memory_space<semaphore_mem>>
        %dma_start3A = arith.constant 0 : i32
        %dma_start3A_1495 = tpu.memref_slice %arg6[%run_scoped3A_1492, %dma_start3A] : memref<8x128xi32, #tpu.memory_space<vmem>> -> memref<1x128xi32, #tpu.memory_space<vmem>>
        %dma_start3A_1496 = tpu.memref_squeeze %dma_start3A_1495 : memref<1x128xi32, #tpu.memory_space<vmem>> -> memref<128xi32, #tpu.memory_space<vmem>>
        %dma_start3A_1497 = arith.constant 0 : i32
        %dma_start3A_1498 = tpu.memref_slice %arg9[%dma_start3A_1497] : memref<500480xf32, #tpu.memory_space<vmem_shared>> -> memref<500480xf32, #tpu.memory_space<vmem_shared>>
        tpu.enqueue_indirect_dma source(%arg7 : memref<128xf32, #tpu.memory_space<vmem>>) target(%dma_start3A_1498 : memref<500480xf32, #tpu.memory_space<vmem_shared>>) offsets(%dma_start3A_1496 : memref<128xi32, #tpu.memory_space<vmem>>) semaphore(%run_scoped3A_1494 : memref<!tpu.dma_semaphore, #tpu.memory_space<semaphore_mem>>) {add = true}
        %dma_wait3A = arith.constant 0 : i32
        %dma_wait3A_1499 = tpu.memref_slice %arg6[%run_scoped3A_1492, %dma_wait3A] : memref<8x128xi32, #tpu.memory_space<vmem>> -> memref<1x128xi32, #tpu.memory_space<vmem>>
        %dma_wait3A_1500 = tpu.memref_squeeze %dma_wait3A_1499 : memref<1x128xi32, #tpu.memory_space<vmem>> -> memref<128xi32, #tpu.memory_space<vmem>>
        %dma_wait3A_1501 = arith.constant 0 : i32
        %dma_wait3A_1502 = tpu.memref_slice %arg9[%dma_wait3A_1501] : memref<500480xf32, #tpu.memory_space<vmem_shared>> -> memref<500480xf32, #tpu.memory_space<vmem_shared>>
        tpu.wait_indirect_dma semaphore(%run_scoped3A_1494 : memref<!tpu.dma_semaphore, #tpu.memory_space<semaphore_mem>>) src(%arg7 : memref<128xf32, #tpu.memory_space<vmem>>) dst(%dma_wait3A_1502 : memref<500480xf32, #tpu.memory_space<vmem_shared>>)
        tpu.yield
      }) : () -> ()
      %run_scoped3A_1493 = arith.constant 7 : i32
      "tpu.region"() ({
        %run_scoped3A_1494 = tpu.sem_alloc : memref<!tpu.dma_semaphore, #tpu.memory_space<semaphore_mem>>
        %dma_start3A = arith.constant 0 : i32
        %dma_start3A_1495 = tpu.memref_slice %arg6[%run_scoped3A_1493, %dma_start3A] : memref<8x128xi32, #tpu.memory_space<vmem>> -> memref<1x128xi32, #tpu.memory_space<vmem>>
        %dma_start3A_1496 = tpu.memref_squeeze %dma_start3A_1495 : memref<1x128xi32, #tpu.memory_space<vmem>> -> memref<128xi32, #tpu.memory_space<vmem>>
        %dma_start3A_1497 = arith.constant 0 : i32
        %dma_start3A_1498 = tpu.memref_slice %arg9[%dma_start3A_1497] : memref<500480xf32, #tpu.memory_space<vmem_shared>> -> memref<500480xf32, #tpu.memory_space<vmem_shared>>
        tpu.enqueue_indirect_dma source(%arg7 : memref<128xf32, #tpu.memory_space<vmem>>) target(%dma_start3A_1498 : memref<500480xf32, #tpu.memory_space<vmem_shared>>) offsets(%dma_start3A_1496 : memref<128xi32, #tpu.memory_space<vmem>>) semaphore(%run_scoped3A_1494 : memref<!tpu.dma_semaphore, #tpu.memory_space<semaphore_mem>>) {add = true}
        %dma_wait3A = arith.constant 0 : i32
        %dma_wait3A_1499 = tpu.memref_slice %arg6[%run_scoped3A_1493, %dma_wait3A] : memref<8x128xi32, #tpu.memory_space<vmem>> -> memref<1x128xi32, #tpu.memory_space<vmem>>
        %dma_wait3A_1500 = tpu.memref_squeeze %dma_wait3A_1499 : memref<1x128xi32, #tpu.memory_space<vmem>> -> memref<128xi32, #tpu.memory_space<vmem>>
        %dma_wait3A_1501 = arith.constant 0 : i32
        %dma_wait3A_1502 = tpu.memref_slice %arg9[%dma_wait3A_1501] : memref<500480xf32, #tpu.memory_space<vmem_shared>> -> memref<500480xf32, #tpu.memory_space<vmem_shared>>
        tpu.wait_indirect_dma semaphore(%run_scoped3A_1494 : memref<!tpu.dma_semaphore, #tpu.memory_space<semaphore_mem>>) src(%arg7 : memref<128xf32, #tpu.memory_space<vmem>>) dst(%dma_wait3A_1502 : memref<500480xf32, #tpu.memory_space<vmem_shared>>)
        tpu.yield
      }) : () -> ()
    } else {
    }
    %barrier3A_1388 = arith.constant 0 : index
    tpu.barrier barrier_id(%barrier3A_1388)
    %eq3A_1389 = arith.constant 1 : i32
    %eq3A_1390 = arith.cmpi eq, %arg1, %eq3A_1389 : i32
    %convert_element_type3A_1391 = arith.extui %eq3A_1390 : i1 to i32
    %cond3A_1392 = arith.constant 0 : i32
    %cond3A_1393 = arith.cmpi ne, %convert_element_type3A_1391, %cond3A_1392 : i32
    scf.if %cond3A_1393 {
      %run_scoped3A = arith.constant 0 : i32
      "tpu.region"() ({
        %run_scoped3A_1494 = tpu.sem_alloc : memref<!tpu.dma_semaphore, #tpu.memory_space<semaphore_mem>>
        %dma_start3A = arith.constant 0 : i32
        %dma_start3A_1495 = tpu.memref_slice %arg6[%run_scoped3A, %dma_start3A] : memref<8x128xi32, #tpu.memory_space<vmem>> -> memref<1x128xi32, #tpu.memory_space<vmem>>
        %dma_start3A_1496 = tpu.memref_squeeze %dma_start3A_1495 : memref<1x128xi32, #tpu.memory_space<vmem>> -> memref<128xi32, #tpu.memory_space<vmem>>
        %dma_start3A_1497 = arith.constant 0 : i32
        %dma_start3A_1498 = tpu.memref_slice %arg9[%dma_start3A_1497] : memref<500480xf32, #tpu.memory_space<vmem_shared>> -> memref<500480xf32, #tpu.memory_space<vmem_shared>>
        tpu.enqueue_indirect_dma source(%arg7 : memref<128xf32, #tpu.memory_space<vmem>>) target(%dma_start3A_1498 : memref<500480xf32, #tpu.memory_space<vmem_shared>>) offsets(%dma_start3A_1496 : memref<128xi32, #tpu.memory_space<vmem>>) semaphore(%run_scoped3A_1494 : memref<!tpu.dma_semaphore, #tpu.memory_space<semaphore_mem>>) {add = true}
        %dma_wait3A = arith.constant 0 : i32
        %dma_wait3A_1499 = tpu.memref_slice %arg6[%run_scoped3A, %dma_wait3A] : memref<8x128xi32, #tpu.memory_space<vmem>> -> memref<1x128xi32, #tpu.memory_space<vmem>>
        %dma_wait3A_1500 = tpu.memref_squeeze %dma_wait3A_1499 : memref<1x128xi32, #tpu.memory_space<vmem>> -> memref<128xi32, #tpu.memory_space<vmem>>
        %dma_wait3A_1501 = arith.constant 0 : i32
        %dma_wait3A_1502 = tpu.memref_slice %arg9[%dma_wait3A_1501] : memref<500480xf32, #tpu.memory_space<vmem_shared>> -> memref<500480xf32, #tpu.memory_space<vmem_shared>>
        tpu.wait_indirect_dma semaphore(%run_scoped3A_1494 : memref<!tpu.dma_semaphore, #tpu.memory_space<semaphore_mem>>) src(%arg7 : memref<128xf32, #tpu.memory_space<vmem>>) dst(%dma_wait3A_1502 : memref<500480xf32, #tpu.memory_space<vmem_shared>>)
        tpu.yield
      }) : () -> ()
      %run_scoped3A_1487 = arith.constant 1 : i32
      "tpu.region"() ({
        %run_scoped3A_1494 = tpu.sem_alloc : memref<!tpu.dma_semaphore, #tpu.memory_space<semaphore_mem>>
        %dma_start3A = arith.constant 0 : i32
        %dma_start3A_1495 = tpu.memref_slice %arg6[%run_scoped3A_1487, %dma_start3A] : memref<8x128xi32, #tpu.memory_space<vmem>> -> memref<1x128xi32, #tpu.memory_space<vmem>>
        %dma_start3A_1496 = tpu.memref_squeeze %dma_start3A_1495 : memref<1x128xi32, #tpu.memory_space<vmem>> -> memref<128xi32, #tpu.memory_space<vmem>>
        %dma_start3A_1497 = arith.constant 0 : i32
        %dma_start3A_1498 = tpu.memref_slice %arg9[%dma_start3A_1497] : memref<500480xf32, #tpu.memory_space<vmem_shared>> -> memref<500480xf32, #tpu.memory_space<vmem_shared>>
        tpu.enqueue_indirect_dma source(%arg7 : memref<128xf32, #tpu.memory_space<vmem>>) target(%dma_start3A_1498 : memref<500480xf32, #tpu.memory_space<vmem_shared>>) offsets(%dma_start3A_1496 : memref<128xi32, #tpu.memory_space<vmem>>) semaphore(%run_scoped3A_1494 : memref<!tpu.dma_semaphore, #tpu.memory_space<semaphore_mem>>) {add = true}
        %dma_wait3A = arith.constant 0 : i32
        %dma_wait3A_1499 = tpu.memref_slice %arg6[%run_scoped3A_1487, %dma_wait3A] : memref<8x128xi32, #tpu.memory_space<vmem>> -> memref<1x128xi32, #tpu.memory_space<vmem>>
        %dma_wait3A_1500 = tpu.memref_squeeze %dma_wait3A_1499 : memref<1x128xi32, #tpu.memory_space<vmem>> -> memref<128xi32, #tpu.memory_space<vmem>>
        %dma_wait3A_1501 = arith.constant 0 : i32
        %dma_wait3A_1502 = tpu.memref_slice %arg9[%dma_wait3A_1501] : memref<500480xf32, #tpu.memory_space<vmem_shared>> -> memref<500480xf32, #tpu.memory_space<vmem_shared>>
        tpu.wait_indirect_dma semaphore(%run_scoped3A_1494 : memref<!tpu.dma_semaphore, #tpu.memory_space<semaphore_mem>>) src(%arg7 : memref<128xf32, #tpu.memory_space<vmem>>) dst(%dma_wait3A_1502 : memref<500480xf32, #tpu.memory_space<vmem_shared>>)
        tpu.yield
      }) : () -> ()
      %run_scoped3A_1488 = arith.constant 2 : i32
      "tpu.region"() ({
        %run_scoped3A_1494 = tpu.sem_alloc : memref<!tpu.dma_semaphore, #tpu.memory_space<semaphore_mem>>
        %dma_start3A = arith.constant 0 : i32
        %dma_start3A_1495 = tpu.memref_slice %arg6[%run_scoped3A_1488, %dma_start3A] : memref<8x128xi32, #tpu.memory_space<vmem>> -> memref<1x128xi32, #tpu.memory_space<vmem>>
        %dma_start3A_1496 = tpu.memref_squeeze %dma_start3A_1495 : memref<1x128xi32, #tpu.memory_space<vmem>> -> memref<128xi32, #tpu.memory_space<vmem>>
        %dma_start3A_1497 = arith.constant 0 : i32
        %dma_start3A_1498 = tpu.memref_slice %arg9[%dma_start3A_1497] : memref<500480xf32, #tpu.memory_space<vmem_shared>> -> memref<500480xf32, #tpu.memory_space<vmem_shared>>
        tpu.enqueue_indirect_dma source(%arg7 : memref<128xf32, #tpu.memory_space<vmem>>) target(%dma_start3A_1498 : memref<500480xf32, #tpu.memory_space<vmem_shared>>) offsets(%dma_start3A_1496 : memref<128xi32, #tpu.memory_space<vmem>>) semaphore(%run_scoped3A_1494 : memref<!tpu.dma_semaphore, #tpu.memory_space<semaphore_mem>>) {add = true}
        %dma_wait3A = arith.constant 0 : i32
        %dma_wait3A_1499 = tpu.memref_slice %arg6[%run_scoped3A_1488, %dma_wait3A] : memref<8x128xi32, #tpu.memory_space<vmem>> -> memref<1x128xi32, #tpu.memory_space<vmem>>
        %dma_wait3A_1500 = tpu.memref_squeeze %dma_wait3A_1499 : memref<1x128xi32, #tpu.memory_space<vmem>> -> memref<128xi32, #tpu.memory_space<vmem>>
        %dma_wait3A_1501 = arith.constant 0 : i32
        %dma_wait3A_1502 = tpu.memref_slice %arg9[%dma_wait3A_1501] : memref<500480xf32, #tpu.memory_space<vmem_shared>> -> memref<500480xf32, #tpu.memory_space<vmem_shared>>
        tpu.wait_indirect_dma semaphore(%run_scoped3A_1494 : memref<!tpu.dma_semaphore, #tpu.memory_space<semaphore_mem>>) src(%arg7 : memref<128xf32, #tpu.memory_space<vmem>>) dst(%dma_wait3A_1502 : memref<500480xf32, #tpu.memory_space<vmem_shared>>)
        tpu.yield
      }) : () -> ()
      %run_scoped3A_1489 = arith.constant 3 : i32
      "tpu.region"() ({
        %run_scoped3A_1494 = tpu.sem_alloc : memref<!tpu.dma_semaphore, #tpu.memory_space<semaphore_mem>>
        %dma_start3A = arith.constant 0 : i32
        %dma_start3A_1495 = tpu.memref_slice %arg6[%run_scoped3A_1489, %dma_start3A] : memref<8x128xi32, #tpu.memory_space<vmem>> -> memref<1x128xi32, #tpu.memory_space<vmem>>
        %dma_start3A_1496 = tpu.memref_squeeze %dma_start3A_1495 : memref<1x128xi32, #tpu.memory_space<vmem>> -> memref<128xi32, #tpu.memory_space<vmem>>
        %dma_start3A_1497 = arith.constant 0 : i32
        %dma_start3A_1498 = tpu.memref_slice %arg9[%dma_start3A_1497] : memref<500480xf32, #tpu.memory_space<vmem_shared>> -> memref<500480xf32, #tpu.memory_space<vmem_shared>>
        tpu.enqueue_indirect_dma source(%arg7 : memref<128xf32, #tpu.memory_space<vmem>>) target(%dma_start3A_1498 : memref<500480xf32, #tpu.memory_space<vmem_shared>>) offsets(%dma_start3A_1496 : memref<128xi32, #tpu.memory_space<vmem>>) semaphore(%run_scoped3A_1494 : memref<!tpu.dma_semaphore, #tpu.memory_space<semaphore_mem>>) {add = true}
        %dma_wait3A = arith.constant 0 : i32
        %dma_wait3A_1499 = tpu.memref_slice %arg6[%run_scoped3A_1489, %dma_wait3A] : memref<8x128xi32, #tpu.memory_space<vmem>> -> memref<1x128xi32, #tpu.memory_space<vmem>>
        %dma_wait3A_1500 = tpu.memref_squeeze %dma_wait3A_1499 : memref<1x128xi32, #tpu.memory_space<vmem>> -> memref<128xi32, #tpu.memory_space<vmem>>
        %dma_wait3A_1501 = arith.constant 0 : i32
        %dma_wait3A_1502 = tpu.memref_slice %arg9[%dma_wait3A_1501] : memref<500480xf32, #tpu.memory_space<vmem_shared>> -> memref<500480xf32, #tpu.memory_space<vmem_shared>>
        tpu.wait_indirect_dma semaphore(%run_scoped3A_1494 : memref<!tpu.dma_semaphore, #tpu.memory_space<semaphore_mem>>) src(%arg7 : memref<128xf32, #tpu.memory_space<vmem>>) dst(%dma_wait3A_1502 : memref<500480xf32, #tpu.memory_space<vmem_shared>>)
        tpu.yield
      }) : () -> ()
      %run_scoped3A_1490 = arith.constant 4 : i32
      "tpu.region"() ({
        %run_scoped3A_1494 = tpu.sem_alloc : memref<!tpu.dma_semaphore, #tpu.memory_space<semaphore_mem>>
        %dma_start3A = arith.constant 0 : i32
        %dma_start3A_1495 = tpu.memref_slice %arg6[%run_scoped3A_1490, %dma_start3A] : memref<8x128xi32, #tpu.memory_space<vmem>> -> memref<1x128xi32, #tpu.memory_space<vmem>>
        %dma_start3A_1496 = tpu.memref_squeeze %dma_start3A_1495 : memref<1x128xi32, #tpu.memory_space<vmem>> -> memref<128xi32, #tpu.memory_space<vmem>>
        %dma_start3A_1497 = arith.constant 0 : i32
        %dma_start3A_1498 = tpu.memref_slice %arg9[%dma_start3A_1497] : memref<500480xf32, #tpu.memory_space<vmem_shared>> -> memref<500480xf32, #tpu.memory_space<vmem_shared>>
        tpu.enqueue_indirect_dma source(%arg7 : memref<128xf32, #tpu.memory_space<vmem>>) target(%dma_start3A_1498 : memref<500480xf32, #tpu.memory_space<vmem_shared>>) offsets(%dma_start3A_1496 : memref<128xi32, #tpu.memory_space<vmem>>) semaphore(%run_scoped3A_1494 : memref<!tpu.dma_semaphore, #tpu.memory_space<semaphore_mem>>) {add = true}
        %dma_wait3A = arith.constant 0 : i32
        %dma_wait3A_1499 = tpu.memref_slice %arg6[%run_scoped3A_1490, %dma_wait3A] : memref<8x128xi32, #tpu.memory_space<vmem>> -> memref<1x128xi32, #tpu.memory_space<vmem>>
        %dma_wait3A_1500 = tpu.memref_squeeze %dma_wait3A_1499 : memref<1x128xi32, #tpu.memory_space<vmem>> -> memref<128xi32, #tpu.memory_space<vmem>>
        %dma_wait3A_1501 = arith.constant 0 : i32
        %dma_wait3A_1502 = tpu.memref_slice %arg9[%dma_wait3A_1501] : memref<500480xf32, #tpu.memory_space<vmem_shared>> -> memref<500480xf32, #tpu.memory_space<vmem_shared>>
        tpu.wait_indirect_dma semaphore(%run_scoped3A_1494 : memref<!tpu.dma_semaphore, #tpu.memory_space<semaphore_mem>>) src(%arg7 : memref<128xf32, #tpu.memory_space<vmem>>) dst(%dma_wait3A_1502 : memref<500480xf32, #tpu.memory_space<vmem_shared>>)
        tpu.yield
      }) : () -> ()
      %run_scoped3A_1491 = arith.constant 5 : i32
      "tpu.region"() ({
        %run_scoped3A_1494 = tpu.sem_alloc : memref<!tpu.dma_semaphore, #tpu.memory_space<semaphore_mem>>
        %dma_start3A = arith.constant 0 : i32
        %dma_start3A_1495 = tpu.memref_slice %arg6[%run_scoped3A_1491, %dma_start3A] : memref<8x128xi32, #tpu.memory_space<vmem>> -> memref<1x128xi32, #tpu.memory_space<vmem>>
        %dma_start3A_1496 = tpu.memref_squeeze %dma_start3A_1495 : memref<1x128xi32, #tpu.memory_space<vmem>> -> memref<128xi32, #tpu.memory_space<vmem>>
        %dma_start3A_1497 = arith.constant 0 : i32
        %dma_start3A_1498 = tpu.memref_slice %arg9[%dma_start3A_1497] : memref<500480xf32, #tpu.memory_space<vmem_shared>> -> memref<500480xf32, #tpu.memory_space<vmem_shared>>
        tpu.enqueue_indirect_dma source(%arg7 : memref<128xf32, #tpu.memory_space<vmem>>) target(%dma_start3A_1498 : memref<500480xf32, #tpu.memory_space<vmem_shared>>) offsets(%dma_start3A_1496 : memref<128xi32, #tpu.memory_space<vmem>>) semaphore(%run_scoped3A_1494 : memref<!tpu.dma_semaphore, #tpu.memory_space<semaphore_mem>>) {add = true}
        %dma_wait3A = arith.constant 0 : i32
        %dma_wait3A_1499 = tpu.memref_slice %arg6[%run_scoped3A_1491, %dma_wait3A] : memref<8x128xi32, #tpu.memory_space<vmem>> -> memref<1x128xi32, #tpu.memory_space<vmem>>
        %dma_wait3A_1500 = tpu.memref_squeeze %dma_wait3A_1499 : memref<1x128xi32, #tpu.memory_space<vmem>> -> memref<128xi32, #tpu.memory_space<vmem>>
        %dma_wait3A_1501 = arith.constant 0 : i32
        %dma_wait3A_1502 = tpu.memref_slice %arg9[%dma_wait3A_1501] : memref<500480xf32, #tpu.memory_space<vmem_shared>> -> memref<500480xf32, #tpu.memory_space<vmem_shared>>
        tpu.wait_indirect_dma semaphore(%run_scoped3A_1494 : memref<!tpu.dma_semaphore, #tpu.memory_space<semaphore_mem>>) src(%arg7 : memref<128xf32, #tpu.memory_space<vmem>>) dst(%dma_wait3A_1502 : memref<500480xf32, #tpu.memory_space<vmem_shared>>)
        tpu.yield
      }) : () -> ()
      %run_scoped3A_1492 = arith.constant 6 : i32
      "tpu.region"() ({
        %run_scoped3A_1494 = tpu.sem_alloc : memref<!tpu.dma_semaphore, #tpu.memory_space<semaphore_mem>>
        %dma_start3A = arith.constant 0 : i32
        %dma_start3A_1495 = tpu.memref_slice %arg6[%run_scoped3A_1492, %dma_start3A] : memref<8x128xi32, #tpu.memory_space<vmem>> -> memref<1x128xi32, #tpu.memory_space<vmem>>
        %dma_start3A_1496 = tpu.memref_squeeze %dma_start3A_1495 : memref<1x128xi32, #tpu.memory_space<vmem>> -> memref<128xi32, #tpu.memory_space<vmem>>
        %dma_start3A_1497 = arith.constant 0 : i32
        %dma_start3A_1498 = tpu.memref_slice %arg9[%dma_start3A_1497] : memref<500480xf32, #tpu.memory_space<vmem_shared>> -> memref<500480xf32, #tpu.memory_space<vmem_shared>>
        tpu.enqueue_indirect_dma source(%arg7 : memref<128xf32, #tpu.memory_space<vmem>>) target(%dma_start3A_1498 : memref<500480xf32, #tpu.memory_space<vmem_shared>>) offsets(%dma_start3A_1496 : memref<128xi32, #tpu.memory_space<vmem>>) semaphore(%run_scoped3A_1494 : memref<!tpu.dma_semaphore, #tpu.memory_space<semaphore_mem>>) {add = true}
        %dma_wait3A = arith.constant 0 : i32
        %dma_wait3A_1499 = tpu.memref_slice %arg6[%run_scoped3A_1492, %dma_wait3A] : memref<8x128xi32, #tpu.memory_space<vmem>> -> memref<1x128xi32, #tpu.memory_space<vmem>>
        %dma_wait3A_1500 = tpu.memref_squeeze %dma_wait3A_1499 : memref<1x128xi32, #tpu.memory_space<vmem>> -> memref<128xi32, #tpu.memory_space<vmem>>
        %dma_wait3A_1501 = arith.constant 0 : i32
        %dma_wait3A_1502 = tpu.memref_slice %arg9[%dma_wait3A_1501] : memref<500480xf32, #tpu.memory_space<vmem_shared>> -> memref<500480xf32, #tpu.memory_space<vmem_shared>>
        tpu.wait_indirect_dma semaphore(%run_scoped3A_1494 : memref<!tpu.dma_semaphore, #tpu.memory_space<semaphore_mem>>) src(%arg7 : memref<128xf32, #tpu.memory_space<vmem>>) dst(%dma_wait3A_1502 : memref<500480xf32, #tpu.memory_space<vmem_shared>>)
        tpu.yield
      }) : () -> ()
      %run_scoped3A_1493 = arith.constant 7 : i32
      "tpu.region"() ({
        %run_scoped3A_1494 = tpu.sem_alloc : memref<!tpu.dma_semaphore, #tpu.memory_space<semaphore_mem>>
        %dma_start3A = arith.constant 0 : i32
        %dma_start3A_1495 = tpu.memref_slice %arg6[%run_scoped3A_1493, %dma_start3A] : memref<8x128xi32, #tpu.memory_space<vmem>> -> memref<1x128xi32, #tpu.memory_space<vmem>>
        %dma_start3A_1496 = tpu.memref_squeeze %dma_start3A_1495 : memref<1x128xi32, #tpu.memory_space<vmem>> -> memref<128xi32, #tpu.memory_space<vmem>>
        %dma_start3A_1497 = arith.constant 0 : i32
        %dma_start3A_1498 = tpu.memref_slice %arg9[%dma_start3A_1497] : memref<500480xf32, #tpu.memory_space<vmem_shared>> -> memref<500480xf32, #tpu.memory_space<vmem_shared>>
        tpu.enqueue_indirect_dma source(%arg7 : memref<128xf32, #tpu.memory_space<vmem>>) target(%dma_start3A_1498 : memref<500480xf32, #tpu.memory_space<vmem_shared>>) offsets(%dma_start3A_1496 : memref<128xi32, #tpu.memory_space<vmem>>) semaphore(%run_scoped3A_1494 : memref<!tpu.dma_semaphore, #tpu.memory_space<semaphore_mem>>) {add = true}
        %dma_wait3A = arith.constant 0 : i32
        %dma_wait3A_1499 = tpu.memref_slice %arg6[%run_scoped3A_1493, %dma_wait3A] : memref<8x128xi32, #tpu.memory_space<vmem>> -> memref<1x128xi32, #tpu.memory_space<vmem>>
        %dma_wait3A_1500 = tpu.memref_squeeze %dma_wait3A_1499 : memref<1x128xi32, #tpu.memory_space<vmem>> -> memref<128xi32, #tpu.memory_space<vmem>>
        %dma_wait3A_1501 = arith.constant 0 : i32
        %dma_wait3A_1502 = tpu.memref_slice %arg9[%dma_wait3A_1501] : memref<500480xf32, #tpu.memory_space<vmem_shared>> -> memref<500480xf32, #tpu.memory_space<vmem_shared>>
        tpu.wait_indirect_dma semaphore(%run_scoped3A_1494 : memref<!tpu.dma_semaphore, #tpu.memory_space<semaphore_mem>>) src(%arg7 : memref<128xf32, #tpu.memory_space<vmem>>) dst(%dma_wait3A_1502 : memref<500480xf32, #tpu.memory_space<vmem_shared>>)
        tpu.yield
      }) : () -> ()
    } else {
    }
    %barrier3A_1394 = arith.constant 0 : index
    tpu.barrier barrier_id(%barrier3A_1394)
    %eq3A_1395 = arith.constant 2 : i32
    %eq3A_1396 = arith.cmpi eq, %arg1, %eq3A_1395 : i32
    %convert_element_type3A_1397 = arith.extui %eq3A_1396 : i1 to i32
    %cond3A_1398 = arith.constant 0 : i32
    %cond3A_1399 = arith.cmpi ne, %convert_element_type3A_1397, %cond3A_1398 : i32
    scf.if %cond3A_1399 {
      %run_scoped3A = arith.constant 0 : i32
      "tpu.region"() ({
        %run_scoped3A_1494 = tpu.sem_alloc : memref<!tpu.dma_semaphore, #tpu.memory_space<semaphore_mem>>
        %dma_start3A = arith.constant 0 : i32
        %dma_start3A_1495 = tpu.memref_slice %arg6[%run_scoped3A, %dma_start3A] : memref<8x128xi32, #tpu.memory_space<vmem>> -> memref<1x128xi32, #tpu.memory_space<vmem>>
        %dma_start3A_1496 = tpu.memref_squeeze %dma_start3A_1495 : memref<1x128xi32, #tpu.memory_space<vmem>> -> memref<128xi32, #tpu.memory_space<vmem>>
        %dma_start3A_1497 = arith.constant 0 : i32
        %dma_start3A_1498 = tpu.memref_slice %arg9[%dma_start3A_1497] : memref<500480xf32, #tpu.memory_space<vmem_shared>> -> memref<500480xf32, #tpu.memory_space<vmem_shared>>
        tpu.enqueue_indirect_dma source(%arg7 : memref<128xf32, #tpu.memory_space<vmem>>) target(%dma_start3A_1498 : memref<500480xf32, #tpu.memory_space<vmem_shared>>) offsets(%dma_start3A_1496 : memref<128xi32, #tpu.memory_space<vmem>>) semaphore(%run_scoped3A_1494 : memref<!tpu.dma_semaphore, #tpu.memory_space<semaphore_mem>>) {add = true}
        %dma_wait3A = arith.constant 0 : i32
        %dma_wait3A_1499 = tpu.memref_slice %arg6[%run_scoped3A, %dma_wait3A] : memref<8x128xi32, #tpu.memory_space<vmem>> -> memref<1x128xi32, #tpu.memory_space<vmem>>
        %dma_wait3A_1500 = tpu.memref_squeeze %dma_wait3A_1499 : memref<1x128xi32, #tpu.memory_space<vmem>> -> memref<128xi32, #tpu.memory_space<vmem>>
        %dma_wait3A_1501 = arith.constant 0 : i32
        %dma_wait3A_1502 = tpu.memref_slice %arg9[%dma_wait3A_1501] : memref<500480xf32, #tpu.memory_space<vmem_shared>> -> memref<500480xf32, #tpu.memory_space<vmem_shared>>
        tpu.wait_indirect_dma semaphore(%run_scoped3A_1494 : memref<!tpu.dma_semaphore, #tpu.memory_space<semaphore_mem>>) src(%arg7 : memref<128xf32, #tpu.memory_space<vmem>>) dst(%dma_wait3A_1502 : memref<500480xf32, #tpu.memory_space<vmem_shared>>)
        tpu.yield
      }) : () -> ()
      %run_scoped3A_1487 = arith.constant 1 : i32
      "tpu.region"() ({
        %run_scoped3A_1494 = tpu.sem_alloc : memref<!tpu.dma_semaphore, #tpu.memory_space<semaphore_mem>>
        %dma_start3A = arith.constant 0 : i32
        %dma_start3A_1495 = tpu.memref_slice %arg6[%run_scoped3A_1487, %dma_start3A] : memref<8x128xi32, #tpu.memory_space<vmem>> -> memref<1x128xi32, #tpu.memory_space<vmem>>
        %dma_start3A_1496 = tpu.memref_squeeze %dma_start3A_1495 : memref<1x128xi32, #tpu.memory_space<vmem>> -> memref<128xi32, #tpu.memory_space<vmem>>
        %dma_start3A_1497 = arith.constant 0 : i32
        %dma_start3A_1498 = tpu.memref_slice %arg9[%dma_start3A_1497] : memref<500480xf32, #tpu.memory_space<vmem_shared>> -> memref<500480xf32, #tpu.memory_space<vmem_shared>>
        tpu.enqueue_indirect_dma source(%arg7 : memref<128xf32, #tpu.memory_space<vmem>>) target(%dma_start3A_1498 : memref<500480xf32, #tpu.memory_space<vmem_shared>>) offsets(%dma_start3A_1496 : memref<128xi32, #tpu.memory_space<vmem>>) semaphore(%run_scoped3A_1494 : memref<!tpu.dma_semaphore, #tpu.memory_space<semaphore_mem>>) {add = true}
        %dma_wait3A = arith.constant 0 : i32
        %dma_wait3A_1499 = tpu.memref_slice %arg6[%run_scoped3A_1487, %dma_wait3A] : memref<8x128xi32, #tpu.memory_space<vmem>> -> memref<1x128xi32, #tpu.memory_space<vmem>>
        %dma_wait3A_1500 = tpu.memref_squeeze %dma_wait3A_1499 : memref<1x128xi32, #tpu.memory_space<vmem>> -> memref<128xi32, #tpu.memory_space<vmem>>
        %dma_wait3A_1501 = arith.constant 0 : i32
        %dma_wait3A_1502 = tpu.memref_slice %arg9[%dma_wait3A_1501] : memref<500480xf32, #tpu.memory_space<vmem_shared>> -> memref<500480xf32, #tpu.memory_space<vmem_shared>>
        tpu.wait_indirect_dma semaphore(%run_scoped3A_1494 : memref<!tpu.dma_semaphore, #tpu.memory_space<semaphore_mem>>) src(%arg7 : memref<128xf32, #tpu.memory_space<vmem>>) dst(%dma_wait3A_1502 : memref<500480xf32, #tpu.memory_space<vmem_shared>>)
        tpu.yield
      }) : () -> ()
      %run_scoped3A_1488 = arith.constant 2 : i32
      "tpu.region"() ({
        %run_scoped3A_1494 = tpu.sem_alloc : memref<!tpu.dma_semaphore, #tpu.memory_space<semaphore_mem>>
        %dma_start3A = arith.constant 0 : i32
        %dma_start3A_1495 = tpu.memref_slice %arg6[%run_scoped3A_1488, %dma_start3A] : memref<8x128xi32, #tpu.memory_space<vmem>> -> memref<1x128xi32, #tpu.memory_space<vmem>>
        %dma_start3A_1496 = tpu.memref_squeeze %dma_start3A_1495 : memref<1x128xi32, #tpu.memory_space<vmem>> -> memref<128xi32, #tpu.memory_space<vmem>>
        %dma_start3A_1497 = arith.constant 0 : i32
        %dma_start3A_1498 = tpu.memref_slice %arg9[%dma_start3A_1497] : memref<500480xf32, #tpu.memory_space<vmem_shared>> -> memref<500480xf32, #tpu.memory_space<vmem_shared>>
        tpu.enqueue_indirect_dma source(%arg7 : memref<128xf32, #tpu.memory_space<vmem>>) target(%dma_start3A_1498 : memref<500480xf32, #tpu.memory_space<vmem_shared>>) offsets(%dma_start3A_1496 : memref<128xi32, #tpu.memory_space<vmem>>) semaphore(%run_scoped3A_1494 : memref<!tpu.dma_semaphore, #tpu.memory_space<semaphore_mem>>) {add = true}
        %dma_wait3A = arith.constant 0 : i32
        %dma_wait3A_1499 = tpu.memref_slice %arg6[%run_scoped3A_1488, %dma_wait3A] : memref<8x128xi32, #tpu.memory_space<vmem>> -> memref<1x128xi32, #tpu.memory_space<vmem>>
        %dma_wait3A_1500 = tpu.memref_squeeze %dma_wait3A_1499 : memref<1x128xi32, #tpu.memory_space<vmem>> -> memref<128xi32, #tpu.memory_space<vmem>>
        %dma_wait3A_1501 = arith.constant 0 : i32
        %dma_wait3A_1502 = tpu.memref_slice %arg9[%dma_wait3A_1501] : memref<500480xf32, #tpu.memory_space<vmem_shared>> -> memref<500480xf32, #tpu.memory_space<vmem_shared>>
        tpu.wait_indirect_dma semaphore(%run_scoped3A_1494 : memref<!tpu.dma_semaphore, #tpu.memory_space<semaphore_mem>>) src(%arg7 : memref<128xf32, #tpu.memory_space<vmem>>) dst(%dma_wait3A_1502 : memref<500480xf32, #tpu.memory_space<vmem_shared>>)
        tpu.yield
      }) : () -> ()
      %run_scoped3A_1489 = arith.constant 3 : i32
      "tpu.region"() ({
        %run_scoped3A_1494 = tpu.sem_alloc : memref<!tpu.dma_semaphore, #tpu.memory_space<semaphore_mem>>
        %dma_start3A = arith.constant 0 : i32
        %dma_start3A_1495 = tpu.memref_slice %arg6[%run_scoped3A_1489, %dma_start3A] : memref<8x128xi32, #tpu.memory_space<vmem>> -> memref<1x128xi32, #tpu.memory_space<vmem>>
        %dma_start3A_1496 = tpu.memref_squeeze %dma_start3A_1495 : memref<1x128xi32, #tpu.memory_space<vmem>> -> memref<128xi32, #tpu.memory_space<vmem>>
        %dma_start3A_1497 = arith.constant 0 : i32
        %dma_start3A_1498 = tpu.memref_slice %arg9[%dma_start3A_1497] : memref<500480xf32, #tpu.memory_space<vmem_shared>> -> memref<500480xf32, #tpu.memory_space<vmem_shared>>
        tpu.enqueue_indirect_dma source(%arg7 : memref<128xf32, #tpu.memory_space<vmem>>) target(%dma_start3A_1498 : memref<500480xf32, #tpu.memory_space<vmem_shared>>) offsets(%dma_start3A_1496 : memref<128xi32, #tpu.memory_space<vmem>>) semaphore(%run_scoped3A_1494 : memref<!tpu.dma_semaphore, #tpu.memory_space<semaphore_mem>>) {add = true}
        %dma_wait3A = arith.constant 0 : i32
        %dma_wait3A_1499 = tpu.memref_slice %arg6[%run_scoped3A_1489, %dma_wait3A] : memref<8x128xi32, #tpu.memory_space<vmem>> -> memref<1x128xi32, #tpu.memory_space<vmem>>
        %dma_wait3A_1500 = tpu.memref_squeeze %dma_wait3A_1499 : memref<1x128xi32, #tpu.memory_space<vmem>> -> memref<128xi32, #tpu.memory_space<vmem>>
        %dma_wait3A_1501 = arith.constant 0 : i32
        %dma_wait3A_1502 = tpu.memref_slice %arg9[%dma_wait3A_1501] : memref<500480xf32, #tpu.memory_space<vmem_shared>> -> memref<500480xf32, #tpu.memory_space<vmem_shared>>
        tpu.wait_indirect_dma semaphore(%run_scoped3A_1494 : memref<!tpu.dma_semaphore, #tpu.memory_space<semaphore_mem>>) src(%arg7 : memref<128xf32, #tpu.memory_space<vmem>>) dst(%dma_wait3A_1502 : memref<500480xf32, #tpu.memory_space<vmem_shared>>)
        tpu.yield
      }) : () -> ()
      %run_scoped3A_1490 = arith.constant 4 : i32
      "tpu.region"() ({
        %run_scoped3A_1494 = tpu.sem_alloc : memref<!tpu.dma_semaphore, #tpu.memory_space<semaphore_mem>>
        %dma_start3A = arith.constant 0 : i32
        %dma_start3A_1495 = tpu.memref_slice %arg6[%run_scoped3A_1490, %dma_start3A] : memref<8x128xi32, #tpu.memory_space<vmem>> -> memref<1x128xi32, #tpu.memory_space<vmem>>
        %dma_start3A_1496 = tpu.memref_squeeze %dma_start3A_1495 : memref<1x128xi32, #tpu.memory_space<vmem>> -> memref<128xi32, #tpu.memory_space<vmem>>
        %dma_start3A_1497 = arith.constant 0 : i32
        %dma_start3A_1498 = tpu.memref_slice %arg9[%dma_start3A_1497] : memref<500480xf32, #tpu.memory_space<vmem_shared>> -> memref<500480xf32, #tpu.memory_space<vmem_shared>>
        tpu.enqueue_indirect_dma source(%arg7 : memref<128xf32, #tpu.memory_space<vmem>>) target(%dma_start3A_1498 : memref<500480xf32, #tpu.memory_space<vmem_shared>>) offsets(%dma_start3A_1496 : memref<128xi32, #tpu.memory_space<vmem>>) semaphore(%run_scoped3A_1494 : memref<!tpu.dma_semaphore, #tpu.memory_space<semaphore_mem>>) {add = true}
        %dma_wait3A = arith.constant 0 : i32
        %dma_wait3A_1499 = tpu.memref_slice %arg6[%run_scoped3A_1490, %dma_wait3A] : memref<8x128xi32, #tpu.memory_space<vmem>> -> memref<1x128xi32, #tpu.memory_space<vmem>>
        %dma_wait3A_1500 = tpu.memref_squeeze %dma_wait3A_1499 : memref<1x128xi32, #tpu.memory_space<vmem>> -> memref<128xi32, #tpu.memory_space<vmem>>
        %dma_wait3A_1501 = arith.constant 0 : i32
        %dma_wait3A_1502 = tpu.memref_slice %arg9[%dma_wait3A_1501] : memref<500480xf32, #tpu.memory_space<vmem_shared>> -> memref<500480xf32, #tpu.memory_space<vmem_shared>>
        tpu.wait_indirect_dma semaphore(%run_scoped3A_1494 : memref<!tpu.dma_semaphore, #tpu.memory_space<semaphore_mem>>) src(%arg7 : memref<128xf32, #tpu.memory_space<vmem>>) dst(%dma_wait3A_1502 : memref<500480xf32, #tpu.memory_space<vmem_shared>>)
        tpu.yield
      }) : () -> ()
      %run_scoped3A_1491 = arith.constant 5 : i32
      "tpu.region"() ({
        %run_scoped3A_1494 = tpu.sem_alloc : memref<!tpu.dma_semaphore, #tpu.memory_space<semaphore_mem>>
        %dma_start3A = arith.constant 0 : i32
        %dma_start3A_1495 = tpu.memref_slice %arg6[%run_scoped3A_1491, %dma_start3A] : memref<8x128xi32, #tpu.memory_space<vmem>> -> memref<1x128xi32, #tpu.memory_space<vmem>>
        %dma_start3A_1496 = tpu.memref_squeeze %dma_start3A_1495 : memref<1x128xi32, #tpu.memory_space<vmem>> -> memref<128xi32, #tpu.memory_space<vmem>>
        %dma_start3A_1497 = arith.constant 0 : i32
        %dma_start3A_1498 = tpu.memref_slice %arg9[%dma_start3A_1497] : memref<500480xf32, #tpu.memory_space<vmem_shared>> -> memref<500480xf32, #tpu.memory_space<vmem_shared>>
        tpu.enqueue_indirect_dma source(%arg7 : memref<128xf32, #tpu.memory_space<vmem>>) target(%dma_start3A_1498 : memref<500480xf32, #tpu.memory_space<vmem_shared>>) offsets(%dma_start3A_1496 : memref<128xi32, #tpu.memory_space<vmem>>) semaphore(%run_scoped3A_1494 : memref<!tpu.dma_semaphore, #tpu.memory_space<semaphore_mem>>) {add = true}
        %dma_wait3A = arith.constant 0 : i32
        %dma_wait3A_1499 = tpu.memref_slice %arg6[%run_scoped3A_1491, %dma_wait3A] : memref<8x128xi32, #tpu.memory_space<vmem>> -> memref<1x128xi32, #tpu.memory_space<vmem>>
        %dma_wait3A_1500 = tpu.memref_squeeze %dma_wait3A_1499 : memref<1x128xi32, #tpu.memory_space<vmem>> -> memref<128xi32, #tpu.memory_space<vmem>>
        %dma_wait3A_1501 = arith.constant 0 : i32
        %dma_wait3A_1502 = tpu.memref_slice %arg9[%dma_wait3A_1501] : memref<500480xf32, #tpu.memory_space<vmem_shared>> -> memref<500480xf32, #tpu.memory_space<vmem_shared>>
        tpu.wait_indirect_dma semaphore(%run_scoped3A_1494 : memref<!tpu.dma_semaphore, #tpu.memory_space<semaphore_mem>>) src(%arg7 : memref<128xf32, #tpu.memory_space<vmem>>) dst(%dma_wait3A_1502 : memref<500480xf32, #tpu.memory_space<vmem_shared>>)
        tpu.yield
      }) : () -> ()
      %run_scoped3A_1492 = arith.constant 6 : i32
      "tpu.region"() ({
        %run_scoped3A_1494 = tpu.sem_alloc : memref<!tpu.dma_semaphore, #tpu.memory_space<semaphore_mem>>
        %dma_start3A = arith.constant 0 : i32
        %dma_start3A_1495 = tpu.memref_slice %arg6[%run_scoped3A_1492, %dma_start3A] : memref<8x128xi32, #tpu.memory_space<vmem>> -> memref<1x128xi32, #tpu.memory_space<vmem>>
        %dma_start3A_1496 = tpu.memref_squeeze %dma_start3A_1495 : memref<1x128xi32, #tpu.memory_space<vmem>> -> memref<128xi32, #tpu.memory_space<vmem>>
        %dma_start3A_1497 = arith.constant 0 : i32
        %dma_start3A_1498 = tpu.memref_slice %arg9[%dma_start3A_1497] : memref<500480xf32, #tpu.memory_space<vmem_shared>> -> memref<500480xf32, #tpu.memory_space<vmem_shared>>
        tpu.enqueue_indirect_dma source(%arg7 : memref<128xf32, #tpu.memory_space<vmem>>) target(%dma_start3A_1498 : memref<500480xf32, #tpu.memory_space<vmem_shared>>) offsets(%dma_start3A_1496 : memref<128xi32, #tpu.memory_space<vmem>>) semaphore(%run_scoped3A_1494 : memref<!tpu.dma_semaphore, #tpu.memory_space<semaphore_mem>>) {add = true}
        %dma_wait3A = arith.constant 0 : i32
        %dma_wait3A_1499 = tpu.memref_slice %arg6[%run_scoped3A_1492, %dma_wait3A] : memref<8x128xi32, #tpu.memory_space<vmem>> -> memref<1x128xi32, #tpu.memory_space<vmem>>
        %dma_wait3A_1500 = tpu.memref_squeeze %dma_wait3A_1499 : memref<1x128xi32, #tpu.memory_space<vmem>> -> memref<128xi32, #tpu.memory_space<vmem>>
        %dma_wait3A_1501 = arith.constant 0 : i32
        %dma_wait3A_1502 = tpu.memref_slice %arg9[%dma_wait3A_1501] : memref<500480xf32, #tpu.memory_space<vmem_shared>> -> memref<500480xf32, #tpu.memory_space<vmem_shared>>
        tpu.wait_indirect_dma semaphore(%run_scoped3A_1494 : memref<!tpu.dma_semaphore, #tpu.memory_space<semaphore_mem>>) src(%arg7 : memref<128xf32, #tpu.memory_space<vmem>>) dst(%dma_wait3A_1502 : memref<500480xf32, #tpu.memory_space<vmem_shared>>)
        tpu.yield
      }) : () -> ()
      %run_scoped3A_1493 = arith.constant 7 : i32
      "tpu.region"() ({
        %run_scoped3A_1494 = tpu.sem_alloc : memref<!tpu.dma_semaphore, #tpu.memory_space<semaphore_mem>>
        %dma_start3A = arith.constant 0 : i32
        %dma_start3A_1495 = tpu.memref_slice %arg6[%run_scoped3A_1493, %dma_start3A] : memref<8x128xi32, #tpu.memory_space<vmem>> -> memref<1x128xi32, #tpu.memory_space<vmem>>
        %dma_start3A_1496 = tpu.memref_squeeze %dma_start3A_1495 : memref<1x128xi32, #tpu.memory_space<vmem>> -> memref<128xi32, #tpu.memory_space<vmem>>
        %dma_start3A_1497 = arith.constant 0 : i32
        %dma_start3A_1498 = tpu.memref_slice %arg9[%dma_start3A_1497] : memref<500480xf32, #tpu.memory_space<vmem_shared>> -> memref<500480xf32, #tpu.memory_space<vmem_shared>>
        tpu.enqueue_indirect_dma source(%arg7 : memref<128xf32, #tpu.memory_space<vmem>>) target(%dma_start3A_1498 : memref<500480xf32, #tpu.memory_space<vmem_shared>>) offsets(%dma_start3A_1496 : memref<128xi32, #tpu.memory_space<vmem>>) semaphore(%run_scoped3A_1494 : memref<!tpu.dma_semaphore, #tpu.memory_space<semaphore_mem>>) {add = true}
        %dma_wait3A = arith.constant 0 : i32
        %dma_wait3A_1499 = tpu.memref_slice %arg6[%run_scoped3A_1493, %dma_wait3A] : memref<8x128xi32, #tpu.memory_space<vmem>> -> memref<1x128xi32, #tpu.memory_space<vmem>>
        %dma_wait3A_1500 = tpu.memref_squeeze %dma_wait3A_1499 : memref<1x128xi32, #tpu.memory_space<vmem>> -> memref<128xi32, #tpu.memory_space<vmem>>
        %dma_wait3A_1501 = arith.constant 0 : i32
        %dma_wait3A_1502 = tpu.memref_slice %arg9[%dma_wait3A_1501] : memref<500480xf32, #tpu.memory_space<vmem_shared>> -> memref<500480xf32, #tpu.memory_space<vmem_shared>>
        tpu.wait_indirect_dma semaphore(%run_scoped3A_1494 : memref<!tpu.dma_semaphore, #tpu.memory_space<semaphore_mem>>) src(%arg7 : memref<128xf32, #tpu.memory_space<vmem>>) dst(%dma_wait3A_1502 : memref<500480xf32, #tpu.memory_space<vmem_shared>>)
        tpu.yield
      }) : () -> ()
    } else {
    }
    %barrier3A_1400 = arith.constant 0 : index
    tpu.barrier barrier_id(%barrier3A_1400)
    %eq3A_1401 = arith.constant 3 : i32
    %eq3A_1402 = arith.cmpi eq, %arg1, %eq3A_1401 : i32
    %convert_element_type3A_1403 = arith.extui %eq3A_1402 : i1 to i32
    %cond3A_1404 = arith.constant 0 : i32
    %cond3A_1405 = arith.cmpi ne, %convert_element_type3A_1403, %cond3A_1404 : i32
    scf.if %cond3A_1405 {
      %run_scoped3A = arith.constant 0 : i32
      "tpu.region"() ({
        %run_scoped3A_1494 = tpu.sem_alloc : memref<!tpu.dma_semaphore, #tpu.memory_space<semaphore_mem>>
        %dma_start3A = arith.constant 0 : i32
        %dma_start3A_1495 = tpu.memref_slice %arg6[%run_scoped3A, %dma_start3A] : memref<8x128xi32, #tpu.memory_space<vmem>> -> memref<1x128xi32, #tpu.memory_space<vmem>>
        %dma_start3A_1496 = tpu.memref_squeeze %dma_start3A_1495 : memref<1x128xi32, #tpu.memory_space<vmem>> -> memref<128xi32, #tpu.memory_space<vmem>>
        %dma_start3A_1497 = arith.constant 0 : i32
        %dma_start3A_1498 = tpu.memref_slice %arg9[%dma_start3A_1497] : memref<500480xf32, #tpu.memory_space<vmem_shared>> -> memref<500480xf32, #tpu.memory_space<vmem_shared>>
        tpu.enqueue_indirect_dma source(%arg7 : memref<128xf32, #tpu.memory_space<vmem>>) target(%dma_start3A_1498 : memref<500480xf32, #tpu.memory_space<vmem_shared>>) offsets(%dma_start3A_1496 : memref<128xi32, #tpu.memory_space<vmem>>) semaphore(%run_scoped3A_1494 : memref<!tpu.dma_semaphore, #tpu.memory_space<semaphore_mem>>) {add = true}
        %dma_wait3A = arith.constant 0 : i32
        %dma_wait3A_1499 = tpu.memref_slice %arg6[%run_scoped3A, %dma_wait3A] : memref<8x128xi32, #tpu.memory_space<vmem>> -> memref<1x128xi32, #tpu.memory_space<vmem>>
        %dma_wait3A_1500 = tpu.memref_squeeze %dma_wait3A_1499 : memref<1x128xi32, #tpu.memory_space<vmem>> -> memref<128xi32, #tpu.memory_space<vmem>>
        %dma_wait3A_1501 = arith.constant 0 : i32
        %dma_wait3A_1502 = tpu.memref_slice %arg9[%dma_wait3A_1501] : memref<500480xf32, #tpu.memory_space<vmem_shared>> -> memref<500480xf32, #tpu.memory_space<vmem_shared>>
        tpu.wait_indirect_dma semaphore(%run_scoped3A_1494 : memref<!tpu.dma_semaphore, #tpu.memory_space<semaphore_mem>>) src(%arg7 : memref<128xf32, #tpu.memory_space<vmem>>) dst(%dma_wait3A_1502 : memref<500480xf32, #tpu.memory_space<vmem_shared>>)
        tpu.yield
      }) : () -> ()
      %run_scoped3A_1487 = arith.constant 1 : i32
      "tpu.region"() ({
        %run_scoped3A_1494 = tpu.sem_alloc : memref<!tpu.dma_semaphore, #tpu.memory_space<semaphore_mem>>
        %dma_start3A = arith.constant 0 : i32
        %dma_start3A_1495 = tpu.memref_slice %arg6[%run_scoped3A_1487, %dma_start3A] : memref<8x128xi32, #tpu.memory_space<vmem>> -> memref<1x128xi32, #tpu.memory_space<vmem>>
        %dma_start3A_1496 = tpu.memref_squeeze %dma_start3A_1495 : memref<1x128xi32, #tpu.memory_space<vmem>> -> memref<128xi32, #tpu.memory_space<vmem>>
        %dma_start3A_1497 = arith.constant 0 : i32
        %dma_start3A_1498 = tpu.memref_slice %arg9[%dma_start3A_1497] : memref<500480xf32, #tpu.memory_space<vmem_shared>> -> memref<500480xf32, #tpu.memory_space<vmem_shared>>
        tpu.enqueue_indirect_dma source(%arg7 : memref<128xf32, #tpu.memory_space<vmem>>) target(%dma_start3A_1498 : memref<500480xf32, #tpu.memory_space<vmem_shared>>) offsets(%dma_start3A_1496 : memref<128xi32, #tpu.memory_space<vmem>>) semaphore(%run_scoped3A_1494 : memref<!tpu.dma_semaphore, #tpu.memory_space<semaphore_mem>>) {add = true}
        %dma_wait3A = arith.constant 0 : i32
        %dma_wait3A_1499 = tpu.memref_slice %arg6[%run_scoped3A_1487, %dma_wait3A] : memref<8x128xi32, #tpu.memory_space<vmem>> -> memref<1x128xi32, #tpu.memory_space<vmem>>
        %dma_wait3A_1500 = tpu.memref_squeeze %dma_wait3A_1499 : memref<1x128xi32, #tpu.memory_space<vmem>> -> memref<128xi32, #tpu.memory_space<vmem>>
        %dma_wait3A_1501 = arith.constant 0 : i32
        %dma_wait3A_1502 = tpu.memref_slice %arg9[%dma_wait3A_1501] : memref<500480xf32, #tpu.memory_space<vmem_shared>> -> memref<500480xf32, #tpu.memory_space<vmem_shared>>
        tpu.wait_indirect_dma semaphore(%run_scoped3A_1494 : memref<!tpu.dma_semaphore, #tpu.memory_space<semaphore_mem>>) src(%arg7 : memref<128xf32, #tpu.memory_space<vmem>>) dst(%dma_wait3A_1502 : memref<500480xf32, #tpu.memory_space<vmem_shared>>)
        tpu.yield
      }) : () -> ()
      %run_scoped3A_1488 = arith.constant 2 : i32
      "tpu.region"() ({
        %run_scoped3A_1494 = tpu.sem_alloc : memref<!tpu.dma_semaphore, #tpu.memory_space<semaphore_mem>>
        %dma_start3A = arith.constant 0 : i32
        %dma_start3A_1495 = tpu.memref_slice %arg6[%run_scoped3A_1488, %dma_start3A] : memref<8x128xi32, #tpu.memory_space<vmem>> -> memref<1x128xi32, #tpu.memory_space<vmem>>
        %dma_start3A_1496 = tpu.memref_squeeze %dma_start3A_1495 : memref<1x128xi32, #tpu.memory_space<vmem>> -> memref<128xi32, #tpu.memory_space<vmem>>
        %dma_start3A_1497 = arith.constant 0 : i32
        %dma_start3A_1498 = tpu.memref_slice %arg9[%dma_start3A_1497] : memref<500480xf32, #tpu.memory_space<vmem_shared>> -> memref<500480xf32, #tpu.memory_space<vmem_shared>>
        tpu.enqueue_indirect_dma source(%arg7 : memref<128xf32, #tpu.memory_space<vmem>>) target(%dma_start3A_1498 : memref<500480xf32, #tpu.memory_space<vmem_shared>>) offsets(%dma_start3A_1496 : memref<128xi32, #tpu.memory_space<vmem>>) semaphore(%run_scoped3A_1494 : memref<!tpu.dma_semaphore, #tpu.memory_space<semaphore_mem>>) {add = true}
        %dma_wait3A = arith.constant 0 : i32
        %dma_wait3A_1499 = tpu.memref_slice %arg6[%run_scoped3A_1488, %dma_wait3A] : memref<8x128xi32, #tpu.memory_space<vmem>> -> memref<1x128xi32, #tpu.memory_space<vmem>>
        %dma_wait3A_1500 = tpu.memref_squeeze %dma_wait3A_1499 : memref<1x128xi32, #tpu.memory_space<vmem>> -> memref<128xi32, #tpu.memory_space<vmem>>
        %dma_wait3A_1501 = arith.constant 0 : i32
        %dma_wait3A_1502 = tpu.memref_slice %arg9[%dma_wait3A_1501] : memref<500480xf32, #tpu.memory_space<vmem_shared>> -> memref<500480xf32, #tpu.memory_space<vmem_shared>>
        tpu.wait_indirect_dma semaphore(%run_scoped3A_1494 : memref<!tpu.dma_semaphore, #tpu.memory_space<semaphore_mem>>) src(%arg7 : memref<128xf32, #tpu.memory_space<vmem>>) dst(%dma_wait3A_1502 : memref<500480xf32, #tpu.memory_space<vmem_shared>>)
        tpu.yield
      }) : () -> ()
      %run_scoped3A_1489 = arith.constant 3 : i32
      "tpu.region"() ({
        %run_scoped3A_1494 = tpu.sem_alloc : memref<!tpu.dma_semaphore, #tpu.memory_space<semaphore_mem>>
        %dma_start3A = arith.constant 0 : i32
        %dma_start3A_1495 = tpu.memref_slice %arg6[%run_scoped3A_1489, %dma_start3A] : memref<8x128xi32, #tpu.memory_space<vmem>> -> memref<1x128xi32, #tpu.memory_space<vmem>>
        %dma_start3A_1496 = tpu.memref_squeeze %dma_start3A_1495 : memref<1x128xi32, #tpu.memory_space<vmem>> -> memref<128xi32, #tpu.memory_space<vmem>>
        %dma_start3A_1497 = arith.constant 0 : i32
        %dma_start3A_1498 = tpu.memref_slice %arg9[%dma_start3A_1497] : memref<500480xf32, #tpu.memory_space<vmem_shared>> -> memref<500480xf32, #tpu.memory_space<vmem_shared>>
        tpu.enqueue_indirect_dma source(%arg7 : memref<128xf32, #tpu.memory_space<vmem>>) target(%dma_start3A_1498 : memref<500480xf32, #tpu.memory_space<vmem_shared>>) offsets(%dma_start3A_1496 : memref<128xi32, #tpu.memory_space<vmem>>) semaphore(%run_scoped3A_1494 : memref<!tpu.dma_semaphore, #tpu.memory_space<semaphore_mem>>) {add = true}
        %dma_wait3A = arith.constant 0 : i32
        %dma_wait3A_1499 = tpu.memref_slice %arg6[%run_scoped3A_1489, %dma_wait3A] : memref<8x128xi32, #tpu.memory_space<vmem>> -> memref<1x128xi32, #tpu.memory_space<vmem>>
        %dma_wait3A_1500 = tpu.memref_squeeze %dma_wait3A_1499 : memref<1x128xi32, #tpu.memory_space<vmem>> -> memref<128xi32, #tpu.memory_space<vmem>>
        %dma_wait3A_1501 = arith.constant 0 : i32
        %dma_wait3A_1502 = tpu.memref_slice %arg9[%dma_wait3A_1501] : memref<500480xf32, #tpu.memory_space<vmem_shared>> -> memref<500480xf32, #tpu.memory_space<vmem_shared>>
        tpu.wait_indirect_dma semaphore(%run_scoped3A_1494 : memref<!tpu.dma_semaphore, #tpu.memory_space<semaphore_mem>>) src(%arg7 : memref<128xf32, #tpu.memory_space<vmem>>) dst(%dma_wait3A_1502 : memref<500480xf32, #tpu.memory_space<vmem_shared>>)
        tpu.yield
      }) : () -> ()
      %run_scoped3A_1490 = arith.constant 4 : i32
      "tpu.region"() ({
        %run_scoped3A_1494 = tpu.sem_alloc : memref<!tpu.dma_semaphore, #tpu.memory_space<semaphore_mem>>
        %dma_start3A = arith.constant 0 : i32
        %dma_start3A_1495 = tpu.memref_slice %arg6[%run_scoped3A_1490, %dma_start3A] : memref<8x128xi32, #tpu.memory_space<vmem>> -> memref<1x128xi32, #tpu.memory_space<vmem>>
        %dma_start3A_1496 = tpu.memref_squeeze %dma_start3A_1495 : memref<1x128xi32, #tpu.memory_space<vmem>> -> memref<128xi32, #tpu.memory_space<vmem>>
        %dma_start3A_1497 = arith.constant 0 : i32
        %dma_start3A_1498 = tpu.memref_slice %arg9[%dma_start3A_1497] : memref<500480xf32, #tpu.memory_space<vmem_shared>> -> memref<500480xf32, #tpu.memory_space<vmem_shared>>
        tpu.enqueue_indirect_dma source(%arg7 : memref<128xf32, #tpu.memory_space<vmem>>) target(%dma_start3A_1498 : memref<500480xf32, #tpu.memory_space<vmem_shared>>) offsets(%dma_start3A_1496 : memref<128xi32, #tpu.memory_space<vmem>>) semaphore(%run_scoped3A_1494 : memref<!tpu.dma_semaphore, #tpu.memory_space<semaphore_mem>>) {add = true}
        %dma_wait3A = arith.constant 0 : i32
        %dma_wait3A_1499 = tpu.memref_slice %arg6[%run_scoped3A_1490, %dma_wait3A] : memref<8x128xi32, #tpu.memory_space<vmem>> -> memref<1x128xi32, #tpu.memory_space<vmem>>
        %dma_wait3A_1500 = tpu.memref_squeeze %dma_wait3A_1499 : memref<1x128xi32, #tpu.memory_space<vmem>> -> memref<128xi32, #tpu.memory_space<vmem>>
        %dma_wait3A_1501 = arith.constant 0 : i32
        %dma_wait3A_1502 = tpu.memref_slice %arg9[%dma_wait3A_1501] : memref<500480xf32, #tpu.memory_space<vmem_shared>> -> memref<500480xf32, #tpu.memory_space<vmem_shared>>
        tpu.wait_indirect_dma semaphore(%run_scoped3A_1494 : memref<!tpu.dma_semaphore, #tpu.memory_space<semaphore_mem>>) src(%arg7 : memref<128xf32, #tpu.memory_space<vmem>>) dst(%dma_wait3A_1502 : memref<500480xf32, #tpu.memory_space<vmem_shared>>)
        tpu.yield
      }) : () -> ()
      %run_scoped3A_1491 = arith.constant 5 : i32
      "tpu.region"() ({
        %run_scoped3A_1494 = tpu.sem_alloc : memref<!tpu.dma_semaphore, #tpu.memory_space<semaphore_mem>>
        %dma_start3A = arith.constant 0 : i32
        %dma_start3A_1495 = tpu.memref_slice %arg6[%run_scoped3A_1491, %dma_start3A] : memref<8x128xi32, #tpu.memory_space<vmem>> -> memref<1x128xi32, #tpu.memory_space<vmem>>
        %dma_start3A_1496 = tpu.memref_squeeze %dma_start3A_1495 : memref<1x128xi32, #tpu.memory_space<vmem>> -> memref<128xi32, #tpu.memory_space<vmem>>
        %dma_start3A_1497 = arith.constant 0 : i32
        %dma_start3A_1498 = tpu.memref_slice %arg9[%dma_start3A_1497] : memref<500480xf32, #tpu.memory_space<vmem_shared>> -> memref<500480xf32, #tpu.memory_space<vmem_shared>>
        tpu.enqueue_indirect_dma source(%arg7 : memref<128xf32, #tpu.memory_space<vmem>>) target(%dma_start3A_1498 : memref<500480xf32, #tpu.memory_space<vmem_shared>>) offsets(%dma_start3A_1496 : memref<128xi32, #tpu.memory_space<vmem>>) semaphore(%run_scoped3A_1494 : memref<!tpu.dma_semaphore, #tpu.memory_space<semaphore_mem>>) {add = true}
        %dma_wait3A = arith.constant 0 : i32
        %dma_wait3A_1499 = tpu.memref_slice %arg6[%run_scoped3A_1491, %dma_wait3A] : memref<8x128xi32, #tpu.memory_space<vmem>> -> memref<1x128xi32, #tpu.memory_space<vmem>>
        %dma_wait3A_1500 = tpu.memref_squeeze %dma_wait3A_1499 : memref<1x128xi32, #tpu.memory_space<vmem>> -> memref<128xi32, #tpu.memory_space<vmem>>
        %dma_wait3A_1501 = arith.constant 0 : i32
        %dma_wait3A_1502 = tpu.memref_slice %arg9[%dma_wait3A_1501] : memref<500480xf32, #tpu.memory_space<vmem_shared>> -> memref<500480xf32, #tpu.memory_space<vmem_shared>>
        tpu.wait_indirect_dma semaphore(%run_scoped3A_1494 : memref<!tpu.dma_semaphore, #tpu.memory_space<semaphore_mem>>) src(%arg7 : memref<128xf32, #tpu.memory_space<vmem>>) dst(%dma_wait3A_1502 : memref<500480xf32, #tpu.memory_space<vmem_shared>>)
        tpu.yield
      }) : () -> ()
      %run_scoped3A_1492 = arith.constant 6 : i32
      "tpu.region"() ({
        %run_scoped3A_1494 = tpu.sem_alloc : memref<!tpu.dma_semaphore, #tpu.memory_space<semaphore_mem>>
        %dma_start3A = arith.constant 0 : i32
        %dma_start3A_1495 = tpu.memref_slice %arg6[%run_scoped3A_1492, %dma_start3A] : memref<8x128xi32, #tpu.memory_space<vmem>> -> memref<1x128xi32, #tpu.memory_space<vmem>>
        %dma_start3A_1496 = tpu.memref_squeeze %dma_start3A_1495 : memref<1x128xi32, #tpu.memory_space<vmem>> -> memref<128xi32, #tpu.memory_space<vmem>>
        %dma_start3A_1497 = arith.constant 0 : i32
        %dma_start3A_1498 = tpu.memref_slice %arg9[%dma_start3A_1497] : memref<500480xf32, #tpu.memory_space<vmem_shared>> -> memref<500480xf32, #tpu.memory_space<vmem_shared>>
        tpu.enqueue_indirect_dma source(%arg7 : memref<128xf32, #tpu.memory_space<vmem>>) target(%dma_start3A_1498 : memref<500480xf32, #tpu.memory_space<vmem_shared>>) offsets(%dma_start3A_1496 : memref<128xi32, #tpu.memory_space<vmem>>) semaphore(%run_scoped3A_1494 : memref<!tpu.dma_semaphore, #tpu.memory_space<semaphore_mem>>) {add = true}
        %dma_wait3A = arith.constant 0 : i32
        %dma_wait3A_1499 = tpu.memref_slice %arg6[%run_scoped3A_1492, %dma_wait3A] : memref<8x128xi32, #tpu.memory_space<vmem>> -> memref<1x128xi32, #tpu.memory_space<vmem>>
        %dma_wait3A_1500 = tpu.memref_squeeze %dma_wait3A_1499 : memref<1x128xi32, #tpu.memory_space<vmem>> -> memref<128xi32, #tpu.memory_space<vmem>>
        %dma_wait3A_1501 = arith.constant 0 : i32
        %dma_wait3A_1502 = tpu.memref_slice %arg9[%dma_wait3A_1501] : memref<500480xf32, #tpu.memory_space<vmem_shared>> -> memref<500480xf32, #tpu.memory_space<vmem_shared>>
        tpu.wait_indirect_dma semaphore(%run_scoped3A_1494 : memref<!tpu.dma_semaphore, #tpu.memory_space<semaphore_mem>>) src(%arg7 : memref<128xf32, #tpu.memory_space<vmem>>) dst(%dma_wait3A_1502 : memref<500480xf32, #tpu.memory_space<vmem_shared>>)
        tpu.yield
      }) : () -> ()
      %run_scoped3A_1493 = arith.constant 7 : i32
      "tpu.region"() ({
        %run_scoped3A_1494 = tpu.sem_alloc : memref<!tpu.dma_semaphore, #tpu.memory_space<semaphore_mem>>
        %dma_start3A = arith.constant 0 : i32
        %dma_start3A_1495 = tpu.memref_slice %arg6[%run_scoped3A_1493, %dma_start3A] : memref<8x128xi32, #tpu.memory_space<vmem>> -> memref<1x128xi32, #tpu.memory_space<vmem>>
        %dma_start3A_1496 = tpu.memref_squeeze %dma_start3A_1495 : memref<1x128xi32, #tpu.memory_space<vmem>> -> memref<128xi32, #tpu.memory_space<vmem>>
        %dma_start3A_1497 = arith.constant 0 : i32
        %dma_start3A_1498 = tpu.memref_slice %arg9[%dma_start3A_1497] : memref<500480xf32, #tpu.memory_space<vmem_shared>> -> memref<500480xf32, #tpu.memory_space<vmem_shared>>
        tpu.enqueue_indirect_dma source(%arg7 : memref<128xf32, #tpu.memory_space<vmem>>) target(%dma_start3A_1498 : memref<500480xf32, #tpu.memory_space<vmem_shared>>) offsets(%dma_start3A_1496 : memref<128xi32, #tpu.memory_space<vmem>>) semaphore(%run_scoped3A_1494 : memref<!tpu.dma_semaphore, #tpu.memory_space<semaphore_mem>>) {add = true}
        %dma_wait3A = arith.constant 0 : i32
        %dma_wait3A_1499 = tpu.memref_slice %arg6[%run_scoped3A_1493, %dma_wait3A] : memref<8x128xi32, #tpu.memory_space<vmem>> -> memref<1x128xi32, #tpu.memory_space<vmem>>
        %dma_wait3A_1500 = tpu.memref_squeeze %dma_wait3A_1499 : memref<1x128xi32, #tpu.memory_space<vmem>> -> memref<128xi32, #tpu.memory_space<vmem>>
        %dma_wait3A_1501 = arith.constant 0 : i32
        %dma_wait3A_1502 = tpu.memref_slice %arg9[%dma_wait3A_1501] : memref<500480xf32, #tpu.memory_space<vmem_shared>> -> memref<500480xf32, #tpu.memory_space<vmem_shared>>
        tpu.wait_indirect_dma semaphore(%run_scoped3A_1494 : memref<!tpu.dma_semaphore, #tpu.memory_space<semaphore_mem>>) src(%arg7 : memref<128xf32, #tpu.memory_space<vmem>>) dst(%dma_wait3A_1502 : memref<500480xf32, #tpu.memory_space<vmem_shared>>)
        tpu.yield
      }) : () -> ()
    } else {
    }
    %barrier3A_1406 = arith.constant 0 : index
    tpu.barrier barrier_id(%barrier3A_1406)
    %eq3A_1407 = arith.constant 4 : i32
    %eq3A_1408 = arith.cmpi eq, %arg1, %eq3A_1407 : i32
    %convert_element_type3A_1409 = arith.extui %eq3A_1408 : i1 to i32
    %cond3A_1410 = arith.constant 0 : i32
    %cond3A_1411 = arith.cmpi ne, %convert_element_type3A_1409, %cond3A_1410 : i32
    scf.if %cond3A_1411 {
      %run_scoped3A = arith.constant 0 : i32
      "tpu.region"() ({
        %run_scoped3A_1494 = tpu.sem_alloc : memref<!tpu.dma_semaphore, #tpu.memory_space<semaphore_mem>>
        %dma_start3A = arith.constant 0 : i32
        %dma_start3A_1495 = tpu.memref_slice %arg6[%run_scoped3A, %dma_start3A] : memref<8x128xi32, #tpu.memory_space<vmem>> -> memref<1x128xi32, #tpu.memory_space<vmem>>
        %dma_start3A_1496 = tpu.memref_squeeze %dma_start3A_1495 : memref<1x128xi32, #tpu.memory_space<vmem>> -> memref<128xi32, #tpu.memory_space<vmem>>
        %dma_start3A_1497 = arith.constant 0 : i32
        %dma_start3A_1498 = tpu.memref_slice %arg9[%dma_start3A_1497] : memref<500480xf32, #tpu.memory_space<vmem_shared>> -> memref<500480xf32, #tpu.memory_space<vmem_shared>>
        tpu.enqueue_indirect_dma source(%arg7 : memref<128xf32, #tpu.memory_space<vmem>>) target(%dma_start3A_1498 : memref<500480xf32, #tpu.memory_space<vmem_shared>>) offsets(%dma_start3A_1496 : memref<128xi32, #tpu.memory_space<vmem>>) semaphore(%run_scoped3A_1494 : memref<!tpu.dma_semaphore, #tpu.memory_space<semaphore_mem>>) {add = true}
        %dma_wait3A = arith.constant 0 : i32
        %dma_wait3A_1499 = tpu.memref_slice %arg6[%run_scoped3A, %dma_wait3A] : memref<8x128xi32, #tpu.memory_space<vmem>> -> memref<1x128xi32, #tpu.memory_space<vmem>>
        %dma_wait3A_1500 = tpu.memref_squeeze %dma_wait3A_1499 : memref<1x128xi32, #tpu.memory_space<vmem>> -> memref<128xi32, #tpu.memory_space<vmem>>
        %dma_wait3A_1501 = arith.constant 0 : i32
        %dma_wait3A_1502 = tpu.memref_slice %arg9[%dma_wait3A_1501] : memref<500480xf32, #tpu.memory_space<vmem_shared>> -> memref<500480xf32, #tpu.memory_space<vmem_shared>>
        tpu.wait_indirect_dma semaphore(%run_scoped3A_1494 : memref<!tpu.dma_semaphore, #tpu.memory_space<semaphore_mem>>) src(%arg7 : memref<128xf32, #tpu.memory_space<vmem>>) dst(%dma_wait3A_1502 : memref<500480xf32, #tpu.memory_space<vmem_shared>>)
        tpu.yield
      }) : () -> ()
      %run_scoped3A_1487 = arith.constant 1 : i32
      "tpu.region"() ({
        %run_scoped3A_1494 = tpu.sem_alloc : memref<!tpu.dma_semaphore, #tpu.memory_space<semaphore_mem>>
        %dma_start3A = arith.constant 0 : i32
        %dma_start3A_1495 = tpu.memref_slice %arg6[%run_scoped3A_1487, %dma_start3A] : memref<8x128xi32, #tpu.memory_space<vmem>> -> memref<1x128xi32, #tpu.memory_space<vmem>>
        %dma_start3A_1496 = tpu.memref_squeeze %dma_start3A_1495 : memref<1x128xi32, #tpu.memory_space<vmem>> -> memref<128xi32, #tpu.memory_space<vmem>>
        %dma_start3A_1497 = arith.constant 0 : i32
        %dma_start3A_1498 = tpu.memref_slice %arg9[%dma_start3A_1497] : memref<500480xf32, #tpu.memory_space<vmem_shared>> -> memref<500480xf32, #tpu.memory_space<vmem_shared>>
        tpu.enqueue_indirect_dma source(%arg7 : memref<128xf32, #tpu.memory_space<vmem>>) target(%dma_start3A_1498 : memref<500480xf32, #tpu.memory_space<vmem_shared>>) offsets(%dma_start3A_1496 : memref<128xi32, #tpu.memory_space<vmem>>) semaphore(%run_scoped3A_1494 : memref<!tpu.dma_semaphore, #tpu.memory_space<semaphore_mem>>) {add = true}
        %dma_wait3A = arith.constant 0 : i32
        %dma_wait3A_1499 = tpu.memref_slice %arg6[%run_scoped3A_1487, %dma_wait3A] : memref<8x128xi32, #tpu.memory_space<vmem>> -> memref<1x128xi32, #tpu.memory_space<vmem>>
        %dma_wait3A_1500 = tpu.memref_squeeze %dma_wait3A_1499 : memref<1x128xi32, #tpu.memory_space<vmem>> -> memref<128xi32, #tpu.memory_space<vmem>>
        %dma_wait3A_1501 = arith.constant 0 : i32
        %dma_wait3A_1502 = tpu.memref_slice %arg9[%dma_wait3A_1501] : memref<500480xf32, #tpu.memory_space<vmem_shared>> -> memref<500480xf32, #tpu.memory_space<vmem_shared>>
        tpu.wait_indirect_dma semaphore(%run_scoped3A_1494 : memref<!tpu.dma_semaphore, #tpu.memory_space<semaphore_mem>>) src(%arg7 : memref<128xf32, #tpu.memory_space<vmem>>) dst(%dma_wait3A_1502 : memref<500480xf32, #tpu.memory_space<vmem_shared>>)
        tpu.yield
      }) : () -> ()
      %run_scoped3A_1488 = arith.constant 2 : i32
      "tpu.region"() ({
        %run_scoped3A_1494 = tpu.sem_alloc : memref<!tpu.dma_semaphore, #tpu.memory_space<semaphore_mem>>
        %dma_start3A = arith.constant 0 : i32
        %dma_start3A_1495 = tpu.memref_slice %arg6[%run_scoped3A_1488, %dma_start3A] : memref<8x128xi32, #tpu.memory_space<vmem>> -> memref<1x128xi32, #tpu.memory_space<vmem>>
        %dma_start3A_1496 = tpu.memref_squeeze %dma_start3A_1495 : memref<1x128xi32, #tpu.memory_space<vmem>> -> memref<128xi32, #tpu.memory_space<vmem>>
        %dma_start3A_1497 = arith.constant 0 : i32
        %dma_start3A_1498 = tpu.memref_slice %arg9[%dma_start3A_1497] : memref<500480xf32, #tpu.memory_space<vmem_shared>> -> memref<500480xf32, #tpu.memory_space<vmem_shared>>
        tpu.enqueue_indirect_dma source(%arg7 : memref<128xf32, #tpu.memory_space<vmem>>) target(%dma_start3A_1498 : memref<500480xf32, #tpu.memory_space<vmem_shared>>) offsets(%dma_start3A_1496 : memref<128xi32, #tpu.memory_space<vmem>>) semaphore(%run_scoped3A_1494 : memref<!tpu.dma_semaphore, #tpu.memory_space<semaphore_mem>>) {add = true}
        %dma_wait3A = arith.constant 0 : i32
        %dma_wait3A_1499 = tpu.memref_slice %arg6[%run_scoped3A_1488, %dma_wait3A] : memref<8x128xi32, #tpu.memory_space<vmem>> -> memref<1x128xi32, #tpu.memory_space<vmem>>
        %dma_wait3A_1500 = tpu.memref_squeeze %dma_wait3A_1499 : memref<1x128xi32, #tpu.memory_space<vmem>> -> memref<128xi32, #tpu.memory_space<vmem>>
        %dma_wait3A_1501 = arith.constant 0 : i32
        %dma_wait3A_1502 = tpu.memref_slice %arg9[%dma_wait3A_1501] : memref<500480xf32, #tpu.memory_space<vmem_shared>> -> memref<500480xf32, #tpu.memory_space<vmem_shared>>
        tpu.wait_indirect_dma semaphore(%run_scoped3A_1494 : memref<!tpu.dma_semaphore, #tpu.memory_space<semaphore_mem>>) src(%arg7 : memref<128xf32, #tpu.memory_space<vmem>>) dst(%dma_wait3A_1502 : memref<500480xf32, #tpu.memory_space<vmem_shared>>)
        tpu.yield
      }) : () -> ()
      %run_scoped3A_1489 = arith.constant 3 : i32
      "tpu.region"() ({
        %run_scoped3A_1494 = tpu.sem_alloc : memref<!tpu.dma_semaphore, #tpu.memory_space<semaphore_mem>>
        %dma_start3A = arith.constant 0 : i32
        %dma_start3A_1495 = tpu.memref_slice %arg6[%run_scoped3A_1489, %dma_start3A] : memref<8x128xi32, #tpu.memory_space<vmem>> -> memref<1x128xi32, #tpu.memory_space<vmem>>
        %dma_start3A_1496 = tpu.memref_squeeze %dma_start3A_1495 : memref<1x128xi32, #tpu.memory_space<vmem>> -> memref<128xi32, #tpu.memory_space<vmem>>
        %dma_start3A_1497 = arith.constant 0 : i32
        %dma_start3A_1498 = tpu.memref_slice %arg9[%dma_start3A_1497] : memref<500480xf32, #tpu.memory_space<vmem_shared>> -> memref<500480xf32, #tpu.memory_space<vmem_shared>>
        tpu.enqueue_indirect_dma source(%arg7 : memref<128xf32, #tpu.memory_space<vmem>>) target(%dma_start3A_1498 : memref<500480xf32, #tpu.memory_space<vmem_shared>>) offsets(%dma_start3A_1496 : memref<128xi32, #tpu.memory_space<vmem>>) semaphore(%run_scoped3A_1494 : memref<!tpu.dma_semaphore, #tpu.memory_space<semaphore_mem>>) {add = true}
        %dma_wait3A = arith.constant 0 : i32
        %dma_wait3A_1499 = tpu.memref_slice %arg6[%run_scoped3A_1489, %dma_wait3A] : memref<8x128xi32, #tpu.memory_space<vmem>> -> memref<1x128xi32, #tpu.memory_space<vmem>>
        %dma_wait3A_1500 = tpu.memref_squeeze %dma_wait3A_1499 : memref<1x128xi32, #tpu.memory_space<vmem>> -> memref<128xi32, #tpu.memory_space<vmem>>
        %dma_wait3A_1501 = arith.constant 0 : i32
        %dma_wait3A_1502 = tpu.memref_slice %arg9[%dma_wait3A_1501] : memref<500480xf32, #tpu.memory_space<vmem_shared>> -> memref<500480xf32, #tpu.memory_space<vmem_shared>>
        tpu.wait_indirect_dma semaphore(%run_scoped3A_1494 : memref<!tpu.dma_semaphore, #tpu.memory_space<semaphore_mem>>) src(%arg7 : memref<128xf32, #tpu.memory_space<vmem>>) dst(%dma_wait3A_1502 : memref<500480xf32, #tpu.memory_space<vmem_shared>>)
        tpu.yield
      }) : () -> ()
      %run_scoped3A_1490 = arith.constant 4 : i32
      "tpu.region"() ({
        %run_scoped3A_1494 = tpu.sem_alloc : memref<!tpu.dma_semaphore, #tpu.memory_space<semaphore_mem>>
        %dma_start3A = arith.constant 0 : i32
        %dma_start3A_1495 = tpu.memref_slice %arg6[%run_scoped3A_1490, %dma_start3A] : memref<8x128xi32, #tpu.memory_space<vmem>> -> memref<1x128xi32, #tpu.memory_space<vmem>>
        %dma_start3A_1496 = tpu.memref_squeeze %dma_start3A_1495 : memref<1x128xi32, #tpu.memory_space<vmem>> -> memref<128xi32, #tpu.memory_space<vmem>>
        %dma_start3A_1497 = arith.constant 0 : i32
        %dma_start3A_1498 = tpu.memref_slice %arg9[%dma_start3A_1497] : memref<500480xf32, #tpu.memory_space<vmem_shared>> -> memref<500480xf32, #tpu.memory_space<vmem_shared>>
        tpu.enqueue_indirect_dma source(%arg7 : memref<128xf32, #tpu.memory_space<vmem>>) target(%dma_start3A_1498 : memref<500480xf32, #tpu.memory_space<vmem_shared>>) offsets(%dma_start3A_1496 : memref<128xi32, #tpu.memory_space<vmem>>) semaphore(%run_scoped3A_1494 : memref<!tpu.dma_semaphore, #tpu.memory_space<semaphore_mem>>) {add = true}
        %dma_wait3A = arith.constant 0 : i32
        %dma_wait3A_1499 = tpu.memref_slice %arg6[%run_scoped3A_1490, %dma_wait3A] : memref<8x128xi32, #tpu.memory_space<vmem>> -> memref<1x128xi32, #tpu.memory_space<vmem>>
        %dma_wait3A_1500 = tpu.memref_squeeze %dma_wait3A_1499 : memref<1x128xi32, #tpu.memory_space<vmem>> -> memref<128xi32, #tpu.memory_space<vmem>>
        %dma_wait3A_1501 = arith.constant 0 : i32
        %dma_wait3A_1502 = tpu.memref_slice %arg9[%dma_wait3A_1501] : memref<500480xf32, #tpu.memory_space<vmem_shared>> -> memref<500480xf32, #tpu.memory_space<vmem_shared>>
        tpu.wait_indirect_dma semaphore(%run_scoped3A_1494 : memref<!tpu.dma_semaphore, #tpu.memory_space<semaphore_mem>>) src(%arg7 : memref<128xf32, #tpu.memory_space<vmem>>) dst(%dma_wait3A_1502 : memref<500480xf32, #tpu.memory_space<vmem_shared>>)
        tpu.yield
      }) : () -> ()
      %run_scoped3A_1491 = arith.constant 5 : i32
      "tpu.region"() ({
        %run_scoped3A_1494 = tpu.sem_alloc : memref<!tpu.dma_semaphore, #tpu.memory_space<semaphore_mem>>
        %dma_start3A = arith.constant 0 : i32
        %dma_start3A_1495 = tpu.memref_slice %arg6[%run_scoped3A_1491, %dma_start3A] : memref<8x128xi32, #tpu.memory_space<vmem>> -> memref<1x128xi32, #tpu.memory_space<vmem>>
        %dma_start3A_1496 = tpu.memref_squeeze %dma_start3A_1495 : memref<1x128xi32, #tpu.memory_space<vmem>> -> memref<128xi32, #tpu.memory_space<vmem>>
        %dma_start3A_1497 = arith.constant 0 : i32
        %dma_start3A_1498 = tpu.memref_slice %arg9[%dma_start3A_1497] : memref<500480xf32, #tpu.memory_space<vmem_shared>> -> memref<500480xf32, #tpu.memory_space<vmem_shared>>
        tpu.enqueue_indirect_dma source(%arg7 : memref<128xf32, #tpu.memory_space<vmem>>) target(%dma_start3A_1498 : memref<500480xf32, #tpu.memory_space<vmem_shared>>) offsets(%dma_start3A_1496 : memref<128xi32, #tpu.memory_space<vmem>>) semaphore(%run_scoped3A_1494 : memref<!tpu.dma_semaphore, #tpu.memory_space<semaphore_mem>>) {add = true}
        %dma_wait3A = arith.constant 0 : i32
        %dma_wait3A_1499 = tpu.memref_slice %arg6[%run_scoped3A_1491, %dma_wait3A] : memref<8x128xi32, #tpu.memory_space<vmem>> -> memref<1x128xi32, #tpu.memory_space<vmem>>
        %dma_wait3A_1500 = tpu.memref_squeeze %dma_wait3A_1499 : memref<1x128xi32, #tpu.memory_space<vmem>> -> memref<128xi32, #tpu.memory_space<vmem>>
        %dma_wait3A_1501 = arith.constant 0 : i32
        %dma_wait3A_1502 = tpu.memref_slice %arg9[%dma_wait3A_1501] : memref<500480xf32, #tpu.memory_space<vmem_shared>> -> memref<500480xf32, #tpu.memory_space<vmem_shared>>
        tpu.wait_indirect_dma semaphore(%run_scoped3A_1494 : memref<!tpu.dma_semaphore, #tpu.memory_space<semaphore_mem>>) src(%arg7 : memref<128xf32, #tpu.memory_space<vmem>>) dst(%dma_wait3A_1502 : memref<500480xf32, #tpu.memory_space<vmem_shared>>)
        tpu.yield
      }) : () -> ()
      %run_scoped3A_1492 = arith.constant 6 : i32
      "tpu.region"() ({
        %run_scoped3A_1494 = tpu.sem_alloc : memref<!tpu.dma_semaphore, #tpu.memory_space<semaphore_mem>>
        %dma_start3A = arith.constant 0 : i32
        %dma_start3A_1495 = tpu.memref_slice %arg6[%run_scoped3A_1492, %dma_start3A] : memref<8x128xi32, #tpu.memory_space<vmem>> -> memref<1x128xi32, #tpu.memory_space<vmem>>
        %dma_start3A_1496 = tpu.memref_squeeze %dma_start3A_1495 : memref<1x128xi32, #tpu.memory_space<vmem>> -> memref<128xi32, #tpu.memory_space<vmem>>
        %dma_start3A_1497 = arith.constant 0 : i32
        %dma_start3A_1498 = tpu.memref_slice %arg9[%dma_start3A_1497] : memref<500480xf32, #tpu.memory_space<vmem_shared>> -> memref<500480xf32, #tpu.memory_space<vmem_shared>>
        tpu.enqueue_indirect_dma source(%arg7 : memref<128xf32, #tpu.memory_space<vmem>>) target(%dma_start3A_1498 : memref<500480xf32, #tpu.memory_space<vmem_shared>>) offsets(%dma_start3A_1496 : memref<128xi32, #tpu.memory_space<vmem>>) semaphore(%run_scoped3A_1494 : memref<!tpu.dma_semaphore, #tpu.memory_space<semaphore_mem>>) {add = true}
        %dma_wait3A = arith.constant 0 : i32
        %dma_wait3A_1499 = tpu.memref_slice %arg6[%run_scoped3A_1492, %dma_wait3A] : memref<8x128xi32, #tpu.memory_space<vmem>> -> memref<1x128xi32, #tpu.memory_space<vmem>>
        %dma_wait3A_1500 = tpu.memref_squeeze %dma_wait3A_1499 : memref<1x128xi32, #tpu.memory_space<vmem>> -> memref<128xi32, #tpu.memory_space<vmem>>
        %dma_wait3A_1501 = arith.constant 0 : i32
        %dma_wait3A_1502 = tpu.memref_slice %arg9[%dma_wait3A_1501] : memref<500480xf32, #tpu.memory_space<vmem_shared>> -> memref<500480xf32, #tpu.memory_space<vmem_shared>>
        tpu.wait_indirect_dma semaphore(%run_scoped3A_1494 : memref<!tpu.dma_semaphore, #tpu.memory_space<semaphore_mem>>) src(%arg7 : memref<128xf32, #tpu.memory_space<vmem>>) dst(%dma_wait3A_1502 : memref<500480xf32, #tpu.memory_space<vmem_shared>>)
        tpu.yield
      }) : () -> ()
      %run_scoped3A_1493 = arith.constant 7 : i32
      "tpu.region"() ({
        %run_scoped3A_1494 = tpu.sem_alloc : memref<!tpu.dma_semaphore, #tpu.memory_space<semaphore_mem>>
        %dma_start3A = arith.constant 0 : i32
        %dma_start3A_1495 = tpu.memref_slice %arg6[%run_scoped3A_1493, %dma_start3A] : memref<8x128xi32, #tpu.memory_space<vmem>> -> memref<1x128xi32, #tpu.memory_space<vmem>>
        %dma_start3A_1496 = tpu.memref_squeeze %dma_start3A_1495 : memref<1x128xi32, #tpu.memory_space<vmem>> -> memref<128xi32, #tpu.memory_space<vmem>>
        %dma_start3A_1497 = arith.constant 0 : i32
        %dma_start3A_1498 = tpu.memref_slice %arg9[%dma_start3A_1497] : memref<500480xf32, #tpu.memory_space<vmem_shared>> -> memref<500480xf32, #tpu.memory_space<vmem_shared>>
        tpu.enqueue_indirect_dma source(%arg7 : memref<128xf32, #tpu.memory_space<vmem>>) target(%dma_start3A_1498 : memref<500480xf32, #tpu.memory_space<vmem_shared>>) offsets(%dma_start3A_1496 : memref<128xi32, #tpu.memory_space<vmem>>) semaphore(%run_scoped3A_1494 : memref<!tpu.dma_semaphore, #tpu.memory_space<semaphore_mem>>) {add = true}
        %dma_wait3A = arith.constant 0 : i32
        %dma_wait3A_1499 = tpu.memref_slice %arg6[%run_scoped3A_1493, %dma_wait3A] : memref<8x128xi32, #tpu.memory_space<vmem>> -> memref<1x128xi32, #tpu.memory_space<vmem>>
        %dma_wait3A_1500 = tpu.memref_squeeze %dma_wait3A_1499 : memref<1x128xi32, #tpu.memory_space<vmem>> -> memref<128xi32, #tpu.memory_space<vmem>>
        %dma_wait3A_1501 = arith.constant 0 : i32
        %dma_wait3A_1502 = tpu.memref_slice %arg9[%dma_wait3A_1501] : memref<500480xf32, #tpu.memory_space<vmem_shared>> -> memref<500480xf32, #tpu.memory_space<vmem_shared>>
        tpu.wait_indirect_dma semaphore(%run_scoped3A_1494 : memref<!tpu.dma_semaphore, #tpu.memory_space<semaphore_mem>>) src(%arg7 : memref<128xf32, #tpu.memory_space<vmem>>) dst(%dma_wait3A_1502 : memref<500480xf32, #tpu.memory_space<vmem_shared>>)
        tpu.yield
      }) : () -> ()
    } else {
    }
    %barrier3A_1412 = arith.constant 0 : index
    tpu.barrier barrier_id(%barrier3A_1412)
    %eq3A_1413 = arith.constant 5 : i32
    %eq3A_1414 = arith.cmpi eq, %arg1, %eq3A_1413 : i32
    %convert_element_type3A_1415 = arith.extui %eq3A_1414 : i1 to i32
    %cond3A_1416 = arith.constant 0 : i32
    %cond3A_1417 = arith.cmpi ne, %convert_element_type3A_1415, %cond3A_1416 : i32
    scf.if %cond3A_1417 {
      %run_scoped3A = arith.constant 0 : i32
      "tpu.region"() ({
        %run_scoped3A_1494 = tpu.sem_alloc : memref<!tpu.dma_semaphore, #tpu.memory_space<semaphore_mem>>
        %dma_start3A = arith.constant 0 : i32
        %dma_start3A_1495 = tpu.memref_slice %arg6[%run_scoped3A, %dma_start3A] : memref<8x128xi32, #tpu.memory_space<vmem>> -> memref<1x128xi32, #tpu.memory_space<vmem>>
        %dma_start3A_1496 = tpu.memref_squeeze %dma_start3A_1495 : memref<1x128xi32, #tpu.memory_space<vmem>> -> memref<128xi32, #tpu.memory_space<vmem>>
        %dma_start3A_1497 = arith.constant 0 : i32
        %dma_start3A_1498 = tpu.memref_slice %arg9[%dma_start3A_1497] : memref<500480xf32, #tpu.memory_space<vmem_shared>> -> memref<500480xf32, #tpu.memory_space<vmem_shared>>
        tpu.enqueue_indirect_dma source(%arg7 : memref<128xf32, #tpu.memory_space<vmem>>) target(%dma_start3A_1498 : memref<500480xf32, #tpu.memory_space<vmem_shared>>) offsets(%dma_start3A_1496 : memref<128xi32, #tpu.memory_space<vmem>>) semaphore(%run_scoped3A_1494 : memref<!tpu.dma_semaphore, #tpu.memory_space<semaphore_mem>>) {add = true}
        %dma_wait3A = arith.constant 0 : i32
        %dma_wait3A_1499 = tpu.memref_slice %arg6[%run_scoped3A, %dma_wait3A] : memref<8x128xi32, #tpu.memory_space<vmem>> -> memref<1x128xi32, #tpu.memory_space<vmem>>
        %dma_wait3A_1500 = tpu.memref_squeeze %dma_wait3A_1499 : memref<1x128xi32, #tpu.memory_space<vmem>> -> memref<128xi32, #tpu.memory_space<vmem>>
        %dma_wait3A_1501 = arith.constant 0 : i32
        %dma_wait3A_1502 = tpu.memref_slice %arg9[%dma_wait3A_1501] : memref<500480xf32, #tpu.memory_space<vmem_shared>> -> memref<500480xf32, #tpu.memory_space<vmem_shared>>
        tpu.wait_indirect_dma semaphore(%run_scoped3A_1494 : memref<!tpu.dma_semaphore, #tpu.memory_space<semaphore_mem>>) src(%arg7 : memref<128xf32, #tpu.memory_space<vmem>>) dst(%dma_wait3A_1502 : memref<500480xf32, #tpu.memory_space<vmem_shared>>)
        tpu.yield
      }) : () -> ()
      %run_scoped3A_1487 = arith.constant 1 : i32
      "tpu.region"() ({
        %run_scoped3A_1494 = tpu.sem_alloc : memref<!tpu.dma_semaphore, #tpu.memory_space<semaphore_mem>>
        %dma_start3A = arith.constant 0 : i32
        %dma_start3A_1495 = tpu.memref_slice %arg6[%run_scoped3A_1487, %dma_start3A] : memref<8x128xi32, #tpu.memory_space<vmem>> -> memref<1x128xi32, #tpu.memory_space<vmem>>
        %dma_start3A_1496 = tpu.memref_squeeze %dma_start3A_1495 : memref<1x128xi32, #tpu.memory_space<vmem>> -> memref<128xi32, #tpu.memory_space<vmem>>
        %dma_start3A_1497 = arith.constant 0 : i32
        %dma_start3A_1498 = tpu.memref_slice %arg9[%dma_start3A_1497] : memref<500480xf32, #tpu.memory_space<vmem_shared>> -> memref<500480xf32, #tpu.memory_space<vmem_shared>>
        tpu.enqueue_indirect_dma source(%arg7 : memref<128xf32, #tpu.memory_space<vmem>>) target(%dma_start3A_1498 : memref<500480xf32, #tpu.memory_space<vmem_shared>>) offsets(%dma_start3A_1496 : memref<128xi32, #tpu.memory_space<vmem>>) semaphore(%run_scoped3A_1494 : memref<!tpu.dma_semaphore, #tpu.memory_space<semaphore_mem>>) {add = true}
        %dma_wait3A = arith.constant 0 : i32
        %dma_wait3A_1499 = tpu.memref_slice %arg6[%run_scoped3A_1487, %dma_wait3A] : memref<8x128xi32, #tpu.memory_space<vmem>> -> memref<1x128xi32, #tpu.memory_space<vmem>>
        %dma_wait3A_1500 = tpu.memref_squeeze %dma_wait3A_1499 : memref<1x128xi32, #tpu.memory_space<vmem>> -> memref<128xi32, #tpu.memory_space<vmem>>
        %dma_wait3A_1501 = arith.constant 0 : i32
        %dma_wait3A_1502 = tpu.memref_slice %arg9[%dma_wait3A_1501] : memref<500480xf32, #tpu.memory_space<vmem_shared>> -> memref<500480xf32, #tpu.memory_space<vmem_shared>>
        tpu.wait_indirect_dma semaphore(%run_scoped3A_1494 : memref<!tpu.dma_semaphore, #tpu.memory_space<semaphore_mem>>) src(%arg7 : memref<128xf32, #tpu.memory_space<vmem>>) dst(%dma_wait3A_1502 : memref<500480xf32, #tpu.memory_space<vmem_shared>>)
        tpu.yield
      }) : () -> ()
      %run_scoped3A_1488 = arith.constant 2 : i32
      "tpu.region"() ({
        %run_scoped3A_1494 = tpu.sem_alloc : memref<!tpu.dma_semaphore, #tpu.memory_space<semaphore_mem>>
        %dma_start3A = arith.constant 0 : i32
        %dma_start3A_1495 = tpu.memref_slice %arg6[%run_scoped3A_1488, %dma_start3A] : memref<8x128xi32, #tpu.memory_space<vmem>> -> memref<1x128xi32, #tpu.memory_space<vmem>>
        %dma_start3A_1496 = tpu.memref_squeeze %dma_start3A_1495 : memref<1x128xi32, #tpu.memory_space<vmem>> -> memref<128xi32, #tpu.memory_space<vmem>>
        %dma_start3A_1497 = arith.constant 0 : i32
        %dma_start3A_1498 = tpu.memref_slice %arg9[%dma_start3A_1497] : memref<500480xf32, #tpu.memory_space<vmem_shared>> -> memref<500480xf32, #tpu.memory_space<vmem_shared>>
        tpu.enqueue_indirect_dma source(%arg7 : memref<128xf32, #tpu.memory_space<vmem>>) target(%dma_start3A_1498 : memref<500480xf32, #tpu.memory_space<vmem_shared>>) offsets(%dma_start3A_1496 : memref<128xi32, #tpu.memory_space<vmem>>) semaphore(%run_scoped3A_1494 : memref<!tpu.dma_semaphore, #tpu.memory_space<semaphore_mem>>) {add = true}
        %dma_wait3A = arith.constant 0 : i32
        %dma_wait3A_1499 = tpu.memref_slice %arg6[%run_scoped3A_1488, %dma_wait3A] : memref<8x128xi32, #tpu.memory_space<vmem>> -> memref<1x128xi32, #tpu.memory_space<vmem>>
        %dma_wait3A_1500 = tpu.memref_squeeze %dma_wait3A_1499 : memref<1x128xi32, #tpu.memory_space<vmem>> -> memref<128xi32, #tpu.memory_space<vmem>>
        %dma_wait3A_1501 = arith.constant 0 : i32
        %dma_wait3A_1502 = tpu.memref_slice %arg9[%dma_wait3A_1501] : memref<500480xf32, #tpu.memory_space<vmem_shared>> -> memref<500480xf32, #tpu.memory_space<vmem_shared>>
        tpu.wait_indirect_dma semaphore(%run_scoped3A_1494 : memref<!tpu.dma_semaphore, #tpu.memory_space<semaphore_mem>>) src(%arg7 : memref<128xf32, #tpu.memory_space<vmem>>) dst(%dma_wait3A_1502 : memref<500480xf32, #tpu.memory_space<vmem_shared>>)
        tpu.yield
      }) : () -> ()
      %run_scoped3A_1489 = arith.constant 3 : i32
      "tpu.region"() ({
        %run_scoped3A_1494 = tpu.sem_alloc : memref<!tpu.dma_semaphore, #tpu.memory_space<semaphore_mem>>
        %dma_start3A = arith.constant 0 : i32
        %dma_start3A_1495 = tpu.memref_slice %arg6[%run_scoped3A_1489, %dma_start3A] : memref<8x128xi32, #tpu.memory_space<vmem>> -> memref<1x128xi32, #tpu.memory_space<vmem>>
        %dma_start3A_1496 = tpu.memref_squeeze %dma_start3A_1495 : memref<1x128xi32, #tpu.memory_space<vmem>> -> memref<128xi32, #tpu.memory_space<vmem>>
        %dma_start3A_1497 = arith.constant 0 : i32
        %dma_start3A_1498 = tpu.memref_slice %arg9[%dma_start3A_1497] : memref<500480xf32, #tpu.memory_space<vmem_shared>> -> memref<500480xf32, #tpu.memory_space<vmem_shared>>
        tpu.enqueue_indirect_dma source(%arg7 : memref<128xf32, #tpu.memory_space<vmem>>) target(%dma_start3A_1498 : memref<500480xf32, #tpu.memory_space<vmem_shared>>) offsets(%dma_start3A_1496 : memref<128xi32, #tpu.memory_space<vmem>>) semaphore(%run_scoped3A_1494 : memref<!tpu.dma_semaphore, #tpu.memory_space<semaphore_mem>>) {add = true}
        %dma_wait3A = arith.constant 0 : i32
        %dma_wait3A_1499 = tpu.memref_slice %arg6[%run_scoped3A_1489, %dma_wait3A] : memref<8x128xi32, #tpu.memory_space<vmem>> -> memref<1x128xi32, #tpu.memory_space<vmem>>
        %dma_wait3A_1500 = tpu.memref_squeeze %dma_wait3A_1499 : memref<1x128xi32, #tpu.memory_space<vmem>> -> memref<128xi32, #tpu.memory_space<vmem>>
        %dma_wait3A_1501 = arith.constant 0 : i32
        %dma_wait3A_1502 = tpu.memref_slice %arg9[%dma_wait3A_1501] : memref<500480xf32, #tpu.memory_space<vmem_shared>> -> memref<500480xf32, #tpu.memory_space<vmem_shared>>
        tpu.wait_indirect_dma semaphore(%run_scoped3A_1494 : memref<!tpu.dma_semaphore, #tpu.memory_space<semaphore_mem>>) src(%arg7 : memref<128xf32, #tpu.memory_space<vmem>>) dst(%dma_wait3A_1502 : memref<500480xf32, #tpu.memory_space<vmem_shared>>)
        tpu.yield
      }) : () -> ()
      %run_scoped3A_1490 = arith.constant 4 : i32
      "tpu.region"() ({
        %run_scoped3A_1494 = tpu.sem_alloc : memref<!tpu.dma_semaphore, #tpu.memory_space<semaphore_mem>>
        %dma_start3A = arith.constant 0 : i32
        %dma_start3A_1495 = tpu.memref_slice %arg6[%run_scoped3A_1490, %dma_start3A] : memref<8x128xi32, #tpu.memory_space<vmem>> -> memref<1x128xi32, #tpu.memory_space<vmem>>
        %dma_start3A_1496 = tpu.memref_squeeze %dma_start3A_1495 : memref<1x128xi32, #tpu.memory_space<vmem>> -> memref<128xi32, #tpu.memory_space<vmem>>
        %dma_start3A_1497 = arith.constant 0 : i32
        %dma_start3A_1498 = tpu.memref_slice %arg9[%dma_start3A_1497] : memref<500480xf32, #tpu.memory_space<vmem_shared>> -> memref<500480xf32, #tpu.memory_space<vmem_shared>>
        tpu.enqueue_indirect_dma source(%arg7 : memref<128xf32, #tpu.memory_space<vmem>>) target(%dma_start3A_1498 : memref<500480xf32, #tpu.memory_space<vmem_shared>>) offsets(%dma_start3A_1496 : memref<128xi32, #tpu.memory_space<vmem>>) semaphore(%run_scoped3A_1494 : memref<!tpu.dma_semaphore, #tpu.memory_space<semaphore_mem>>) {add = true}
        %dma_wait3A = arith.constant 0 : i32
        %dma_wait3A_1499 = tpu.memref_slice %arg6[%run_scoped3A_1490, %dma_wait3A] : memref<8x128xi32, #tpu.memory_space<vmem>> -> memref<1x128xi32, #tpu.memory_space<vmem>>
        %dma_wait3A_1500 = tpu.memref_squeeze %dma_wait3A_1499 : memref<1x128xi32, #tpu.memory_space<vmem>> -> memref<128xi32, #tpu.memory_space<vmem>>
        %dma_wait3A_1501 = arith.constant 0 : i32
        %dma_wait3A_1502 = tpu.memref_slice %arg9[%dma_wait3A_1501] : memref<500480xf32, #tpu.memory_space<vmem_shared>> -> memref<500480xf32, #tpu.memory_space<vmem_shared>>
        tpu.wait_indirect_dma semaphore(%run_scoped3A_1494 : memref<!tpu.dma_semaphore, #tpu.memory_space<semaphore_mem>>) src(%arg7 : memref<128xf32, #tpu.memory_space<vmem>>) dst(%dma_wait3A_1502 : memref<500480xf32, #tpu.memory_space<vmem_shared>>)
        tpu.yield
      }) : () -> ()
      %run_scoped3A_1491 = arith.constant 5 : i32
      "tpu.region"() ({
        %run_scoped3A_1494 = tpu.sem_alloc : memref<!tpu.dma_semaphore, #tpu.memory_space<semaphore_mem>>
        %dma_start3A = arith.constant 0 : i32
        %dma_start3A_1495 = tpu.memref_slice %arg6[%run_scoped3A_1491, %dma_start3A] : memref<8x128xi32, #tpu.memory_space<vmem>> -> memref<1x128xi32, #tpu.memory_space<vmem>>
        %dma_start3A_1496 = tpu.memref_squeeze %dma_start3A_1495 : memref<1x128xi32, #tpu.memory_space<vmem>> -> memref<128xi32, #tpu.memory_space<vmem>>
        %dma_start3A_1497 = arith.constant 0 : i32
        %dma_start3A_1498 = tpu.memref_slice %arg9[%dma_start3A_1497] : memref<500480xf32, #tpu.memory_space<vmem_shared>> -> memref<500480xf32, #tpu.memory_space<vmem_shared>>
        tpu.enqueue_indirect_dma source(%arg7 : memref<128xf32, #tpu.memory_space<vmem>>) target(%dma_start3A_1498 : memref<500480xf32, #tpu.memory_space<vmem_shared>>) offsets(%dma_start3A_1496 : memref<128xi32, #tpu.memory_space<vmem>>) semaphore(%run_scoped3A_1494 : memref<!tpu.dma_semaphore, #tpu.memory_space<semaphore_mem>>) {add = true}
        %dma_wait3A = arith.constant 0 : i32
        %dma_wait3A_1499 = tpu.memref_slice %arg6[%run_scoped3A_1491, %dma_wait3A] : memref<8x128xi32, #tpu.memory_space<vmem>> -> memref<1x128xi32, #tpu.memory_space<vmem>>
        %dma_wait3A_1500 = tpu.memref_squeeze %dma_wait3A_1499 : memref<1x128xi32, #tpu.memory_space<vmem>> -> memref<128xi32, #tpu.memory_space<vmem>>
        %dma_wait3A_1501 = arith.constant 0 : i32
        %dma_wait3A_1502 = tpu.memref_slice %arg9[%dma_wait3A_1501] : memref<500480xf32, #tpu.memory_space<vmem_shared>> -> memref<500480xf32, #tpu.memory_space<vmem_shared>>
        tpu.wait_indirect_dma semaphore(%run_scoped3A_1494 : memref<!tpu.dma_semaphore, #tpu.memory_space<semaphore_mem>>) src(%arg7 : memref<128xf32, #tpu.memory_space<vmem>>) dst(%dma_wait3A_1502 : memref<500480xf32, #tpu.memory_space<vmem_shared>>)
        tpu.yield
      }) : () -> ()
      %run_scoped3A_1492 = arith.constant 6 : i32
      "tpu.region"() ({
        %run_scoped3A_1494 = tpu.sem_alloc : memref<!tpu.dma_semaphore, #tpu.memory_space<semaphore_mem>>
        %dma_start3A = arith.constant 0 : i32
        %dma_start3A_1495 = tpu.memref_slice %arg6[%run_scoped3A_1492, %dma_start3A] : memref<8x128xi32, #tpu.memory_space<vmem>> -> memref<1x128xi32, #tpu.memory_space<vmem>>
        %dma_start3A_1496 = tpu.memref_squeeze %dma_start3A_1495 : memref<1x128xi32, #tpu.memory_space<vmem>> -> memref<128xi32, #tpu.memory_space<vmem>>
        %dma_start3A_1497 = arith.constant 0 : i32
        %dma_start3A_1498 = tpu.memref_slice %arg9[%dma_start3A_1497] : memref<500480xf32, #tpu.memory_space<vmem_shared>> -> memref<500480xf32, #tpu.memory_space<vmem_shared>>
        tpu.enqueue_indirect_dma source(%arg7 : memref<128xf32, #tpu.memory_space<vmem>>) target(%dma_start3A_1498 : memref<500480xf32, #tpu.memory_space<vmem_shared>>) offsets(%dma_start3A_1496 : memref<128xi32, #tpu.memory_space<vmem>>) semaphore(%run_scoped3A_1494 : memref<!tpu.dma_semaphore, #tpu.memory_space<semaphore_mem>>) {add = true}
        %dma_wait3A = arith.constant 0 : i32
        %dma_wait3A_1499 = tpu.memref_slice %arg6[%run_scoped3A_1492, %dma_wait3A] : memref<8x128xi32, #tpu.memory_space<vmem>> -> memref<1x128xi32, #tpu.memory_space<vmem>>
        %dma_wait3A_1500 = tpu.memref_squeeze %dma_wait3A_1499 : memref<1x128xi32, #tpu.memory_space<vmem>> -> memref<128xi32, #tpu.memory_space<vmem>>
        %dma_wait3A_1501 = arith.constant 0 : i32
        %dma_wait3A_1502 = tpu.memref_slice %arg9[%dma_wait3A_1501] : memref<500480xf32, #tpu.memory_space<vmem_shared>> -> memref<500480xf32, #tpu.memory_space<vmem_shared>>
        tpu.wait_indirect_dma semaphore(%run_scoped3A_1494 : memref<!tpu.dma_semaphore, #tpu.memory_space<semaphore_mem>>) src(%arg7 : memref<128xf32, #tpu.memory_space<vmem>>) dst(%dma_wait3A_1502 : memref<500480xf32, #tpu.memory_space<vmem_shared>>)
        tpu.yield
      }) : () -> ()
      %run_scoped3A_1493 = arith.constant 7 : i32
      "tpu.region"() ({
        %run_scoped3A_1494 = tpu.sem_alloc : memref<!tpu.dma_semaphore, #tpu.memory_space<semaphore_mem>>
        %dma_start3A = arith.constant 0 : i32
        %dma_start3A_1495 = tpu.memref_slice %arg6[%run_scoped3A_1493, %dma_start3A] : memref<8x128xi32, #tpu.memory_space<vmem>> -> memref<1x128xi32, #tpu.memory_space<vmem>>
        %dma_start3A_1496 = tpu.memref_squeeze %dma_start3A_1495 : memref<1x128xi32, #tpu.memory_space<vmem>> -> memref<128xi32, #tpu.memory_space<vmem>>
        %dma_start3A_1497 = arith.constant 0 : i32
        %dma_start3A_1498 = tpu.memref_slice %arg9[%dma_start3A_1497] : memref<500480xf32, #tpu.memory_space<vmem_shared>> -> memref<500480xf32, #tpu.memory_space<vmem_shared>>
        tpu.enqueue_indirect_dma source(%arg7 : memref<128xf32, #tpu.memory_space<vmem>>) target(%dma_start3A_1498 : memref<500480xf32, #tpu.memory_space<vmem_shared>>) offsets(%dma_start3A_1496 : memref<128xi32, #tpu.memory_space<vmem>>) semaphore(%run_scoped3A_1494 : memref<!tpu.dma_semaphore, #tpu.memory_space<semaphore_mem>>) {add = true}
        %dma_wait3A = arith.constant 0 : i32
        %dma_wait3A_1499 = tpu.memref_slice %arg6[%run_scoped3A_1493, %dma_wait3A] : memref<8x128xi32, #tpu.memory_space<vmem>> -> memref<1x128xi32, #tpu.memory_space<vmem>>
        %dma_wait3A_1500 = tpu.memref_squeeze %dma_wait3A_1499 : memref<1x128xi32, #tpu.memory_space<vmem>> -> memref<128xi32, #tpu.memory_space<vmem>>
        %dma_wait3A_1501 = arith.constant 0 : i32
        %dma_wait3A_1502 = tpu.memref_slice %arg9[%dma_wait3A_1501] : memref<500480xf32, #tpu.memory_space<vmem_shared>> -> memref<500480xf32, #tpu.memory_space<vmem_shared>>
        tpu.wait_indirect_dma semaphore(%run_scoped3A_1494 : memref<!tpu.dma_semaphore, #tpu.memory_space<semaphore_mem>>) src(%arg7 : memref<128xf32, #tpu.memory_space<vmem>>) dst(%dma_wait3A_1502 : memref<500480xf32, #tpu.memory_space<vmem_shared>>)
        tpu.yield
      }) : () -> ()
    } else {
    }
    %barrier3A_1418 = arith.constant 0 : index
    tpu.barrier barrier_id(%barrier3A_1418)
    %eq3A_1419 = arith.constant 6 : i32
    %eq3A_1420 = arith.cmpi eq, %arg1, %eq3A_1419 : i32
    %convert_element_type3A_1421 = arith.extui %eq3A_1420 : i1 to i32
    %cond3A_1422 = arith.constant 0 : i32
    %cond3A_1423 = arith.cmpi ne, %convert_element_type3A_1421, %cond3A_1422 : i32
    scf.if %cond3A_1423 {
      %run_scoped3A = arith.constant 0 : i32
      "tpu.region"() ({
        %run_scoped3A_1494 = tpu.sem_alloc : memref<!tpu.dma_semaphore, #tpu.memory_space<semaphore_mem>>
        %dma_start3A = arith.constant 0 : i32
        %dma_start3A_1495 = tpu.memref_slice %arg6[%run_scoped3A, %dma_start3A] : memref<8x128xi32, #tpu.memory_space<vmem>> -> memref<1x128xi32, #tpu.memory_space<vmem>>
        %dma_start3A_1496 = tpu.memref_squeeze %dma_start3A_1495 : memref<1x128xi32, #tpu.memory_space<vmem>> -> memref<128xi32, #tpu.memory_space<vmem>>
        %dma_start3A_1497 = arith.constant 0 : i32
        %dma_start3A_1498 = tpu.memref_slice %arg9[%dma_start3A_1497] : memref<500480xf32, #tpu.memory_space<vmem_shared>> -> memref<500480xf32, #tpu.memory_space<vmem_shared>>
        tpu.enqueue_indirect_dma source(%arg7 : memref<128xf32, #tpu.memory_space<vmem>>) target(%dma_start3A_1498 : memref<500480xf32, #tpu.memory_space<vmem_shared>>) offsets(%dma_start3A_1496 : memref<128xi32, #tpu.memory_space<vmem>>) semaphore(%run_scoped3A_1494 : memref<!tpu.dma_semaphore, #tpu.memory_space<semaphore_mem>>) {add = true}
        %dma_wait3A = arith.constant 0 : i32
        %dma_wait3A_1499 = tpu.memref_slice %arg6[%run_scoped3A, %dma_wait3A] : memref<8x128xi32, #tpu.memory_space<vmem>> -> memref<1x128xi32, #tpu.memory_space<vmem>>
        %dma_wait3A_1500 = tpu.memref_squeeze %dma_wait3A_1499 : memref<1x128xi32, #tpu.memory_space<vmem>> -> memref<128xi32, #tpu.memory_space<vmem>>
        %dma_wait3A_1501 = arith.constant 0 : i32
        %dma_wait3A_1502 = tpu.memref_slice %arg9[%dma_wait3A_1501] : memref<500480xf32, #tpu.memory_space<vmem_shared>> -> memref<500480xf32, #tpu.memory_space<vmem_shared>>
        tpu.wait_indirect_dma semaphore(%run_scoped3A_1494 : memref<!tpu.dma_semaphore, #tpu.memory_space<semaphore_mem>>) src(%arg7 : memref<128xf32, #tpu.memory_space<vmem>>) dst(%dma_wait3A_1502 : memref<500480xf32, #tpu.memory_space<vmem_shared>>)
        tpu.yield
      }) : () -> ()
      %run_scoped3A_1487 = arith.constant 1 : i32
      "tpu.region"() ({
        %run_scoped3A_1494 = tpu.sem_alloc : memref<!tpu.dma_semaphore, #tpu.memory_space<semaphore_mem>>
        %dma_start3A = arith.constant 0 : i32
        %dma_start3A_1495 = tpu.memref_slice %arg6[%run_scoped3A_1487, %dma_start3A] : memref<8x128xi32, #tpu.memory_space<vmem>> -> memref<1x128xi32, #tpu.memory_space<vmem>>
        %dma_start3A_1496 = tpu.memref_squeeze %dma_start3A_1495 : memref<1x128xi32, #tpu.memory_space<vmem>> -> memref<128xi32, #tpu.memory_space<vmem>>
        %dma_start3A_1497 = arith.constant 0 : i32
        %dma_start3A_1498 = tpu.memref_slice %arg9[%dma_start3A_1497] : memref<500480xf32, #tpu.memory_space<vmem_shared>> -> memref<500480xf32, #tpu.memory_space<vmem_shared>>
        tpu.enqueue_indirect_dma source(%arg7 : memref<128xf32, #tpu.memory_space<vmem>>) target(%dma_start3A_1498 : memref<500480xf32, #tpu.memory_space<vmem_shared>>) offsets(%dma_start3A_1496 : memref<128xi32, #tpu.memory_space<vmem>>) semaphore(%run_scoped3A_1494 : memref<!tpu.dma_semaphore, #tpu.memory_space<semaphore_mem>>) {add = true}
        %dma_wait3A = arith.constant 0 : i32
        %dma_wait3A_1499 = tpu.memref_slice %arg6[%run_scoped3A_1487, %dma_wait3A] : memref<8x128xi32, #tpu.memory_space<vmem>> -> memref<1x128xi32, #tpu.memory_space<vmem>>
        %dma_wait3A_1500 = tpu.memref_squeeze %dma_wait3A_1499 : memref<1x128xi32, #tpu.memory_space<vmem>> -> memref<128xi32, #tpu.memory_space<vmem>>
        %dma_wait3A_1501 = arith.constant 0 : i32
        %dma_wait3A_1502 = tpu.memref_slice %arg9[%dma_wait3A_1501] : memref<500480xf32, #tpu.memory_space<vmem_shared>> -> memref<500480xf32, #tpu.memory_space<vmem_shared>>
        tpu.wait_indirect_dma semaphore(%run_scoped3A_1494 : memref<!tpu.dma_semaphore, #tpu.memory_space<semaphore_mem>>) src(%arg7 : memref<128xf32, #tpu.memory_space<vmem>>) dst(%dma_wait3A_1502 : memref<500480xf32, #tpu.memory_space<vmem_shared>>)
        tpu.yield
      }) : () -> ()
      %run_scoped3A_1488 = arith.constant 2 : i32
      "tpu.region"() ({
        %run_scoped3A_1494 = tpu.sem_alloc : memref<!tpu.dma_semaphore, #tpu.memory_space<semaphore_mem>>
        %dma_start3A = arith.constant 0 : i32
        %dma_start3A_1495 = tpu.memref_slice %arg6[%run_scoped3A_1488, %dma_start3A] : memref<8x128xi32, #tpu.memory_space<vmem>> -> memref<1x128xi32, #tpu.memory_space<vmem>>
        %dma_start3A_1496 = tpu.memref_squeeze %dma_start3A_1495 : memref<1x128xi32, #tpu.memory_space<vmem>> -> memref<128xi32, #tpu.memory_space<vmem>>
        %dma_start3A_1497 = arith.constant 0 : i32
        %dma_start3A_1498 = tpu.memref_slice %arg9[%dma_start3A_1497] : memref<500480xf32, #tpu.memory_space<vmem_shared>> -> memref<500480xf32, #tpu.memory_space<vmem_shared>>
        tpu.enqueue_indirect_dma source(%arg7 : memref<128xf32, #tpu.memory_space<vmem>>) target(%dma_start3A_1498 : memref<500480xf32, #tpu.memory_space<vmem_shared>>) offsets(%dma_start3A_1496 : memref<128xi32, #tpu.memory_space<vmem>>) semaphore(%run_scoped3A_1494 : memref<!tpu.dma_semaphore, #tpu.memory_space<semaphore_mem>>) {add = true}
        %dma_wait3A = arith.constant 0 : i32
        %dma_wait3A_1499 = tpu.memref_slice %arg6[%run_scoped3A_1488, %dma_wait3A] : memref<8x128xi32, #tpu.memory_space<vmem>> -> memref<1x128xi32, #tpu.memory_space<vmem>>
        %dma_wait3A_1500 = tpu.memref_squeeze %dma_wait3A_1499 : memref<1x128xi32, #tpu.memory_space<vmem>> -> memref<128xi32, #tpu.memory_space<vmem>>
        %dma_wait3A_1501 = arith.constant 0 : i32
        %dma_wait3A_1502 = tpu.memref_slice %arg9[%dma_wait3A_1501] : memref<500480xf32, #tpu.memory_space<vmem_shared>> -> memref<500480xf32, #tpu.memory_space<vmem_shared>>
        tpu.wait_indirect_dma semaphore(%run_scoped3A_1494 : memref<!tpu.dma_semaphore, #tpu.memory_space<semaphore_mem>>) src(%arg7 : memref<128xf32, #tpu.memory_space<vmem>>) dst(%dma_wait3A_1502 : memref<500480xf32, #tpu.memory_space<vmem_shared>>)
        tpu.yield
      }) : () -> ()
      %run_scoped3A_1489 = arith.constant 3 : i32
      "tpu.region"() ({
        %run_scoped3A_1494 = tpu.sem_alloc : memref<!tpu.dma_semaphore, #tpu.memory_space<semaphore_mem>>
        %dma_start3A = arith.constant 0 : i32
        %dma_start3A_1495 = tpu.memref_slice %arg6[%run_scoped3A_1489, %dma_start3A] : memref<8x128xi32, #tpu.memory_space<vmem>> -> memref<1x128xi32, #tpu.memory_space<vmem>>
        %dma_start3A_1496 = tpu.memref_squeeze %dma_start3A_1495 : memref<1x128xi32, #tpu.memory_space<vmem>> -> memref<128xi32, #tpu.memory_space<vmem>>
        %dma_start3A_1497 = arith.constant 0 : i32
        %dma_start3A_1498 = tpu.memref_slice %arg9[%dma_start3A_1497] : memref<500480xf32, #tpu.memory_space<vmem_shared>> -> memref<500480xf32, #tpu.memory_space<vmem_shared>>
        tpu.enqueue_indirect_dma source(%arg7 : memref<128xf32, #tpu.memory_space<vmem>>) target(%dma_start3A_1498 : memref<500480xf32, #tpu.memory_space<vmem_shared>>) offsets(%dma_start3A_1496 : memref<128xi32, #tpu.memory_space<vmem>>) semaphore(%run_scoped3A_1494 : memref<!tpu.dma_semaphore, #tpu.memory_space<semaphore_mem>>) {add = true}
        %dma_wait3A = arith.constant 0 : i32
        %dma_wait3A_1499 = tpu.memref_slice %arg6[%run_scoped3A_1489, %dma_wait3A] : memref<8x128xi32, #tpu.memory_space<vmem>> -> memref<1x128xi32, #tpu.memory_space<vmem>>
        %dma_wait3A_1500 = tpu.memref_squeeze %dma_wait3A_1499 : memref<1x128xi32, #tpu.memory_space<vmem>> -> memref<128xi32, #tpu.memory_space<vmem>>
        %dma_wait3A_1501 = arith.constant 0 : i32
        %dma_wait3A_1502 = tpu.memref_slice %arg9[%dma_wait3A_1501] : memref<500480xf32, #tpu.memory_space<vmem_shared>> -> memref<500480xf32, #tpu.memory_space<vmem_shared>>
        tpu.wait_indirect_dma semaphore(%run_scoped3A_1494 : memref<!tpu.dma_semaphore, #tpu.memory_space<semaphore_mem>>) src(%arg7 : memref<128xf32, #tpu.memory_space<vmem>>) dst(%dma_wait3A_1502 : memref<500480xf32, #tpu.memory_space<vmem_shared>>)
        tpu.yield
      }) : () -> ()
      %run_scoped3A_1490 = arith.constant 4 : i32
      "tpu.region"() ({
        %run_scoped3A_1494 = tpu.sem_alloc : memref<!tpu.dma_semaphore, #tpu.memory_space<semaphore_mem>>
        %dma_start3A = arith.constant 0 : i32
        %dma_start3A_1495 = tpu.memref_slice %arg6[%run_scoped3A_1490, %dma_start3A] : memref<8x128xi32, #tpu.memory_space<vmem>> -> memref<1x128xi32, #tpu.memory_space<vmem>>
        %dma_start3A_1496 = tpu.memref_squeeze %dma_start3A_1495 : memref<1x128xi32, #tpu.memory_space<vmem>> -> memref<128xi32, #tpu.memory_space<vmem>>
        %dma_start3A_1497 = arith.constant 0 : i32
        %dma_start3A_1498 = tpu.memref_slice %arg9[%dma_start3A_1497] : memref<500480xf32, #tpu.memory_space<vmem_shared>> -> memref<500480xf32, #tpu.memory_space<vmem_shared>>
        tpu.enqueue_indirect_dma source(%arg7 : memref<128xf32, #tpu.memory_space<vmem>>) target(%dma_start3A_1498 : memref<500480xf32, #tpu.memory_space<vmem_shared>>) offsets(%dma_start3A_1496 : memref<128xi32, #tpu.memory_space<vmem>>) semaphore(%run_scoped3A_1494 : memref<!tpu.dma_semaphore, #tpu.memory_space<semaphore_mem>>) {add = true}
        %dma_wait3A = arith.constant 0 : i32
        %dma_wait3A_1499 = tpu.memref_slice %arg6[%run_scoped3A_1490, %dma_wait3A] : memref<8x128xi32, #tpu.memory_space<vmem>> -> memref<1x128xi32, #tpu.memory_space<vmem>>
        %dma_wait3A_1500 = tpu.memref_squeeze %dma_wait3A_1499 : memref<1x128xi32, #tpu.memory_space<vmem>> -> memref<128xi32, #tpu.memory_space<vmem>>
        %dma_wait3A_1501 = arith.constant 0 : i32
        %dma_wait3A_1502 = tpu.memref_slice %arg9[%dma_wait3A_1501] : memref<500480xf32, #tpu.memory_space<vmem_shared>> -> memref<500480xf32, #tpu.memory_space<vmem_shared>>
        tpu.wait_indirect_dma semaphore(%run_scoped3A_1494 : memref<!tpu.dma_semaphore, #tpu.memory_space<semaphore_mem>>) src(%arg7 : memref<128xf32, #tpu.memory_space<vmem>>) dst(%dma_wait3A_1502 : memref<500480xf32, #tpu.memory_space<vmem_shared>>)
        tpu.yield
      }) : () -> ()
      %run_scoped3A_1491 = arith.constant 5 : i32
      "tpu.region"() ({
        %run_scoped3A_1494 = tpu.sem_alloc : memref<!tpu.dma_semaphore, #tpu.memory_space<semaphore_mem>>
        %dma_start3A = arith.constant 0 : i32
        %dma_start3A_1495 = tpu.memref_slice %arg6[%run_scoped3A_1491, %dma_start3A] : memref<8x128xi32, #tpu.memory_space<vmem>> -> memref<1x128xi32, #tpu.memory_space<vmem>>
        %dma_start3A_1496 = tpu.memref_squeeze %dma_start3A_1495 : memref<1x128xi32, #tpu.memory_space<vmem>> -> memref<128xi32, #tpu.memory_space<vmem>>
        %dma_start3A_1497 = arith.constant 0 : i32
        %dma_start3A_1498 = tpu.memref_slice %arg9[%dma_start3A_1497] : memref<500480xf32, #tpu.memory_space<vmem_shared>> -> memref<500480xf32, #tpu.memory_space<vmem_shared>>
        tpu.enqueue_indirect_dma source(%arg7 : memref<128xf32, #tpu.memory_space<vmem>>) target(%dma_start3A_1498 : memref<500480xf32, #tpu.memory_space<vmem_shared>>) offsets(%dma_start3A_1496 : memref<128xi32, #tpu.memory_space<vmem>>) semaphore(%run_scoped3A_1494 : memref<!tpu.dma_semaphore, #tpu.memory_space<semaphore_mem>>) {add = true}
        %dma_wait3A = arith.constant 0 : i32
        %dma_wait3A_1499 = tpu.memref_slice %arg6[%run_scoped3A_1491, %dma_wait3A] : memref<8x128xi32, #tpu.memory_space<vmem>> -> memref<1x128xi32, #tpu.memory_space<vmem>>
        %dma_wait3A_1500 = tpu.memref_squeeze %dma_wait3A_1499 : memref<1x128xi32, #tpu.memory_space<vmem>> -> memref<128xi32, #tpu.memory_space<vmem>>
        %dma_wait3A_1501 = arith.constant 0 : i32
        %dma_wait3A_1502 = tpu.memref_slice %arg9[%dma_wait3A_1501] : memref<500480xf32, #tpu.memory_space<vmem_shared>> -> memref<500480xf32, #tpu.memory_space<vmem_shared>>
        tpu.wait_indirect_dma semaphore(%run_scoped3A_1494 : memref<!tpu.dma_semaphore, #tpu.memory_space<semaphore_mem>>) src(%arg7 : memref<128xf32, #tpu.memory_space<vmem>>) dst(%dma_wait3A_1502 : memref<500480xf32, #tpu.memory_space<vmem_shared>>)
        tpu.yield
      }) : () -> ()
      %run_scoped3A_1492 = arith.constant 6 : i32
      "tpu.region"() ({
        %run_scoped3A_1494 = tpu.sem_alloc : memref<!tpu.dma_semaphore, #tpu.memory_space<semaphore_mem>>
        %dma_start3A = arith.constant 0 : i32
        %dma_start3A_1495 = tpu.memref_slice %arg6[%run_scoped3A_1492, %dma_start3A] : memref<8x128xi32, #tpu.memory_space<vmem>> -> memref<1x128xi32, #tpu.memory_space<vmem>>
        %dma_start3A_1496 = tpu.memref_squeeze %dma_start3A_1495 : memref<1x128xi32, #tpu.memory_space<vmem>> -> memref<128xi32, #tpu.memory_space<vmem>>
        %dma_start3A_1497 = arith.constant 0 : i32
        %dma_start3A_1498 = tpu.memref_slice %arg9[%dma_start3A_1497] : memref<500480xf32, #tpu.memory_space<vmem_shared>> -> memref<500480xf32, #tpu.memory_space<vmem_shared>>
        tpu.enqueue_indirect_dma source(%arg7 : memref<128xf32, #tpu.memory_space<vmem>>) target(%dma_start3A_1498 : memref<500480xf32, #tpu.memory_space<vmem_shared>>) offsets(%dma_start3A_1496 : memref<128xi32, #tpu.memory_space<vmem>>) semaphore(%run_scoped3A_1494 : memref<!tpu.dma_semaphore, #tpu.memory_space<semaphore_mem>>) {add = true}
        %dma_wait3A = arith.constant 0 : i32
        %dma_wait3A_1499 = tpu.memref_slice %arg6[%run_scoped3A_1492, %dma_wait3A] : memref<8x128xi32, #tpu.memory_space<vmem>> -> memref<1x128xi32, #tpu.memory_space<vmem>>
        %dma_wait3A_1500 = tpu.memref_squeeze %dma_wait3A_1499 : memref<1x128xi32, #tpu.memory_space<vmem>> -> memref<128xi32, #tpu.memory_space<vmem>>
        %dma_wait3A_1501 = arith.constant 0 : i32
        %dma_wait3A_1502 = tpu.memref_slice %arg9[%dma_wait3A_1501] : memref<500480xf32, #tpu.memory_space<vmem_shared>> -> memref<500480xf32, #tpu.memory_space<vmem_shared>>
        tpu.wait_indirect_dma semaphore(%run_scoped3A_1494 : memref<!tpu.dma_semaphore, #tpu.memory_space<semaphore_mem>>) src(%arg7 : memref<128xf32, #tpu.memory_space<vmem>>) dst(%dma_wait3A_1502 : memref<500480xf32, #tpu.memory_space<vmem_shared>>)
        tpu.yield
      }) : () -> ()
      %run_scoped3A_1493 = arith.constant 7 : i32
      "tpu.region"() ({
        %run_scoped3A_1494 = tpu.sem_alloc : memref<!tpu.dma_semaphore, #tpu.memory_space<semaphore_mem>>
        %dma_start3A = arith.constant 0 : i32
        %dma_start3A_1495 = tpu.memref_slice %arg6[%run_scoped3A_1493, %dma_start3A] : memref<8x128xi32, #tpu.memory_space<vmem>> -> memref<1x128xi32, #tpu.memory_space<vmem>>
        %dma_start3A_1496 = tpu.memref_squeeze %dma_start3A_1495 : memref<1x128xi32, #tpu.memory_space<vmem>> -> memref<128xi32, #tpu.memory_space<vmem>>
        %dma_start3A_1497 = arith.constant 0 : i32
        %dma_start3A_1498 = tpu.memref_slice %arg9[%dma_start3A_1497] : memref<500480xf32, #tpu.memory_space<vmem_shared>> -> memref<500480xf32, #tpu.memory_space<vmem_shared>>
        tpu.enqueue_indirect_dma source(%arg7 : memref<128xf32, #tpu.memory_space<vmem>>) target(%dma_start3A_1498 : memref<500480xf32, #tpu.memory_space<vmem_shared>>) offsets(%dma_start3A_1496 : memref<128xi32, #tpu.memory_space<vmem>>) semaphore(%run_scoped3A_1494 : memref<!tpu.dma_semaphore, #tpu.memory_space<semaphore_mem>>) {add = true}
        %dma_wait3A = arith.constant 0 : i32
        %dma_wait3A_1499 = tpu.memref_slice %arg6[%run_scoped3A_1493, %dma_wait3A] : memref<8x128xi32, #tpu.memory_space<vmem>> -> memref<1x128xi32, #tpu.memory_space<vmem>>
        %dma_wait3A_1500 = tpu.memref_squeeze %dma_wait3A_1499 : memref<1x128xi32, #tpu.memory_space<vmem>> -> memref<128xi32, #tpu.memory_space<vmem>>
        %dma_wait3A_1501 = arith.constant 0 : i32
        %dma_wait3A_1502 = tpu.memref_slice %arg9[%dma_wait3A_1501] : memref<500480xf32, #tpu.memory_space<vmem_shared>> -> memref<500480xf32, #tpu.memory_space<vmem_shared>>
        tpu.wait_indirect_dma semaphore(%run_scoped3A_1494 : memref<!tpu.dma_semaphore, #tpu.memory_space<semaphore_mem>>) src(%arg7 : memref<128xf32, #tpu.memory_space<vmem>>) dst(%dma_wait3A_1502 : memref<500480xf32, #tpu.memory_space<vmem_shared>>)
        tpu.yield
      }) : () -> ()
    } else {
    }
    %barrier3A_1424 = arith.constant 0 : index
    tpu.barrier barrier_id(%barrier3A_1424)
    %eq3A_1425 = arith.constant 7 : i32
    %eq3A_1426 = arith.cmpi eq, %arg1, %eq3A_1425 : i32
    %convert_element_type3A_1427 = arith.extui %eq3A_1426 : i1 to i32
    %cond3A_1428 = arith.constant 0 : i32
    %cond3A_1429 = arith.cmpi ne, %convert_element_type3A_1427, %cond3A_1428 : i32
    scf.if %cond3A_1429 {
      %run_scoped3A = arith.constant 0 : i32
      "tpu.region"() ({
        %run_scoped3A_1494 = tpu.sem_alloc : memref<!tpu.dma_semaphore, #tpu.memory_space<semaphore_mem>>
        %dma_start3A = arith.constant 0 : i32
        %dma_start3A_1495 = tpu.memref_slice %arg6[%run_scoped3A, %dma_start3A] : memref<8x128xi32, #tpu.memory_space<vmem>> -> memref<1x128xi32, #tpu.memory_space<vmem>>
        %dma_start3A_1496 = tpu.memref_squeeze %dma_start3A_1495 : memref<1x128xi32, #tpu.memory_space<vmem>> -> memref<128xi32, #tpu.memory_space<vmem>>
        %dma_start3A_1497 = arith.constant 0 : i32
        %dma_start3A_1498 = tpu.memref_slice %arg9[%dma_start3A_1497] : memref<500480xf32, #tpu.memory_space<vmem_shared>> -> memref<500480xf32, #tpu.memory_space<vmem_shared>>
        tpu.enqueue_indirect_dma source(%arg7 : memref<128xf32, #tpu.memory_space<vmem>>) target(%dma_start3A_1498 : memref<500480xf32, #tpu.memory_space<vmem_shared>>) offsets(%dma_start3A_1496 : memref<128xi32, #tpu.memory_space<vmem>>) semaphore(%run_scoped3A_1494 : memref<!tpu.dma_semaphore, #tpu.memory_space<semaphore_mem>>) {add = true}
        %dma_wait3A = arith.constant 0 : i32
        %dma_wait3A_1499 = tpu.memref_slice %arg6[%run_scoped3A, %dma_wait3A] : memref<8x128xi32, #tpu.memory_space<vmem>> -> memref<1x128xi32, #tpu.memory_space<vmem>>
        %dma_wait3A_1500 = tpu.memref_squeeze %dma_wait3A_1499 : memref<1x128xi32, #tpu.memory_space<vmem>> -> memref<128xi32, #tpu.memory_space<vmem>>
        %dma_wait3A_1501 = arith.constant 0 : i32
        %dma_wait3A_1502 = tpu.memref_slice %arg9[%dma_wait3A_1501] : memref<500480xf32, #tpu.memory_space<vmem_shared>> -> memref<500480xf32, #tpu.memory_space<vmem_shared>>
        tpu.wait_indirect_dma semaphore(%run_scoped3A_1494 : memref<!tpu.dma_semaphore, #tpu.memory_space<semaphore_mem>>) src(%arg7 : memref<128xf32, #tpu.memory_space<vmem>>) dst(%dma_wait3A_1502 : memref<500480xf32, #tpu.memory_space<vmem_shared>>)
        tpu.yield
      }) : () -> ()
      %run_scoped3A_1487 = arith.constant 1 : i32
      "tpu.region"() ({
        %run_scoped3A_1494 = tpu.sem_alloc : memref<!tpu.dma_semaphore, #tpu.memory_space<semaphore_mem>>
        %dma_start3A = arith.constant 0 : i32
        %dma_start3A_1495 = tpu.memref_slice %arg6[%run_scoped3A_1487, %dma_start3A] : memref<8x128xi32, #tpu.memory_space<vmem>> -> memref<1x128xi32, #tpu.memory_space<vmem>>
        %dma_start3A_1496 = tpu.memref_squeeze %dma_start3A_1495 : memref<1x128xi32, #tpu.memory_space<vmem>> -> memref<128xi32, #tpu.memory_space<vmem>>
        %dma_start3A_1497 = arith.constant 0 : i32
        %dma_start3A_1498 = tpu.memref_slice %arg9[%dma_start3A_1497] : memref<500480xf32, #tpu.memory_space<vmem_shared>> -> memref<500480xf32, #tpu.memory_space<vmem_shared>>
        tpu.enqueue_indirect_dma source(%arg7 : memref<128xf32, #tpu.memory_space<vmem>>) target(%dma_start3A_1498 : memref<500480xf32, #tpu.memory_space<vmem_shared>>) offsets(%dma_start3A_1496 : memref<128xi32, #tpu.memory_space<vmem>>) semaphore(%run_scoped3A_1494 : memref<!tpu.dma_semaphore, #tpu.memory_space<semaphore_mem>>) {add = true}
        %dma_wait3A = arith.constant 0 : i32
        %dma_wait3A_1499 = tpu.memref_slice %arg6[%run_scoped3A_1487, %dma_wait3A] : memref<8x128xi32, #tpu.memory_space<vmem>> -> memref<1x128xi32, #tpu.memory_space<vmem>>
        %dma_wait3A_1500 = tpu.memref_squeeze %dma_wait3A_1499 : memref<1x128xi32, #tpu.memory_space<vmem>> -> memref<128xi32, #tpu.memory_space<vmem>>
        %dma_wait3A_1501 = arith.constant 0 : i32
        %dma_wait3A_1502 = tpu.memref_slice %arg9[%dma_wait3A_1501] : memref<500480xf32, #tpu.memory_space<vmem_shared>> -> memref<500480xf32, #tpu.memory_space<vmem_shared>>
        tpu.wait_indirect_dma semaphore(%run_scoped3A_1494 : memref<!tpu.dma_semaphore, #tpu.memory_space<semaphore_mem>>) src(%arg7 : memref<128xf32, #tpu.memory_space<vmem>>) dst(%dma_wait3A_1502 : memref<500480xf32, #tpu.memory_space<vmem_shared>>)
        tpu.yield
      }) : () -> ()
      %run_scoped3A_1488 = arith.constant 2 : i32
      "tpu.region"() ({
        %run_scoped3A_1494 = tpu.sem_alloc : memref<!tpu.dma_semaphore, #tpu.memory_space<semaphore_mem>>
        %dma_start3A = arith.constant 0 : i32
        %dma_start3A_1495 = tpu.memref_slice %arg6[%run_scoped3A_1488, %dma_start3A] : memref<8x128xi32, #tpu.memory_space<vmem>> -> memref<1x128xi32, #tpu.memory_space<vmem>>
        %dma_start3A_1496 = tpu.memref_squeeze %dma_start3A_1495 : memref<1x128xi32, #tpu.memory_space<vmem>> -> memref<128xi32, #tpu.memory_space<vmem>>
        %dma_start3A_1497 = arith.constant 0 : i32
        %dma_start3A_1498 = tpu.memref_slice %arg9[%dma_start3A_1497] : memref<500480xf32, #tpu.memory_space<vmem_shared>> -> memref<500480xf32, #tpu.memory_space<vmem_shared>>
        tpu.enqueue_indirect_dma source(%arg7 : memref<128xf32, #tpu.memory_space<vmem>>) target(%dma_start3A_1498 : memref<500480xf32, #tpu.memory_space<vmem_shared>>) offsets(%dma_start3A_1496 : memref<128xi32, #tpu.memory_space<vmem>>) semaphore(%run_scoped3A_1494 : memref<!tpu.dma_semaphore, #tpu.memory_space<semaphore_mem>>) {add = true}
        %dma_wait3A = arith.constant 0 : i32
        %dma_wait3A_1499 = tpu.memref_slice %arg6[%run_scoped3A_1488, %dma_wait3A] : memref<8x128xi32, #tpu.memory_space<vmem>> -> memref<1x128xi32, #tpu.memory_space<vmem>>
        %dma_wait3A_1500 = tpu.memref_squeeze %dma_wait3A_1499 : memref<1x128xi32, #tpu.memory_space<vmem>> -> memref<128xi32, #tpu.memory_space<vmem>>
        %dma_wait3A_1501 = arith.constant 0 : i32
        %dma_wait3A_1502 = tpu.memref_slice %arg9[%dma_wait3A_1501] : memref<500480xf32, #tpu.memory_space<vmem_shared>> -> memref<500480xf32, #tpu.memory_space<vmem_shared>>
        tpu.wait_indirect_dma semaphore(%run_scoped3A_1494 : memref<!tpu.dma_semaphore, #tpu.memory_space<semaphore_mem>>) src(%arg7 : memref<128xf32, #tpu.memory_space<vmem>>) dst(%dma_wait3A_1502 : memref<500480xf32, #tpu.memory_space<vmem_shared>>)
        tpu.yield
      }) : () -> ()
      %run_scoped3A_1489 = arith.constant 3 : i32
      "tpu.region"() ({
        %run_scoped3A_1494 = tpu.sem_alloc : memref<!tpu.dma_semaphore, #tpu.memory_space<semaphore_mem>>
        %dma_start3A = arith.constant 0 : i32
        %dma_start3A_1495 = tpu.memref_slice %arg6[%run_scoped3A_1489, %dma_start3A] : memref<8x128xi32, #tpu.memory_space<vmem>> -> memref<1x128xi32, #tpu.memory_space<vmem>>
        %dma_start3A_1496 = tpu.memref_squeeze %dma_start3A_1495 : memref<1x128xi32, #tpu.memory_space<vmem>> -> memref<128xi32, #tpu.memory_space<vmem>>
        %dma_start3A_1497 = arith.constant 0 : i32
        %dma_start3A_1498 = tpu.memref_slice %arg9[%dma_start3A_1497] : memref<500480xf32, #tpu.memory_space<vmem_shared>> -> memref<500480xf32, #tpu.memory_space<vmem_shared>>
        tpu.enqueue_indirect_dma source(%arg7 : memref<128xf32, #tpu.memory_space<vmem>>) target(%dma_start3A_1498 : memref<500480xf32, #tpu.memory_space<vmem_shared>>) offsets(%dma_start3A_1496 : memref<128xi32, #tpu.memory_space<vmem>>) semaphore(%run_scoped3A_1494 : memref<!tpu.dma_semaphore, #tpu.memory_space<semaphore_mem>>) {add = true}
        %dma_wait3A = arith.constant 0 : i32
        %dma_wait3A_1499 = tpu.memref_slice %arg6[%run_scoped3A_1489, %dma_wait3A] : memref<8x128xi32, #tpu.memory_space<vmem>> -> memref<1x128xi32, #tpu.memory_space<vmem>>
        %dma_wait3A_1500 = tpu.memref_squeeze %dma_wait3A_1499 : memref<1x128xi32, #tpu.memory_space<vmem>> -> memref<128xi32, #tpu.memory_space<vmem>>
        %dma_wait3A_1501 = arith.constant 0 : i32
        %dma_wait3A_1502 = tpu.memref_slice %arg9[%dma_wait3A_1501] : memref<500480xf32, #tpu.memory_space<vmem_shared>> -> memref<500480xf32, #tpu.memory_space<vmem_shared>>
        tpu.wait_indirect_dma semaphore(%run_scoped3A_1494 : memref<!tpu.dma_semaphore, #tpu.memory_space<semaphore_mem>>) src(%arg7 : memref<128xf32, #tpu.memory_space<vmem>>) dst(%dma_wait3A_1502 : memref<500480xf32, #tpu.memory_space<vmem_shared>>)
        tpu.yield
      }) : () -> ()
      %run_scoped3A_1490 = arith.constant 4 : i32
      "tpu.region"() ({
        %run_scoped3A_1494 = tpu.sem_alloc : memref<!tpu.dma_semaphore, #tpu.memory_space<semaphore_mem>>
        %dma_start3A = arith.constant 0 : i32
        %dma_start3A_1495 = tpu.memref_slice %arg6[%run_scoped3A_1490, %dma_start3A] : memref<8x128xi32, #tpu.memory_space<vmem>> -> memref<1x128xi32, #tpu.memory_space<vmem>>
        %dma_start3A_1496 = tpu.memref_squeeze %dma_start3A_1495 : memref<1x128xi32, #tpu.memory_space<vmem>> -> memref<128xi32, #tpu.memory_space<vmem>>
        %dma_start3A_1497 = arith.constant 0 : i32
        %dma_start3A_1498 = tpu.memref_slice %arg9[%dma_start3A_1497] : memref<500480xf32, #tpu.memory_space<vmem_shared>> -> memref<500480xf32, #tpu.memory_space<vmem_shared>>
        tpu.enqueue_indirect_dma source(%arg7 : memref<128xf32, #tpu.memory_space<vmem>>) target(%dma_start3A_1498 : memref<500480xf32, #tpu.memory_space<vmem_shared>>) offsets(%dma_start3A_1496 : memref<128xi32, #tpu.memory_space<vmem>>) semaphore(%run_scoped3A_1494 : memref<!tpu.dma_semaphore, #tpu.memory_space<semaphore_mem>>) {add = true}
        %dma_wait3A = arith.constant 0 : i32
        %dma_wait3A_1499 = tpu.memref_slice %arg6[%run_scoped3A_1490, %dma_wait3A] : memref<8x128xi32, #tpu.memory_space<vmem>> -> memref<1x128xi32, #tpu.memory_space<vmem>>
        %dma_wait3A_1500 = tpu.memref_squeeze %dma_wait3A_1499 : memref<1x128xi32, #tpu.memory_space<vmem>> -> memref<128xi32, #tpu.memory_space<vmem>>
        %dma_wait3A_1501 = arith.constant 0 : i32
        %dma_wait3A_1502 = tpu.memref_slice %arg9[%dma_wait3A_1501] : memref<500480xf32, #tpu.memory_space<vmem_shared>> -> memref<500480xf32, #tpu.memory_space<vmem_shared>>
        tpu.wait_indirect_dma semaphore(%run_scoped3A_1494 : memref<!tpu.dma_semaphore, #tpu.memory_space<semaphore_mem>>) src(%arg7 : memref<128xf32, #tpu.memory_space<vmem>>) dst(%dma_wait3A_1502 : memref<500480xf32, #tpu.memory_space<vmem_shared>>)
        tpu.yield
      }) : () -> ()
      %run_scoped3A_1491 = arith.constant 5 : i32
      "tpu.region"() ({
        %run_scoped3A_1494 = tpu.sem_alloc : memref<!tpu.dma_semaphore, #tpu.memory_space<semaphore_mem>>
        %dma_start3A = arith.constant 0 : i32
        %dma_start3A_1495 = tpu.memref_slice %arg6[%run_scoped3A_1491, %dma_start3A] : memref<8x128xi32, #tpu.memory_space<vmem>> -> memref<1x128xi32, #tpu.memory_space<vmem>>
        %dma_start3A_1496 = tpu.memref_squeeze %dma_start3A_1495 : memref<1x128xi32, #tpu.memory_space<vmem>> -> memref<128xi32, #tpu.memory_space<vmem>>
        %dma_start3A_1497 = arith.constant 0 : i32
        %dma_start3A_1498 = tpu.memref_slice %arg9[%dma_start3A_1497] : memref<500480xf32, #tpu.memory_space<vmem_shared>> -> memref<500480xf32, #tpu.memory_space<vmem_shared>>
        tpu.enqueue_indirect_dma source(%arg7 : memref<128xf32, #tpu.memory_space<vmem>>) target(%dma_start3A_1498 : memref<500480xf32, #tpu.memory_space<vmem_shared>>) offsets(%dma_start3A_1496 : memref<128xi32, #tpu.memory_space<vmem>>) semaphore(%run_scoped3A_1494 : memref<!tpu.dma_semaphore, #tpu.memory_space<semaphore_mem>>) {add = true}
        %dma_wait3A = arith.constant 0 : i32
        %dma_wait3A_1499 = tpu.memref_slice %arg6[%run_scoped3A_1491, %dma_wait3A] : memref<8x128xi32, #tpu.memory_space<vmem>> -> memref<1x128xi32, #tpu.memory_space<vmem>>
        %dma_wait3A_1500 = tpu.memref_squeeze %dma_wait3A_1499 : memref<1x128xi32, #tpu.memory_space<vmem>> -> memref<128xi32, #tpu.memory_space<vmem>>
        %dma_wait3A_1501 = arith.constant 0 : i32
        %dma_wait3A_1502 = tpu.memref_slice %arg9[%dma_wait3A_1501] : memref<500480xf32, #tpu.memory_space<vmem_shared>> -> memref<500480xf32, #tpu.memory_space<vmem_shared>>
        tpu.wait_indirect_dma semaphore(%run_scoped3A_1494 : memref<!tpu.dma_semaphore, #tpu.memory_space<semaphore_mem>>) src(%arg7 : memref<128xf32, #tpu.memory_space<vmem>>) dst(%dma_wait3A_1502 : memref<500480xf32, #tpu.memory_space<vmem_shared>>)
        tpu.yield
      }) : () -> ()
      %run_scoped3A_1492 = arith.constant 6 : i32
      "tpu.region"() ({
        %run_scoped3A_1494 = tpu.sem_alloc : memref<!tpu.dma_semaphore, #tpu.memory_space<semaphore_mem>>
        %dma_start3A = arith.constant 0 : i32
        %dma_start3A_1495 = tpu.memref_slice %arg6[%run_scoped3A_1492, %dma_start3A] : memref<8x128xi32, #tpu.memory_space<vmem>> -> memref<1x128xi32, #tpu.memory_space<vmem>>
        %dma_start3A_1496 = tpu.memref_squeeze %dma_start3A_1495 : memref<1x128xi32, #tpu.memory_space<vmem>> -> memref<128xi32, #tpu.memory_space<vmem>>
        %dma_start3A_1497 = arith.constant 0 : i32
        %dma_start3A_1498 = tpu.memref_slice %arg9[%dma_start3A_1497] : memref<500480xf32, #tpu.memory_space<vmem_shared>> -> memref<500480xf32, #tpu.memory_space<vmem_shared>>
        tpu.enqueue_indirect_dma source(%arg7 : memref<128xf32, #tpu.memory_space<vmem>>) target(%dma_start3A_1498 : memref<500480xf32, #tpu.memory_space<vmem_shared>>) offsets(%dma_start3A_1496 : memref<128xi32, #tpu.memory_space<vmem>>) semaphore(%run_scoped3A_1494 : memref<!tpu.dma_semaphore, #tpu.memory_space<semaphore_mem>>) {add = true}
        %dma_wait3A = arith.constant 0 : i32
        %dma_wait3A_1499 = tpu.memref_slice %arg6[%run_scoped3A_1492, %dma_wait3A] : memref<8x128xi32, #tpu.memory_space<vmem>> -> memref<1x128xi32, #tpu.memory_space<vmem>>
        %dma_wait3A_1500 = tpu.memref_squeeze %dma_wait3A_1499 : memref<1x128xi32, #tpu.memory_space<vmem>> -> memref<128xi32, #tpu.memory_space<vmem>>
        %dma_wait3A_1501 = arith.constant 0 : i32
        %dma_wait3A_1502 = tpu.memref_slice %arg9[%dma_wait3A_1501] : memref<500480xf32, #tpu.memory_space<vmem_shared>> -> memref<500480xf32, #tpu.memory_space<vmem_shared>>
        tpu.wait_indirect_dma semaphore(%run_scoped3A_1494 : memref<!tpu.dma_semaphore, #tpu.memory_space<semaphore_mem>>) src(%arg7 : memref<128xf32, #tpu.memory_space<vmem>>) dst(%dma_wait3A_1502 : memref<500480xf32, #tpu.memory_space<vmem_shared>>)
        tpu.yield
      }) : () -> ()
      %run_scoped3A_1493 = arith.constant 7 : i32
      "tpu.region"() ({
        %run_scoped3A_1494 = tpu.sem_alloc : memref<!tpu.dma_semaphore, #tpu.memory_space<semaphore_mem>>
        %dma_start3A = arith.constant 0 : i32
        %dma_start3A_1495 = tpu.memref_slice %arg6[%run_scoped3A_1493, %dma_start3A] : memref<8x128xi32, #tpu.memory_space<vmem>> -> memref<1x128xi32, #tpu.memory_space<vmem>>
        %dma_start3A_1496 = tpu.memref_squeeze %dma_start3A_1495 : memref<1x128xi32, #tpu.memory_space<vmem>> -> memref<128xi32, #tpu.memory_space<vmem>>
        %dma_start3A_1497 = arith.constant 0 : i32
        %dma_start3A_1498 = tpu.memref_slice %arg9[%dma_start3A_1497] : memref<500480xf32, #tpu.memory_space<vmem_shared>> -> memref<500480xf32, #tpu.memory_space<vmem_shared>>
        tpu.enqueue_indirect_dma source(%arg7 : memref<128xf32, #tpu.memory_space<vmem>>) target(%dma_start3A_1498 : memref<500480xf32, #tpu.memory_space<vmem_shared>>) offsets(%dma_start3A_1496 : memref<128xi32, #tpu.memory_space<vmem>>) semaphore(%run_scoped3A_1494 : memref<!tpu.dma_semaphore, #tpu.memory_space<semaphore_mem>>) {add = true}
        %dma_wait3A = arith.constant 0 : i32
        %dma_wait3A_1499 = tpu.memref_slice %arg6[%run_scoped3A_1493, %dma_wait3A] : memref<8x128xi32, #tpu.memory_space<vmem>> -> memref<1x128xi32, #tpu.memory_space<vmem>>
        %dma_wait3A_1500 = tpu.memref_squeeze %dma_wait3A_1499 : memref<1x128xi32, #tpu.memory_space<vmem>> -> memref<128xi32, #tpu.memory_space<vmem>>
        %dma_wait3A_1501 = arith.constant 0 : i32
        %dma_wait3A_1502 = tpu.memref_slice %arg9[%dma_wait3A_1501] : memref<500480xf32, #tpu.memory_space<vmem_shared>> -> memref<500480xf32, #tpu.memory_space<vmem_shared>>
        tpu.wait_indirect_dma semaphore(%run_scoped3A_1494 : memref<!tpu.dma_semaphore, #tpu.memory_space<semaphore_mem>>) src(%arg7 : memref<128xf32, #tpu.memory_space<vmem>>) dst(%dma_wait3A_1502 : memref<500480xf32, #tpu.memory_space<vmem_shared>>)
        tpu.yield
      }) : () -> ()
    } else {
    }
    %barrier3A_1430 = arith.constant 0 : index
    tpu.barrier barrier_id(%barrier3A_1430)
    %eq3A_1431 = arith.constant 8 : i32
    %eq3A_1432 = arith.cmpi eq, %arg1, %eq3A_1431 : i32
    %convert_element_type3A_1433 = arith.extui %eq3A_1432 : i1 to i32
    %cond3A_1434 = arith.constant 0 : i32
    %cond3A_1435 = arith.cmpi ne, %convert_element_type3A_1433, %cond3A_1434 : i32
    scf.if %cond3A_1435 {
      %run_scoped3A = arith.constant 0 : i32
      "tpu.region"() ({
        %run_scoped3A_1494 = tpu.sem_alloc : memref<!tpu.dma_semaphore, #tpu.memory_space<semaphore_mem>>
        %dma_start3A = arith.constant 0 : i32
        %dma_start3A_1495 = tpu.memref_slice %arg6[%run_scoped3A, %dma_start3A] : memref<8x128xi32, #tpu.memory_space<vmem>> -> memref<1x128xi32, #tpu.memory_space<vmem>>
        %dma_start3A_1496 = tpu.memref_squeeze %dma_start3A_1495 : memref<1x128xi32, #tpu.memory_space<vmem>> -> memref<128xi32, #tpu.memory_space<vmem>>
        %dma_start3A_1497 = arith.constant 0 : i32
        %dma_start3A_1498 = tpu.memref_slice %arg9[%dma_start3A_1497] : memref<500480xf32, #tpu.memory_space<vmem_shared>> -> memref<500480xf32, #tpu.memory_space<vmem_shared>>
        tpu.enqueue_indirect_dma source(%arg7 : memref<128xf32, #tpu.memory_space<vmem>>) target(%dma_start3A_1498 : memref<500480xf32, #tpu.memory_space<vmem_shared>>) offsets(%dma_start3A_1496 : memref<128xi32, #tpu.memory_space<vmem>>) semaphore(%run_scoped3A_1494 : memref<!tpu.dma_semaphore, #tpu.memory_space<semaphore_mem>>) {add = true}
        %dma_wait3A = arith.constant 0 : i32
        %dma_wait3A_1499 = tpu.memref_slice %arg6[%run_scoped3A, %dma_wait3A] : memref<8x128xi32, #tpu.memory_space<vmem>> -> memref<1x128xi32, #tpu.memory_space<vmem>>
        %dma_wait3A_1500 = tpu.memref_squeeze %dma_wait3A_1499 : memref<1x128xi32, #tpu.memory_space<vmem>> -> memref<128xi32, #tpu.memory_space<vmem>>
        %dma_wait3A_1501 = arith.constant 0 : i32
        %dma_wait3A_1502 = tpu.memref_slice %arg9[%dma_wait3A_1501] : memref<500480xf32, #tpu.memory_space<vmem_shared>> -> memref<500480xf32, #tpu.memory_space<vmem_shared>>
        tpu.wait_indirect_dma semaphore(%run_scoped3A_1494 : memref<!tpu.dma_semaphore, #tpu.memory_space<semaphore_mem>>) src(%arg7 : memref<128xf32, #tpu.memory_space<vmem>>) dst(%dma_wait3A_1502 : memref<500480xf32, #tpu.memory_space<vmem_shared>>)
        tpu.yield
      }) : () -> ()
      %run_scoped3A_1487 = arith.constant 1 : i32
      "tpu.region"() ({
        %run_scoped3A_1494 = tpu.sem_alloc : memref<!tpu.dma_semaphore, #tpu.memory_space<semaphore_mem>>
        %dma_start3A = arith.constant 0 : i32
        %dma_start3A_1495 = tpu.memref_slice %arg6[%run_scoped3A_1487, %dma_start3A] : memref<8x128xi32, #tpu.memory_space<vmem>> -> memref<1x128xi32, #tpu.memory_space<vmem>>
        %dma_start3A_1496 = tpu.memref_squeeze %dma_start3A_1495 : memref<1x128xi32, #tpu.memory_space<vmem>> -> memref<128xi32, #tpu.memory_space<vmem>>
        %dma_start3A_1497 = arith.constant 0 : i32
        %dma_start3A_1498 = tpu.memref_slice %arg9[%dma_start3A_1497] : memref<500480xf32, #tpu.memory_space<vmem_shared>> -> memref<500480xf32, #tpu.memory_space<vmem_shared>>
        tpu.enqueue_indirect_dma source(%arg7 : memref<128xf32, #tpu.memory_space<vmem>>) target(%dma_start3A_1498 : memref<500480xf32, #tpu.memory_space<vmem_shared>>) offsets(%dma_start3A_1496 : memref<128xi32, #tpu.memory_space<vmem>>) semaphore(%run_scoped3A_1494 : memref<!tpu.dma_semaphore, #tpu.memory_space<semaphore_mem>>) {add = true}
        %dma_wait3A = arith.constant 0 : i32
        %dma_wait3A_1499 = tpu.memref_slice %arg6[%run_scoped3A_1487, %dma_wait3A] : memref<8x128xi32, #tpu.memory_space<vmem>> -> memref<1x128xi32, #tpu.memory_space<vmem>>
        %dma_wait3A_1500 = tpu.memref_squeeze %dma_wait3A_1499 : memref<1x128xi32, #tpu.memory_space<vmem>> -> memref<128xi32, #tpu.memory_space<vmem>>
        %dma_wait3A_1501 = arith.constant 0 : i32
        %dma_wait3A_1502 = tpu.memref_slice %arg9[%dma_wait3A_1501] : memref<500480xf32, #tpu.memory_space<vmem_shared>> -> memref<500480xf32, #tpu.memory_space<vmem_shared>>
        tpu.wait_indirect_dma semaphore(%run_scoped3A_1494 : memref<!tpu.dma_semaphore, #tpu.memory_space<semaphore_mem>>) src(%arg7 : memref<128xf32, #tpu.memory_space<vmem>>) dst(%dma_wait3A_1502 : memref<500480xf32, #tpu.memory_space<vmem_shared>>)
        tpu.yield
      }) : () -> ()
      %run_scoped3A_1488 = arith.constant 2 : i32
      "tpu.region"() ({
        %run_scoped3A_1494 = tpu.sem_alloc : memref<!tpu.dma_semaphore, #tpu.memory_space<semaphore_mem>>
        %dma_start3A = arith.constant 0 : i32
        %dma_start3A_1495 = tpu.memref_slice %arg6[%run_scoped3A_1488, %dma_start3A] : memref<8x128xi32, #tpu.memory_space<vmem>> -> memref<1x128xi32, #tpu.memory_space<vmem>>
        %dma_start3A_1496 = tpu.memref_squeeze %dma_start3A_1495 : memref<1x128xi32, #tpu.memory_space<vmem>> -> memref<128xi32, #tpu.memory_space<vmem>>
        %dma_start3A_1497 = arith.constant 0 : i32
        %dma_start3A_1498 = tpu.memref_slice %arg9[%dma_start3A_1497] : memref<500480xf32, #tpu.memory_space<vmem_shared>> -> memref<500480xf32, #tpu.memory_space<vmem_shared>>
        tpu.enqueue_indirect_dma source(%arg7 : memref<128xf32, #tpu.memory_space<vmem>>) target(%dma_start3A_1498 : memref<500480xf32, #tpu.memory_space<vmem_shared>>) offsets(%dma_start3A_1496 : memref<128xi32, #tpu.memory_space<vmem>>) semaphore(%run_scoped3A_1494 : memref<!tpu.dma_semaphore, #tpu.memory_space<semaphore_mem>>) {add = true}
        %dma_wait3A = arith.constant 0 : i32
        %dma_wait3A_1499 = tpu.memref_slice %arg6[%run_scoped3A_1488, %dma_wait3A] : memref<8x128xi32, #tpu.memory_space<vmem>> -> memref<1x128xi32, #tpu.memory_space<vmem>>
        %dma_wait3A_1500 = tpu.memref_squeeze %dma_wait3A_1499 : memref<1x128xi32, #tpu.memory_space<vmem>> -> memref<128xi32, #tpu.memory_space<vmem>>
        %dma_wait3A_1501 = arith.constant 0 : i32
        %dma_wait3A_1502 = tpu.memref_slice %arg9[%dma_wait3A_1501] : memref<500480xf32, #tpu.memory_space<vmem_shared>> -> memref<500480xf32, #tpu.memory_space<vmem_shared>>
        tpu.wait_indirect_dma semaphore(%run_scoped3A_1494 : memref<!tpu.dma_semaphore, #tpu.memory_space<semaphore_mem>>) src(%arg7 : memref<128xf32, #tpu.memory_space<vmem>>) dst(%dma_wait3A_1502 : memref<500480xf32, #tpu.memory_space<vmem_shared>>)
        tpu.yield
      }) : () -> ()
      %run_scoped3A_1489 = arith.constant 3 : i32
      "tpu.region"() ({
        %run_scoped3A_1494 = tpu.sem_alloc : memref<!tpu.dma_semaphore, #tpu.memory_space<semaphore_mem>>
        %dma_start3A = arith.constant 0 : i32
        %dma_start3A_1495 = tpu.memref_slice %arg6[%run_scoped3A_1489, %dma_start3A] : memref<8x128xi32, #tpu.memory_space<vmem>> -> memref<1x128xi32, #tpu.memory_space<vmem>>
        %dma_start3A_1496 = tpu.memref_squeeze %dma_start3A_1495 : memref<1x128xi32, #tpu.memory_space<vmem>> -> memref<128xi32, #tpu.memory_space<vmem>>
        %dma_start3A_1497 = arith.constant 0 : i32
        %dma_start3A_1498 = tpu.memref_slice %arg9[%dma_start3A_1497] : memref<500480xf32, #tpu.memory_space<vmem_shared>> -> memref<500480xf32, #tpu.memory_space<vmem_shared>>
        tpu.enqueue_indirect_dma source(%arg7 : memref<128xf32, #tpu.memory_space<vmem>>) target(%dma_start3A_1498 : memref<500480xf32, #tpu.memory_space<vmem_shared>>) offsets(%dma_start3A_1496 : memref<128xi32, #tpu.memory_space<vmem>>) semaphore(%run_scoped3A_1494 : memref<!tpu.dma_semaphore, #tpu.memory_space<semaphore_mem>>) {add = true}
        %dma_wait3A = arith.constant 0 : i32
        %dma_wait3A_1499 = tpu.memref_slice %arg6[%run_scoped3A_1489, %dma_wait3A] : memref<8x128xi32, #tpu.memory_space<vmem>> -> memref<1x128xi32, #tpu.memory_space<vmem>>
        %dma_wait3A_1500 = tpu.memref_squeeze %dma_wait3A_1499 : memref<1x128xi32, #tpu.memory_space<vmem>> -> memref<128xi32, #tpu.memory_space<vmem>>
        %dma_wait3A_1501 = arith.constant 0 : i32
        %dma_wait3A_1502 = tpu.memref_slice %arg9[%dma_wait3A_1501] : memref<500480xf32, #tpu.memory_space<vmem_shared>> -> memref<500480xf32, #tpu.memory_space<vmem_shared>>
        tpu.wait_indirect_dma semaphore(%run_scoped3A_1494 : memref<!tpu.dma_semaphore, #tpu.memory_space<semaphore_mem>>) src(%arg7 : memref<128xf32, #tpu.memory_space<vmem>>) dst(%dma_wait3A_1502 : memref<500480xf32, #tpu.memory_space<vmem_shared>>)
        tpu.yield
      }) : () -> ()
      %run_scoped3A_1490 = arith.constant 4 : i32
      "tpu.region"() ({
        %run_scoped3A_1494 = tpu.sem_alloc : memref<!tpu.dma_semaphore, #tpu.memory_space<semaphore_mem>>
        %dma_start3A = arith.constant 0 : i32
        %dma_start3A_1495 = tpu.memref_slice %arg6[%run_scoped3A_1490, %dma_start3A] : memref<8x128xi32, #tpu.memory_space<vmem>> -> memref<1x128xi32, #tpu.memory_space<vmem>>
        %dma_start3A_1496 = tpu.memref_squeeze %dma_start3A_1495 : memref<1x128xi32, #tpu.memory_space<vmem>> -> memref<128xi32, #tpu.memory_space<vmem>>
        %dma_start3A_1497 = arith.constant 0 : i32
        %dma_start3A_1498 = tpu.memref_slice %arg9[%dma_start3A_1497] : memref<500480xf32, #tpu.memory_space<vmem_shared>> -> memref<500480xf32, #tpu.memory_space<vmem_shared>>
        tpu.enqueue_indirect_dma source(%arg7 : memref<128xf32, #tpu.memory_space<vmem>>) target(%dma_start3A_1498 : memref<500480xf32, #tpu.memory_space<vmem_shared>>) offsets(%dma_start3A_1496 : memref<128xi32, #tpu.memory_space<vmem>>) semaphore(%run_scoped3A_1494 : memref<!tpu.dma_semaphore, #tpu.memory_space<semaphore_mem>>) {add = true}
        %dma_wait3A = arith.constant 0 : i32
        %dma_wait3A_1499 = tpu.memref_slice %arg6[%run_scoped3A_1490, %dma_wait3A] : memref<8x128xi32, #tpu.memory_space<vmem>> -> memref<1x128xi32, #tpu.memory_space<vmem>>
        %dma_wait3A_1500 = tpu.memref_squeeze %dma_wait3A_1499 : memref<1x128xi32, #tpu.memory_space<vmem>> -> memref<128xi32, #tpu.memory_space<vmem>>
        %dma_wait3A_1501 = arith.constant 0 : i32
        %dma_wait3A_1502 = tpu.memref_slice %arg9[%dma_wait3A_1501] : memref<500480xf32, #tpu.memory_space<vmem_shared>> -> memref<500480xf32, #tpu.memory_space<vmem_shared>>
        tpu.wait_indirect_dma semaphore(%run_scoped3A_1494 : memref<!tpu.dma_semaphore, #tpu.memory_space<semaphore_mem>>) src(%arg7 : memref<128xf32, #tpu.memory_space<vmem>>) dst(%dma_wait3A_1502 : memref<500480xf32, #tpu.memory_space<vmem_shared>>)
        tpu.yield
      }) : () -> ()
      %run_scoped3A_1491 = arith.constant 5 : i32
      "tpu.region"() ({
        %run_scoped3A_1494 = tpu.sem_alloc : memref<!tpu.dma_semaphore, #tpu.memory_space<semaphore_mem>>
        %dma_start3A = arith.constant 0 : i32
        %dma_start3A_1495 = tpu.memref_slice %arg6[%run_scoped3A_1491, %dma_start3A] : memref<8x128xi32, #tpu.memory_space<vmem>> -> memref<1x128xi32, #tpu.memory_space<vmem>>
        %dma_start3A_1496 = tpu.memref_squeeze %dma_start3A_1495 : memref<1x128xi32, #tpu.memory_space<vmem>> -> memref<128xi32, #tpu.memory_space<vmem>>
        %dma_start3A_1497 = arith.constant 0 : i32
        %dma_start3A_1498 = tpu.memref_slice %arg9[%dma_start3A_1497] : memref<500480xf32, #tpu.memory_space<vmem_shared>> -> memref<500480xf32, #tpu.memory_space<vmem_shared>>
        tpu.enqueue_indirect_dma source(%arg7 : memref<128xf32, #tpu.memory_space<vmem>>) target(%dma_start3A_1498 : memref<500480xf32, #tpu.memory_space<vmem_shared>>) offsets(%dma_start3A_1496 : memref<128xi32, #tpu.memory_space<vmem>>) semaphore(%run_scoped3A_1494 : memref<!tpu.dma_semaphore, #tpu.memory_space<semaphore_mem>>) {add = true}
        %dma_wait3A = arith.constant 0 : i32
        %dma_wait3A_1499 = tpu.memref_slice %arg6[%run_scoped3A_1491, %dma_wait3A] : memref<8x128xi32, #tpu.memory_space<vmem>> -> memref<1x128xi32, #tpu.memory_space<vmem>>
        %dma_wait3A_1500 = tpu.memref_squeeze %dma_wait3A_1499 : memref<1x128xi32, #tpu.memory_space<vmem>> -> memref<128xi32, #tpu.memory_space<vmem>>
        %dma_wait3A_1501 = arith.constant 0 : i32
        %dma_wait3A_1502 = tpu.memref_slice %arg9[%dma_wait3A_1501] : memref<500480xf32, #tpu.memory_space<vmem_shared>> -> memref<500480xf32, #tpu.memory_space<vmem_shared>>
        tpu.wait_indirect_dma semaphore(%run_scoped3A_1494 : memref<!tpu.dma_semaphore, #tpu.memory_space<semaphore_mem>>) src(%arg7 : memref<128xf32, #tpu.memory_space<vmem>>) dst(%dma_wait3A_1502 : memref<500480xf32, #tpu.memory_space<vmem_shared>>)
        tpu.yield
      }) : () -> ()
      %run_scoped3A_1492 = arith.constant 6 : i32
      "tpu.region"() ({
        %run_scoped3A_1494 = tpu.sem_alloc : memref<!tpu.dma_semaphore, #tpu.memory_space<semaphore_mem>>
        %dma_start3A = arith.constant 0 : i32
        %dma_start3A_1495 = tpu.memref_slice %arg6[%run_scoped3A_1492, %dma_start3A] : memref<8x128xi32, #tpu.memory_space<vmem>> -> memref<1x128xi32, #tpu.memory_space<vmem>>
        %dma_start3A_1496 = tpu.memref_squeeze %dma_start3A_1495 : memref<1x128xi32, #tpu.memory_space<vmem>> -> memref<128xi32, #tpu.memory_space<vmem>>
        %dma_start3A_1497 = arith.constant 0 : i32
        %dma_start3A_1498 = tpu.memref_slice %arg9[%dma_start3A_1497] : memref<500480xf32, #tpu.memory_space<vmem_shared>> -> memref<500480xf32, #tpu.memory_space<vmem_shared>>
        tpu.enqueue_indirect_dma source(%arg7 : memref<128xf32, #tpu.memory_space<vmem>>) target(%dma_start3A_1498 : memref<500480xf32, #tpu.memory_space<vmem_shared>>) offsets(%dma_start3A_1496 : memref<128xi32, #tpu.memory_space<vmem>>) semaphore(%run_scoped3A_1494 : memref<!tpu.dma_semaphore, #tpu.memory_space<semaphore_mem>>) {add = true}
        %dma_wait3A = arith.constant 0 : i32
        %dma_wait3A_1499 = tpu.memref_slice %arg6[%run_scoped3A_1492, %dma_wait3A] : memref<8x128xi32, #tpu.memory_space<vmem>> -> memref<1x128xi32, #tpu.memory_space<vmem>>
        %dma_wait3A_1500 = tpu.memref_squeeze %dma_wait3A_1499 : memref<1x128xi32, #tpu.memory_space<vmem>> -> memref<128xi32, #tpu.memory_space<vmem>>
        %dma_wait3A_1501 = arith.constant 0 : i32
        %dma_wait3A_1502 = tpu.memref_slice %arg9[%dma_wait3A_1501] : memref<500480xf32, #tpu.memory_space<vmem_shared>> -> memref<500480xf32, #tpu.memory_space<vmem_shared>>
        tpu.wait_indirect_dma semaphore(%run_scoped3A_1494 : memref<!tpu.dma_semaphore, #tpu.memory_space<semaphore_mem>>) src(%arg7 : memref<128xf32, #tpu.memory_space<vmem>>) dst(%dma_wait3A_1502 : memref<500480xf32, #tpu.memory_space<vmem_shared>>)
        tpu.yield
      }) : () -> ()
      %run_scoped3A_1493 = arith.constant 7 : i32
      "tpu.region"() ({
        %run_scoped3A_1494 = tpu.sem_alloc : memref<!tpu.dma_semaphore, #tpu.memory_space<semaphore_mem>>
        %dma_start3A = arith.constant 0 : i32
        %dma_start3A_1495 = tpu.memref_slice %arg6[%run_scoped3A_1493, %dma_start3A] : memref<8x128xi32, #tpu.memory_space<vmem>> -> memref<1x128xi32, #tpu.memory_space<vmem>>
        %dma_start3A_1496 = tpu.memref_squeeze %dma_start3A_1495 : memref<1x128xi32, #tpu.memory_space<vmem>> -> memref<128xi32, #tpu.memory_space<vmem>>
        %dma_start3A_1497 = arith.constant 0 : i32
        %dma_start3A_1498 = tpu.memref_slice %arg9[%dma_start3A_1497] : memref<500480xf32, #tpu.memory_space<vmem_shared>> -> memref<500480xf32, #tpu.memory_space<vmem_shared>>
        tpu.enqueue_indirect_dma source(%arg7 : memref<128xf32, #tpu.memory_space<vmem>>) target(%dma_start3A_1498 : memref<500480xf32, #tpu.memory_space<vmem_shared>>) offsets(%dma_start3A_1496 : memref<128xi32, #tpu.memory_space<vmem>>) semaphore(%run_scoped3A_1494 : memref<!tpu.dma_semaphore, #tpu.memory_space<semaphore_mem>>) {add = true}
        %dma_wait3A = arith.constant 0 : i32
        %dma_wait3A_1499 = tpu.memref_slice %arg6[%run_scoped3A_1493, %dma_wait3A] : memref<8x128xi32, #tpu.memory_space<vmem>> -> memref<1x128xi32, #tpu.memory_space<vmem>>
        %dma_wait3A_1500 = tpu.memref_squeeze %dma_wait3A_1499 : memref<1x128xi32, #tpu.memory_space<vmem>> -> memref<128xi32, #tpu.memory_space<vmem>>
        %dma_wait3A_1501 = arith.constant 0 : i32
        %dma_wait3A_1502 = tpu.memref_slice %arg9[%dma_wait3A_1501] : memref<500480xf32, #tpu.memory_space<vmem_shared>> -> memref<500480xf32, #tpu.memory_space<vmem_shared>>
        tpu.wait_indirect_dma semaphore(%run_scoped3A_1494 : memref<!tpu.dma_semaphore, #tpu.memory_space<semaphore_mem>>) src(%arg7 : memref<128xf32, #tpu.memory_space<vmem>>) dst(%dma_wait3A_1502 : memref<500480xf32, #tpu.memory_space<vmem_shared>>)
        tpu.yield
      }) : () -> ()
    } else {
    }
    %barrier3A_1436 = arith.constant 0 : index
    tpu.barrier barrier_id(%barrier3A_1436)
    %eq3A_1437 = arith.constant 9 : i32
    %eq3A_1438 = arith.cmpi eq, %arg1, %eq3A_1437 : i32
    %convert_element_type3A_1439 = arith.extui %eq3A_1438 : i1 to i32
    %cond3A_1440 = arith.constant 0 : i32
    %cond3A_1441 = arith.cmpi ne, %convert_element_type3A_1439, %cond3A_1440 : i32
    scf.if %cond3A_1441 {
      %run_scoped3A = arith.constant 0 : i32
      "tpu.region"() ({
        %run_scoped3A_1494 = tpu.sem_alloc : memref<!tpu.dma_semaphore, #tpu.memory_space<semaphore_mem>>
        %dma_start3A = arith.constant 0 : i32
        %dma_start3A_1495 = tpu.memref_slice %arg6[%run_scoped3A, %dma_start3A] : memref<8x128xi32, #tpu.memory_space<vmem>> -> memref<1x128xi32, #tpu.memory_space<vmem>>
        %dma_start3A_1496 = tpu.memref_squeeze %dma_start3A_1495 : memref<1x128xi32, #tpu.memory_space<vmem>> -> memref<128xi32, #tpu.memory_space<vmem>>
        %dma_start3A_1497 = arith.constant 0 : i32
        %dma_start3A_1498 = tpu.memref_slice %arg9[%dma_start3A_1497] : memref<500480xf32, #tpu.memory_space<vmem_shared>> -> memref<500480xf32, #tpu.memory_space<vmem_shared>>
        tpu.enqueue_indirect_dma source(%arg7 : memref<128xf32, #tpu.memory_space<vmem>>) target(%dma_start3A_1498 : memref<500480xf32, #tpu.memory_space<vmem_shared>>) offsets(%dma_start3A_1496 : memref<128xi32, #tpu.memory_space<vmem>>) semaphore(%run_scoped3A_1494 : memref<!tpu.dma_semaphore, #tpu.memory_space<semaphore_mem>>) {add = true}
        %dma_wait3A = arith.constant 0 : i32
        %dma_wait3A_1499 = tpu.memref_slice %arg6[%run_scoped3A, %dma_wait3A] : memref<8x128xi32, #tpu.memory_space<vmem>> -> memref<1x128xi32, #tpu.memory_space<vmem>>
        %dma_wait3A_1500 = tpu.memref_squeeze %dma_wait3A_1499 : memref<1x128xi32, #tpu.memory_space<vmem>> -> memref<128xi32, #tpu.memory_space<vmem>>
        %dma_wait3A_1501 = arith.constant 0 : i32
        %dma_wait3A_1502 = tpu.memref_slice %arg9[%dma_wait3A_1501] : memref<500480xf32, #tpu.memory_space<vmem_shared>> -> memref<500480xf32, #tpu.memory_space<vmem_shared>>
        tpu.wait_indirect_dma semaphore(%run_scoped3A_1494 : memref<!tpu.dma_semaphore, #tpu.memory_space<semaphore_mem>>) src(%arg7 : memref<128xf32, #tpu.memory_space<vmem>>) dst(%dma_wait3A_1502 : memref<500480xf32, #tpu.memory_space<vmem_shared>>)
        tpu.yield
      }) : () -> ()
      %run_scoped3A_1487 = arith.constant 1 : i32
      "tpu.region"() ({
        %run_scoped3A_1494 = tpu.sem_alloc : memref<!tpu.dma_semaphore, #tpu.memory_space<semaphore_mem>>
        %dma_start3A = arith.constant 0 : i32
        %dma_start3A_1495 = tpu.memref_slice %arg6[%run_scoped3A_1487, %dma_start3A] : memref<8x128xi32, #tpu.memory_space<vmem>> -> memref<1x128xi32, #tpu.memory_space<vmem>>
        %dma_start3A_1496 = tpu.memref_squeeze %dma_start3A_1495 : memref<1x128xi32, #tpu.memory_space<vmem>> -> memref<128xi32, #tpu.memory_space<vmem>>
        %dma_start3A_1497 = arith.constant 0 : i32
        %dma_start3A_1498 = tpu.memref_slice %arg9[%dma_start3A_1497] : memref<500480xf32, #tpu.memory_space<vmem_shared>> -> memref<500480xf32, #tpu.memory_space<vmem_shared>>
        tpu.enqueue_indirect_dma source(%arg7 : memref<128xf32, #tpu.memory_space<vmem>>) target(%dma_start3A_1498 : memref<500480xf32, #tpu.memory_space<vmem_shared>>) offsets(%dma_start3A_1496 : memref<128xi32, #tpu.memory_space<vmem>>) semaphore(%run_scoped3A_1494 : memref<!tpu.dma_semaphore, #tpu.memory_space<semaphore_mem>>) {add = true}
        %dma_wait3A = arith.constant 0 : i32
        %dma_wait3A_1499 = tpu.memref_slice %arg6[%run_scoped3A_1487, %dma_wait3A] : memref<8x128xi32, #tpu.memory_space<vmem>> -> memref<1x128xi32, #tpu.memory_space<vmem>>
        %dma_wait3A_1500 = tpu.memref_squeeze %dma_wait3A_1499 : memref<1x128xi32, #tpu.memory_space<vmem>> -> memref<128xi32, #tpu.memory_space<vmem>>
        %dma_wait3A_1501 = arith.constant 0 : i32
        %dma_wait3A_1502 = tpu.memref_slice %arg9[%dma_wait3A_1501] : memref<500480xf32, #tpu.memory_space<vmem_shared>> -> memref<500480xf32, #tpu.memory_space<vmem_shared>>
        tpu.wait_indirect_dma semaphore(%run_scoped3A_1494 : memref<!tpu.dma_semaphore, #tpu.memory_space<semaphore_mem>>) src(%arg7 : memref<128xf32, #tpu.memory_space<vmem>>) dst(%dma_wait3A_1502 : memref<500480xf32, #tpu.memory_space<vmem_shared>>)
        tpu.yield
      }) : () -> ()
      %run_scoped3A_1488 = arith.constant 2 : i32
      "tpu.region"() ({
        %run_scoped3A_1494 = tpu.sem_alloc : memref<!tpu.dma_semaphore, #tpu.memory_space<semaphore_mem>>
        %dma_start3A = arith.constant 0 : i32
        %dma_start3A_1495 = tpu.memref_slice %arg6[%run_scoped3A_1488, %dma_start3A] : memref<8x128xi32, #tpu.memory_space<vmem>> -> memref<1x128xi32, #tpu.memory_space<vmem>>
        %dma_start3A_1496 = tpu.memref_squeeze %dma_start3A_1495 : memref<1x128xi32, #tpu.memory_space<vmem>> -> memref<128xi32, #tpu.memory_space<vmem>>
        %dma_start3A_1497 = arith.constant 0 : i32
        %dma_start3A_1498 = tpu.memref_slice %arg9[%dma_start3A_1497] : memref<500480xf32, #tpu.memory_space<vmem_shared>> -> memref<500480xf32, #tpu.memory_space<vmem_shared>>
        tpu.enqueue_indirect_dma source(%arg7 : memref<128xf32, #tpu.memory_space<vmem>>) target(%dma_start3A_1498 : memref<500480xf32, #tpu.memory_space<vmem_shared>>) offsets(%dma_start3A_1496 : memref<128xi32, #tpu.memory_space<vmem>>) semaphore(%run_scoped3A_1494 : memref<!tpu.dma_semaphore, #tpu.memory_space<semaphore_mem>>) {add = true}
        %dma_wait3A = arith.constant 0 : i32
        %dma_wait3A_1499 = tpu.memref_slice %arg6[%run_scoped3A_1488, %dma_wait3A] : memref<8x128xi32, #tpu.memory_space<vmem>> -> memref<1x128xi32, #tpu.memory_space<vmem>>
        %dma_wait3A_1500 = tpu.memref_squeeze %dma_wait3A_1499 : memref<1x128xi32, #tpu.memory_space<vmem>> -> memref<128xi32, #tpu.memory_space<vmem>>
        %dma_wait3A_1501 = arith.constant 0 : i32
        %dma_wait3A_1502 = tpu.memref_slice %arg9[%dma_wait3A_1501] : memref<500480xf32, #tpu.memory_space<vmem_shared>> -> memref<500480xf32, #tpu.memory_space<vmem_shared>>
        tpu.wait_indirect_dma semaphore(%run_scoped3A_1494 : memref<!tpu.dma_semaphore, #tpu.memory_space<semaphore_mem>>) src(%arg7 : memref<128xf32, #tpu.memory_space<vmem>>) dst(%dma_wait3A_1502 : memref<500480xf32, #tpu.memory_space<vmem_shared>>)
        tpu.yield
      }) : () -> ()
      %run_scoped3A_1489 = arith.constant 3 : i32
      "tpu.region"() ({
        %run_scoped3A_1494 = tpu.sem_alloc : memref<!tpu.dma_semaphore, #tpu.memory_space<semaphore_mem>>
        %dma_start3A = arith.constant 0 : i32
        %dma_start3A_1495 = tpu.memref_slice %arg6[%run_scoped3A_1489, %dma_start3A] : memref<8x128xi32, #tpu.memory_space<vmem>> -> memref<1x128xi32, #tpu.memory_space<vmem>>
        %dma_start3A_1496 = tpu.memref_squeeze %dma_start3A_1495 : memref<1x128xi32, #tpu.memory_space<vmem>> -> memref<128xi32, #tpu.memory_space<vmem>>
        %dma_start3A_1497 = arith.constant 0 : i32
        %dma_start3A_1498 = tpu.memref_slice %arg9[%dma_start3A_1497] : memref<500480xf32, #tpu.memory_space<vmem_shared>> -> memref<500480xf32, #tpu.memory_space<vmem_shared>>
        tpu.enqueue_indirect_dma source(%arg7 : memref<128xf32, #tpu.memory_space<vmem>>) target(%dma_start3A_1498 : memref<500480xf32, #tpu.memory_space<vmem_shared>>) offsets(%dma_start3A_1496 : memref<128xi32, #tpu.memory_space<vmem>>) semaphore(%run_scoped3A_1494 : memref<!tpu.dma_semaphore, #tpu.memory_space<semaphore_mem>>) {add = true}
        %dma_wait3A = arith.constant 0 : i32
        %dma_wait3A_1499 = tpu.memref_slice %arg6[%run_scoped3A_1489, %dma_wait3A] : memref<8x128xi32, #tpu.memory_space<vmem>> -> memref<1x128xi32, #tpu.memory_space<vmem>>
        %dma_wait3A_1500 = tpu.memref_squeeze %dma_wait3A_1499 : memref<1x128xi32, #tpu.memory_space<vmem>> -> memref<128xi32, #tpu.memory_space<vmem>>
        %dma_wait3A_1501 = arith.constant 0 : i32
        %dma_wait3A_1502 = tpu.memref_slice %arg9[%dma_wait3A_1501] : memref<500480xf32, #tpu.memory_space<vmem_shared>> -> memref<500480xf32, #tpu.memory_space<vmem_shared>>
        tpu.wait_indirect_dma semaphore(%run_scoped3A_1494 : memref<!tpu.dma_semaphore, #tpu.memory_space<semaphore_mem>>) src(%arg7 : memref<128xf32, #tpu.memory_space<vmem>>) dst(%dma_wait3A_1502 : memref<500480xf32, #tpu.memory_space<vmem_shared>>)
        tpu.yield
      }) : () -> ()
      %run_scoped3A_1490 = arith.constant 4 : i32
      "tpu.region"() ({
        %run_scoped3A_1494 = tpu.sem_alloc : memref<!tpu.dma_semaphore, #tpu.memory_space<semaphore_mem>>
        %dma_start3A = arith.constant 0 : i32
        %dma_start3A_1495 = tpu.memref_slice %arg6[%run_scoped3A_1490, %dma_start3A] : memref<8x128xi32, #tpu.memory_space<vmem>> -> memref<1x128xi32, #tpu.memory_space<vmem>>
        %dma_start3A_1496 = tpu.memref_squeeze %dma_start3A_1495 : memref<1x128xi32, #tpu.memory_space<vmem>> -> memref<128xi32, #tpu.memory_space<vmem>>
        %dma_start3A_1497 = arith.constant 0 : i32
        %dma_start3A_1498 = tpu.memref_slice %arg9[%dma_start3A_1497] : memref<500480xf32, #tpu.memory_space<vmem_shared>> -> memref<500480xf32, #tpu.memory_space<vmem_shared>>
        tpu.enqueue_indirect_dma source(%arg7 : memref<128xf32, #tpu.memory_space<vmem>>) target(%dma_start3A_1498 : memref<500480xf32, #tpu.memory_space<vmem_shared>>) offsets(%dma_start3A_1496 : memref<128xi32, #tpu.memory_space<vmem>>) semaphore(%run_scoped3A_1494 : memref<!tpu.dma_semaphore, #tpu.memory_space<semaphore_mem>>) {add = true}
        %dma_wait3A = arith.constant 0 : i32
        %dma_wait3A_1499 = tpu.memref_slice %arg6[%run_scoped3A_1490, %dma_wait3A] : memref<8x128xi32, #tpu.memory_space<vmem>> -> memref<1x128xi32, #tpu.memory_space<vmem>>
        %dma_wait3A_1500 = tpu.memref_squeeze %dma_wait3A_1499 : memref<1x128xi32, #tpu.memory_space<vmem>> -> memref<128xi32, #tpu.memory_space<vmem>>
        %dma_wait3A_1501 = arith.constant 0 : i32
        %dma_wait3A_1502 = tpu.memref_slice %arg9[%dma_wait3A_1501] : memref<500480xf32, #tpu.memory_space<vmem_shared>> -> memref<500480xf32, #tpu.memory_space<vmem_shared>>
        tpu.wait_indirect_dma semaphore(%run_scoped3A_1494 : memref<!tpu.dma_semaphore, #tpu.memory_space<semaphore_mem>>) src(%arg7 : memref<128xf32, #tpu.memory_space<vmem>>) dst(%dma_wait3A_1502 : memref<500480xf32, #tpu.memory_space<vmem_shared>>)
        tpu.yield
      }) : () -> ()
      %run_scoped3A_1491 = arith.constant 5 : i32
      "tpu.region"() ({
        %run_scoped3A_1494 = tpu.sem_alloc : memref<!tpu.dma_semaphore, #tpu.memory_space<semaphore_mem>>
        %dma_start3A = arith.constant 0 : i32
        %dma_start3A_1495 = tpu.memref_slice %arg6[%run_scoped3A_1491, %dma_start3A] : memref<8x128xi32, #tpu.memory_space<vmem>> -> memref<1x128xi32, #tpu.memory_space<vmem>>
        %dma_start3A_1496 = tpu.memref_squeeze %dma_start3A_1495 : memref<1x128xi32, #tpu.memory_space<vmem>> -> memref<128xi32, #tpu.memory_space<vmem>>
        %dma_start3A_1497 = arith.constant 0 : i32
        %dma_start3A_1498 = tpu.memref_slice %arg9[%dma_start3A_1497] : memref<500480xf32, #tpu.memory_space<vmem_shared>> -> memref<500480xf32, #tpu.memory_space<vmem_shared>>
        tpu.enqueue_indirect_dma source(%arg7 : memref<128xf32, #tpu.memory_space<vmem>>) target(%dma_start3A_1498 : memref<500480xf32, #tpu.memory_space<vmem_shared>>) offsets(%dma_start3A_1496 : memref<128xi32, #tpu.memory_space<vmem>>) semaphore(%run_scoped3A_1494 : memref<!tpu.dma_semaphore, #tpu.memory_space<semaphore_mem>>) {add = true}
        %dma_wait3A = arith.constant 0 : i32
        %dma_wait3A_1499 = tpu.memref_slice %arg6[%run_scoped3A_1491, %dma_wait3A] : memref<8x128xi32, #tpu.memory_space<vmem>> -> memref<1x128xi32, #tpu.memory_space<vmem>>
        %dma_wait3A_1500 = tpu.memref_squeeze %dma_wait3A_1499 : memref<1x128xi32, #tpu.memory_space<vmem>> -> memref<128xi32, #tpu.memory_space<vmem>>
        %dma_wait3A_1501 = arith.constant 0 : i32
        %dma_wait3A_1502 = tpu.memref_slice %arg9[%dma_wait3A_1501] : memref<500480xf32, #tpu.memory_space<vmem_shared>> -> memref<500480xf32, #tpu.memory_space<vmem_shared>>
        tpu.wait_indirect_dma semaphore(%run_scoped3A_1494 : memref<!tpu.dma_semaphore, #tpu.memory_space<semaphore_mem>>) src(%arg7 : memref<128xf32, #tpu.memory_space<vmem>>) dst(%dma_wait3A_1502 : memref<500480xf32, #tpu.memory_space<vmem_shared>>)
        tpu.yield
      }) : () -> ()
      %run_scoped3A_1492 = arith.constant 6 : i32
      "tpu.region"() ({
        %run_scoped3A_1494 = tpu.sem_alloc : memref<!tpu.dma_semaphore, #tpu.memory_space<semaphore_mem>>
        %dma_start3A = arith.constant 0 : i32
        %dma_start3A_1495 = tpu.memref_slice %arg6[%run_scoped3A_1492, %dma_start3A] : memref<8x128xi32, #tpu.memory_space<vmem>> -> memref<1x128xi32, #tpu.memory_space<vmem>>
        %dma_start3A_1496 = tpu.memref_squeeze %dma_start3A_1495 : memref<1x128xi32, #tpu.memory_space<vmem>> -> memref<128xi32, #tpu.memory_space<vmem>>
        %dma_start3A_1497 = arith.constant 0 : i32
        %dma_start3A_1498 = tpu.memref_slice %arg9[%dma_start3A_1497] : memref<500480xf32, #tpu.memory_space<vmem_shared>> -> memref<500480xf32, #tpu.memory_space<vmem_shared>>
        tpu.enqueue_indirect_dma source(%arg7 : memref<128xf32, #tpu.memory_space<vmem>>) target(%dma_start3A_1498 : memref<500480xf32, #tpu.memory_space<vmem_shared>>) offsets(%dma_start3A_1496 : memref<128xi32, #tpu.memory_space<vmem>>) semaphore(%run_scoped3A_1494 : memref<!tpu.dma_semaphore, #tpu.memory_space<semaphore_mem>>) {add = true}
        %dma_wait3A = arith.constant 0 : i32
        %dma_wait3A_1499 = tpu.memref_slice %arg6[%run_scoped3A_1492, %dma_wait3A] : memref<8x128xi32, #tpu.memory_space<vmem>> -> memref<1x128xi32, #tpu.memory_space<vmem>>
        %dma_wait3A_1500 = tpu.memref_squeeze %dma_wait3A_1499 : memref<1x128xi32, #tpu.memory_space<vmem>> -> memref<128xi32, #tpu.memory_space<vmem>>
        %dma_wait3A_1501 = arith.constant 0 : i32
        %dma_wait3A_1502 = tpu.memref_slice %arg9[%dma_wait3A_1501] : memref<500480xf32, #tpu.memory_space<vmem_shared>> -> memref<500480xf32, #tpu.memory_space<vmem_shared>>
        tpu.wait_indirect_dma semaphore(%run_scoped3A_1494 : memref<!tpu.dma_semaphore, #tpu.memory_space<semaphore_mem>>) src(%arg7 : memref<128xf32, #tpu.memory_space<vmem>>) dst(%dma_wait3A_1502 : memref<500480xf32, #tpu.memory_space<vmem_shared>>)
        tpu.yield
      }) : () -> ()
      %run_scoped3A_1493 = arith.constant 7 : i32
      "tpu.region"() ({
        %run_scoped3A_1494 = tpu.sem_alloc : memref<!tpu.dma_semaphore, #tpu.memory_space<semaphore_mem>>
        %dma_start3A = arith.constant 0 : i32
        %dma_start3A_1495 = tpu.memref_slice %arg6[%run_scoped3A_1493, %dma_start3A] : memref<8x128xi32, #tpu.memory_space<vmem>> -> memref<1x128xi32, #tpu.memory_space<vmem>>
        %dma_start3A_1496 = tpu.memref_squeeze %dma_start3A_1495 : memref<1x128xi32, #tpu.memory_space<vmem>> -> memref<128xi32, #tpu.memory_space<vmem>>
        %dma_start3A_1497 = arith.constant 0 : i32
        %dma_start3A_1498 = tpu.memref_slice %arg9[%dma_start3A_1497] : memref<500480xf32, #tpu.memory_space<vmem_shared>> -> memref<500480xf32, #tpu.memory_space<vmem_shared>>
        tpu.enqueue_indirect_dma source(%arg7 : memref<128xf32, #tpu.memory_space<vmem>>) target(%dma_start3A_1498 : memref<500480xf32, #tpu.memory_space<vmem_shared>>) offsets(%dma_start3A_1496 : memref<128xi32, #tpu.memory_space<vmem>>) semaphore(%run_scoped3A_1494 : memref<!tpu.dma_semaphore, #tpu.memory_space<semaphore_mem>>) {add = true}
        %dma_wait3A = arith.constant 0 : i32
        %dma_wait3A_1499 = tpu.memref_slice %arg6[%run_scoped3A_1493, %dma_wait3A] : memref<8x128xi32, #tpu.memory_space<vmem>> -> memref<1x128xi32, #tpu.memory_space<vmem>>
        %dma_wait3A_1500 = tpu.memref_squeeze %dma_wait3A_1499 : memref<1x128xi32, #tpu.memory_space<vmem>> -> memref<128xi32, #tpu.memory_space<vmem>>
        %dma_wait3A_1501 = arith.constant 0 : i32
        %dma_wait3A_1502 = tpu.memref_slice %arg9[%dma_wait3A_1501] : memref<500480xf32, #tpu.memory_space<vmem_shared>> -> memref<500480xf32, #tpu.memory_space<vmem_shared>>
        tpu.wait_indirect_dma semaphore(%run_scoped3A_1494 : memref<!tpu.dma_semaphore, #tpu.memory_space<semaphore_mem>>) src(%arg7 : memref<128xf32, #tpu.memory_space<vmem>>) dst(%dma_wait3A_1502 : memref<500480xf32, #tpu.memory_space<vmem_shared>>)
        tpu.yield
      }) : () -> ()
    } else {
    }
    %barrier3A_1442 = arith.constant 0 : index
    tpu.barrier barrier_id(%barrier3A_1442)
    %eq3A_1443 = arith.constant 10 : i32
    %eq3A_1444 = arith.cmpi eq, %arg1, %eq3A_1443 : i32
    %convert_element_type3A_1445 = arith.extui %eq3A_1444 : i1 to i32
    %cond3A_1446 = arith.constant 0 : i32
    %cond3A_1447 = arith.cmpi ne, %convert_element_type3A_1445, %cond3A_1446 : i32
    scf.if %cond3A_1447 {
      %run_scoped3A = arith.constant 0 : i32
      "tpu.region"() ({
        %run_scoped3A_1494 = tpu.sem_alloc : memref<!tpu.dma_semaphore, #tpu.memory_space<semaphore_mem>>
        %dma_start3A = arith.constant 0 : i32
        %dma_start3A_1495 = tpu.memref_slice %arg6[%run_scoped3A, %dma_start3A] : memref<8x128xi32, #tpu.memory_space<vmem>> -> memref<1x128xi32, #tpu.memory_space<vmem>>
        %dma_start3A_1496 = tpu.memref_squeeze %dma_start3A_1495 : memref<1x128xi32, #tpu.memory_space<vmem>> -> memref<128xi32, #tpu.memory_space<vmem>>
        %dma_start3A_1497 = arith.constant 0 : i32
        %dma_start3A_1498 = tpu.memref_slice %arg9[%dma_start3A_1497] : memref<500480xf32, #tpu.memory_space<vmem_shared>> -> memref<500480xf32, #tpu.memory_space<vmem_shared>>
        tpu.enqueue_indirect_dma source(%arg7 : memref<128xf32, #tpu.memory_space<vmem>>) target(%dma_start3A_1498 : memref<500480xf32, #tpu.memory_space<vmem_shared>>) offsets(%dma_start3A_1496 : memref<128xi32, #tpu.memory_space<vmem>>) semaphore(%run_scoped3A_1494 : memref<!tpu.dma_semaphore, #tpu.memory_space<semaphore_mem>>) {add = true}
        %dma_wait3A = arith.constant 0 : i32
        %dma_wait3A_1499 = tpu.memref_slice %arg6[%run_scoped3A, %dma_wait3A] : memref<8x128xi32, #tpu.memory_space<vmem>> -> memref<1x128xi32, #tpu.memory_space<vmem>>
        %dma_wait3A_1500 = tpu.memref_squeeze %dma_wait3A_1499 : memref<1x128xi32, #tpu.memory_space<vmem>> -> memref<128xi32, #tpu.memory_space<vmem>>
        %dma_wait3A_1501 = arith.constant 0 : i32
        %dma_wait3A_1502 = tpu.memref_slice %arg9[%dma_wait3A_1501] : memref<500480xf32, #tpu.memory_space<vmem_shared>> -> memref<500480xf32, #tpu.memory_space<vmem_shared>>
        tpu.wait_indirect_dma semaphore(%run_scoped3A_1494 : memref<!tpu.dma_semaphore, #tpu.memory_space<semaphore_mem>>) src(%arg7 : memref<128xf32, #tpu.memory_space<vmem>>) dst(%dma_wait3A_1502 : memref<500480xf32, #tpu.memory_space<vmem_shared>>)
        tpu.yield
      }) : () -> ()
      %run_scoped3A_1487 = arith.constant 1 : i32
      "tpu.region"() ({
        %run_scoped3A_1494 = tpu.sem_alloc : memref<!tpu.dma_semaphore, #tpu.memory_space<semaphore_mem>>
        %dma_start3A = arith.constant 0 : i32
        %dma_start3A_1495 = tpu.memref_slice %arg6[%run_scoped3A_1487, %dma_start3A] : memref<8x128xi32, #tpu.memory_space<vmem>> -> memref<1x128xi32, #tpu.memory_space<vmem>>
        %dma_start3A_1496 = tpu.memref_squeeze %dma_start3A_1495 : memref<1x128xi32, #tpu.memory_space<vmem>> -> memref<128xi32, #tpu.memory_space<vmem>>
        %dma_start3A_1497 = arith.constant 0 : i32
        %dma_start3A_1498 = tpu.memref_slice %arg9[%dma_start3A_1497] : memref<500480xf32, #tpu.memory_space<vmem_shared>> -> memref<500480xf32, #tpu.memory_space<vmem_shared>>
        tpu.enqueue_indirect_dma source(%arg7 : memref<128xf32, #tpu.memory_space<vmem>>) target(%dma_start3A_1498 : memref<500480xf32, #tpu.memory_space<vmem_shared>>) offsets(%dma_start3A_1496 : memref<128xi32, #tpu.memory_space<vmem>>) semaphore(%run_scoped3A_1494 : memref<!tpu.dma_semaphore, #tpu.memory_space<semaphore_mem>>) {add = true}
        %dma_wait3A = arith.constant 0 : i32
        %dma_wait3A_1499 = tpu.memref_slice %arg6[%run_scoped3A_1487, %dma_wait3A] : memref<8x128xi32, #tpu.memory_space<vmem>> -> memref<1x128xi32, #tpu.memory_space<vmem>>
        %dma_wait3A_1500 = tpu.memref_squeeze %dma_wait3A_1499 : memref<1x128xi32, #tpu.memory_space<vmem>> -> memref<128xi32, #tpu.memory_space<vmem>>
        %dma_wait3A_1501 = arith.constant 0 : i32
        %dma_wait3A_1502 = tpu.memref_slice %arg9[%dma_wait3A_1501] : memref<500480xf32, #tpu.memory_space<vmem_shared>> -> memref<500480xf32, #tpu.memory_space<vmem_shared>>
        tpu.wait_indirect_dma semaphore(%run_scoped3A_1494 : memref<!tpu.dma_semaphore, #tpu.memory_space<semaphore_mem>>) src(%arg7 : memref<128xf32, #tpu.memory_space<vmem>>) dst(%dma_wait3A_1502 : memref<500480xf32, #tpu.memory_space<vmem_shared>>)
        tpu.yield
      }) : () -> ()
      %run_scoped3A_1488 = arith.constant 2 : i32
      "tpu.region"() ({
        %run_scoped3A_1494 = tpu.sem_alloc : memref<!tpu.dma_semaphore, #tpu.memory_space<semaphore_mem>>
        %dma_start3A = arith.constant 0 : i32
        %dma_start3A_1495 = tpu.memref_slice %arg6[%run_scoped3A_1488, %dma_start3A] : memref<8x128xi32, #tpu.memory_space<vmem>> -> memref<1x128xi32, #tpu.memory_space<vmem>>
        %dma_start3A_1496 = tpu.memref_squeeze %dma_start3A_1495 : memref<1x128xi32, #tpu.memory_space<vmem>> -> memref<128xi32, #tpu.memory_space<vmem>>
        %dma_start3A_1497 = arith.constant 0 : i32
        %dma_start3A_1498 = tpu.memref_slice %arg9[%dma_start3A_1497] : memref<500480xf32, #tpu.memory_space<vmem_shared>> -> memref<500480xf32, #tpu.memory_space<vmem_shared>>
        tpu.enqueue_indirect_dma source(%arg7 : memref<128xf32, #tpu.memory_space<vmem>>) target(%dma_start3A_1498 : memref<500480xf32, #tpu.memory_space<vmem_shared>>) offsets(%dma_start3A_1496 : memref<128xi32, #tpu.memory_space<vmem>>) semaphore(%run_scoped3A_1494 : memref<!tpu.dma_semaphore, #tpu.memory_space<semaphore_mem>>) {add = true}
        %dma_wait3A = arith.constant 0 : i32
        %dma_wait3A_1499 = tpu.memref_slice %arg6[%run_scoped3A_1488, %dma_wait3A] : memref<8x128xi32, #tpu.memory_space<vmem>> -> memref<1x128xi32, #tpu.memory_space<vmem>>
        %dma_wait3A_1500 = tpu.memref_squeeze %dma_wait3A_1499 : memref<1x128xi32, #tpu.memory_space<vmem>> -> memref<128xi32, #tpu.memory_space<vmem>>
        %dma_wait3A_1501 = arith.constant 0 : i32
        %dma_wait3A_1502 = tpu.memref_slice %arg9[%dma_wait3A_1501] : memref<500480xf32, #tpu.memory_space<vmem_shared>> -> memref<500480xf32, #tpu.memory_space<vmem_shared>>
        tpu.wait_indirect_dma semaphore(%run_scoped3A_1494 : memref<!tpu.dma_semaphore, #tpu.memory_space<semaphore_mem>>) src(%arg7 : memref<128xf32, #tpu.memory_space<vmem>>) dst(%dma_wait3A_1502 : memref<500480xf32, #tpu.memory_space<vmem_shared>>)
        tpu.yield
      }) : () -> ()
      %run_scoped3A_1489 = arith.constant 3 : i32
      "tpu.region"() ({
        %run_scoped3A_1494 = tpu.sem_alloc : memref<!tpu.dma_semaphore, #tpu.memory_space<semaphore_mem>>
        %dma_start3A = arith.constant 0 : i32
        %dma_start3A_1495 = tpu.memref_slice %arg6[%run_scoped3A_1489, %dma_start3A] : memref<8x128xi32, #tpu.memory_space<vmem>> -> memref<1x128xi32, #tpu.memory_space<vmem>>
        %dma_start3A_1496 = tpu.memref_squeeze %dma_start3A_1495 : memref<1x128xi32, #tpu.memory_space<vmem>> -> memref<128xi32, #tpu.memory_space<vmem>>
        %dma_start3A_1497 = arith.constant 0 : i32
        %dma_start3A_1498 = tpu.memref_slice %arg9[%dma_start3A_1497] : memref<500480xf32, #tpu.memory_space<vmem_shared>> -> memref<500480xf32, #tpu.memory_space<vmem_shared>>
        tpu.enqueue_indirect_dma source(%arg7 : memref<128xf32, #tpu.memory_space<vmem>>) target(%dma_start3A_1498 : memref<500480xf32, #tpu.memory_space<vmem_shared>>) offsets(%dma_start3A_1496 : memref<128xi32, #tpu.memory_space<vmem>>) semaphore(%run_scoped3A_1494 : memref<!tpu.dma_semaphore, #tpu.memory_space<semaphore_mem>>) {add = true}
        %dma_wait3A = arith.constant 0 : i32
        %dma_wait3A_1499 = tpu.memref_slice %arg6[%run_scoped3A_1489, %dma_wait3A] : memref<8x128xi32, #tpu.memory_space<vmem>> -> memref<1x128xi32, #tpu.memory_space<vmem>>
        %dma_wait3A_1500 = tpu.memref_squeeze %dma_wait3A_1499 : memref<1x128xi32, #tpu.memory_space<vmem>> -> memref<128xi32, #tpu.memory_space<vmem>>
        %dma_wait3A_1501 = arith.constant 0 : i32
        %dma_wait3A_1502 = tpu.memref_slice %arg9[%dma_wait3A_1501] : memref<500480xf32, #tpu.memory_space<vmem_shared>> -> memref<500480xf32, #tpu.memory_space<vmem_shared>>
        tpu.wait_indirect_dma semaphore(%run_scoped3A_1494 : memref<!tpu.dma_semaphore, #tpu.memory_space<semaphore_mem>>) src(%arg7 : memref<128xf32, #tpu.memory_space<vmem>>) dst(%dma_wait3A_1502 : memref<500480xf32, #tpu.memory_space<vmem_shared>>)
        tpu.yield
      }) : () -> ()
      %run_scoped3A_1490 = arith.constant 4 : i32
      "tpu.region"() ({
        %run_scoped3A_1494 = tpu.sem_alloc : memref<!tpu.dma_semaphore, #tpu.memory_space<semaphore_mem>>
        %dma_start3A = arith.constant 0 : i32
        %dma_start3A_1495 = tpu.memref_slice %arg6[%run_scoped3A_1490, %dma_start3A] : memref<8x128xi32, #tpu.memory_space<vmem>> -> memref<1x128xi32, #tpu.memory_space<vmem>>
        %dma_start3A_1496 = tpu.memref_squeeze %dma_start3A_1495 : memref<1x128xi32, #tpu.memory_space<vmem>> -> memref<128xi32, #tpu.memory_space<vmem>>
        %dma_start3A_1497 = arith.constant 0 : i32
        %dma_start3A_1498 = tpu.memref_slice %arg9[%dma_start3A_1497] : memref<500480xf32, #tpu.memory_space<vmem_shared>> -> memref<500480xf32, #tpu.memory_space<vmem_shared>>
        tpu.enqueue_indirect_dma source(%arg7 : memref<128xf32, #tpu.memory_space<vmem>>) target(%dma_start3A_1498 : memref<500480xf32, #tpu.memory_space<vmem_shared>>) offsets(%dma_start3A_1496 : memref<128xi32, #tpu.memory_space<vmem>>) semaphore(%run_scoped3A_1494 : memref<!tpu.dma_semaphore, #tpu.memory_space<semaphore_mem>>) {add = true}
        %dma_wait3A = arith.constant 0 : i32
        %dma_wait3A_1499 = tpu.memref_slice %arg6[%run_scoped3A_1490, %dma_wait3A] : memref<8x128xi32, #tpu.memory_space<vmem>> -> memref<1x128xi32, #tpu.memory_space<vmem>>
        %dma_wait3A_1500 = tpu.memref_squeeze %dma_wait3A_1499 : memref<1x128xi32, #tpu.memory_space<vmem>> -> memref<128xi32, #tpu.memory_space<vmem>>
        %dma_wait3A_1501 = arith.constant 0 : i32
        %dma_wait3A_1502 = tpu.memref_slice %arg9[%dma_wait3A_1501] : memref<500480xf32, #tpu.memory_space<vmem_shared>> -> memref<500480xf32, #tpu.memory_space<vmem_shared>>
        tpu.wait_indirect_dma semaphore(%run_scoped3A_1494 : memref<!tpu.dma_semaphore, #tpu.memory_space<semaphore_mem>>) src(%arg7 : memref<128xf32, #tpu.memory_space<vmem>>) dst(%dma_wait3A_1502 : memref<500480xf32, #tpu.memory_space<vmem_shared>>)
        tpu.yield
      }) : () -> ()
      %run_scoped3A_1491 = arith.constant 5 : i32
      "tpu.region"() ({
        %run_scoped3A_1494 = tpu.sem_alloc : memref<!tpu.dma_semaphore, #tpu.memory_space<semaphore_mem>>
        %dma_start3A = arith.constant 0 : i32
        %dma_start3A_1495 = tpu.memref_slice %arg6[%run_scoped3A_1491, %dma_start3A] : memref<8x128xi32, #tpu.memory_space<vmem>> -> memref<1x128xi32, #tpu.memory_space<vmem>>
        %dma_start3A_1496 = tpu.memref_squeeze %dma_start3A_1495 : memref<1x128xi32, #tpu.memory_space<vmem>> -> memref<128xi32, #tpu.memory_space<vmem>>
        %dma_start3A_1497 = arith.constant 0 : i32
        %dma_start3A_1498 = tpu.memref_slice %arg9[%dma_start3A_1497] : memref<500480xf32, #tpu.memory_space<vmem_shared>> -> memref<500480xf32, #tpu.memory_space<vmem_shared>>
        tpu.enqueue_indirect_dma source(%arg7 : memref<128xf32, #tpu.memory_space<vmem>>) target(%dma_start3A_1498 : memref<500480xf32, #tpu.memory_space<vmem_shared>>) offsets(%dma_start3A_1496 : memref<128xi32, #tpu.memory_space<vmem>>) semaphore(%run_scoped3A_1494 : memref<!tpu.dma_semaphore, #tpu.memory_space<semaphore_mem>>) {add = true}
        %dma_wait3A = arith.constant 0 : i32
        %dma_wait3A_1499 = tpu.memref_slice %arg6[%run_scoped3A_1491, %dma_wait3A] : memref<8x128xi32, #tpu.memory_space<vmem>> -> memref<1x128xi32, #tpu.memory_space<vmem>>
        %dma_wait3A_1500 = tpu.memref_squeeze %dma_wait3A_1499 : memref<1x128xi32, #tpu.memory_space<vmem>> -> memref<128xi32, #tpu.memory_space<vmem>>
        %dma_wait3A_1501 = arith.constant 0 : i32
        %dma_wait3A_1502 = tpu.memref_slice %arg9[%dma_wait3A_1501] : memref<500480xf32, #tpu.memory_space<vmem_shared>> -> memref<500480xf32, #tpu.memory_space<vmem_shared>>
        tpu.wait_indirect_dma semaphore(%run_scoped3A_1494 : memref<!tpu.dma_semaphore, #tpu.memory_space<semaphore_mem>>) src(%arg7 : memref<128xf32, #tpu.memory_space<vmem>>) dst(%dma_wait3A_1502 : memref<500480xf32, #tpu.memory_space<vmem_shared>>)
        tpu.yield
      }) : () -> ()
      %run_scoped3A_1492 = arith.constant 6 : i32
      "tpu.region"() ({
        %run_scoped3A_1494 = tpu.sem_alloc : memref<!tpu.dma_semaphore, #tpu.memory_space<semaphore_mem>>
        %dma_start3A = arith.constant 0 : i32
        %dma_start3A_1495 = tpu.memref_slice %arg6[%run_scoped3A_1492, %dma_start3A] : memref<8x128xi32, #tpu.memory_space<vmem>> -> memref<1x128xi32, #tpu.memory_space<vmem>>
        %dma_start3A_1496 = tpu.memref_squeeze %dma_start3A_1495 : memref<1x128xi32, #tpu.memory_space<vmem>> -> memref<128xi32, #tpu.memory_space<vmem>>
        %dma_start3A_1497 = arith.constant 0 : i32
        %dma_start3A_1498 = tpu.memref_slice %arg9[%dma_start3A_1497] : memref<500480xf32, #tpu.memory_space<vmem_shared>> -> memref<500480xf32, #tpu.memory_space<vmem_shared>>
        tpu.enqueue_indirect_dma source(%arg7 : memref<128xf32, #tpu.memory_space<vmem>>) target(%dma_start3A_1498 : memref<500480xf32, #tpu.memory_space<vmem_shared>>) offsets(%dma_start3A_1496 : memref<128xi32, #tpu.memory_space<vmem>>) semaphore(%run_scoped3A_1494 : memref<!tpu.dma_semaphore, #tpu.memory_space<semaphore_mem>>) {add = true}
        %dma_wait3A = arith.constant 0 : i32
        %dma_wait3A_1499 = tpu.memref_slice %arg6[%run_scoped3A_1492, %dma_wait3A] : memref<8x128xi32, #tpu.memory_space<vmem>> -> memref<1x128xi32, #tpu.memory_space<vmem>>
        %dma_wait3A_1500 = tpu.memref_squeeze %dma_wait3A_1499 : memref<1x128xi32, #tpu.memory_space<vmem>> -> memref<128xi32, #tpu.memory_space<vmem>>
        %dma_wait3A_1501 = arith.constant 0 : i32
        %dma_wait3A_1502 = tpu.memref_slice %arg9[%dma_wait3A_1501] : memref<500480xf32, #tpu.memory_space<vmem_shared>> -> memref<500480xf32, #tpu.memory_space<vmem_shared>>
        tpu.wait_indirect_dma semaphore(%run_scoped3A_1494 : memref<!tpu.dma_semaphore, #tpu.memory_space<semaphore_mem>>) src(%arg7 : memref<128xf32, #tpu.memory_space<vmem>>) dst(%dma_wait3A_1502 : memref<500480xf32, #tpu.memory_space<vmem_shared>>)
        tpu.yield
      }) : () -> ()
      %run_scoped3A_1493 = arith.constant 7 : i32
      "tpu.region"() ({
        %run_scoped3A_1494 = tpu.sem_alloc : memref<!tpu.dma_semaphore, #tpu.memory_space<semaphore_mem>>
        %dma_start3A = arith.constant 0 : i32
        %dma_start3A_1495 = tpu.memref_slice %arg6[%run_scoped3A_1493, %dma_start3A] : memref<8x128xi32, #tpu.memory_space<vmem>> -> memref<1x128xi32, #tpu.memory_space<vmem>>
        %dma_start3A_1496 = tpu.memref_squeeze %dma_start3A_1495 : memref<1x128xi32, #tpu.memory_space<vmem>> -> memref<128xi32, #tpu.memory_space<vmem>>
        %dma_start3A_1497 = arith.constant 0 : i32
        %dma_start3A_1498 = tpu.memref_slice %arg9[%dma_start3A_1497] : memref<500480xf32, #tpu.memory_space<vmem_shared>> -> memref<500480xf32, #tpu.memory_space<vmem_shared>>
        tpu.enqueue_indirect_dma source(%arg7 : memref<128xf32, #tpu.memory_space<vmem>>) target(%dma_start3A_1498 : memref<500480xf32, #tpu.memory_space<vmem_shared>>) offsets(%dma_start3A_1496 : memref<128xi32, #tpu.memory_space<vmem>>) semaphore(%run_scoped3A_1494 : memref<!tpu.dma_semaphore, #tpu.memory_space<semaphore_mem>>) {add = true}
        %dma_wait3A = arith.constant 0 : i32
        %dma_wait3A_1499 = tpu.memref_slice %arg6[%run_scoped3A_1493, %dma_wait3A] : memref<8x128xi32, #tpu.memory_space<vmem>> -> memref<1x128xi32, #tpu.memory_space<vmem>>
        %dma_wait3A_1500 = tpu.memref_squeeze %dma_wait3A_1499 : memref<1x128xi32, #tpu.memory_space<vmem>> -> memref<128xi32, #tpu.memory_space<vmem>>
        %dma_wait3A_1501 = arith.constant 0 : i32
        %dma_wait3A_1502 = tpu.memref_slice %arg9[%dma_wait3A_1501] : memref<500480xf32, #tpu.memory_space<vmem_shared>> -> memref<500480xf32, #tpu.memory_space<vmem_shared>>
        tpu.wait_indirect_dma semaphore(%run_scoped3A_1494 : memref<!tpu.dma_semaphore, #tpu.memory_space<semaphore_mem>>) src(%arg7 : memref<128xf32, #tpu.memory_space<vmem>>) dst(%dma_wait3A_1502 : memref<500480xf32, #tpu.memory_space<vmem_shared>>)
        tpu.yield
      }) : () -> ()
    } else {
    }
    %barrier3A_1448 = arith.constant 0 : index
    tpu.barrier barrier_id(%barrier3A_1448)
    %eq3A_1449 = arith.constant 11 : i32
    %eq3A_1450 = arith.cmpi eq, %arg1, %eq3A_1449 : i32
    %convert_element_type3A_1451 = arith.extui %eq3A_1450 : i1 to i32
    %cond3A_1452 = arith.constant 0 : i32
    %cond3A_1453 = arith.cmpi ne, %convert_element_type3A_1451, %cond3A_1452 : i32
    scf.if %cond3A_1453 {
      %run_scoped3A = arith.constant 0 : i32
      "tpu.region"() ({
        %run_scoped3A_1494 = tpu.sem_alloc : memref<!tpu.dma_semaphore, #tpu.memory_space<semaphore_mem>>
        %dma_start3A = arith.constant 0 : i32
        %dma_start3A_1495 = tpu.memref_slice %arg6[%run_scoped3A, %dma_start3A] : memref<8x128xi32, #tpu.memory_space<vmem>> -> memref<1x128xi32, #tpu.memory_space<vmem>>
        %dma_start3A_1496 = tpu.memref_squeeze %dma_start3A_1495 : memref<1x128xi32, #tpu.memory_space<vmem>> -> memref<128xi32, #tpu.memory_space<vmem>>
        %dma_start3A_1497 = arith.constant 0 : i32
        %dma_start3A_1498 = tpu.memref_slice %arg9[%dma_start3A_1497] : memref<500480xf32, #tpu.memory_space<vmem_shared>> -> memref<500480xf32, #tpu.memory_space<vmem_shared>>
        tpu.enqueue_indirect_dma source(%arg7 : memref<128xf32, #tpu.memory_space<vmem>>) target(%dma_start3A_1498 : memref<500480xf32, #tpu.memory_space<vmem_shared>>) offsets(%dma_start3A_1496 : memref<128xi32, #tpu.memory_space<vmem>>) semaphore(%run_scoped3A_1494 : memref<!tpu.dma_semaphore, #tpu.memory_space<semaphore_mem>>) {add = true}
        %dma_wait3A = arith.constant 0 : i32
        %dma_wait3A_1499 = tpu.memref_slice %arg6[%run_scoped3A, %dma_wait3A] : memref<8x128xi32, #tpu.memory_space<vmem>> -> memref<1x128xi32, #tpu.memory_space<vmem>>
        %dma_wait3A_1500 = tpu.memref_squeeze %dma_wait3A_1499 : memref<1x128xi32, #tpu.memory_space<vmem>> -> memref<128xi32, #tpu.memory_space<vmem>>
        %dma_wait3A_1501 = arith.constant 0 : i32
        %dma_wait3A_1502 = tpu.memref_slice %arg9[%dma_wait3A_1501] : memref<500480xf32, #tpu.memory_space<vmem_shared>> -> memref<500480xf32, #tpu.memory_space<vmem_shared>>
        tpu.wait_indirect_dma semaphore(%run_scoped3A_1494 : memref<!tpu.dma_semaphore, #tpu.memory_space<semaphore_mem>>) src(%arg7 : memref<128xf32, #tpu.memory_space<vmem>>) dst(%dma_wait3A_1502 : memref<500480xf32, #tpu.memory_space<vmem_shared>>)
        tpu.yield
      }) : () -> ()
      %run_scoped3A_1487 = arith.constant 1 : i32
      "tpu.region"() ({
        %run_scoped3A_1494 = tpu.sem_alloc : memref<!tpu.dma_semaphore, #tpu.memory_space<semaphore_mem>>
        %dma_start3A = arith.constant 0 : i32
        %dma_start3A_1495 = tpu.memref_slice %arg6[%run_scoped3A_1487, %dma_start3A] : memref<8x128xi32, #tpu.memory_space<vmem>> -> memref<1x128xi32, #tpu.memory_space<vmem>>
        %dma_start3A_1496 = tpu.memref_squeeze %dma_start3A_1495 : memref<1x128xi32, #tpu.memory_space<vmem>> -> memref<128xi32, #tpu.memory_space<vmem>>
        %dma_start3A_1497 = arith.constant 0 : i32
        %dma_start3A_1498 = tpu.memref_slice %arg9[%dma_start3A_1497] : memref<500480xf32, #tpu.memory_space<vmem_shared>> -> memref<500480xf32, #tpu.memory_space<vmem_shared>>
        tpu.enqueue_indirect_dma source(%arg7 : memref<128xf32, #tpu.memory_space<vmem>>) target(%dma_start3A_1498 : memref<500480xf32, #tpu.memory_space<vmem_shared>>) offsets(%dma_start3A_1496 : memref<128xi32, #tpu.memory_space<vmem>>) semaphore(%run_scoped3A_1494 : memref<!tpu.dma_semaphore, #tpu.memory_space<semaphore_mem>>) {add = true}
        %dma_wait3A = arith.constant 0 : i32
        %dma_wait3A_1499 = tpu.memref_slice %arg6[%run_scoped3A_1487, %dma_wait3A] : memref<8x128xi32, #tpu.memory_space<vmem>> -> memref<1x128xi32, #tpu.memory_space<vmem>>
        %dma_wait3A_1500 = tpu.memref_squeeze %dma_wait3A_1499 : memref<1x128xi32, #tpu.memory_space<vmem>> -> memref<128xi32, #tpu.memory_space<vmem>>
        %dma_wait3A_1501 = arith.constant 0 : i32
        %dma_wait3A_1502 = tpu.memref_slice %arg9[%dma_wait3A_1501] : memref<500480xf32, #tpu.memory_space<vmem_shared>> -> memref<500480xf32, #tpu.memory_space<vmem_shared>>
        tpu.wait_indirect_dma semaphore(%run_scoped3A_1494 : memref<!tpu.dma_semaphore, #tpu.memory_space<semaphore_mem>>) src(%arg7 : memref<128xf32, #tpu.memory_space<vmem>>) dst(%dma_wait3A_1502 : memref<500480xf32, #tpu.memory_space<vmem_shared>>)
        tpu.yield
      }) : () -> ()
      %run_scoped3A_1488 = arith.constant 2 : i32
      "tpu.region"() ({
        %run_scoped3A_1494 = tpu.sem_alloc : memref<!tpu.dma_semaphore, #tpu.memory_space<semaphore_mem>>
        %dma_start3A = arith.constant 0 : i32
        %dma_start3A_1495 = tpu.memref_slice %arg6[%run_scoped3A_1488, %dma_start3A] : memref<8x128xi32, #tpu.memory_space<vmem>> -> memref<1x128xi32, #tpu.memory_space<vmem>>
        %dma_start3A_1496 = tpu.memref_squeeze %dma_start3A_1495 : memref<1x128xi32, #tpu.memory_space<vmem>> -> memref<128xi32, #tpu.memory_space<vmem>>
        %dma_start3A_1497 = arith.constant 0 : i32
        %dma_start3A_1498 = tpu.memref_slice %arg9[%dma_start3A_1497] : memref<500480xf32, #tpu.memory_space<vmem_shared>> -> memref<500480xf32, #tpu.memory_space<vmem_shared>>
        tpu.enqueue_indirect_dma source(%arg7 : memref<128xf32, #tpu.memory_space<vmem>>) target(%dma_start3A_1498 : memref<500480xf32, #tpu.memory_space<vmem_shared>>) offsets(%dma_start3A_1496 : memref<128xi32, #tpu.memory_space<vmem>>) semaphore(%run_scoped3A_1494 : memref<!tpu.dma_semaphore, #tpu.memory_space<semaphore_mem>>) {add = true}
        %dma_wait3A = arith.constant 0 : i32
        %dma_wait3A_1499 = tpu.memref_slice %arg6[%run_scoped3A_1488, %dma_wait3A] : memref<8x128xi32, #tpu.memory_space<vmem>> -> memref<1x128xi32, #tpu.memory_space<vmem>>
        %dma_wait3A_1500 = tpu.memref_squeeze %dma_wait3A_1499 : memref<1x128xi32, #tpu.memory_space<vmem>> -> memref<128xi32, #tpu.memory_space<vmem>>
        %dma_wait3A_1501 = arith.constant 0 : i32
        %dma_wait3A_1502 = tpu.memref_slice %arg9[%dma_wait3A_1501] : memref<500480xf32, #tpu.memory_space<vmem_shared>> -> memref<500480xf32, #tpu.memory_space<vmem_shared>>
        tpu.wait_indirect_dma semaphore(%run_scoped3A_1494 : memref<!tpu.dma_semaphore, #tpu.memory_space<semaphore_mem>>) src(%arg7 : memref<128xf32, #tpu.memory_space<vmem>>) dst(%dma_wait3A_1502 : memref<500480xf32, #tpu.memory_space<vmem_shared>>)
        tpu.yield
      }) : () -> ()
      %run_scoped3A_1489 = arith.constant 3 : i32
      "tpu.region"() ({
        %run_scoped3A_1494 = tpu.sem_alloc : memref<!tpu.dma_semaphore, #tpu.memory_space<semaphore_mem>>
        %dma_start3A = arith.constant 0 : i32
        %dma_start3A_1495 = tpu.memref_slice %arg6[%run_scoped3A_1489, %dma_start3A] : memref<8x128xi32, #tpu.memory_space<vmem>> -> memref<1x128xi32, #tpu.memory_space<vmem>>
        %dma_start3A_1496 = tpu.memref_squeeze %dma_start3A_1495 : memref<1x128xi32, #tpu.memory_space<vmem>> -> memref<128xi32, #tpu.memory_space<vmem>>
        %dma_start3A_1497 = arith.constant 0 : i32
        %dma_start3A_1498 = tpu.memref_slice %arg9[%dma_start3A_1497] : memref<500480xf32, #tpu.memory_space<vmem_shared>> -> memref<500480xf32, #tpu.memory_space<vmem_shared>>
        tpu.enqueue_indirect_dma source(%arg7 : memref<128xf32, #tpu.memory_space<vmem>>) target(%dma_start3A_1498 : memref<500480xf32, #tpu.memory_space<vmem_shared>>) offsets(%dma_start3A_1496 : memref<128xi32, #tpu.memory_space<vmem>>) semaphore(%run_scoped3A_1494 : memref<!tpu.dma_semaphore, #tpu.memory_space<semaphore_mem>>) {add = true}
        %dma_wait3A = arith.constant 0 : i32
        %dma_wait3A_1499 = tpu.memref_slice %arg6[%run_scoped3A_1489, %dma_wait3A] : memref<8x128xi32, #tpu.memory_space<vmem>> -> memref<1x128xi32, #tpu.memory_space<vmem>>
        %dma_wait3A_1500 = tpu.memref_squeeze %dma_wait3A_1499 : memref<1x128xi32, #tpu.memory_space<vmem>> -> memref<128xi32, #tpu.memory_space<vmem>>
        %dma_wait3A_1501 = arith.constant 0 : i32
        %dma_wait3A_1502 = tpu.memref_slice %arg9[%dma_wait3A_1501] : memref<500480xf32, #tpu.memory_space<vmem_shared>> -> memref<500480xf32, #tpu.memory_space<vmem_shared>>
        tpu.wait_indirect_dma semaphore(%run_scoped3A_1494 : memref<!tpu.dma_semaphore, #tpu.memory_space<semaphore_mem>>) src(%arg7 : memref<128xf32, #tpu.memory_space<vmem>>) dst(%dma_wait3A_1502 : memref<500480xf32, #tpu.memory_space<vmem_shared>>)
        tpu.yield
      }) : () -> ()
      %run_scoped3A_1490 = arith.constant 4 : i32
      "tpu.region"() ({
        %run_scoped3A_1494 = tpu.sem_alloc : memref<!tpu.dma_semaphore, #tpu.memory_space<semaphore_mem>>
        %dma_start3A = arith.constant 0 : i32
        %dma_start3A_1495 = tpu.memref_slice %arg6[%run_scoped3A_1490, %dma_start3A] : memref<8x128xi32, #tpu.memory_space<vmem>> -> memref<1x128xi32, #tpu.memory_space<vmem>>
        %dma_start3A_1496 = tpu.memref_squeeze %dma_start3A_1495 : memref<1x128xi32, #tpu.memory_space<vmem>> -> memref<128xi32, #tpu.memory_space<vmem>>
        %dma_start3A_1497 = arith.constant 0 : i32
        %dma_start3A_1498 = tpu.memref_slice %arg9[%dma_start3A_1497] : memref<500480xf32, #tpu.memory_space<vmem_shared>> -> memref<500480xf32, #tpu.memory_space<vmem_shared>>
        tpu.enqueue_indirect_dma source(%arg7 : memref<128xf32, #tpu.memory_space<vmem>>) target(%dma_start3A_1498 : memref<500480xf32, #tpu.memory_space<vmem_shared>>) offsets(%dma_start3A_1496 : memref<128xi32, #tpu.memory_space<vmem>>) semaphore(%run_scoped3A_1494 : memref<!tpu.dma_semaphore, #tpu.memory_space<semaphore_mem>>) {add = true}
        %dma_wait3A = arith.constant 0 : i32
        %dma_wait3A_1499 = tpu.memref_slice %arg6[%run_scoped3A_1490, %dma_wait3A] : memref<8x128xi32, #tpu.memory_space<vmem>> -> memref<1x128xi32, #tpu.memory_space<vmem>>
        %dma_wait3A_1500 = tpu.memref_squeeze %dma_wait3A_1499 : memref<1x128xi32, #tpu.memory_space<vmem>> -> memref<128xi32, #tpu.memory_space<vmem>>
        %dma_wait3A_1501 = arith.constant 0 : i32
        %dma_wait3A_1502 = tpu.memref_slice %arg9[%dma_wait3A_1501] : memref<500480xf32, #tpu.memory_space<vmem_shared>> -> memref<500480xf32, #tpu.memory_space<vmem_shared>>
        tpu.wait_indirect_dma semaphore(%run_scoped3A_1494 : memref<!tpu.dma_semaphore, #tpu.memory_space<semaphore_mem>>) src(%arg7 : memref<128xf32, #tpu.memory_space<vmem>>) dst(%dma_wait3A_1502 : memref<500480xf32, #tpu.memory_space<vmem_shared>>)
        tpu.yield
      }) : () -> ()
      %run_scoped3A_1491 = arith.constant 5 : i32
      "tpu.region"() ({
        %run_scoped3A_1494 = tpu.sem_alloc : memref<!tpu.dma_semaphore, #tpu.memory_space<semaphore_mem>>
        %dma_start3A = arith.constant 0 : i32
        %dma_start3A_1495 = tpu.memref_slice %arg6[%run_scoped3A_1491, %dma_start3A] : memref<8x128xi32, #tpu.memory_space<vmem>> -> memref<1x128xi32, #tpu.memory_space<vmem>>
        %dma_start3A_1496 = tpu.memref_squeeze %dma_start3A_1495 : memref<1x128xi32, #tpu.memory_space<vmem>> -> memref<128xi32, #tpu.memory_space<vmem>>
        %dma_start3A_1497 = arith.constant 0 : i32
        %dma_start3A_1498 = tpu.memref_slice %arg9[%dma_start3A_1497] : memref<500480xf32, #tpu.memory_space<vmem_shared>> -> memref<500480xf32, #tpu.memory_space<vmem_shared>>
        tpu.enqueue_indirect_dma source(%arg7 : memref<128xf32, #tpu.memory_space<vmem>>) target(%dma_start3A_1498 : memref<500480xf32, #tpu.memory_space<vmem_shared>>) offsets(%dma_start3A_1496 : memref<128xi32, #tpu.memory_space<vmem>>) semaphore(%run_scoped3A_1494 : memref<!tpu.dma_semaphore, #tpu.memory_space<semaphore_mem>>) {add = true}
        %dma_wait3A = arith.constant 0 : i32
        %dma_wait3A_1499 = tpu.memref_slice %arg6[%run_scoped3A_1491, %dma_wait3A] : memref<8x128xi32, #tpu.memory_space<vmem>> -> memref<1x128xi32, #tpu.memory_space<vmem>>
        %dma_wait3A_1500 = tpu.memref_squeeze %dma_wait3A_1499 : memref<1x128xi32, #tpu.memory_space<vmem>> -> memref<128xi32, #tpu.memory_space<vmem>>
        %dma_wait3A_1501 = arith.constant 0 : i32
        %dma_wait3A_1502 = tpu.memref_slice %arg9[%dma_wait3A_1501] : memref<500480xf32, #tpu.memory_space<vmem_shared>> -> memref<500480xf32, #tpu.memory_space<vmem_shared>>
        tpu.wait_indirect_dma semaphore(%run_scoped3A_1494 : memref<!tpu.dma_semaphore, #tpu.memory_space<semaphore_mem>>) src(%arg7 : memref<128xf32, #tpu.memory_space<vmem>>) dst(%dma_wait3A_1502 : memref<500480xf32, #tpu.memory_space<vmem_shared>>)
        tpu.yield
      }) : () -> ()
      %run_scoped3A_1492 = arith.constant 6 : i32
      "tpu.region"() ({
        %run_scoped3A_1494 = tpu.sem_alloc : memref<!tpu.dma_semaphore, #tpu.memory_space<semaphore_mem>>
        %dma_start3A = arith.constant 0 : i32
        %dma_start3A_1495 = tpu.memref_slice %arg6[%run_scoped3A_1492, %dma_start3A] : memref<8x128xi32, #tpu.memory_space<vmem>> -> memref<1x128xi32, #tpu.memory_space<vmem>>
        %dma_start3A_1496 = tpu.memref_squeeze %dma_start3A_1495 : memref<1x128xi32, #tpu.memory_space<vmem>> -> memref<128xi32, #tpu.memory_space<vmem>>
        %dma_start3A_1497 = arith.constant 0 : i32
        %dma_start3A_1498 = tpu.memref_slice %arg9[%dma_start3A_1497] : memref<500480xf32, #tpu.memory_space<vmem_shared>> -> memref<500480xf32, #tpu.memory_space<vmem_shared>>
        tpu.enqueue_indirect_dma source(%arg7 : memref<128xf32, #tpu.memory_space<vmem>>) target(%dma_start3A_1498 : memref<500480xf32, #tpu.memory_space<vmem_shared>>) offsets(%dma_start3A_1496 : memref<128xi32, #tpu.memory_space<vmem>>) semaphore(%run_scoped3A_1494 : memref<!tpu.dma_semaphore, #tpu.memory_space<semaphore_mem>>) {add = true}
        %dma_wait3A = arith.constant 0 : i32
        %dma_wait3A_1499 = tpu.memref_slice %arg6[%run_scoped3A_1492, %dma_wait3A] : memref<8x128xi32, #tpu.memory_space<vmem>> -> memref<1x128xi32, #tpu.memory_space<vmem>>
        %dma_wait3A_1500 = tpu.memref_squeeze %dma_wait3A_1499 : memref<1x128xi32, #tpu.memory_space<vmem>> -> memref<128xi32, #tpu.memory_space<vmem>>
        %dma_wait3A_1501 = arith.constant 0 : i32
        %dma_wait3A_1502 = tpu.memref_slice %arg9[%dma_wait3A_1501] : memref<500480xf32, #tpu.memory_space<vmem_shared>> -> memref<500480xf32, #tpu.memory_space<vmem_shared>>
        tpu.wait_indirect_dma semaphore(%run_scoped3A_1494 : memref<!tpu.dma_semaphore, #tpu.memory_space<semaphore_mem>>) src(%arg7 : memref<128xf32, #tpu.memory_space<vmem>>) dst(%dma_wait3A_1502 : memref<500480xf32, #tpu.memory_space<vmem_shared>>)
        tpu.yield
      }) : () -> ()
      %run_scoped3A_1493 = arith.constant 7 : i32
      "tpu.region"() ({
        %run_scoped3A_1494 = tpu.sem_alloc : memref<!tpu.dma_semaphore, #tpu.memory_space<semaphore_mem>>
        %dma_start3A = arith.constant 0 : i32
        %dma_start3A_1495 = tpu.memref_slice %arg6[%run_scoped3A_1493, %dma_start3A] : memref<8x128xi32, #tpu.memory_space<vmem>> -> memref<1x128xi32, #tpu.memory_space<vmem>>
        %dma_start3A_1496 = tpu.memref_squeeze %dma_start3A_1495 : memref<1x128xi32, #tpu.memory_space<vmem>> -> memref<128xi32, #tpu.memory_space<vmem>>
        %dma_start3A_1497 = arith.constant 0 : i32
        %dma_start3A_1498 = tpu.memref_slice %arg9[%dma_start3A_1497] : memref<500480xf32, #tpu.memory_space<vmem_shared>> -> memref<500480xf32, #tpu.memory_space<vmem_shared>>
        tpu.enqueue_indirect_dma source(%arg7 : memref<128xf32, #tpu.memory_space<vmem>>) target(%dma_start3A_1498 : memref<500480xf32, #tpu.memory_space<vmem_shared>>) offsets(%dma_start3A_1496 : memref<128xi32, #tpu.memory_space<vmem>>) semaphore(%run_scoped3A_1494 : memref<!tpu.dma_semaphore, #tpu.memory_space<semaphore_mem>>) {add = true}
        %dma_wait3A = arith.constant 0 : i32
        %dma_wait3A_1499 = tpu.memref_slice %arg6[%run_scoped3A_1493, %dma_wait3A] : memref<8x128xi32, #tpu.memory_space<vmem>> -> memref<1x128xi32, #tpu.memory_space<vmem>>
        %dma_wait3A_1500 = tpu.memref_squeeze %dma_wait3A_1499 : memref<1x128xi32, #tpu.memory_space<vmem>> -> memref<128xi32, #tpu.memory_space<vmem>>
        %dma_wait3A_1501 = arith.constant 0 : i32
        %dma_wait3A_1502 = tpu.memref_slice %arg9[%dma_wait3A_1501] : memref<500480xf32, #tpu.memory_space<vmem_shared>> -> memref<500480xf32, #tpu.memory_space<vmem_shared>>
        tpu.wait_indirect_dma semaphore(%run_scoped3A_1494 : memref<!tpu.dma_semaphore, #tpu.memory_space<semaphore_mem>>) src(%arg7 : memref<128xf32, #tpu.memory_space<vmem>>) dst(%dma_wait3A_1502 : memref<500480xf32, #tpu.memory_space<vmem_shared>>)
        tpu.yield
      }) : () -> ()
    } else {
    }
    %barrier3A_1454 = arith.constant 0 : index
    tpu.barrier barrier_id(%barrier3A_1454)
    %eq3A_1455 = arith.constant 12 : i32
    %eq3A_1456 = arith.cmpi eq, %arg1, %eq3A_1455 : i32
    %convert_element_type3A_1457 = arith.extui %eq3A_1456 : i1 to i32
    %cond3A_1458 = arith.constant 0 : i32
    %cond3A_1459 = arith.cmpi ne, %convert_element_type3A_1457, %cond3A_1458 : i32
    scf.if %cond3A_1459 {
      %run_scoped3A = arith.constant 0 : i32
      "tpu.region"() ({
        %run_scoped3A_1494 = tpu.sem_alloc : memref<!tpu.dma_semaphore, #tpu.memory_space<semaphore_mem>>
        %dma_start3A = arith.constant 0 : i32
        %dma_start3A_1495 = tpu.memref_slice %arg6[%run_scoped3A, %dma_start3A] : memref<8x128xi32, #tpu.memory_space<vmem>> -> memref<1x128xi32, #tpu.memory_space<vmem>>
        %dma_start3A_1496 = tpu.memref_squeeze %dma_start3A_1495 : memref<1x128xi32, #tpu.memory_space<vmem>> -> memref<128xi32, #tpu.memory_space<vmem>>
        %dma_start3A_1497 = arith.constant 0 : i32
        %dma_start3A_1498 = tpu.memref_slice %arg9[%dma_start3A_1497] : memref<500480xf32, #tpu.memory_space<vmem_shared>> -> memref<500480xf32, #tpu.memory_space<vmem_shared>>
        tpu.enqueue_indirect_dma source(%arg7 : memref<128xf32, #tpu.memory_space<vmem>>) target(%dma_start3A_1498 : memref<500480xf32, #tpu.memory_space<vmem_shared>>) offsets(%dma_start3A_1496 : memref<128xi32, #tpu.memory_space<vmem>>) semaphore(%run_scoped3A_1494 : memref<!tpu.dma_semaphore, #tpu.memory_space<semaphore_mem>>) {add = true}
        %dma_wait3A = arith.constant 0 : i32
        %dma_wait3A_1499 = tpu.memref_slice %arg6[%run_scoped3A, %dma_wait3A] : memref<8x128xi32, #tpu.memory_space<vmem>> -> memref<1x128xi32, #tpu.memory_space<vmem>>
        %dma_wait3A_1500 = tpu.memref_squeeze %dma_wait3A_1499 : memref<1x128xi32, #tpu.memory_space<vmem>> -> memref<128xi32, #tpu.memory_space<vmem>>
        %dma_wait3A_1501 = arith.constant 0 : i32
        %dma_wait3A_1502 = tpu.memref_slice %arg9[%dma_wait3A_1501] : memref<500480xf32, #tpu.memory_space<vmem_shared>> -> memref<500480xf32, #tpu.memory_space<vmem_shared>>
        tpu.wait_indirect_dma semaphore(%run_scoped3A_1494 : memref<!tpu.dma_semaphore, #tpu.memory_space<semaphore_mem>>) src(%arg7 : memref<128xf32, #tpu.memory_space<vmem>>) dst(%dma_wait3A_1502 : memref<500480xf32, #tpu.memory_space<vmem_shared>>)
        tpu.yield
      }) : () -> ()
      %run_scoped3A_1487 = arith.constant 1 : i32
      "tpu.region"() ({
        %run_scoped3A_1494 = tpu.sem_alloc : memref<!tpu.dma_semaphore, #tpu.memory_space<semaphore_mem>>
        %dma_start3A = arith.constant 0 : i32
        %dma_start3A_1495 = tpu.memref_slice %arg6[%run_scoped3A_1487, %dma_start3A] : memref<8x128xi32, #tpu.memory_space<vmem>> -> memref<1x128xi32, #tpu.memory_space<vmem>>
        %dma_start3A_1496 = tpu.memref_squeeze %dma_start3A_1495 : memref<1x128xi32, #tpu.memory_space<vmem>> -> memref<128xi32, #tpu.memory_space<vmem>>
        %dma_start3A_1497 = arith.constant 0 : i32
        %dma_start3A_1498 = tpu.memref_slice %arg9[%dma_start3A_1497] : memref<500480xf32, #tpu.memory_space<vmem_shared>> -> memref<500480xf32, #tpu.memory_space<vmem_shared>>
        tpu.enqueue_indirect_dma source(%arg7 : memref<128xf32, #tpu.memory_space<vmem>>) target(%dma_start3A_1498 : memref<500480xf32, #tpu.memory_space<vmem_shared>>) offsets(%dma_start3A_1496 : memref<128xi32, #tpu.memory_space<vmem>>) semaphore(%run_scoped3A_1494 : memref<!tpu.dma_semaphore, #tpu.memory_space<semaphore_mem>>) {add = true}
        %dma_wait3A = arith.constant 0 : i32
        %dma_wait3A_1499 = tpu.memref_slice %arg6[%run_scoped3A_1487, %dma_wait3A] : memref<8x128xi32, #tpu.memory_space<vmem>> -> memref<1x128xi32, #tpu.memory_space<vmem>>
        %dma_wait3A_1500 = tpu.memref_squeeze %dma_wait3A_1499 : memref<1x128xi32, #tpu.memory_space<vmem>> -> memref<128xi32, #tpu.memory_space<vmem>>
        %dma_wait3A_1501 = arith.constant 0 : i32
        %dma_wait3A_1502 = tpu.memref_slice %arg9[%dma_wait3A_1501] : memref<500480xf32, #tpu.memory_space<vmem_shared>> -> memref<500480xf32, #tpu.memory_space<vmem_shared>>
        tpu.wait_indirect_dma semaphore(%run_scoped3A_1494 : memref<!tpu.dma_semaphore, #tpu.memory_space<semaphore_mem>>) src(%arg7 : memref<128xf32, #tpu.memory_space<vmem>>) dst(%dma_wait3A_1502 : memref<500480xf32, #tpu.memory_space<vmem_shared>>)
        tpu.yield
      }) : () -> ()
      %run_scoped3A_1488 = arith.constant 2 : i32
      "tpu.region"() ({
        %run_scoped3A_1494 = tpu.sem_alloc : memref<!tpu.dma_semaphore, #tpu.memory_space<semaphore_mem>>
        %dma_start3A = arith.constant 0 : i32
        %dma_start3A_1495 = tpu.memref_slice %arg6[%run_scoped3A_1488, %dma_start3A] : memref<8x128xi32, #tpu.memory_space<vmem>> -> memref<1x128xi32, #tpu.memory_space<vmem>>
        %dma_start3A_1496 = tpu.memref_squeeze %dma_start3A_1495 : memref<1x128xi32, #tpu.memory_space<vmem>> -> memref<128xi32, #tpu.memory_space<vmem>>
        %dma_start3A_1497 = arith.constant 0 : i32
        %dma_start3A_1498 = tpu.memref_slice %arg9[%dma_start3A_1497] : memref<500480xf32, #tpu.memory_space<vmem_shared>> -> memref<500480xf32, #tpu.memory_space<vmem_shared>>
        tpu.enqueue_indirect_dma source(%arg7 : memref<128xf32, #tpu.memory_space<vmem>>) target(%dma_start3A_1498 : memref<500480xf32, #tpu.memory_space<vmem_shared>>) offsets(%dma_start3A_1496 : memref<128xi32, #tpu.memory_space<vmem>>) semaphore(%run_scoped3A_1494 : memref<!tpu.dma_semaphore, #tpu.memory_space<semaphore_mem>>) {add = true}
        %dma_wait3A = arith.constant 0 : i32
        %dma_wait3A_1499 = tpu.memref_slice %arg6[%run_scoped3A_1488, %dma_wait3A] : memref<8x128xi32, #tpu.memory_space<vmem>> -> memref<1x128xi32, #tpu.memory_space<vmem>>
        %dma_wait3A_1500 = tpu.memref_squeeze %dma_wait3A_1499 : memref<1x128xi32, #tpu.memory_space<vmem>> -> memref<128xi32, #tpu.memory_space<vmem>>
        %dma_wait3A_1501 = arith.constant 0 : i32
        %dma_wait3A_1502 = tpu.memref_slice %arg9[%dma_wait3A_1501] : memref<500480xf32, #tpu.memory_space<vmem_shared>> -> memref<500480xf32, #tpu.memory_space<vmem_shared>>
        tpu.wait_indirect_dma semaphore(%run_scoped3A_1494 : memref<!tpu.dma_semaphore, #tpu.memory_space<semaphore_mem>>) src(%arg7 : memref<128xf32, #tpu.memory_space<vmem>>) dst(%dma_wait3A_1502 : memref<500480xf32, #tpu.memory_space<vmem_shared>>)
        tpu.yield
      }) : () -> ()
      %run_scoped3A_1489 = arith.constant 3 : i32
      "tpu.region"() ({
        %run_scoped3A_1494 = tpu.sem_alloc : memref<!tpu.dma_semaphore, #tpu.memory_space<semaphore_mem>>
        %dma_start3A = arith.constant 0 : i32
        %dma_start3A_1495 = tpu.memref_slice %arg6[%run_scoped3A_1489, %dma_start3A] : memref<8x128xi32, #tpu.memory_space<vmem>> -> memref<1x128xi32, #tpu.memory_space<vmem>>
        %dma_start3A_1496 = tpu.memref_squeeze %dma_start3A_1495 : memref<1x128xi32, #tpu.memory_space<vmem>> -> memref<128xi32, #tpu.memory_space<vmem>>
        %dma_start3A_1497 = arith.constant 0 : i32
        %dma_start3A_1498 = tpu.memref_slice %arg9[%dma_start3A_1497] : memref<500480xf32, #tpu.memory_space<vmem_shared>> -> memref<500480xf32, #tpu.memory_space<vmem_shared>>
        tpu.enqueue_indirect_dma source(%arg7 : memref<128xf32, #tpu.memory_space<vmem>>) target(%dma_start3A_1498 : memref<500480xf32, #tpu.memory_space<vmem_shared>>) offsets(%dma_start3A_1496 : memref<128xi32, #tpu.memory_space<vmem>>) semaphore(%run_scoped3A_1494 : memref<!tpu.dma_semaphore, #tpu.memory_space<semaphore_mem>>) {add = true}
        %dma_wait3A = arith.constant 0 : i32
        %dma_wait3A_1499 = tpu.memref_slice %arg6[%run_scoped3A_1489, %dma_wait3A] : memref<8x128xi32, #tpu.memory_space<vmem>> -> memref<1x128xi32, #tpu.memory_space<vmem>>
        %dma_wait3A_1500 = tpu.memref_squeeze %dma_wait3A_1499 : memref<1x128xi32, #tpu.memory_space<vmem>> -> memref<128xi32, #tpu.memory_space<vmem>>
        %dma_wait3A_1501 = arith.constant 0 : i32
        %dma_wait3A_1502 = tpu.memref_slice %arg9[%dma_wait3A_1501] : memref<500480xf32, #tpu.memory_space<vmem_shared>> -> memref<500480xf32, #tpu.memory_space<vmem_shared>>
        tpu.wait_indirect_dma semaphore(%run_scoped3A_1494 : memref<!tpu.dma_semaphore, #tpu.memory_space<semaphore_mem>>) src(%arg7 : memref<128xf32, #tpu.memory_space<vmem>>) dst(%dma_wait3A_1502 : memref<500480xf32, #tpu.memory_space<vmem_shared>>)
        tpu.yield
      }) : () -> ()
      %run_scoped3A_1490 = arith.constant 4 : i32
      "tpu.region"() ({
        %run_scoped3A_1494 = tpu.sem_alloc : memref<!tpu.dma_semaphore, #tpu.memory_space<semaphore_mem>>
        %dma_start3A = arith.constant 0 : i32
        %dma_start3A_1495 = tpu.memref_slice %arg6[%run_scoped3A_1490, %dma_start3A] : memref<8x128xi32, #tpu.memory_space<vmem>> -> memref<1x128xi32, #tpu.memory_space<vmem>>
        %dma_start3A_1496 = tpu.memref_squeeze %dma_start3A_1495 : memref<1x128xi32, #tpu.memory_space<vmem>> -> memref<128xi32, #tpu.memory_space<vmem>>
        %dma_start3A_1497 = arith.constant 0 : i32
        %dma_start3A_1498 = tpu.memref_slice %arg9[%dma_start3A_1497] : memref<500480xf32, #tpu.memory_space<vmem_shared>> -> memref<500480xf32, #tpu.memory_space<vmem_shared>>
        tpu.enqueue_indirect_dma source(%arg7 : memref<128xf32, #tpu.memory_space<vmem>>) target(%dma_start3A_1498 : memref<500480xf32, #tpu.memory_space<vmem_shared>>) offsets(%dma_start3A_1496 : memref<128xi32, #tpu.memory_space<vmem>>) semaphore(%run_scoped3A_1494 : memref<!tpu.dma_semaphore, #tpu.memory_space<semaphore_mem>>) {add = true}
        %dma_wait3A = arith.constant 0 : i32
        %dma_wait3A_1499 = tpu.memref_slice %arg6[%run_scoped3A_1490, %dma_wait3A] : memref<8x128xi32, #tpu.memory_space<vmem>> -> memref<1x128xi32, #tpu.memory_space<vmem>>
        %dma_wait3A_1500 = tpu.memref_squeeze %dma_wait3A_1499 : memref<1x128xi32, #tpu.memory_space<vmem>> -> memref<128xi32, #tpu.memory_space<vmem>>
        %dma_wait3A_1501 = arith.constant 0 : i32
        %dma_wait3A_1502 = tpu.memref_slice %arg9[%dma_wait3A_1501] : memref<500480xf32, #tpu.memory_space<vmem_shared>> -> memref<500480xf32, #tpu.memory_space<vmem_shared>>
        tpu.wait_indirect_dma semaphore(%run_scoped3A_1494 : memref<!tpu.dma_semaphore, #tpu.memory_space<semaphore_mem>>) src(%arg7 : memref<128xf32, #tpu.memory_space<vmem>>) dst(%dma_wait3A_1502 : memref<500480xf32, #tpu.memory_space<vmem_shared>>)
        tpu.yield
      }) : () -> ()
      %run_scoped3A_1491 = arith.constant 5 : i32
      "tpu.region"() ({
        %run_scoped3A_1494 = tpu.sem_alloc : memref<!tpu.dma_semaphore, #tpu.memory_space<semaphore_mem>>
        %dma_start3A = arith.constant 0 : i32
        %dma_start3A_1495 = tpu.memref_slice %arg6[%run_scoped3A_1491, %dma_start3A] : memref<8x128xi32, #tpu.memory_space<vmem>> -> memref<1x128xi32, #tpu.memory_space<vmem>>
        %dma_start3A_1496 = tpu.memref_squeeze %dma_start3A_1495 : memref<1x128xi32, #tpu.memory_space<vmem>> -> memref<128xi32, #tpu.memory_space<vmem>>
        %dma_start3A_1497 = arith.constant 0 : i32
        %dma_start3A_1498 = tpu.memref_slice %arg9[%dma_start3A_1497] : memref<500480xf32, #tpu.memory_space<vmem_shared>> -> memref<500480xf32, #tpu.memory_space<vmem_shared>>
        tpu.enqueue_indirect_dma source(%arg7 : memref<128xf32, #tpu.memory_space<vmem>>) target(%dma_start3A_1498 : memref<500480xf32, #tpu.memory_space<vmem_shared>>) offsets(%dma_start3A_1496 : memref<128xi32, #tpu.memory_space<vmem>>) semaphore(%run_scoped3A_1494 : memref<!tpu.dma_semaphore, #tpu.memory_space<semaphore_mem>>) {add = true}
        %dma_wait3A = arith.constant 0 : i32
        %dma_wait3A_1499 = tpu.memref_slice %arg6[%run_scoped3A_1491, %dma_wait3A] : memref<8x128xi32, #tpu.memory_space<vmem>> -> memref<1x128xi32, #tpu.memory_space<vmem>>
        %dma_wait3A_1500 = tpu.memref_squeeze %dma_wait3A_1499 : memref<1x128xi32, #tpu.memory_space<vmem>> -> memref<128xi32, #tpu.memory_space<vmem>>
        %dma_wait3A_1501 = arith.constant 0 : i32
        %dma_wait3A_1502 = tpu.memref_slice %arg9[%dma_wait3A_1501] : memref<500480xf32, #tpu.memory_space<vmem_shared>> -> memref<500480xf32, #tpu.memory_space<vmem_shared>>
        tpu.wait_indirect_dma semaphore(%run_scoped3A_1494 : memref<!tpu.dma_semaphore, #tpu.memory_space<semaphore_mem>>) src(%arg7 : memref<128xf32, #tpu.memory_space<vmem>>) dst(%dma_wait3A_1502 : memref<500480xf32, #tpu.memory_space<vmem_shared>>)
        tpu.yield
      }) : () -> ()
      %run_scoped3A_1492 = arith.constant 6 : i32
      "tpu.region"() ({
        %run_scoped3A_1494 = tpu.sem_alloc : memref<!tpu.dma_semaphore, #tpu.memory_space<semaphore_mem>>
        %dma_start3A = arith.constant 0 : i32
        %dma_start3A_1495 = tpu.memref_slice %arg6[%run_scoped3A_1492, %dma_start3A] : memref<8x128xi32, #tpu.memory_space<vmem>> -> memref<1x128xi32, #tpu.memory_space<vmem>>
        %dma_start3A_1496 = tpu.memref_squeeze %dma_start3A_1495 : memref<1x128xi32, #tpu.memory_space<vmem>> -> memref<128xi32, #tpu.memory_space<vmem>>
        %dma_start3A_1497 = arith.constant 0 : i32
        %dma_start3A_1498 = tpu.memref_slice %arg9[%dma_start3A_1497] : memref<500480xf32, #tpu.memory_space<vmem_shared>> -> memref<500480xf32, #tpu.memory_space<vmem_shared>>
        tpu.enqueue_indirect_dma source(%arg7 : memref<128xf32, #tpu.memory_space<vmem>>) target(%dma_start3A_1498 : memref<500480xf32, #tpu.memory_space<vmem_shared>>) offsets(%dma_start3A_1496 : memref<128xi32, #tpu.memory_space<vmem>>) semaphore(%run_scoped3A_1494 : memref<!tpu.dma_semaphore, #tpu.memory_space<semaphore_mem>>) {add = true}
        %dma_wait3A = arith.constant 0 : i32
        %dma_wait3A_1499 = tpu.memref_slice %arg6[%run_scoped3A_1492, %dma_wait3A] : memref<8x128xi32, #tpu.memory_space<vmem>> -> memref<1x128xi32, #tpu.memory_space<vmem>>
        %dma_wait3A_1500 = tpu.memref_squeeze %dma_wait3A_1499 : memref<1x128xi32, #tpu.memory_space<vmem>> -> memref<128xi32, #tpu.memory_space<vmem>>
        %dma_wait3A_1501 = arith.constant 0 : i32
        %dma_wait3A_1502 = tpu.memref_slice %arg9[%dma_wait3A_1501] : memref<500480xf32, #tpu.memory_space<vmem_shared>> -> memref<500480xf32, #tpu.memory_space<vmem_shared>>
        tpu.wait_indirect_dma semaphore(%run_scoped3A_1494 : memref<!tpu.dma_semaphore, #tpu.memory_space<semaphore_mem>>) src(%arg7 : memref<128xf32, #tpu.memory_space<vmem>>) dst(%dma_wait3A_1502 : memref<500480xf32, #tpu.memory_space<vmem_shared>>)
        tpu.yield
      }) : () -> ()
      %run_scoped3A_1493 = arith.constant 7 : i32
      "tpu.region"() ({
        %run_scoped3A_1494 = tpu.sem_alloc : memref<!tpu.dma_semaphore, #tpu.memory_space<semaphore_mem>>
        %dma_start3A = arith.constant 0 : i32
        %dma_start3A_1495 = tpu.memref_slice %arg6[%run_scoped3A_1493, %dma_start3A] : memref<8x128xi32, #tpu.memory_space<vmem>> -> memref<1x128xi32, #tpu.memory_space<vmem>>
        %dma_start3A_1496 = tpu.memref_squeeze %dma_start3A_1495 : memref<1x128xi32, #tpu.memory_space<vmem>> -> memref<128xi32, #tpu.memory_space<vmem>>
        %dma_start3A_1497 = arith.constant 0 : i32
        %dma_start3A_1498 = tpu.memref_slice %arg9[%dma_start3A_1497] : memref<500480xf32, #tpu.memory_space<vmem_shared>> -> memref<500480xf32, #tpu.memory_space<vmem_shared>>
        tpu.enqueue_indirect_dma source(%arg7 : memref<128xf32, #tpu.memory_space<vmem>>) target(%dma_start3A_1498 : memref<500480xf32, #tpu.memory_space<vmem_shared>>) offsets(%dma_start3A_1496 : memref<128xi32, #tpu.memory_space<vmem>>) semaphore(%run_scoped3A_1494 : memref<!tpu.dma_semaphore, #tpu.memory_space<semaphore_mem>>) {add = true}
        %dma_wait3A = arith.constant 0 : i32
        %dma_wait3A_1499 = tpu.memref_slice %arg6[%run_scoped3A_1493, %dma_wait3A] : memref<8x128xi32, #tpu.memory_space<vmem>> -> memref<1x128xi32, #tpu.memory_space<vmem>>
        %dma_wait3A_1500 = tpu.memref_squeeze %dma_wait3A_1499 : memref<1x128xi32, #tpu.memory_space<vmem>> -> memref<128xi32, #tpu.memory_space<vmem>>
        %dma_wait3A_1501 = arith.constant 0 : i32
        %dma_wait3A_1502 = tpu.memref_slice %arg9[%dma_wait3A_1501] : memref<500480xf32, #tpu.memory_space<vmem_shared>> -> memref<500480xf32, #tpu.memory_space<vmem_shared>>
        tpu.wait_indirect_dma semaphore(%run_scoped3A_1494 : memref<!tpu.dma_semaphore, #tpu.memory_space<semaphore_mem>>) src(%arg7 : memref<128xf32, #tpu.memory_space<vmem>>) dst(%dma_wait3A_1502 : memref<500480xf32, #tpu.memory_space<vmem_shared>>)
        tpu.yield
      }) : () -> ()
    } else {
    }
    %barrier3A_1460 = arith.constant 0 : index
    tpu.barrier barrier_id(%barrier3A_1460)
    %eq3A_1461 = arith.constant 13 : i32
    %eq3A_1462 = arith.cmpi eq, %arg1, %eq3A_1461 : i32
    %convert_element_type3A_1463 = arith.extui %eq3A_1462 : i1 to i32
    %cond3A_1464 = arith.constant 0 : i32
    %cond3A_1465 = arith.cmpi ne, %convert_element_type3A_1463, %cond3A_1464 : i32
    scf.if %cond3A_1465 {
      %run_scoped3A = arith.constant 0 : i32
      "tpu.region"() ({
        %run_scoped3A_1494 = tpu.sem_alloc : memref<!tpu.dma_semaphore, #tpu.memory_space<semaphore_mem>>
        %dma_start3A = arith.constant 0 : i32
        %dma_start3A_1495 = tpu.memref_slice %arg6[%run_scoped3A, %dma_start3A] : memref<8x128xi32, #tpu.memory_space<vmem>> -> memref<1x128xi32, #tpu.memory_space<vmem>>
        %dma_start3A_1496 = tpu.memref_squeeze %dma_start3A_1495 : memref<1x128xi32, #tpu.memory_space<vmem>> -> memref<128xi32, #tpu.memory_space<vmem>>
        %dma_start3A_1497 = arith.constant 0 : i32
        %dma_start3A_1498 = tpu.memref_slice %arg9[%dma_start3A_1497] : memref<500480xf32, #tpu.memory_space<vmem_shared>> -> memref<500480xf32, #tpu.memory_space<vmem_shared>>
        tpu.enqueue_indirect_dma source(%arg7 : memref<128xf32, #tpu.memory_space<vmem>>) target(%dma_start3A_1498 : memref<500480xf32, #tpu.memory_space<vmem_shared>>) offsets(%dma_start3A_1496 : memref<128xi32, #tpu.memory_space<vmem>>) semaphore(%run_scoped3A_1494 : memref<!tpu.dma_semaphore, #tpu.memory_space<semaphore_mem>>) {add = true}
        %dma_wait3A = arith.constant 0 : i32
        %dma_wait3A_1499 = tpu.memref_slice %arg6[%run_scoped3A, %dma_wait3A] : memref<8x128xi32, #tpu.memory_space<vmem>> -> memref<1x128xi32, #tpu.memory_space<vmem>>
        %dma_wait3A_1500 = tpu.memref_squeeze %dma_wait3A_1499 : memref<1x128xi32, #tpu.memory_space<vmem>> -> memref<128xi32, #tpu.memory_space<vmem>>
        %dma_wait3A_1501 = arith.constant 0 : i32
        %dma_wait3A_1502 = tpu.memref_slice %arg9[%dma_wait3A_1501] : memref<500480xf32, #tpu.memory_space<vmem_shared>> -> memref<500480xf32, #tpu.memory_space<vmem_shared>>
        tpu.wait_indirect_dma semaphore(%run_scoped3A_1494 : memref<!tpu.dma_semaphore, #tpu.memory_space<semaphore_mem>>) src(%arg7 : memref<128xf32, #tpu.memory_space<vmem>>) dst(%dma_wait3A_1502 : memref<500480xf32, #tpu.memory_space<vmem_shared>>)
        tpu.yield
      }) : () -> ()
      %run_scoped3A_1487 = arith.constant 1 : i32
      "tpu.region"() ({
        %run_scoped3A_1494 = tpu.sem_alloc : memref<!tpu.dma_semaphore, #tpu.memory_space<semaphore_mem>>
        %dma_start3A = arith.constant 0 : i32
        %dma_start3A_1495 = tpu.memref_slice %arg6[%run_scoped3A_1487, %dma_start3A] : memref<8x128xi32, #tpu.memory_space<vmem>> -> memref<1x128xi32, #tpu.memory_space<vmem>>
        %dma_start3A_1496 = tpu.memref_squeeze %dma_start3A_1495 : memref<1x128xi32, #tpu.memory_space<vmem>> -> memref<128xi32, #tpu.memory_space<vmem>>
        %dma_start3A_1497 = arith.constant 0 : i32
        %dma_start3A_1498 = tpu.memref_slice %arg9[%dma_start3A_1497] : memref<500480xf32, #tpu.memory_space<vmem_shared>> -> memref<500480xf32, #tpu.memory_space<vmem_shared>>
        tpu.enqueue_indirect_dma source(%arg7 : memref<128xf32, #tpu.memory_space<vmem>>) target(%dma_start3A_1498 : memref<500480xf32, #tpu.memory_space<vmem_shared>>) offsets(%dma_start3A_1496 : memref<128xi32, #tpu.memory_space<vmem>>) semaphore(%run_scoped3A_1494 : memref<!tpu.dma_semaphore, #tpu.memory_space<semaphore_mem>>) {add = true}
        %dma_wait3A = arith.constant 0 : i32
        %dma_wait3A_1499 = tpu.memref_slice %arg6[%run_scoped3A_1487, %dma_wait3A] : memref<8x128xi32, #tpu.memory_space<vmem>> -> memref<1x128xi32, #tpu.memory_space<vmem>>
        %dma_wait3A_1500 = tpu.memref_squeeze %dma_wait3A_1499 : memref<1x128xi32, #tpu.memory_space<vmem>> -> memref<128xi32, #tpu.memory_space<vmem>>
        %dma_wait3A_1501 = arith.constant 0 : i32
        %dma_wait3A_1502 = tpu.memref_slice %arg9[%dma_wait3A_1501] : memref<500480xf32, #tpu.memory_space<vmem_shared>> -> memref<500480xf32, #tpu.memory_space<vmem_shared>>
        tpu.wait_indirect_dma semaphore(%run_scoped3A_1494 : memref<!tpu.dma_semaphore, #tpu.memory_space<semaphore_mem>>) src(%arg7 : memref<128xf32, #tpu.memory_space<vmem>>) dst(%dma_wait3A_1502 : memref<500480xf32, #tpu.memory_space<vmem_shared>>)
        tpu.yield
      }) : () -> ()
      %run_scoped3A_1488 = arith.constant 2 : i32
      "tpu.region"() ({
        %run_scoped3A_1494 = tpu.sem_alloc : memref<!tpu.dma_semaphore, #tpu.memory_space<semaphore_mem>>
        %dma_start3A = arith.constant 0 : i32
        %dma_start3A_1495 = tpu.memref_slice %arg6[%run_scoped3A_1488, %dma_start3A] : memref<8x128xi32, #tpu.memory_space<vmem>> -> memref<1x128xi32, #tpu.memory_space<vmem>>
        %dma_start3A_1496 = tpu.memref_squeeze %dma_start3A_1495 : memref<1x128xi32, #tpu.memory_space<vmem>> -> memref<128xi32, #tpu.memory_space<vmem>>
        %dma_start3A_1497 = arith.constant 0 : i32
        %dma_start3A_1498 = tpu.memref_slice %arg9[%dma_start3A_1497] : memref<500480xf32, #tpu.memory_space<vmem_shared>> -> memref<500480xf32, #tpu.memory_space<vmem_shared>>
        tpu.enqueue_indirect_dma source(%arg7 : memref<128xf32, #tpu.memory_space<vmem>>) target(%dma_start3A_1498 : memref<500480xf32, #tpu.memory_space<vmem_shared>>) offsets(%dma_start3A_1496 : memref<128xi32, #tpu.memory_space<vmem>>) semaphore(%run_scoped3A_1494 : memref<!tpu.dma_semaphore, #tpu.memory_space<semaphore_mem>>) {add = true}
        %dma_wait3A = arith.constant 0 : i32
        %dma_wait3A_1499 = tpu.memref_slice %arg6[%run_scoped3A_1488, %dma_wait3A] : memref<8x128xi32, #tpu.memory_space<vmem>> -> memref<1x128xi32, #tpu.memory_space<vmem>>
        %dma_wait3A_1500 = tpu.memref_squeeze %dma_wait3A_1499 : memref<1x128xi32, #tpu.memory_space<vmem>> -> memref<128xi32, #tpu.memory_space<vmem>>
        %dma_wait3A_1501 = arith.constant 0 : i32
        %dma_wait3A_1502 = tpu.memref_slice %arg9[%dma_wait3A_1501] : memref<500480xf32, #tpu.memory_space<vmem_shared>> -> memref<500480xf32, #tpu.memory_space<vmem_shared>>
        tpu.wait_indirect_dma semaphore(%run_scoped3A_1494 : memref<!tpu.dma_semaphore, #tpu.memory_space<semaphore_mem>>) src(%arg7 : memref<128xf32, #tpu.memory_space<vmem>>) dst(%dma_wait3A_1502 : memref<500480xf32, #tpu.memory_space<vmem_shared>>)
        tpu.yield
      }) : () -> ()
      %run_scoped3A_1489 = arith.constant 3 : i32
      "tpu.region"() ({
        %run_scoped3A_1494 = tpu.sem_alloc : memref<!tpu.dma_semaphore, #tpu.memory_space<semaphore_mem>>
        %dma_start3A = arith.constant 0 : i32
        %dma_start3A_1495 = tpu.memref_slice %arg6[%run_scoped3A_1489, %dma_start3A] : memref<8x128xi32, #tpu.memory_space<vmem>> -> memref<1x128xi32, #tpu.memory_space<vmem>>
        %dma_start3A_1496 = tpu.memref_squeeze %dma_start3A_1495 : memref<1x128xi32, #tpu.memory_space<vmem>> -> memref<128xi32, #tpu.memory_space<vmem>>
        %dma_start3A_1497 = arith.constant 0 : i32
        %dma_start3A_1498 = tpu.memref_slice %arg9[%dma_start3A_1497] : memref<500480xf32, #tpu.memory_space<vmem_shared>> -> memref<500480xf32, #tpu.memory_space<vmem_shared>>
        tpu.enqueue_indirect_dma source(%arg7 : memref<128xf32, #tpu.memory_space<vmem>>) target(%dma_start3A_1498 : memref<500480xf32, #tpu.memory_space<vmem_shared>>) offsets(%dma_start3A_1496 : memref<128xi32, #tpu.memory_space<vmem>>) semaphore(%run_scoped3A_1494 : memref<!tpu.dma_semaphore, #tpu.memory_space<semaphore_mem>>) {add = true}
        %dma_wait3A = arith.constant 0 : i32
        %dma_wait3A_1499 = tpu.memref_slice %arg6[%run_scoped3A_1489, %dma_wait3A] : memref<8x128xi32, #tpu.memory_space<vmem>> -> memref<1x128xi32, #tpu.memory_space<vmem>>
        %dma_wait3A_1500 = tpu.memref_squeeze %dma_wait3A_1499 : memref<1x128xi32, #tpu.memory_space<vmem>> -> memref<128xi32, #tpu.memory_space<vmem>>
        %dma_wait3A_1501 = arith.constant 0 : i32
        %dma_wait3A_1502 = tpu.memref_slice %arg9[%dma_wait3A_1501] : memref<500480xf32, #tpu.memory_space<vmem_shared>> -> memref<500480xf32, #tpu.memory_space<vmem_shared>>
        tpu.wait_indirect_dma semaphore(%run_scoped3A_1494 : memref<!tpu.dma_semaphore, #tpu.memory_space<semaphore_mem>>) src(%arg7 : memref<128xf32, #tpu.memory_space<vmem>>) dst(%dma_wait3A_1502 : memref<500480xf32, #tpu.memory_space<vmem_shared>>)
        tpu.yield
      }) : () -> ()
      %run_scoped3A_1490 = arith.constant 4 : i32
      "tpu.region"() ({
        %run_scoped3A_1494 = tpu.sem_alloc : memref<!tpu.dma_semaphore, #tpu.memory_space<semaphore_mem>>
        %dma_start3A = arith.constant 0 : i32
        %dma_start3A_1495 = tpu.memref_slice %arg6[%run_scoped3A_1490, %dma_start3A] : memref<8x128xi32, #tpu.memory_space<vmem>> -> memref<1x128xi32, #tpu.memory_space<vmem>>
        %dma_start3A_1496 = tpu.memref_squeeze %dma_start3A_1495 : memref<1x128xi32, #tpu.memory_space<vmem>> -> memref<128xi32, #tpu.memory_space<vmem>>
        %dma_start3A_1497 = arith.constant 0 : i32
        %dma_start3A_1498 = tpu.memref_slice %arg9[%dma_start3A_1497] : memref<500480xf32, #tpu.memory_space<vmem_shared>> -> memref<500480xf32, #tpu.memory_space<vmem_shared>>
        tpu.enqueue_indirect_dma source(%arg7 : memref<128xf32, #tpu.memory_space<vmem>>) target(%dma_start3A_1498 : memref<500480xf32, #tpu.memory_space<vmem_shared>>) offsets(%dma_start3A_1496 : memref<128xi32, #tpu.memory_space<vmem>>) semaphore(%run_scoped3A_1494 : memref<!tpu.dma_semaphore, #tpu.memory_space<semaphore_mem>>) {add = true}
        %dma_wait3A = arith.constant 0 : i32
        %dma_wait3A_1499 = tpu.memref_slice %arg6[%run_scoped3A_1490, %dma_wait3A] : memref<8x128xi32, #tpu.memory_space<vmem>> -> memref<1x128xi32, #tpu.memory_space<vmem>>
        %dma_wait3A_1500 = tpu.memref_squeeze %dma_wait3A_1499 : memref<1x128xi32, #tpu.memory_space<vmem>> -> memref<128xi32, #tpu.memory_space<vmem>>
        %dma_wait3A_1501 = arith.constant 0 : i32
        %dma_wait3A_1502 = tpu.memref_slice %arg9[%dma_wait3A_1501] : memref<500480xf32, #tpu.memory_space<vmem_shared>> -> memref<500480xf32, #tpu.memory_space<vmem_shared>>
        tpu.wait_indirect_dma semaphore(%run_scoped3A_1494 : memref<!tpu.dma_semaphore, #tpu.memory_space<semaphore_mem>>) src(%arg7 : memref<128xf32, #tpu.memory_space<vmem>>) dst(%dma_wait3A_1502 : memref<500480xf32, #tpu.memory_space<vmem_shared>>)
        tpu.yield
      }) : () -> ()
      %run_scoped3A_1491 = arith.constant 5 : i32
      "tpu.region"() ({
        %run_scoped3A_1494 = tpu.sem_alloc : memref<!tpu.dma_semaphore, #tpu.memory_space<semaphore_mem>>
        %dma_start3A = arith.constant 0 : i32
        %dma_start3A_1495 = tpu.memref_slice %arg6[%run_scoped3A_1491, %dma_start3A] : memref<8x128xi32, #tpu.memory_space<vmem>> -> memref<1x128xi32, #tpu.memory_space<vmem>>
        %dma_start3A_1496 = tpu.memref_squeeze %dma_start3A_1495 : memref<1x128xi32, #tpu.memory_space<vmem>> -> memref<128xi32, #tpu.memory_space<vmem>>
        %dma_start3A_1497 = arith.constant 0 : i32
        %dma_start3A_1498 = tpu.memref_slice %arg9[%dma_start3A_1497] : memref<500480xf32, #tpu.memory_space<vmem_shared>> -> memref<500480xf32, #tpu.memory_space<vmem_shared>>
        tpu.enqueue_indirect_dma source(%arg7 : memref<128xf32, #tpu.memory_space<vmem>>) target(%dma_start3A_1498 : memref<500480xf32, #tpu.memory_space<vmem_shared>>) offsets(%dma_start3A_1496 : memref<128xi32, #tpu.memory_space<vmem>>) semaphore(%run_scoped3A_1494 : memref<!tpu.dma_semaphore, #tpu.memory_space<semaphore_mem>>) {add = true}
        %dma_wait3A = arith.constant 0 : i32
        %dma_wait3A_1499 = tpu.memref_slice %arg6[%run_scoped3A_1491, %dma_wait3A] : memref<8x128xi32, #tpu.memory_space<vmem>> -> memref<1x128xi32, #tpu.memory_space<vmem>>
        %dma_wait3A_1500 = tpu.memref_squeeze %dma_wait3A_1499 : memref<1x128xi32, #tpu.memory_space<vmem>> -> memref<128xi32, #tpu.memory_space<vmem>>
        %dma_wait3A_1501 = arith.constant 0 : i32
        %dma_wait3A_1502 = tpu.memref_slice %arg9[%dma_wait3A_1501] : memref<500480xf32, #tpu.memory_space<vmem_shared>> -> memref<500480xf32, #tpu.memory_space<vmem_shared>>
        tpu.wait_indirect_dma semaphore(%run_scoped3A_1494 : memref<!tpu.dma_semaphore, #tpu.memory_space<semaphore_mem>>) src(%arg7 : memref<128xf32, #tpu.memory_space<vmem>>) dst(%dma_wait3A_1502 : memref<500480xf32, #tpu.memory_space<vmem_shared>>)
        tpu.yield
      }) : () -> ()
      %run_scoped3A_1492 = arith.constant 6 : i32
      "tpu.region"() ({
        %run_scoped3A_1494 = tpu.sem_alloc : memref<!tpu.dma_semaphore, #tpu.memory_space<semaphore_mem>>
        %dma_start3A = arith.constant 0 : i32
        %dma_start3A_1495 = tpu.memref_slice %arg6[%run_scoped3A_1492, %dma_start3A] : memref<8x128xi32, #tpu.memory_space<vmem>> -> memref<1x128xi32, #tpu.memory_space<vmem>>
        %dma_start3A_1496 = tpu.memref_squeeze %dma_start3A_1495 : memref<1x128xi32, #tpu.memory_space<vmem>> -> memref<128xi32, #tpu.memory_space<vmem>>
        %dma_start3A_1497 = arith.constant 0 : i32
        %dma_start3A_1498 = tpu.memref_slice %arg9[%dma_start3A_1497] : memref<500480xf32, #tpu.memory_space<vmem_shared>> -> memref<500480xf32, #tpu.memory_space<vmem_shared>>
        tpu.enqueue_indirect_dma source(%arg7 : memref<128xf32, #tpu.memory_space<vmem>>) target(%dma_start3A_1498 : memref<500480xf32, #tpu.memory_space<vmem_shared>>) offsets(%dma_start3A_1496 : memref<128xi32, #tpu.memory_space<vmem>>) semaphore(%run_scoped3A_1494 : memref<!tpu.dma_semaphore, #tpu.memory_space<semaphore_mem>>) {add = true}
        %dma_wait3A = arith.constant 0 : i32
        %dma_wait3A_1499 = tpu.memref_slice %arg6[%run_scoped3A_1492, %dma_wait3A] : memref<8x128xi32, #tpu.memory_space<vmem>> -> memref<1x128xi32, #tpu.memory_space<vmem>>
        %dma_wait3A_1500 = tpu.memref_squeeze %dma_wait3A_1499 : memref<1x128xi32, #tpu.memory_space<vmem>> -> memref<128xi32, #tpu.memory_space<vmem>>
        %dma_wait3A_1501 = arith.constant 0 : i32
        %dma_wait3A_1502 = tpu.memref_slice %arg9[%dma_wait3A_1501] : memref<500480xf32, #tpu.memory_space<vmem_shared>> -> memref<500480xf32, #tpu.memory_space<vmem_shared>>
        tpu.wait_indirect_dma semaphore(%run_scoped3A_1494 : memref<!tpu.dma_semaphore, #tpu.memory_space<semaphore_mem>>) src(%arg7 : memref<128xf32, #tpu.memory_space<vmem>>) dst(%dma_wait3A_1502 : memref<500480xf32, #tpu.memory_space<vmem_shared>>)
        tpu.yield
      }) : () -> ()
      %run_scoped3A_1493 = arith.constant 7 : i32
      "tpu.region"() ({
        %run_scoped3A_1494 = tpu.sem_alloc : memref<!tpu.dma_semaphore, #tpu.memory_space<semaphore_mem>>
        %dma_start3A = arith.constant 0 : i32
        %dma_start3A_1495 = tpu.memref_slice %arg6[%run_scoped3A_1493, %dma_start3A] : memref<8x128xi32, #tpu.memory_space<vmem>> -> memref<1x128xi32, #tpu.memory_space<vmem>>
        %dma_start3A_1496 = tpu.memref_squeeze %dma_start3A_1495 : memref<1x128xi32, #tpu.memory_space<vmem>> -> memref<128xi32, #tpu.memory_space<vmem>>
        %dma_start3A_1497 = arith.constant 0 : i32
        %dma_start3A_1498 = tpu.memref_slice %arg9[%dma_start3A_1497] : memref<500480xf32, #tpu.memory_space<vmem_shared>> -> memref<500480xf32, #tpu.memory_space<vmem_shared>>
        tpu.enqueue_indirect_dma source(%arg7 : memref<128xf32, #tpu.memory_space<vmem>>) target(%dma_start3A_1498 : memref<500480xf32, #tpu.memory_space<vmem_shared>>) offsets(%dma_start3A_1496 : memref<128xi32, #tpu.memory_space<vmem>>) semaphore(%run_scoped3A_1494 : memref<!tpu.dma_semaphore, #tpu.memory_space<semaphore_mem>>) {add = true}
        %dma_wait3A = arith.constant 0 : i32
        %dma_wait3A_1499 = tpu.memref_slice %arg6[%run_scoped3A_1493, %dma_wait3A] : memref<8x128xi32, #tpu.memory_space<vmem>> -> memref<1x128xi32, #tpu.memory_space<vmem>>
        %dma_wait3A_1500 = tpu.memref_squeeze %dma_wait3A_1499 : memref<1x128xi32, #tpu.memory_space<vmem>> -> memref<128xi32, #tpu.memory_space<vmem>>
        %dma_wait3A_1501 = arith.constant 0 : i32
        %dma_wait3A_1502 = tpu.memref_slice %arg9[%dma_wait3A_1501] : memref<500480xf32, #tpu.memory_space<vmem_shared>> -> memref<500480xf32, #tpu.memory_space<vmem_shared>>
        tpu.wait_indirect_dma semaphore(%run_scoped3A_1494 : memref<!tpu.dma_semaphore, #tpu.memory_space<semaphore_mem>>) src(%arg7 : memref<128xf32, #tpu.memory_space<vmem>>) dst(%dma_wait3A_1502 : memref<500480xf32, #tpu.memory_space<vmem_shared>>)
        tpu.yield
      }) : () -> ()
    } else {
    }
    %barrier3A_1466 = arith.constant 0 : index
    tpu.barrier barrier_id(%barrier3A_1466)
    %eq3A_1467 = arith.constant 14 : i32
    %eq3A_1468 = arith.cmpi eq, %arg1, %eq3A_1467 : i32
    %convert_element_type3A_1469 = arith.extui %eq3A_1468 : i1 to i32
    %cond3A_1470 = arith.constant 0 : i32
    %cond3A_1471 = arith.cmpi ne, %convert_element_type3A_1469, %cond3A_1470 : i32
    scf.if %cond3A_1471 {
      %run_scoped3A = arith.constant 0 : i32
      "tpu.region"() ({
        %run_scoped3A_1494 = tpu.sem_alloc : memref<!tpu.dma_semaphore, #tpu.memory_space<semaphore_mem>>
        %dma_start3A = arith.constant 0 : i32
        %dma_start3A_1495 = tpu.memref_slice %arg6[%run_scoped3A, %dma_start3A] : memref<8x128xi32, #tpu.memory_space<vmem>> -> memref<1x128xi32, #tpu.memory_space<vmem>>
        %dma_start3A_1496 = tpu.memref_squeeze %dma_start3A_1495 : memref<1x128xi32, #tpu.memory_space<vmem>> -> memref<128xi32, #tpu.memory_space<vmem>>
        %dma_start3A_1497 = arith.constant 0 : i32
        %dma_start3A_1498 = tpu.memref_slice %arg9[%dma_start3A_1497] : memref<500480xf32, #tpu.memory_space<vmem_shared>> -> memref<500480xf32, #tpu.memory_space<vmem_shared>>
        tpu.enqueue_indirect_dma source(%arg7 : memref<128xf32, #tpu.memory_space<vmem>>) target(%dma_start3A_1498 : memref<500480xf32, #tpu.memory_space<vmem_shared>>) offsets(%dma_start3A_1496 : memref<128xi32, #tpu.memory_space<vmem>>) semaphore(%run_scoped3A_1494 : memref<!tpu.dma_semaphore, #tpu.memory_space<semaphore_mem>>) {add = true}
        %dma_wait3A = arith.constant 0 : i32
        %dma_wait3A_1499 = tpu.memref_slice %arg6[%run_scoped3A, %dma_wait3A] : memref<8x128xi32, #tpu.memory_space<vmem>> -> memref<1x128xi32, #tpu.memory_space<vmem>>
        %dma_wait3A_1500 = tpu.memref_squeeze %dma_wait3A_1499 : memref<1x128xi32, #tpu.memory_space<vmem>> -> memref<128xi32, #tpu.memory_space<vmem>>
        %dma_wait3A_1501 = arith.constant 0 : i32
        %dma_wait3A_1502 = tpu.memref_slice %arg9[%dma_wait3A_1501] : memref<500480xf32, #tpu.memory_space<vmem_shared>> -> memref<500480xf32, #tpu.memory_space<vmem_shared>>
        tpu.wait_indirect_dma semaphore(%run_scoped3A_1494 : memref<!tpu.dma_semaphore, #tpu.memory_space<semaphore_mem>>) src(%arg7 : memref<128xf32, #tpu.memory_space<vmem>>) dst(%dma_wait3A_1502 : memref<500480xf32, #tpu.memory_space<vmem_shared>>)
        tpu.yield
      }) : () -> ()
      %run_scoped3A_1487 = arith.constant 1 : i32
      "tpu.region"() ({
        %run_scoped3A_1494 = tpu.sem_alloc : memref<!tpu.dma_semaphore, #tpu.memory_space<semaphore_mem>>
        %dma_start3A = arith.constant 0 : i32
        %dma_start3A_1495 = tpu.memref_slice %arg6[%run_scoped3A_1487, %dma_start3A] : memref<8x128xi32, #tpu.memory_space<vmem>> -> memref<1x128xi32, #tpu.memory_space<vmem>>
        %dma_start3A_1496 = tpu.memref_squeeze %dma_start3A_1495 : memref<1x128xi32, #tpu.memory_space<vmem>> -> memref<128xi32, #tpu.memory_space<vmem>>
        %dma_start3A_1497 = arith.constant 0 : i32
        %dma_start3A_1498 = tpu.memref_slice %arg9[%dma_start3A_1497] : memref<500480xf32, #tpu.memory_space<vmem_shared>> -> memref<500480xf32, #tpu.memory_space<vmem_shared>>
        tpu.enqueue_indirect_dma source(%arg7 : memref<128xf32, #tpu.memory_space<vmem>>) target(%dma_start3A_1498 : memref<500480xf32, #tpu.memory_space<vmem_shared>>) offsets(%dma_start3A_1496 : memref<128xi32, #tpu.memory_space<vmem>>) semaphore(%run_scoped3A_1494 : memref<!tpu.dma_semaphore, #tpu.memory_space<semaphore_mem>>) {add = true}
        %dma_wait3A = arith.constant 0 : i32
        %dma_wait3A_1499 = tpu.memref_slice %arg6[%run_scoped3A_1487, %dma_wait3A] : memref<8x128xi32, #tpu.memory_space<vmem>> -> memref<1x128xi32, #tpu.memory_space<vmem>>
        %dma_wait3A_1500 = tpu.memref_squeeze %dma_wait3A_1499 : memref<1x128xi32, #tpu.memory_space<vmem>> -> memref<128xi32, #tpu.memory_space<vmem>>
        %dma_wait3A_1501 = arith.constant 0 : i32
        %dma_wait3A_1502 = tpu.memref_slice %arg9[%dma_wait3A_1501] : memref<500480xf32, #tpu.memory_space<vmem_shared>> -> memref<500480xf32, #tpu.memory_space<vmem_shared>>
        tpu.wait_indirect_dma semaphore(%run_scoped3A_1494 : memref<!tpu.dma_semaphore, #tpu.memory_space<semaphore_mem>>) src(%arg7 : memref<128xf32, #tpu.memory_space<vmem>>) dst(%dma_wait3A_1502 : memref<500480xf32, #tpu.memory_space<vmem_shared>>)
        tpu.yield
      }) : () -> ()
      %run_scoped3A_1488 = arith.constant 2 : i32
      "tpu.region"() ({
        %run_scoped3A_1494 = tpu.sem_alloc : memref<!tpu.dma_semaphore, #tpu.memory_space<semaphore_mem>>
        %dma_start3A = arith.constant 0 : i32
        %dma_start3A_1495 = tpu.memref_slice %arg6[%run_scoped3A_1488, %dma_start3A] : memref<8x128xi32, #tpu.memory_space<vmem>> -> memref<1x128xi32, #tpu.memory_space<vmem>>
        %dma_start3A_1496 = tpu.memref_squeeze %dma_start3A_1495 : memref<1x128xi32, #tpu.memory_space<vmem>> -> memref<128xi32, #tpu.memory_space<vmem>>
        %dma_start3A_1497 = arith.constant 0 : i32
        %dma_start3A_1498 = tpu.memref_slice %arg9[%dma_start3A_1497] : memref<500480xf32, #tpu.memory_space<vmem_shared>> -> memref<500480xf32, #tpu.memory_space<vmem_shared>>
        tpu.enqueue_indirect_dma source(%arg7 : memref<128xf32, #tpu.memory_space<vmem>>) target(%dma_start3A_1498 : memref<500480xf32, #tpu.memory_space<vmem_shared>>) offsets(%dma_start3A_1496 : memref<128xi32, #tpu.memory_space<vmem>>) semaphore(%run_scoped3A_1494 : memref<!tpu.dma_semaphore, #tpu.memory_space<semaphore_mem>>) {add = true}
        %dma_wait3A = arith.constant 0 : i32
        %dma_wait3A_1499 = tpu.memref_slice %arg6[%run_scoped3A_1488, %dma_wait3A] : memref<8x128xi32, #tpu.memory_space<vmem>> -> memref<1x128xi32, #tpu.memory_space<vmem>>
        %dma_wait3A_1500 = tpu.memref_squeeze %dma_wait3A_1499 : memref<1x128xi32, #tpu.memory_space<vmem>> -> memref<128xi32, #tpu.memory_space<vmem>>
        %dma_wait3A_1501 = arith.constant 0 : i32
        %dma_wait3A_1502 = tpu.memref_slice %arg9[%dma_wait3A_1501] : memref<500480xf32, #tpu.memory_space<vmem_shared>> -> memref<500480xf32, #tpu.memory_space<vmem_shared>>
        tpu.wait_indirect_dma semaphore(%run_scoped3A_1494 : memref<!tpu.dma_semaphore, #tpu.memory_space<semaphore_mem>>) src(%arg7 : memref<128xf32, #tpu.memory_space<vmem>>) dst(%dma_wait3A_1502 : memref<500480xf32, #tpu.memory_space<vmem_shared>>)
        tpu.yield
      }) : () -> ()
      %run_scoped3A_1489 = arith.constant 3 : i32
      "tpu.region"() ({
        %run_scoped3A_1494 = tpu.sem_alloc : memref<!tpu.dma_semaphore, #tpu.memory_space<semaphore_mem>>
        %dma_start3A = arith.constant 0 : i32
        %dma_start3A_1495 = tpu.memref_slice %arg6[%run_scoped3A_1489, %dma_start3A] : memref<8x128xi32, #tpu.memory_space<vmem>> -> memref<1x128xi32, #tpu.memory_space<vmem>>
        %dma_start3A_1496 = tpu.memref_squeeze %dma_start3A_1495 : memref<1x128xi32, #tpu.memory_space<vmem>> -> memref<128xi32, #tpu.memory_space<vmem>>
        %dma_start3A_1497 = arith.constant 0 : i32
        %dma_start3A_1498 = tpu.memref_slice %arg9[%dma_start3A_1497] : memref<500480xf32, #tpu.memory_space<vmem_shared>> -> memref<500480xf32, #tpu.memory_space<vmem_shared>>
        tpu.enqueue_indirect_dma source(%arg7 : memref<128xf32, #tpu.memory_space<vmem>>) target(%dma_start3A_1498 : memref<500480xf32, #tpu.memory_space<vmem_shared>>) offsets(%dma_start3A_1496 : memref<128xi32, #tpu.memory_space<vmem>>) semaphore(%run_scoped3A_1494 : memref<!tpu.dma_semaphore, #tpu.memory_space<semaphore_mem>>) {add = true}
        %dma_wait3A = arith.constant 0 : i32
        %dma_wait3A_1499 = tpu.memref_slice %arg6[%run_scoped3A_1489, %dma_wait3A] : memref<8x128xi32, #tpu.memory_space<vmem>> -> memref<1x128xi32, #tpu.memory_space<vmem>>
        %dma_wait3A_1500 = tpu.memref_squeeze %dma_wait3A_1499 : memref<1x128xi32, #tpu.memory_space<vmem>> -> memref<128xi32, #tpu.memory_space<vmem>>
        %dma_wait3A_1501 = arith.constant 0 : i32
        %dma_wait3A_1502 = tpu.memref_slice %arg9[%dma_wait3A_1501] : memref<500480xf32, #tpu.memory_space<vmem_shared>> -> memref<500480xf32, #tpu.memory_space<vmem_shared>>
        tpu.wait_indirect_dma semaphore(%run_scoped3A_1494 : memref<!tpu.dma_semaphore, #tpu.memory_space<semaphore_mem>>) src(%arg7 : memref<128xf32, #tpu.memory_space<vmem>>) dst(%dma_wait3A_1502 : memref<500480xf32, #tpu.memory_space<vmem_shared>>)
        tpu.yield
      }) : () -> ()
      %run_scoped3A_1490 = arith.constant 4 : i32
      "tpu.region"() ({
        %run_scoped3A_1494 = tpu.sem_alloc : memref<!tpu.dma_semaphore, #tpu.memory_space<semaphore_mem>>
        %dma_start3A = arith.constant 0 : i32
        %dma_start3A_1495 = tpu.memref_slice %arg6[%run_scoped3A_1490, %dma_start3A] : memref<8x128xi32, #tpu.memory_space<vmem>> -> memref<1x128xi32, #tpu.memory_space<vmem>>
        %dma_start3A_1496 = tpu.memref_squeeze %dma_start3A_1495 : memref<1x128xi32, #tpu.memory_space<vmem>> -> memref<128xi32, #tpu.memory_space<vmem>>
        %dma_start3A_1497 = arith.constant 0 : i32
        %dma_start3A_1498 = tpu.memref_slice %arg9[%dma_start3A_1497] : memref<500480xf32, #tpu.memory_space<vmem_shared>> -> memref<500480xf32, #tpu.memory_space<vmem_shared>>
        tpu.enqueue_indirect_dma source(%arg7 : memref<128xf32, #tpu.memory_space<vmem>>) target(%dma_start3A_1498 : memref<500480xf32, #tpu.memory_space<vmem_shared>>) offsets(%dma_start3A_1496 : memref<128xi32, #tpu.memory_space<vmem>>) semaphore(%run_scoped3A_1494 : memref<!tpu.dma_semaphore, #tpu.memory_space<semaphore_mem>>) {add = true}
        %dma_wait3A = arith.constant 0 : i32
        %dma_wait3A_1499 = tpu.memref_slice %arg6[%run_scoped3A_1490, %dma_wait3A] : memref<8x128xi32, #tpu.memory_space<vmem>> -> memref<1x128xi32, #tpu.memory_space<vmem>>
        %dma_wait3A_1500 = tpu.memref_squeeze %dma_wait3A_1499 : memref<1x128xi32, #tpu.memory_space<vmem>> -> memref<128xi32, #tpu.memory_space<vmem>>
        %dma_wait3A_1501 = arith.constant 0 : i32
        %dma_wait3A_1502 = tpu.memref_slice %arg9[%dma_wait3A_1501] : memref<500480xf32, #tpu.memory_space<vmem_shared>> -> memref<500480xf32, #tpu.memory_space<vmem_shared>>
        tpu.wait_indirect_dma semaphore(%run_scoped3A_1494 : memref<!tpu.dma_semaphore, #tpu.memory_space<semaphore_mem>>) src(%arg7 : memref<128xf32, #tpu.memory_space<vmem>>) dst(%dma_wait3A_1502 : memref<500480xf32, #tpu.memory_space<vmem_shared>>)
        tpu.yield
      }) : () -> ()
      %run_scoped3A_1491 = arith.constant 5 : i32
      "tpu.region"() ({
        %run_scoped3A_1494 = tpu.sem_alloc : memref<!tpu.dma_semaphore, #tpu.memory_space<semaphore_mem>>
        %dma_start3A = arith.constant 0 : i32
        %dma_start3A_1495 = tpu.memref_slice %arg6[%run_scoped3A_1491, %dma_start3A] : memref<8x128xi32, #tpu.memory_space<vmem>> -> memref<1x128xi32, #tpu.memory_space<vmem>>
        %dma_start3A_1496 = tpu.memref_squeeze %dma_start3A_1495 : memref<1x128xi32, #tpu.memory_space<vmem>> -> memref<128xi32, #tpu.memory_space<vmem>>
        %dma_start3A_1497 = arith.constant 0 : i32
        %dma_start3A_1498 = tpu.memref_slice %arg9[%dma_start3A_1497] : memref<500480xf32, #tpu.memory_space<vmem_shared>> -> memref<500480xf32, #tpu.memory_space<vmem_shared>>
        tpu.enqueue_indirect_dma source(%arg7 : memref<128xf32, #tpu.memory_space<vmem>>) target(%dma_start3A_1498 : memref<500480xf32, #tpu.memory_space<vmem_shared>>) offsets(%dma_start3A_1496 : memref<128xi32, #tpu.memory_space<vmem>>) semaphore(%run_scoped3A_1494 : memref<!tpu.dma_semaphore, #tpu.memory_space<semaphore_mem>>) {add = true}
        %dma_wait3A = arith.constant 0 : i32
        %dma_wait3A_1499 = tpu.memref_slice %arg6[%run_scoped3A_1491, %dma_wait3A] : memref<8x128xi32, #tpu.memory_space<vmem>> -> memref<1x128xi32, #tpu.memory_space<vmem>>
        %dma_wait3A_1500 = tpu.memref_squeeze %dma_wait3A_1499 : memref<1x128xi32, #tpu.memory_space<vmem>> -> memref<128xi32, #tpu.memory_space<vmem>>
        %dma_wait3A_1501 = arith.constant 0 : i32
        %dma_wait3A_1502 = tpu.memref_slice %arg9[%dma_wait3A_1501] : memref<500480xf32, #tpu.memory_space<vmem_shared>> -> memref<500480xf32, #tpu.memory_space<vmem_shared>>
        tpu.wait_indirect_dma semaphore(%run_scoped3A_1494 : memref<!tpu.dma_semaphore, #tpu.memory_space<semaphore_mem>>) src(%arg7 : memref<128xf32, #tpu.memory_space<vmem>>) dst(%dma_wait3A_1502 : memref<500480xf32, #tpu.memory_space<vmem_shared>>)
        tpu.yield
      }) : () -> ()
      %run_scoped3A_1492 = arith.constant 6 : i32
      "tpu.region"() ({
        %run_scoped3A_1494 = tpu.sem_alloc : memref<!tpu.dma_semaphore, #tpu.memory_space<semaphore_mem>>
        %dma_start3A = arith.constant 0 : i32
        %dma_start3A_1495 = tpu.memref_slice %arg6[%run_scoped3A_1492, %dma_start3A] : memref<8x128xi32, #tpu.memory_space<vmem>> -> memref<1x128xi32, #tpu.memory_space<vmem>>
        %dma_start3A_1496 = tpu.memref_squeeze %dma_start3A_1495 : memref<1x128xi32, #tpu.memory_space<vmem>> -> memref<128xi32, #tpu.memory_space<vmem>>
        %dma_start3A_1497 = arith.constant 0 : i32
        %dma_start3A_1498 = tpu.memref_slice %arg9[%dma_start3A_1497] : memref<500480xf32, #tpu.memory_space<vmem_shared>> -> memref<500480xf32, #tpu.memory_space<vmem_shared>>
        tpu.enqueue_indirect_dma source(%arg7 : memref<128xf32, #tpu.memory_space<vmem>>) target(%dma_start3A_1498 : memref<500480xf32, #tpu.memory_space<vmem_shared>>) offsets(%dma_start3A_1496 : memref<128xi32, #tpu.memory_space<vmem>>) semaphore(%run_scoped3A_1494 : memref<!tpu.dma_semaphore, #tpu.memory_space<semaphore_mem>>) {add = true}
        %dma_wait3A = arith.constant 0 : i32
        %dma_wait3A_1499 = tpu.memref_slice %arg6[%run_scoped3A_1492, %dma_wait3A] : memref<8x128xi32, #tpu.memory_space<vmem>> -> memref<1x128xi32, #tpu.memory_space<vmem>>
        %dma_wait3A_1500 = tpu.memref_squeeze %dma_wait3A_1499 : memref<1x128xi32, #tpu.memory_space<vmem>> -> memref<128xi32, #tpu.memory_space<vmem>>
        %dma_wait3A_1501 = arith.constant 0 : i32
        %dma_wait3A_1502 = tpu.memref_slice %arg9[%dma_wait3A_1501] : memref<500480xf32, #tpu.memory_space<vmem_shared>> -> memref<500480xf32, #tpu.memory_space<vmem_shared>>
        tpu.wait_indirect_dma semaphore(%run_scoped3A_1494 : memref<!tpu.dma_semaphore, #tpu.memory_space<semaphore_mem>>) src(%arg7 : memref<128xf32, #tpu.memory_space<vmem>>) dst(%dma_wait3A_1502 : memref<500480xf32, #tpu.memory_space<vmem_shared>>)
        tpu.yield
      }) : () -> ()
      %run_scoped3A_1493 = arith.constant 7 : i32
      "tpu.region"() ({
        %run_scoped3A_1494 = tpu.sem_alloc : memref<!tpu.dma_semaphore, #tpu.memory_space<semaphore_mem>>
        %dma_start3A = arith.constant 0 : i32
        %dma_start3A_1495 = tpu.memref_slice %arg6[%run_scoped3A_1493, %dma_start3A] : memref<8x128xi32, #tpu.memory_space<vmem>> -> memref<1x128xi32, #tpu.memory_space<vmem>>
        %dma_start3A_1496 = tpu.memref_squeeze %dma_start3A_1495 : memref<1x128xi32, #tpu.memory_space<vmem>> -> memref<128xi32, #tpu.memory_space<vmem>>
        %dma_start3A_1497 = arith.constant 0 : i32
        %dma_start3A_1498 = tpu.memref_slice %arg9[%dma_start3A_1497] : memref<500480xf32, #tpu.memory_space<vmem_shared>> -> memref<500480xf32, #tpu.memory_space<vmem_shared>>
        tpu.enqueue_indirect_dma source(%arg7 : memref<128xf32, #tpu.memory_space<vmem>>) target(%dma_start3A_1498 : memref<500480xf32, #tpu.memory_space<vmem_shared>>) offsets(%dma_start3A_1496 : memref<128xi32, #tpu.memory_space<vmem>>) semaphore(%run_scoped3A_1494 : memref<!tpu.dma_semaphore, #tpu.memory_space<semaphore_mem>>) {add = true}
        %dma_wait3A = arith.constant 0 : i32
        %dma_wait3A_1499 = tpu.memref_slice %arg6[%run_scoped3A_1493, %dma_wait3A] : memref<8x128xi32, #tpu.memory_space<vmem>> -> memref<1x128xi32, #tpu.memory_space<vmem>>
        %dma_wait3A_1500 = tpu.memref_squeeze %dma_wait3A_1499 : memref<1x128xi32, #tpu.memory_space<vmem>> -> memref<128xi32, #tpu.memory_space<vmem>>
        %dma_wait3A_1501 = arith.constant 0 : i32
        %dma_wait3A_1502 = tpu.memref_slice %arg9[%dma_wait3A_1501] : memref<500480xf32, #tpu.memory_space<vmem_shared>> -> memref<500480xf32, #tpu.memory_space<vmem_shared>>
        tpu.wait_indirect_dma semaphore(%run_scoped3A_1494 : memref<!tpu.dma_semaphore, #tpu.memory_space<semaphore_mem>>) src(%arg7 : memref<128xf32, #tpu.memory_space<vmem>>) dst(%dma_wait3A_1502 : memref<500480xf32, #tpu.memory_space<vmem_shared>>)
        tpu.yield
      }) : () -> ()
    } else {
    }
    %barrier3A_1472 = arith.constant 0 : index
    tpu.barrier barrier_id(%barrier3A_1472)
    %eq3A_1473 = arith.constant 15 : i32
    %eq3A_1474 = arith.cmpi eq, %arg1, %eq3A_1473 : i32
    %convert_element_type3A_1475 = arith.extui %eq3A_1474 : i1 to i32
    %cond3A_1476 = arith.constant 0 : i32
    %cond3A_1477 = arith.cmpi ne, %convert_element_type3A_1475, %cond3A_1476 : i32
    scf.if %cond3A_1477 {
      %run_scoped3A = arith.constant 0 : i32
      "tpu.region"() ({
        %run_scoped3A_1494 = tpu.sem_alloc : memref<!tpu.dma_semaphore, #tpu.memory_space<semaphore_mem>>
        %dma_start3A = arith.constant 0 : i32
        %dma_start3A_1495 = tpu.memref_slice %arg6[%run_scoped3A, %dma_start3A] : memref<8x128xi32, #tpu.memory_space<vmem>> -> memref<1x128xi32, #tpu.memory_space<vmem>>
        %dma_start3A_1496 = tpu.memref_squeeze %dma_start3A_1495 : memref<1x128xi32, #tpu.memory_space<vmem>> -> memref<128xi32, #tpu.memory_space<vmem>>
        %dma_start3A_1497 = arith.constant 0 : i32
        %dma_start3A_1498 = tpu.memref_slice %arg9[%dma_start3A_1497] : memref<500480xf32, #tpu.memory_space<vmem_shared>> -> memref<500480xf32, #tpu.memory_space<vmem_shared>>
        tpu.enqueue_indirect_dma source(%arg7 : memref<128xf32, #tpu.memory_space<vmem>>) target(%dma_start3A_1498 : memref<500480xf32, #tpu.memory_space<vmem_shared>>) offsets(%dma_start3A_1496 : memref<128xi32, #tpu.memory_space<vmem>>) semaphore(%run_scoped3A_1494 : memref<!tpu.dma_semaphore, #tpu.memory_space<semaphore_mem>>) {add = true}
        %dma_wait3A = arith.constant 0 : i32
        %dma_wait3A_1499 = tpu.memref_slice %arg6[%run_scoped3A, %dma_wait3A] : memref<8x128xi32, #tpu.memory_space<vmem>> -> memref<1x128xi32, #tpu.memory_space<vmem>>
        %dma_wait3A_1500 = tpu.memref_squeeze %dma_wait3A_1499 : memref<1x128xi32, #tpu.memory_space<vmem>> -> memref<128xi32, #tpu.memory_space<vmem>>
        %dma_wait3A_1501 = arith.constant 0 : i32
        %dma_wait3A_1502 = tpu.memref_slice %arg9[%dma_wait3A_1501] : memref<500480xf32, #tpu.memory_space<vmem_shared>> -> memref<500480xf32, #tpu.memory_space<vmem_shared>>
        tpu.wait_indirect_dma semaphore(%run_scoped3A_1494 : memref<!tpu.dma_semaphore, #tpu.memory_space<semaphore_mem>>) src(%arg7 : memref<128xf32, #tpu.memory_space<vmem>>) dst(%dma_wait3A_1502 : memref<500480xf32, #tpu.memory_space<vmem_shared>>)
        tpu.yield
      }) : () -> ()
      %run_scoped3A_1487 = arith.constant 1 : i32
      "tpu.region"() ({
        %run_scoped3A_1494 = tpu.sem_alloc : memref<!tpu.dma_semaphore, #tpu.memory_space<semaphore_mem>>
        %dma_start3A = arith.constant 0 : i32
        %dma_start3A_1495 = tpu.memref_slice %arg6[%run_scoped3A_1487, %dma_start3A] : memref<8x128xi32, #tpu.memory_space<vmem>> -> memref<1x128xi32, #tpu.memory_space<vmem>>
        %dma_start3A_1496 = tpu.memref_squeeze %dma_start3A_1495 : memref<1x128xi32, #tpu.memory_space<vmem>> -> memref<128xi32, #tpu.memory_space<vmem>>
        %dma_start3A_1497 = arith.constant 0 : i32
        %dma_start3A_1498 = tpu.memref_slice %arg9[%dma_start3A_1497] : memref<500480xf32, #tpu.memory_space<vmem_shared>> -> memref<500480xf32, #tpu.memory_space<vmem_shared>>
        tpu.enqueue_indirect_dma source(%arg7 : memref<128xf32, #tpu.memory_space<vmem>>) target(%dma_start3A_1498 : memref<500480xf32, #tpu.memory_space<vmem_shared>>) offsets(%dma_start3A_1496 : memref<128xi32, #tpu.memory_space<vmem>>) semaphore(%run_scoped3A_1494 : memref<!tpu.dma_semaphore, #tpu.memory_space<semaphore_mem>>) {add = true}
        %dma_wait3A = arith.constant 0 : i32
        %dma_wait3A_1499 = tpu.memref_slice %arg6[%run_scoped3A_1487, %dma_wait3A] : memref<8x128xi32, #tpu.memory_space<vmem>> -> memref<1x128xi32, #tpu.memory_space<vmem>>
        %dma_wait3A_1500 = tpu.memref_squeeze %dma_wait3A_1499 : memref<1x128xi32, #tpu.memory_space<vmem>> -> memref<128xi32, #tpu.memory_space<vmem>>
        %dma_wait3A_1501 = arith.constant 0 : i32
        %dma_wait3A_1502 = tpu.memref_slice %arg9[%dma_wait3A_1501] : memref<500480xf32, #tpu.memory_space<vmem_shared>> -> memref<500480xf32, #tpu.memory_space<vmem_shared>>
        tpu.wait_indirect_dma semaphore(%run_scoped3A_1494 : memref<!tpu.dma_semaphore, #tpu.memory_space<semaphore_mem>>) src(%arg7 : memref<128xf32, #tpu.memory_space<vmem>>) dst(%dma_wait3A_1502 : memref<500480xf32, #tpu.memory_space<vmem_shared>>)
        tpu.yield
      }) : () -> ()
      %run_scoped3A_1488 = arith.constant 2 : i32
      "tpu.region"() ({
        %run_scoped3A_1494 = tpu.sem_alloc : memref<!tpu.dma_semaphore, #tpu.memory_space<semaphore_mem>>
        %dma_start3A = arith.constant 0 : i32
        %dma_start3A_1495 = tpu.memref_slice %arg6[%run_scoped3A_1488, %dma_start3A] : memref<8x128xi32, #tpu.memory_space<vmem>> -> memref<1x128xi32, #tpu.memory_space<vmem>>
        %dma_start3A_1496 = tpu.memref_squeeze %dma_start3A_1495 : memref<1x128xi32, #tpu.memory_space<vmem>> -> memref<128xi32, #tpu.memory_space<vmem>>
        %dma_start3A_1497 = arith.constant 0 : i32
        %dma_start3A_1498 = tpu.memref_slice %arg9[%dma_start3A_1497] : memref<500480xf32, #tpu.memory_space<vmem_shared>> -> memref<500480xf32, #tpu.memory_space<vmem_shared>>
        tpu.enqueue_indirect_dma source(%arg7 : memref<128xf32, #tpu.memory_space<vmem>>) target(%dma_start3A_1498 : memref<500480xf32, #tpu.memory_space<vmem_shared>>) offsets(%dma_start3A_1496 : memref<128xi32, #tpu.memory_space<vmem>>) semaphore(%run_scoped3A_1494 : memref<!tpu.dma_semaphore, #tpu.memory_space<semaphore_mem>>) {add = true}
        %dma_wait3A = arith.constant 0 : i32
        %dma_wait3A_1499 = tpu.memref_slice %arg6[%run_scoped3A_1488, %dma_wait3A] : memref<8x128xi32, #tpu.memory_space<vmem>> -> memref<1x128xi32, #tpu.memory_space<vmem>>
        %dma_wait3A_1500 = tpu.memref_squeeze %dma_wait3A_1499 : memref<1x128xi32, #tpu.memory_space<vmem>> -> memref<128xi32, #tpu.memory_space<vmem>>
        %dma_wait3A_1501 = arith.constant 0 : i32
        %dma_wait3A_1502 = tpu.memref_slice %arg9[%dma_wait3A_1501] : memref<500480xf32, #tpu.memory_space<vmem_shared>> -> memref<500480xf32, #tpu.memory_space<vmem_shared>>
        tpu.wait_indirect_dma semaphore(%run_scoped3A_1494 : memref<!tpu.dma_semaphore, #tpu.memory_space<semaphore_mem>>) src(%arg7 : memref<128xf32, #tpu.memory_space<vmem>>) dst(%dma_wait3A_1502 : memref<500480xf32, #tpu.memory_space<vmem_shared>>)
        tpu.yield
      }) : () -> ()
      %run_scoped3A_1489 = arith.constant 3 : i32
      "tpu.region"() ({
        %run_scoped3A_1494 = tpu.sem_alloc : memref<!tpu.dma_semaphore, #tpu.memory_space<semaphore_mem>>
        %dma_start3A = arith.constant 0 : i32
        %dma_start3A_1495 = tpu.memref_slice %arg6[%run_scoped3A_1489, %dma_start3A] : memref<8x128xi32, #tpu.memory_space<vmem>> -> memref<1x128xi32, #tpu.memory_space<vmem>>
        %dma_start3A_1496 = tpu.memref_squeeze %dma_start3A_1495 : memref<1x128xi32, #tpu.memory_space<vmem>> -> memref<128xi32, #tpu.memory_space<vmem>>
        %dma_start3A_1497 = arith.constant 0 : i32
        %dma_start3A_1498 = tpu.memref_slice %arg9[%dma_start3A_1497] : memref<500480xf32, #tpu.memory_space<vmem_shared>> -> memref<500480xf32, #tpu.memory_space<vmem_shared>>
        tpu.enqueue_indirect_dma source(%arg7 : memref<128xf32, #tpu.memory_space<vmem>>) target(%dma_start3A_1498 : memref<500480xf32, #tpu.memory_space<vmem_shared>>) offsets(%dma_start3A_1496 : memref<128xi32, #tpu.memory_space<vmem>>) semaphore(%run_scoped3A_1494 : memref<!tpu.dma_semaphore, #tpu.memory_space<semaphore_mem>>) {add = true}
        %dma_wait3A = arith.constant 0 : i32
        %dma_wait3A_1499 = tpu.memref_slice %arg6[%run_scoped3A_1489, %dma_wait3A] : memref<8x128xi32, #tpu.memory_space<vmem>> -> memref<1x128xi32, #tpu.memory_space<vmem>>
        %dma_wait3A_1500 = tpu.memref_squeeze %dma_wait3A_1499 : memref<1x128xi32, #tpu.memory_space<vmem>> -> memref<128xi32, #tpu.memory_space<vmem>>
        %dma_wait3A_1501 = arith.constant 0 : i32
        %dma_wait3A_1502 = tpu.memref_slice %arg9[%dma_wait3A_1501] : memref<500480xf32, #tpu.memory_space<vmem_shared>> -> memref<500480xf32, #tpu.memory_space<vmem_shared>>
        tpu.wait_indirect_dma semaphore(%run_scoped3A_1494 : memref<!tpu.dma_semaphore, #tpu.memory_space<semaphore_mem>>) src(%arg7 : memref<128xf32, #tpu.memory_space<vmem>>) dst(%dma_wait3A_1502 : memref<500480xf32, #tpu.memory_space<vmem_shared>>)
        tpu.yield
      }) : () -> ()
      %run_scoped3A_1490 = arith.constant 4 : i32
      "tpu.region"() ({
        %run_scoped3A_1494 = tpu.sem_alloc : memref<!tpu.dma_semaphore, #tpu.memory_space<semaphore_mem>>
        %dma_start3A = arith.constant 0 : i32
        %dma_start3A_1495 = tpu.memref_slice %arg6[%run_scoped3A_1490, %dma_start3A] : memref<8x128xi32, #tpu.memory_space<vmem>> -> memref<1x128xi32, #tpu.memory_space<vmem>>
        %dma_start3A_1496 = tpu.memref_squeeze %dma_start3A_1495 : memref<1x128xi32, #tpu.memory_space<vmem>> -> memref<128xi32, #tpu.memory_space<vmem>>
        %dma_start3A_1497 = arith.constant 0 : i32
        %dma_start3A_1498 = tpu.memref_slice %arg9[%dma_start3A_1497] : memref<500480xf32, #tpu.memory_space<vmem_shared>> -> memref<500480xf32, #tpu.memory_space<vmem_shared>>
        tpu.enqueue_indirect_dma source(%arg7 : memref<128xf32, #tpu.memory_space<vmem>>) target(%dma_start3A_1498 : memref<500480xf32, #tpu.memory_space<vmem_shared>>) offsets(%dma_start3A_1496 : memref<128xi32, #tpu.memory_space<vmem>>) semaphore(%run_scoped3A_1494 : memref<!tpu.dma_semaphore, #tpu.memory_space<semaphore_mem>>) {add = true}
        %dma_wait3A = arith.constant 0 : i32
        %dma_wait3A_1499 = tpu.memref_slice %arg6[%run_scoped3A_1490, %dma_wait3A] : memref<8x128xi32, #tpu.memory_space<vmem>> -> memref<1x128xi32, #tpu.memory_space<vmem>>
        %dma_wait3A_1500 = tpu.memref_squeeze %dma_wait3A_1499 : memref<1x128xi32, #tpu.memory_space<vmem>> -> memref<128xi32, #tpu.memory_space<vmem>>
        %dma_wait3A_1501 = arith.constant 0 : i32
        %dma_wait3A_1502 = tpu.memref_slice %arg9[%dma_wait3A_1501] : memref<500480xf32, #tpu.memory_space<vmem_shared>> -> memref<500480xf32, #tpu.memory_space<vmem_shared>>
        tpu.wait_indirect_dma semaphore(%run_scoped3A_1494 : memref<!tpu.dma_semaphore, #tpu.memory_space<semaphore_mem>>) src(%arg7 : memref<128xf32, #tpu.memory_space<vmem>>) dst(%dma_wait3A_1502 : memref<500480xf32, #tpu.memory_space<vmem_shared>>)
        tpu.yield
      }) : () -> ()
      %run_scoped3A_1491 = arith.constant 5 : i32
      "tpu.region"() ({
        %run_scoped3A_1494 = tpu.sem_alloc : memref<!tpu.dma_semaphore, #tpu.memory_space<semaphore_mem>>
        %dma_start3A = arith.constant 0 : i32
        %dma_start3A_1495 = tpu.memref_slice %arg6[%run_scoped3A_1491, %dma_start3A] : memref<8x128xi32, #tpu.memory_space<vmem>> -> memref<1x128xi32, #tpu.memory_space<vmem>>
        %dma_start3A_1496 = tpu.memref_squeeze %dma_start3A_1495 : memref<1x128xi32, #tpu.memory_space<vmem>> -> memref<128xi32, #tpu.memory_space<vmem>>
        %dma_start3A_1497 = arith.constant 0 : i32
        %dma_start3A_1498 = tpu.memref_slice %arg9[%dma_start3A_1497] : memref<500480xf32, #tpu.memory_space<vmem_shared>> -> memref<500480xf32, #tpu.memory_space<vmem_shared>>
        tpu.enqueue_indirect_dma source(%arg7 : memref<128xf32, #tpu.memory_space<vmem>>) target(%dma_start3A_1498 : memref<500480xf32, #tpu.memory_space<vmem_shared>>) offsets(%dma_start3A_1496 : memref<128xi32, #tpu.memory_space<vmem>>) semaphore(%run_scoped3A_1494 : memref<!tpu.dma_semaphore, #tpu.memory_space<semaphore_mem>>) {add = true}
        %dma_wait3A = arith.constant 0 : i32
        %dma_wait3A_1499 = tpu.memref_slice %arg6[%run_scoped3A_1491, %dma_wait3A] : memref<8x128xi32, #tpu.memory_space<vmem>> -> memref<1x128xi32, #tpu.memory_space<vmem>>
        %dma_wait3A_1500 = tpu.memref_squeeze %dma_wait3A_1499 : memref<1x128xi32, #tpu.memory_space<vmem>> -> memref<128xi32, #tpu.memory_space<vmem>>
        %dma_wait3A_1501 = arith.constant 0 : i32
        %dma_wait3A_1502 = tpu.memref_slice %arg9[%dma_wait3A_1501] : memref<500480xf32, #tpu.memory_space<vmem_shared>> -> memref<500480xf32, #tpu.memory_space<vmem_shared>>
        tpu.wait_indirect_dma semaphore(%run_scoped3A_1494 : memref<!tpu.dma_semaphore, #tpu.memory_space<semaphore_mem>>) src(%arg7 : memref<128xf32, #tpu.memory_space<vmem>>) dst(%dma_wait3A_1502 : memref<500480xf32, #tpu.memory_space<vmem_shared>>)
        tpu.yield
      }) : () -> ()
      %run_scoped3A_1492 = arith.constant 6 : i32
      "tpu.region"() ({
        %run_scoped3A_1494 = tpu.sem_alloc : memref<!tpu.dma_semaphore, #tpu.memory_space<semaphore_mem>>
        %dma_start3A = arith.constant 0 : i32
        %dma_start3A_1495 = tpu.memref_slice %arg6[%run_scoped3A_1492, %dma_start3A] : memref<8x128xi32, #tpu.memory_space<vmem>> -> memref<1x128xi32, #tpu.memory_space<vmem>>
        %dma_start3A_1496 = tpu.memref_squeeze %dma_start3A_1495 : memref<1x128xi32, #tpu.memory_space<vmem>> -> memref<128xi32, #tpu.memory_space<vmem>>
        %dma_start3A_1497 = arith.constant 0 : i32
        %dma_start3A_1498 = tpu.memref_slice %arg9[%dma_start3A_1497] : memref<500480xf32, #tpu.memory_space<vmem_shared>> -> memref<500480xf32, #tpu.memory_space<vmem_shared>>
        tpu.enqueue_indirect_dma source(%arg7 : memref<128xf32, #tpu.memory_space<vmem>>) target(%dma_start3A_1498 : memref<500480xf32, #tpu.memory_space<vmem_shared>>) offsets(%dma_start3A_1496 : memref<128xi32, #tpu.memory_space<vmem>>) semaphore(%run_scoped3A_1494 : memref<!tpu.dma_semaphore, #tpu.memory_space<semaphore_mem>>) {add = true}
        %dma_wait3A = arith.constant 0 : i32
        %dma_wait3A_1499 = tpu.memref_slice %arg6[%run_scoped3A_1492, %dma_wait3A] : memref<8x128xi32, #tpu.memory_space<vmem>> -> memref<1x128xi32, #tpu.memory_space<vmem>>
        %dma_wait3A_1500 = tpu.memref_squeeze %dma_wait3A_1499 : memref<1x128xi32, #tpu.memory_space<vmem>> -> memref<128xi32, #tpu.memory_space<vmem>>
        %dma_wait3A_1501 = arith.constant 0 : i32
        %dma_wait3A_1502 = tpu.memref_slice %arg9[%dma_wait3A_1501] : memref<500480xf32, #tpu.memory_space<vmem_shared>> -> memref<500480xf32, #tpu.memory_space<vmem_shared>>
        tpu.wait_indirect_dma semaphore(%run_scoped3A_1494 : memref<!tpu.dma_semaphore, #tpu.memory_space<semaphore_mem>>) src(%arg7 : memref<128xf32, #tpu.memory_space<vmem>>) dst(%dma_wait3A_1502 : memref<500480xf32, #tpu.memory_space<vmem_shared>>)
        tpu.yield
      }) : () -> ()
      %run_scoped3A_1493 = arith.constant 7 : i32
      "tpu.region"() ({
        %run_scoped3A_1494 = tpu.sem_alloc : memref<!tpu.dma_semaphore, #tpu.memory_space<semaphore_mem>>
        %dma_start3A = arith.constant 0 : i32
        %dma_start3A_1495 = tpu.memref_slice %arg6[%run_scoped3A_1493, %dma_start3A] : memref<8x128xi32, #tpu.memory_space<vmem>> -> memref<1x128xi32, #tpu.memory_space<vmem>>
        %dma_start3A_1496 = tpu.memref_squeeze %dma_start3A_1495 : memref<1x128xi32, #tpu.memory_space<vmem>> -> memref<128xi32, #tpu.memory_space<vmem>>
        %dma_start3A_1497 = arith.constant 0 : i32
        %dma_start3A_1498 = tpu.memref_slice %arg9[%dma_start3A_1497] : memref<500480xf32, #tpu.memory_space<vmem_shared>> -> memref<500480xf32, #tpu.memory_space<vmem_shared>>
        tpu.enqueue_indirect_dma source(%arg7 : memref<128xf32, #tpu.memory_space<vmem>>) target(%dma_start3A_1498 : memref<500480xf32, #tpu.memory_space<vmem_shared>>) offsets(%dma_start3A_1496 : memref<128xi32, #tpu.memory_space<vmem>>) semaphore(%run_scoped3A_1494 : memref<!tpu.dma_semaphore, #tpu.memory_space<semaphore_mem>>) {add = true}
        %dma_wait3A = arith.constant 0 : i32
        %dma_wait3A_1499 = tpu.memref_slice %arg6[%run_scoped3A_1493, %dma_wait3A] : memref<8x128xi32, #tpu.memory_space<vmem>> -> memref<1x128xi32, #tpu.memory_space<vmem>>
        %dma_wait3A_1500 = tpu.memref_squeeze %dma_wait3A_1499 : memref<1x128xi32, #tpu.memory_space<vmem>> -> memref<128xi32, #tpu.memory_space<vmem>>
        %dma_wait3A_1501 = arith.constant 0 : i32
        %dma_wait3A_1502 = tpu.memref_slice %arg9[%dma_wait3A_1501] : memref<500480xf32, #tpu.memory_space<vmem_shared>> -> memref<500480xf32, #tpu.memory_space<vmem_shared>>
        tpu.wait_indirect_dma semaphore(%run_scoped3A_1494 : memref<!tpu.dma_semaphore, #tpu.memory_space<semaphore_mem>>) src(%arg7 : memref<128xf32, #tpu.memory_space<vmem>>) dst(%dma_wait3A_1502 : memref<500480xf32, #tpu.memory_space<vmem_shared>>)
        tpu.yield
      }) : () -> ()
    } else {
    }
    %barrier3A_1478 = arith.constant 0 : index
    tpu.barrier barrier_id(%barrier3A_1478)
    %mul3A_1479 = arith.constant 31264 : i32
    %mul3A_1480 = arith.muli %arg1, %mul3A_1479 : i32
    %multiple_of3A_1481 = tpu.assume_multiple %mul3A_1480, 8 : i32
    %mul3A_1482 = arith.constant 500224 : i32
    %mul3A_1483 = arith.muli %arg0, %mul3A_1482 : i32
    %mul3A_1484 = arith.constant 31264 : i32
    %mul3A_1485 = arith.muli %arg1, %mul3A_1484 : i32
    %add3A = arith.addi %mul3A_1483, %mul3A_1485 : i32
    %multiple_of3A_1486 = tpu.assume_multiple %add3A, 8 : i32
    "tpu.region"() ({
      %run_scoped3A = tpu.sem_alloc : memref<!tpu.dma_semaphore, #tpu.memory_space<semaphore_mem>>
      %dma_start3A = arith.constant 0 : i32
      %dma_start3A_1487 = tpu.memref_slice %arg8[%dma_start3A] : memref<31280xf32, #tpu.memory_space<vmem>> -> memref<31264xf32, #tpu.memory_space<vmem>>
      %dma_start3A_1488 = tpu.memref_slice %arg9[%multiple_of3A_1481] : memref<500480xf32, #tpu.memory_space<vmem_shared>> -> memref<31264xf32, #tpu.memory_space<vmem_shared>>
      %dma_start3A_1489 = arith.constant 0 : i32
      %dma_start3A_1490 = tpu.memref_slice %arg8[%dma_start3A_1489] : memref<31280xf32, #tpu.memory_space<vmem>> -> memref<31264xf32, #tpu.memory_space<vmem>>
      %dma_start3A_1491 = tpu.memref_slice %arg9[%multiple_of3A_1481] : memref<500480xf32, #tpu.memory_space<vmem_shared>> -> memref<31264xf32, #tpu.memory_space<vmem_shared>>
      tpu.enqueue_dma source(%dma_start3A_1491 : memref<31264xf32, #tpu.memory_space<vmem_shared>>) target(%dma_start3A_1490 : memref<31264xf32, #tpu.memory_space<vmem>>) target_semaphore(%run_scoped3A : memref<!tpu.dma_semaphore, #tpu.memory_space<semaphore_mem>>)
      %dma_wait3A = arith.constant 0 : i32
      %dma_wait3A_1492 = tpu.memref_slice %arg8[%dma_wait3A] : memref<31280xf32, #tpu.memory_space<vmem>> -> memref<31264xf32, #tpu.memory_space<vmem>>
      %dma_wait3A_1493 = tpu.memref_slice %arg9[%multiple_of3A_1481] : memref<500480xf32, #tpu.memory_space<vmem_shared>> -> memref<31264xf32, #tpu.memory_space<vmem_shared>>
      %dma_wait3A_1494 = arith.constant 0 : i32
      %dma_wait3A_1495 = tpu.memref_slice %arg8[%dma_wait3A_1494] : memref<31280xf32, #tpu.memory_space<vmem>> -> memref<31264xf32, #tpu.memory_space<vmem>>
      %dma_wait3A_1496 = tpu.memref_slice %arg9[%multiple_of3A_1481] : memref<500480xf32, #tpu.memory_space<vmem_shared>> -> memref<31264xf32, #tpu.memory_space<vmem_shared>>
      tpu.wait_dma2 semaphore(%run_scoped3A : memref<!tpu.dma_semaphore, #tpu.memory_space<semaphore_mem>>) src(%dma_wait3A_1496 : memref<31264xf32, #tpu.memory_space<vmem_shared>>) dst(%dma_wait3A_1495 : memref<31264xf32, #tpu.memory_space<vmem>>)
      tpu.yield
    }) : () -> ()
    "tpu.region"() ({
      %run_scoped3A = tpu.sem_alloc : memref<!tpu.dma_semaphore, #tpu.memory_space<semaphore_mem>>
      %dma_start3A = arith.constant 0 : i32
      %dma_start3A_1487 = tpu.memref_slice %arg8[%dma_start3A] : memref<31280xf32, #tpu.memory_space<vmem>> -> memref<31264xf32, #tpu.memory_space<vmem>>
      %dma_start3A_1488 = tpu.memref_slice %arg4[%multiple_of3A_1486] : memref<1032192xf32, #tpu.memory_space<hbm>> -> memref<31264xf32, #tpu.memory_space<hbm>>
      %dma_start3A_1489 = tpu.memref_slice %arg4[%multiple_of3A_1486] : memref<1032192xf32, #tpu.memory_space<hbm>> -> memref<31264xf32, #tpu.memory_space<hbm>>
      %dma_start3A_1490 = arith.constant 0 : i32
      %dma_start3A_1491 = tpu.memref_slice %arg8[%dma_start3A_1490] : memref<31280xf32, #tpu.memory_space<vmem>> -> memref<31264xf32, #tpu.memory_space<vmem>>
      tpu.enqueue_dma source(%dma_start3A_1491 : memref<31264xf32, #tpu.memory_space<vmem>>) target(%dma_start3A_1489 : memref<31264xf32, #tpu.memory_space<hbm>>) target_semaphore(%run_scoped3A : memref<!tpu.dma_semaphore, #tpu.memory_space<semaphore_mem>>)
      %dma_wait3A = arith.constant 0 : i32
      %dma_wait3A_1492 = tpu.memref_slice %arg8[%dma_wait3A] : memref<31280xf32, #tpu.memory_space<vmem>> -> memref<31264xf32, #tpu.memory_space<vmem>>
      %dma_wait3A_1493 = tpu.memref_slice %arg4[%multiple_of3A_1486] : memref<1032192xf32, #tpu.memory_space<hbm>> -> memref<31264xf32, #tpu.memory_space<hbm>>
      %dma_wait3A_1494 = tpu.memref_slice %arg4[%multiple_of3A_1486] : memref<1032192xf32, #tpu.memory_space<hbm>> -> memref<31264xf32, #tpu.memory_space<hbm>>
      %dma_wait3A_1495 = arith.constant 0 : i32
      %dma_wait3A_1496 = tpu.memref_slice %arg8[%dma_wait3A_1495] : memref<31280xf32, #tpu.memory_space<vmem>> -> memref<31264xf32, #tpu.memory_space<vmem>>
      tpu.wait_dma2 semaphore(%run_scoped3A : memref<!tpu.dma_semaphore, #tpu.memory_space<semaphore_mem>>) src(%dma_wait3A_1496 : memref<31264xf32, #tpu.memory_space<vmem>>) dst(%dma_wait3A_1494 : memref<31264xf32, #tpu.memory_space<hbm>>)
      tpu.yield
    }) : () -> ()
    return
  }
}

module attributes {stable_mosaic.version = 14 : i64} {
  func.func @_select_body(%arg0: i32, %arg1: memref<1x1xf32, #tpu.memory_space<smem>>, %arg2: memref<64x49152xf32, #tpu.memory_space<vmem>>, %arg3: memref<49152xf32, #tpu.memory_space<vmem>>, %arg4: memref<64x49152xf32, #tpu.memory_space<vmem>>) attributes {dimension_semantics = [#tpu.dimension_semantics<arbitrary>], iteration_bounds = array<i64: 21>, scalar_prefetch = 0 : i64, scratch_operands = 0 : i64, tpu.core_type = #tpu.core_type<tc>, window_params = [{transform_indices = @transform_0, window_bounds = array<i64: 1, 1>}, {transform_indices = @transform_1, window_bounds = array<i64: 64, 49152>}, {transform_indices = @transform_2, window_bounds = array<i64: 49152>}, {transform_indices = @transform_3, window_bounds = array<i64: 64, 49152>}]} {
    %get3A = arith.constant 0 : index
    %get3A_0 = vector.load %arg3[%get3A] : memref<49152xf32, #tpu.memory_space<vmem>>, vector<49152xf32>
    %broadcast_in_dim3A = vector.shape_cast %get3A_0 : vector<49152xf32> to vector<1x49152xf32>
    %ne3A = arith.constant 0.000000e+00 : f32
    %ne3A_1 = vector.broadcast %ne3A : f32 to vector<1x49152xf32>
    %ne3A_2 = arith.cmpf one, %broadcast_in_dim3A, %ne3A_1 : vector<1x49152xf32>
    %get3A_3 = arith.constant 0 : index
    %get3A_4 = arith.constant 0 : index
    %get3A_5 = memref.load %arg1[%get3A_3, %get3A_4] : memref<1x1xf32, #tpu.memory_space<smem>>
    %get3A_6 = arith.constant 0 : index
    %get3A_7 = arith.constant 0 : index
    %get3A_8 = vector.load %arg2[%get3A_6, %get3A_7] : memref<64x49152xf32, #tpu.memory_space<vmem>>, vector<64x49152xf32>
    %broadcast_in_dim3A_9 = vector.shape_cast %ne3A_2 : vector<1x49152xi1> to vector<1x49152xi1>
    %broadcast_in_dim3A_10 = vector.broadcast %broadcast_in_dim3A_9 : vector<1x49152xi1> to vector<64x49152xi1>
    %broadcast_in_dim3A_11 = vector.broadcast %get3A_5 : f32 to vector<64x49152xf32>
    %select_n3A = arith.select %broadcast_in_dim3A_10, %broadcast_in_dim3A_11, %get3A_8 : vector<64x49152xi1>, vector<64x49152xf32>
    %swap3A = arith.constant 0 : index
    %swap3A_12 = arith.constant 0 : index
    %swap3A_13 = vector.load %arg4[%swap3A, %swap3A_12] : memref<64x49152xf32, #tpu.memory_space<vmem>>, vector<64x49152xf32>
    tpu.vector_store %arg4[%swap3A, %swap3A_12], %select_n3A {strides = array<i32>} : memref<64x49152xf32, #tpu.memory_space<vmem>>, vector<64x49152xf32>,
    return
  }
  func.func @transform_0(%arg0: i32) -> (i32, i32) {
    %c0_i32 = arith.constant 0 : i32
    %c0_i32_0 = arith.constant 0 : i32
    %c0_i32_1 = arith.constant 0 : i32
    return %c0_i32, %c0_i32_0 : i32, i32
  }
  func.func @transform_1(%arg0: i32) -> (i32, i32) {
    %c0_i32 = arith.constant 0 : i32
    %c0_i32_0 = arith.constant 0 : i32
    return %c0_i32, %arg0 : i32, i32
  }
  func.func @transform_2(%arg0: i32) -> i32 {
    %c0_i32 = arith.constant 0 : i32
    return %arg0 : i32
  }
  func.func @transform_3(%arg0: i32) -> (i32, i32) {
    %c0_i32 = arith.constant 0 : i32
    %c0_i32_0 = arith.constant 0 : i32
    return %c0_i32, %arg0 : i32, i32
  }
}

</mosaic_0001>

<sc_bundles>
// kernel: kernel.4.cloned.1.call-start
scs
__scs_entry_jumppad:
0x0: {  	(pc) =	sbr.rel $0x88, $3  }
0x1: {  	(tag) =	ssettag $0x0;
	lr =	simm.s32 $0x1  }
0x2: {  	[smem:$0x3F9E] =	sst lr;
	_ =	strace $0xD0000000  }
0x3: {  	_ = 	snop  }
0x4: {  	_ = 	snop  }
0x5: {  	_ = 	snop  }
0x6: {  	_ = 	snop  }
0x7: {  	_ = 	snop  }
__scs_overlays_trampoline_lowered:
0x8: {  	[smem:$0x3FAD] =	sst s0  }
0x9: {  	[smem:$0x3FAE] =	sst s1  }
0xa: {  	[smem:$0x3FAF] =	sst s2  }
0xb: {  	[smem:$0x3FB0] =	sst s3  }
0xc: {  	[smem:$0x3FB1] =	sst s4  }
0xd: {  	[smem:$0x3FB2] =	sst s5  }
0xe: {  	[smem:$0x3FB3] =	sst s6  }
0xf: {  	[smem:$0x3FB4] =	sst s7  }
0x10: {  	[smem:$0x3FB5] =	sst s8  }
0x11: {  	[smem:$0x3FB6] =	sst s9;
	s0 =	simm.s32 @!p0 $0x0  }
0x12: {  	s1 =	sld [smem:$0x3F9C];
	s0 =	simm.s32 @p0 $0x1  }
0x13: {  	[smem:$0x3FB7] =	sst s0;
	s0 =	simm.s32 @!p1 $0x0  }
0x14: {  	s2 =	sld [smem:$0x3F9B];
	s0 =	simm.s32 @p1 $0x1  }
0x15: {  	[smem:$0x3FB8] =	sst s0;
	s0 =	simm.s32 @!p2 $0x0  }
0x16: {  	s3 =	sld [smem:$0x3FDB];
	s0 =	simm.s32 @p2 $0x1  }
0x17: {  	s4 =	simm.s32 $0x1BF5;
	[smem:$0x3FBA] =	sst s0  }
0x18: {  	s0 =	sld [smem:$0x3F9D];
	_ =	swait.ge [sflag:s4], $0x0  }
0x19: {  	s7 =	sld [smem:$0x3F9E]  }
0x1a: {  	s8 =	sadd.s32 $0xFFFFE003, lr  }
0x1b: {  	s9 =	sadd.s32 $0xFFFFFEF7, lr;
	s5 =	simm.s32 $0xFFFFFFFF;
	p2 =	slt.u32 s8, $0xFFFFF086  }
0x1c: {  	p1 =	slt.u32 s9, $0xF7A;
	s5 =	simm.s32 @!p2 $0x0  }
0x1d: {  	s5 =	simm.s32 @p1 $0x1;
	p0 =	seq.s32 s7, s2  }
0x1e: {  	s7 =	smul.u32 @!p0 $0xF7A, s2;
	p2 =	seq.s32 @!p0 s5, $0x0  }
0x1f: {  	s9 =	smul.u32 $0xF7A, s1;
	s8 =	simm.s32 @!p0 $0x1BF5;
	p2 =	por !p2, p0  }
0x20: {  	[sflag:s8] =	ssyncset.s32 @!p0 $0xFFFFF086;
	s6 =	sadd.s32 @!p0 s3, s7;
	s7 =	simm.s32 @!p0 $0x108  }
0x21: {  	s3 =	sadd.s32 s3, s9;
	s6 =	sadd.s32 @!p0 $0x88, s6;
	s7 =	simm.s32 @p2 $0x1082  }
0x22: {  	[simem:s7], [sflag:s8] =	dma.local @!p0 [hbm:s6], $0xF7A  }
0x23: {  	s9 =	sor.u32 $0xD0000000, s2;
	s6 =	simm.s32 $0x108;
	_ =	swait.ge @!p0 [sflag:s8], $0x0  }
0x24: {  	s3 =	sadd.s32 $0x88, s3;
	s6 =	simm.s32 @!p1 $0x1082;
	[sflag:s4] =	ssyncset.s32 $0xFFFFF086  }
0x25: {  	[simem:s6], [sflag:s4] =	dma.local [hbm:s3], $0xF7A  }
0x26: {  	[smem:$0x3F9E] =	sst s1;
	(tag) =	ssettag s2;
	_ =	strace s9  }
0x27: {  	s1 =	sld [smem:$0x3FAE]  }
0x28: {  	s2 =	sld [smem:$0x3FAF]  }
0x29: {  	s4 =	sld [smem:$0x3FB1]  }
0x2a: {  	p0 =	seq.s32 s5, $0x0;
	s5 =	sld [smem:$0x3FB2]  }
0x2b: {  	s6 =	sld [smem:$0x3FB3]  }
0x2c: {  	s7 =	sld [smem:$0x3FB4]  }
0x2d: {  	s3 =	simm.s32 $0x108;
	s8 =	sld [smem:$0x3FB5]  }
0x2e: {  	s3 =	simm.s32 @!p0 $0x1082;
	s9 =	sld [smem:$0x3FB6]  }
0x2f: {  	lr =	sadd.s32 s0, s3;
	s0 =	sld [smem:$0x3FAD]  }
0x30: {  	s3 =	sld [smem:$0x3FB0]  }
0x31: {  	[smem:$0x3FB9] =	sst s10  }
0x32: {  	s10 =	sld [smem:$0x3FB7];
	_ =	sdelay $0x3  }
0x33: {  	p0 =	seq.s32 s10, $0x1;
	s10 =	sld [smem:$0x3FB9];
	_ =	sdelay $0x3  }
0x34: {  	[smem:$0x3FB9] =	sst s10  }
0x35: {  	s10 =	sld [smem:$0x3FB8];
	_ =	sdelay $0x3  }
0x36: {  	p1 =	seq.s32 s10, $0x1;
	s10 =	sld [smem:$0x3FB9];
	_ =	sdelay $0x3  }
0x37: {  	[smem:$0x3FB9] =	sst s10  }
0x38: {  	s10 =	sld [smem:$0x3FBA]  }
0x39: {  	_ = 	snop;
	(pc) =	sbr.ind lr, $3  }
0x3a: {  	_ = 	snop  }
0x3b: {  	_ = 	snop  }
0x3c: {  	p2 =	seq.s32 s10, $0x1;
	s10 =	sld [smem:$0x3FB9]  }
0x3d: {  	_ =	shalt  }
0x3e: {  	_ =	shalt  }
0x3f: {  	_ =	shalt  }
0x40: {  	_ =	shalt  }
0x41: {  	_ =	shalt  }
0x42: {  	_ =	shalt  }
0x43: {  	_ =	shalt  }
0x44: {  	_ =	shalt  }
0x45: {  	_ =	shalt  }
0x46: {  	_ =	shalt  }
0x47: {  	_ =	shalt  }
0x48: {  	_ =	shalt  }
0x49: {  	_ =	shalt  }
0x4a: {  	_ =	shalt  }
0x4b: {  	_ =	shalt  }
0x4c: {  	_ =	shalt  }
0x4d: {  	_ =	shalt  }
0x4e: {  	_ =	shalt  }
0x4f: {  	_ =	shalt  }
0x50: {  	_ =	shalt  }
0x51: {  	_ =	shalt  }
0x52: {  	_ =	shalt  }
0x53: {  	_ =	shalt  }
0x54: {  	_ =	shalt  }
0x55: {  	_ =	shalt  }
0x56: {  	_ =	shalt  }
0x57: {  	_ =	shalt  }
0x58: {  	_ =	shalt  }
0x59: {  	_ =	shalt  }
0x5a: {  	_ =	shalt  }
0x5b: {  	_ =	shalt  }
0x5c: {  	_ =	shalt  }
0x5d: {  	_ =	shalt  }
0x5e: {  	_ =	shalt  }
0x5f: {  	_ =	shalt  }
0x60: {  	_ =	shalt  }
0x61: {  	_ =	shalt  }
0x62: {  	_ =	shalt  }
0x63: {  	_ =	shalt  }
0x64: {  	_ =	shalt  }
0x65: {  	_ =	shalt  }
0x66: {  	_ =	shalt  }
0x67: {  	_ =	shalt  }
0x68: {  	_ =	shalt  }
0x69: {  	_ =	shalt  }
0x6a: {  	_ =	shalt  }
0x6b: {  	_ =	shalt  }
0x6c: {  	_ =	shalt  }
0x6d: {  	_ =	shalt  }
0x6e: {  	_ =	shalt  }
0x6f: {  	_ =	shalt  }
0x70: {  	_ =	shalt  }
0x71: {  	_ =	shalt  }
0x72: {  	_ =	shalt  }
0x73: {  	_ =	shalt  }
0x74: {  	_ =	shalt  }
0x75: {  	_ =	shalt  }
0x76: {  	_ =	shalt  }
0x77: {  	_ =	shalt  }
0x78: {  	_ =	shalt  }
0x79: {  	_ =	shalt  }
0x7a: {  	_ =	shalt  }
0x7b: {  	_ =	shalt  }
0x7c: {  	_ =	shalt  }
0x7d: {  	_ =	shalt  }
0x7e: {  	_ =	shalt  }
0x7f: {  	_ =	shalt  }
0x80: {  	_ =	shalt  }
0x81: {  	_ =	shalt  }
0x82: {  	_ =	shalt  }
0x83: {  	_ =	shalt  }
0x84: {  	_ =	shalt  }
0x85: {  	_ =	shalt  }
0x86: {  	_ =	shalt  }
0x87: {  	_ =	shalt  }
.Lfunc_end0:
.L_simem_size_0:
called_computation_lowered:
.L_overlay_start_0:
0x88: {  	s2 =	sld [smem:$0x3FD9]  }
0x89: {  	s3 =	sld [smem:$0x3FFE];
	_ =	sdelay $0x1  }
0x8a: {  	s1 =	srdreg.scid  }
0x8b: {  	s0 =	sand.u32 $0x1, s1  }
0x8c: {  	s17 =	sshll.u32 s0, $0xA;
	s2 =	sadd.s32 s3, s2  }
0x8d: {  	s2 =	sadd.s32 s2, s17  }
0x8e: {  	[smem:$0x3FC5] =	sst s2  }
0x8f: {  	_ = 	snop  }
0x90: {  	s2 =	sld [smem:$0x3FD0];
	(tm) =	ssettm $0x1  }
0x91: {  	s18 =	sld [smem:$0x3FFB];
	_ =	sdelay $0x3  }
0x92: {  	_ =	strace s18  }
0x93: {  	s3 =	sld [smem:$0x3FFC];
	_ =	sdelay $0x3  }
0x94: {  	_ =	strace s3  }
0x95: {  	s3 =	sld [smem:$0x3FFD];
	_ =	sdelay $0x3  }
0x96: {  	_ =	strace s3  }
0x97: {  	_ =	strace $0x8FFFFFFF  }
0x98: {  	s19 =	sld [smem:$0x3FDB];
	_ =	sdelay $0x1  }
0x99: {  	s4 =	simm.s32 $_scs_section_size  }
0x9a: {  	s5 =	simm.s32 $_size__tile_overlayer_lowered;
	s6 =	simm.s32 $_tile_overlayer_lowered  }
0x9b: {  	s22 =	simm.s32 $0x1BFF;
	s21 =	sshll.u32 s6, $0x1;
	s3 =	sadd.s32 s4, s19  }
0x9c: {  	s7 =	simm.s32 $0x0;
	s20 =	sshll.u32 s5, $0x1;
	s5 =	sadd.s32 s21, s3  }
0x9d: {  	[timem:s7], [sflag:s22] =	dma.local [hbm:s5], s20  }
0x9e: {  	_ =	swait.ge [sflag:s22], s20  }
0x9f: {  	s4 =	ssub.s32 $0x0, s20;
	[sflag:s22] =	ssyncset.done $0x0  }
0xa0: {  	[sflag:s22] =	ssyncadd.s32 s4;
	_ =	sdelay $0x1  }
0xa1: {  	s23 =	simm.s32 $0x1B8B  }
0xa2: {  	_ =	swait.ge [sflag:s23], $0x1  }
0xa3: {  	[sflag:s23] =	ssyncset.done $0x0  }
0xa4: {  	s25 =	simm.s32 $0x1B8E;
	s24 =	sld [smem:$0x3FFE];
	[sflag:s23] =	ssyncadd.s32 $0xFFFFFFFF  }
0xa5: {  	s26 =	simm.s32 $execute0_lowered;
	[smem:$0x3FD2] =	sst s25  }
0xa6: {  	s5 =	sshll.u32 s26, $0x1;
	_ =	strace $0x80000046;
	[dreg:$0x1] =	wrdreg $0xFFFFFFFF  }
0xa7: {  	s28 =	simm.s32 $_size_execute0_lowered;
	s3 =	sadd.s32 s3, s5;
	[dreg:$0x0] =	wrdreg $0x0  }
0xa8: {  	s5 =	sshll.u32 s28, $0x1;
	[dreg:$0x2] =	wrdreg s3  }
0xa9: {  	[dreg:$0x3] =	wrdreg s5  }
0xaa: {  	[dreg:$0x4] =	wrdreg $0xC0  }
0xab: {  	_ =	task [dreg:s7], $0x5FFFF  }
0xac: {  	[dreg:$0x1] =	wrdreg $0xFFFFFFFF  }
0xad: {  	[dreg:$0x0] =	wrdreg $0x60  }
0xae: {  	[dreg:$0x2] =	wrdreg s24  }
0xaf: {  	[dreg:$0x3] =	wrdreg s2  }
0xb0: {  	[dreg:$0x4] =	wrdreg $0x83000  }
0xb1: {  	[dreg:$0x5] =	wrdreg $0x9  }
0xb2: {  	_ =	task.clear_ibuf [dreg:s7], $0x6FFFF;
	_ =	strace $0x90000046  }
0xb3: {  	s29 =	simm.s32 $0x9;
	_ =	strace $0x80000048  }
0xb4: {  	_ =	swait.ge [sflag:s29], $0x1  }
0xb5: {  	[sflag:s29] =	ssyncadd.s32 $0xFFFFFFFF  }
0xb6: {  	_ =	strace $0x90000048  }
0xb7: {  	_ =	sfence  }
0xb8: {  	s30 =	sld [smem:$0x0];
	_ =	sdelay $0x2  }
0xb9: {  	s31 =	sshll.u32 s1, $0xD;
	s1 =	sshrl.u32 s1, $0x2  }
0xba: {  	s3 =	sand.u32 $0x4000, s31;
	s1 =	sadd.s32 s1, s30  }
0xbb: {  	s0 =	sor.u32 s3, s0;
	s1 =	sshll.u32 s1, $0x11  }
0xbc: {  	s0 =	sor.u32 s1, s0  }
0xbd: {  	s0 =	sadd.s32 $0x8F2B, s0  }
0xbe: {  	[sflag:s0] =	ssyncadd.remote.s32 $0x1  }
0xbf: {  	_ =	sfence.sel $0xFFFF  }
0xc0: {  	[dreg:$0x0] =	wrdreg $0xFFFFFFFF;
	(pc) =	sbr.abs _section_cstart, $3  }
0xc1: {  	[dreg:$0x1] =	wrdreg $0xFFFFFFFF  }
0xc2: {  	_ =	task.clear_ibuf [dreg:s7], $0x2FFFF;
	_ =	strace $0x9FFFFFFF  }
0xc3: {  	(tm) =	ssettm $0x7FFFFFFF  }
tec
execute0_lowered:
.L_overlay_start_1:
0x0: {  	(tag) =	ssettag $0x1  }
0x1: {  	s4 =	rddreg [dreg:$0x0]  }
0x2: {  	s0 =	rddreg [dreg:$0x1]  }
0x3: {  	s1 =	srdreg.scid;
	s2 =	rddreg [dreg:$0x2]  }
0x4: {  	s21 =	stileid.u32;
	s3 =	simm.s32 $0x0;
	s11 =	simm.s32 $0x80  }
0x5: {  	s12 =	simm.s32 $0x400;
	s13 =	simm.s32 $0x800;
	s14 =	simm.s32 $0x480  }
0x6: {  	s15 =	simm.s32 $0x500;
	s16 =	simm.s32 $0x580;
	s17 =	simm.s32 $0x600  }
0x7: {  	s18 =	simm.s32 $0x680;
	s19 =	simm.s32 $0x700;
	s20 =	simm.s32 $0x780  }
0x8: {  	s5 =	sand.u32 $0x1, s1;
	s1 =	rddreg [dreg:$0x3];
	s6 =	smul.u32 $0x7A20, s21  }
0x9: {  	[smem:$0x7FF] =	sst s3;
	s7 =	sshll.u32 s21, $0x4;
	p1 =	sne.s32 s21, $0xE  }
0xa: {  	s9 =	smul.u32 $0x1E8C0, s21;
	s31 =	sshll.u32 s21, $0x7;
	p6 =	sne.s32 @p1 s21, $0xF  }
0xb: {  	p0 =	sne.s32 s21, $0x0;
	p2 =	sne.s32 s21, $0x1;
	p6 =	por p6, !p1  }
0xc: {  	p3 =	sne.s32 s21, $0x2;
	p4 =	sne.s32 s21, $0x3;
	s23 =	simm.s32 @!p6 $0x0  }
0xd: {  	p5 =	sne.s32 s21, $0x4;
	s23 =	simm.s32 @p6 $0x1;
	p6 =	sne.s32 s21, $0x5  }
0xe: {  	_ =	strace $0x80000047;
	[smem:$0x7F4] =	sst s23;
	s23 =	simm.s32 @!p6 $0x0  }
0xf: {  	s22 =	smul.u32 $0x7A200, s5;
	s23 =	simm.s32 @p6 $0x1;
	p6 =	sne.s32 s21, $0x6  }
0x10: {  	s7 =	sand.u32 $0x70, s7;
	[smem:$0x7F5] =	sst s23;
	s23 =	simm.s32 @!p6 $0x0  }
0x11: {  	s30 =	ssub.s32 $0x2, s5;
	s23 =	simm.s32 @p6 $0x1;
	p6 =	sne.s32 s21, $0x7  }
0x12: {  	s5 =	sand.u32 $0x400, s31;
	[smem:$0x7F6] =	sst s23;
	s23 =	simm.s32 @!p6 $0x0  }
0x13: {  	s7 =	sadd.s32 s7, s4;
	s23 =	simm.s32 @p6 $0x1;
	p6 =	sne.s32 s21, $0x8  }
0x14: {  	s10 =	sshrl.u32 s30, $0x1;
	[smem:$0x7F7] =	sst s23;
	s23 =	simm.s32 @!p6 $0x0  }
0x15: {  	s9 =	sshrl.u32 s9, $0x2;
	s23 =	simm.s32 @p6 $0x1;
	p6 =	sne.s32 s21, $0x9  }
0x16: {  	s8 =	sadd.s32 s6, s22;
	[smem:$0x7F8] =	sst s23;
	s23 =	simm.s32 @!p6 $0x0  }
0x17: {  	s10 =	ssub.s32 s30, s10;
	s23 =	simm.s32 @p6 $0x1;
	p6 =	sne.s32 s21, $0xA  }
0x18: {  	s5 =	sadd.s32 s5, s7;
	[smem:$0x7F9] =	sst s23;
	s23 =	simm.s32 @!p6 $0x0  }
0x19: {  	s6 =	sadd.s32 s6, s2;
	s23 =	simm.s32 @p6 $0x1;
	p6 =	sne.s32 s21, $0xB  }
0x1a: {  	v0 =	vmov s22;
	s8 =	sshrl.u32 s8, $0x3;
	s5 =	sadd.s32 $0x400, s5;
	s22 =	simm.s32 @!p6 $0x0  }
0x1b: {  	s8 =	sadd.s32 s8, s4;
	s22 =	simm.s32 @p6 $0x1;
	p6 =	sne.s32 s21, $0xC  }
.Ltmp0:
0x1c: {  	[smem:$0x7FB] =	sst s22;
	s22 =	simm.s32 @!p6 $0x0;
	(pc) =	sbr.rel .LBB2_1-.Ltmp0, $4  }
0x1d: {  	s4 =	sadd.s32 s9, s2;
	s22 =	simm.s32 @p6 $0x1;
	p6 =	sne.s32 s21, $0xD  }
0x1e: {  	s9 =	simm.s32 $0x880;
	[smem:$0x7FA] =	sst s23;
	s21 =	simm.s32 @!p6 $0x0  }
0x1f: {  	s7 =	sadd.s32 $0xC00, s8;
	[smem:$0x7FC] =	sst s22;
	s21 =	simm.s32 @p6 $0x1  }
0x20: {  	v1 =	vimm.f32 $1.000000000e+00;
	s8 =	smax.u32 s10, $0x1;
	s10 =	simm.s32 $0x1;
	[smem:$0x7FD] =	sst s21  }
.LBB2_2:
0x21: {  	[spmem:s2] =	stream.indirect.scatter.add.f32 [tilespmem:s13], [sflag:$0x1], $0x1, s12, s11, $0xb8;
	[tilespmem:$0xFD30] =	vst v63  }
0x22: {  	_ =	swait.ge [sflag:s10], $0x80  }
0x23: {  	[sflag:s10] =	ssyncset.done $0x0  }
0x24: {  	[sflag:s10] =	ssyncadd.s32 $0xFFFFFF80  }
0x25: {  	[spmem:s2] =	stream.indirect.scatter.add.f32 [tilespmem:s13], [sflag:$0x1], $0x1, s14, s11, $0xb8;
	[tilespmem:$0xFD30] =	vst v63  }
0x26: {  	_ =	swait.ge [sflag:s10], $0x80  }
0x27: {  	[sflag:s10] =	ssyncset.done $0x0  }
0x28: {  	[sflag:s10] =	ssyncadd.s32 $0xFFFFFF80  }
0x29: {  	[spmem:s2] =	stream.indirect.scatter.add.f32 [tilespmem:s13], [sflag:$0x1], $0x1, s15, s11, $0xb8;
	[tilespmem:$0xFD30] =	vst v63  }
0x2a: {  	_ =	swait.ge [sflag:s10], $0x80  }
0x2b: {  	[sflag:s10] =	ssyncset.done $0x0  }
0x2c: {  	[sflag:s10] =	ssyncadd.s32 $0xFFFFFF80  }
0x2d: {  	[spmem:s2] =	stream.indirect.scatter.add.f32 [tilespmem:s13], [sflag:$0x1], $0x1, s16, s11, $0xb8;
	[tilespmem:$0xFD30] =	vst v63  }
0x2e: {  	_ =	swait.ge [sflag:s10], $0x80  }
0x2f: {  	[sflag:s10] =	ssyncset.done $0x0  }
0x30: {  	[sflag:s10] =	ssyncadd.s32 $0xFFFFFF80  }
0x31: {  	[spmem:s2] =	stream.indirect.scatter.add.f32 [tilespmem:s13], [sflag:$0x1], $0x1, s17, s11, $0xb8;
	[tilespmem:$0xFD30] =	vst v63  }
0x32: {  	_ =	swait.ge [sflag:s10], $0x80  }
0x33: {  	[sflag:s10] =	ssyncset.done $0x0  }
0x34: {  	[sflag:s10] =	ssyncadd.s32 $0xFFFFFF80  }
0x35: {  	[spmem:s2] =	stream.indirect.scatter.add.f32 [tilespmem:s13], [sflag:$0x1], $0x1, s18, s11, $0xb8;
	[tilespmem:$0xFD30] =	vst v63  }
0x36: {  	_ =	swait.ge [sflag:s10], $0x80  }
0x37: {  	[sflag:s10] =	ssyncset.done $0x0  }
0x38: {  	[sflag:s10] =	ssyncadd.s32 $0xFFFFFF80  }
0x39: {  	[spmem:s2] =	stream.indirect.scatter.add.f32 [tilespmem:s13], [sflag:$0x1], $0x1, s19, s11, $0xb8;
	[tilespmem:$0xFD30] =	vst v63  }
0x3a: {  	_ =	swait.ge [sflag:s10], $0x80  }
0x3b: {  	[sflag:s10] =	ssyncset.done $0x0  }
0x3c: {  	[sflag:s10] =	ssyncadd.s32 $0xFFFFFF80  }
0x3d: {  	[spmem:s2] =	stream.indirect.scatter.add.f32 [tilespmem:s13], [sflag:$0x1], $0x1, s20, s11, $0xb8;
	[tilespmem:$0xFD30] =	vst v63  }
0x3e: {  	_ =	swait.ge [sflag:s10], $0x80  }
0x3f: {  	[sflag:s10] =	ssyncset.done $0x0  }
0x40: {  	[sflag:s10] =	ssyncadd.s32 $0xFFFFFF80  }
0x41: {  	[bflag:$0x0] =	sbarrier.arrive $0xFFFF  }
0x42: {  	[bflag:$0x0] =	sbarrier.arrive $0xFFFF  }
0x43: {  	[bflag:$0x0] =	sbarrier.arrive $0xFFFF  }
0x44: {  	[bflag:$0x0] =	sbarrier.arrive $0xFFFF  }
0x45: {  	[bflag:$0x0] =	sbarrier.arrive $0xFFFF  }
0x46: {  	[bflag:$0x0] =	sbarrier.arrive $0xFFFF  }
0x47: {  	[bflag:$0x0] =	sbarrier.arrive $0xFFFF  }
0x48: {  	[bflag:$0x0] =	sbarrier.arrive $0xFFFF  }
0x49: {  	[bflag:$0x0] =	sbarrier.arrive $0xFFFF  }
0x4a: {  	[bflag:$0x0] =	sbarrier.arrive $0xFFFF  }
0x4b: {  	[bflag:$0x0] =	sbarrier.arrive $0xFFFF  }
0x4c: {  	[bflag:$0x0] =	sbarrier.arrive $0xFFFF  }
0x4d: {  	[bflag:$0x0] =	sbarrier.arrive $0xFFFF  }
0x4e: {  	[bflag:$0x0] =	sbarrier.arrive $0xFFFF  }
0x4f: {  	[bflag:$0x0] =	sbarrier.arrive $0xFFFF  }
.LBB2_30:
0x50: {  	[bflag:$0x0] =	sbarrier.arrive $0xFFFF  }
0x51: {  	[tilespmem:s9], [sflag:$0x1] =	stream.linear.gather [spmem:s6], $0x7A20, $0x38;
	[tilespmem:$0xFD30] =	vst v63  }
0x52: {  	s8 =	sadd.s32 $0xFFFFFFFF, s8;
	_ =	swait.ge [sflag:s10], $0x7A20  }
0x53: {  	p6 =	sne.s32 s8, $0x0;
	[sflag:s10] =	ssyncset.done $0x0  }
.Ltmp1:
0x54: {  	[sflag:s10] =	ssyncadd.s32 $0xFFFF85E0;
	(pc) =	sbr.rel @!p6 .LBB2_31-.Ltmp1, $4  }
0x55: {  	[hbm4b:s7+s3] =	stream.linear.scatter [tilespmem:s9], [sflag:$0x1], $0x7A20, $0x38;
	[tilespmem:$0xFD30] =	vst v63  }
0x56: {  	_ =	swait.ge [sflag:s10], $0x7A20  }
0x57: {  	[sflag:s10] =	ssyncset.done $0x0  }
0x58: {  	[sflag:s10] =	ssyncadd.s32 $0xFFFF85E0  }
.LBB2_1:
0x59: {  	[tilespmem:s9], [sflag:$0x1] =	stream.linear.gather [hbm4b:s0+s3], $0x7A80, $0x38;
	[tilespmem:$0xFD30] =	vst v63  }
0x5a: {  	_ =	swait.ge [sflag:s10], $0x7A80  }
0x5b: {  	[sflag:s10] =	ssyncset.done $0x0  }
0x5c: {  	[sflag:s10] =	ssyncadd.s32 $0xFFFF8580  }
0x5d: {  	[spmem:s4] =	stream.linear.scatter [tilespmem:s9], [sflag:$0x1], $0x7A30, $0x38;
	[tilespmem:$0xFD30] =	vst v63  }
0x5e: {  	_ =	swait.ge [sflag:s10], $0x7A30  }
0x5f: {  	[sflag:s10] =	ssyncset.done $0x0  }
0x60: {  	[sflag:s10] =	ssyncadd.s32 $0xFFFF85D0  }
0x61: {  	[tilespmem:s3], [sflag:$0x1] =	stream.strided.gather [hbm4b:s5+s11], $0x400, s12, s11, $0x38;
	[tilespmem:$0xFD30] =	vst v63  }
0x62: {  	_ =	swait.ge [sflag:s10], $0x400  }
0x63: {  	[sflag:s10] =	ssyncset.done $0x0  }
0x64: {  	[sflag:s10] =	ssyncadd.s32 $0xFFFFFC00  }
0x65: {  	[tilespmem:$0x800] =	vst v1  }
0x66: {  	[tilespmem:$0x810] =	vst v1  }
0x67: {  	[tilespmem:$0x820] =	vst v1  }
0x68: {  	[tilespmem:$0x830] =	vst v1  }
0x69: {  	[tilespmem:$0x840] =	vst v1  }
0x6a: {  	[tilespmem:$0x850] =	vst v1  }
0x6b: {  	[tilespmem:$0x860] =	vst v1  }
0x6c: {  	[tilespmem:$0x870] =	vst v1  }
0x6d: {  	[bflag:$0x0] =	sbarrier.arrive $0xFFFF  }
0x6e: {  	v2 =	vld [tilespmem:$0x0]  }
0x6f: {  	v3 =	vld [tilespmem:$0x10]  }
0x70: {  	v4 =	vld [tilespmem:$0x20]  }
0x71: {  	v5 =	vld [tilespmem:$0x30]  }
0x72: {  	v6 =	vld [tilespmem:$0x40]  }
0x73: {  	v7 =	vld [tilespmem:$0x50];
	v2 =	vsub.s32 v2, v0  }
0x74: {  	v8 =	vld [tilespmem:$0x60];
	v3 =	vsub.s32 v3, v0;
	v2 =	vmin.u32 v2, $0x7A200  }
0x75: {  	v59 =	vld [tilespmem:$0x70];
	[tilespmem:$0x400] =	vst v2;
	v2 =	vmin.u32 v3, $0x7A200;
	v3 =	vsub.s32 v4, v0  }
0x76: {  	v60 =	vld [tilespmem:$0x80];
	[tilespmem:$0x410] =	vst v2;
	v2 =	vmin.u32 v3, $0x7A200;
	v3 =	vsub.s32 v5, v0  }
0x77: {  	v61 =	vld [tilespmem:$0x90];
	[tilespmem:$0x420] =	vst v2;
	v2 =	vmin.u32 v3, $0x7A200;
	v3 =	vsub.s32 v6, v0  }
0x78: {  	v62 =	vld [tilespmem:$0xA0];
	[tilespmem:$0x430] =	vst v2;
	v2 =	vmin.u32 v3, $0x7A200;
	v3 =	vsub.s32 v7, v0  }
0x79: {  	v63 =	vld [tilespmem:$0xB0];
	[tilespmem:$0x440] =	vst v2;
	v2 =	vmin.u32 v3, $0x7A200;
	v3 =	vsub.s32 v8, v0  }
0x7a: {  	v12 =	vld [tilespmem:$0xC0];
	[tilespmem:$0x450] =	vst v2;
	v2 =	vmin.u32 v3, $0x7A200;
	v3 =	vsub.s32 v59, v0  }
0x7b: {  	v13 =	vld [tilespmem:$0xD0];
	[tilespmem:$0x460] =	vst v2;
	v2 =	vmin.u32 v3, $0x7A200;
	v3 =	vsub.s32 v60, v0  }
0x7c: {  	v14 =	vld [tilespmem:$0xE0];
	[tilespmem:$0x470] =	vst v2;
	v2 =	vmin.u32 v3, $0x7A200;
	v3 =	vsub.s32 v61, v0  }
0x7d: {  	v15 =	vld [tilespmem:$0xF0];
	[tilespmem:$0x480] =	vst v2;
	v2 =	vmin.u32 v3, $0x7A200;
	v3 =	vsub.s32 v62, v0  }
0x7e: {  	v16 =	vld [tilespmem:$0x100];
	[tilespmem:$0x490] =	vst v2;
	v2 =	vmin.u32 v3, $0x7A200;
	v3 =	vsub.s32 v63, v0  }
0x7f: {  	v17 =	vld [tilespmem:$0x110];
	[tilespmem:$0x4A0] =	vst v2;
	v2 =	vmin.u32 v3, $0x7A200;
	v3 =	vsub.s32 v12, v0  }
0x80: {  	v18 =	vld [tilespmem:$0x120];
	[tilespmem:$0x4B0] =	vst v2;
	v2 =	vmin.u32 v3, $0x7A200;
	v3 =	vsub.s32 v13, v0  }
0x81: {  	v19 =	vld [tilespmem:$0x130];
	[tilespmem:$0x4C0] =	vst v2;
	v2 =	vmin.u32 v3, $0x7A200;
	v3 =	vsub.s32 v14, v0  }
0x82: {  	v20 =	vld [tilespmem:$0x140];
	[tilespmem:$0x4D0] =	vst v2;
	v2 =	vmin.u32 v3, $0x7A200;
	v3 =	vsub.s32 v15, v0  }
0x83: {  	v21 =	vld [tilespmem:$0x150];
	[tilespmem:$0x4E0] =	vst v2;
	v2 =	vmin.u32 v3, $0x7A200;
	v3 =	vsub.s32 v16, v0  }
0x84: {  	v22 =	vld [tilespmem:$0x160];
	[tilespmem:$0x4F0] =	vst v2;
	v2 =	vmin.u32 v3, $0x7A200;
	v3 =	vsub.s32 v17, v0  }
0x85: {  	v23 =	vld [tilespmem:$0x170];
	[tilespmem:$0x500] =	vst v2;
	v2 =	vmin.u32 v3, $0x7A200;
	v3 =	vsub.s32 v18, v0  }
0x86: {  	v24 =	vld [tilespmem:$0x180];
	[tilespmem:$0x510] =	vst v2;
	v2 =	vmin.u32 v3, $0x7A200;
	v3 =	vsub.s32 v19, v0  }
0x87: {  	v25 =	vld [tilespmem:$0x190];
	[tilespmem:$0x520] =	vst v2;
	v2 =	vmin.u32 v3, $0x7A200;
	v3 =	vsub.s32 v20, v0  }
0x88: {  	v26 =	vld [tilespmem:$0x1A0];
	[tilespmem:$0x530] =	vst v2;
	v2 =	vmin.u32 v3, $0x7A200;
	v3 =	vsub.s32 v21, v0  }
0x89: {  	v27 =	vld [tilespmem:$0x1B0];
	[tilespmem:$0x540] =	vst v2;
	v2 =	vmin.u32 v3, $0x7A200;
	v3 =	vsub.s32 v22, v0  }
0x8a: {  	v28 =	vld [tilespmem:$0x1C0];
	[tilespmem:$0x550] =	vst v2;
	v2 =	vmin.u32 v3, $0x7A200;
	v3 =	vsub.s32 v23, v0  }
0x8b: {  	v29 =	vld [tilespmem:$0x1D0];
	[tilespmem:$0x560] =	vst v2;
	v2 =	vmin.u32 v3, $0x7A200;
	v3 =	vsub.s32 v24, v0  }
0x8c: {  	v30 =	vld [tilespmem:$0x1E0];
	[tilespmem:$0x570] =	vst v2;
	v2 =	vmin.u32 v3, $0x7A200;
	v3 =	vsub.s32 v25, v0  }
0x8d: {  	v31 =	vld [tilespmem:$0x1F0];
	[tilespmem:$0x580] =	vst v2;
	v2 =	vmin.u32 v3, $0x7A200;
	v3 =	vsub.s32 v26, v0  }
0x8e: {  	v32 =	vld [tilespmem:$0x200];
	[tilespmem:$0x590] =	vst v2;
	v2 =	vmin.u32 v3, $0x7A200;
	v3 =	vsub.s32 v27, v0  }
0x8f: {  	v33 =	vld [tilespmem:$0x210];
	[tilespmem:$0x5A0] =	vst v2;
	v2 =	vmin.u32 v3, $0x7A200;
	v3 =	vsub.s32 v28, v0  }
0x90: {  	v34 =	vld [tilespmem:$0x220];
	[tilespmem:$0x5B0] =	vst v2;
	v2 =	vmin.u32 v3, $0x7A200;
	v3 =	vsub.s32 v29, v0  }
0x91: {  	v35 =	vld [tilespmem:$0x230];
	[tilespmem:$0x5C0] =	vst v2;
	v2 =	vmin.u32 v3, $0x7A200;
	v3 =	vsub.s32 v30, v0  }
0x92: {  	v36 =	vld [tilespmem:$0x240];
	[tilespmem:$0x5D0] =	vst v2;
	v2 =	vmin.u32 v3, $0x7A200;
	v3 =	vsub.s32 v31, v0  }
0x93: {  	v37 =	vld [tilespmem:$0x250];
	[tilespmem:$0x5E0] =	vst v2;
	v2 =	vmin.u32 v3, $0x7A200;
	v3 =	vsub.s32 v32, v0  }
0x94: {  	v38 =	vld [tilespmem:$0x260];
	[tilespmem:$0x5F0] =	vst v2;
	v2 =	vmin.u32 v3, $0x7A200;
	v3 =	vsub.s32 v33, v0  }
0x95: {  	v39 =	vld [tilespmem:$0x270];
	[tilespmem:$0x600] =	vst v2;
	v2 =	vmin.u32 v3, $0x7A200;
	v3 =	vsub.s32 v34, v0  }
0x96: {  	v40 =	vld [tilespmem:$0x280];
	[tilespmem:$0x610] =	vst v2;
	v2 =	vmin.u32 v3, $0x7A200;
	v3 =	vsub.s32 v35, v0  }
0x97: {  	v41 =	vld [tilespmem:$0x290];
	[tilespmem:$0x620] =	vst v2;
	v2 =	vmin.u32 v3, $0x7A200;
	v3 =	vsub.s32 v36, v0  }
0x98: {  	v42 =	vld [tilespmem:$0x2A0];
	[tilespmem:$0x630] =	vst v2;
	v2 =	vmin.u32 v3, $0x7A200;
	v3 =	vsub.s32 v37, v0  }
0x99: {  	v43 =	vld [tilespmem:$0x2B0];
	[tilespmem:$0x640] =	vst v2;
	v2 =	vmin.u32 v3, $0x7A200;
	v3 =	vsub.s32 v38, v0  }
0x9a: {  	v44 =	vld [tilespmem:$0x2C0];
	[tilespmem:$0x650] =	vst v2;
	v2 =	vmin.u32 v3, $0x7A200;
	v3 =	vsub.s32 v39, v0  }
0x9b: {  	v45 =	vld [tilespmem:$0x2D0];
	[tilespmem:$0x660] =	vst v2;
	v2 =	vmin.u32 v3, $0x7A200;
	v3 =	vsub.s32 v40, v0  }
0x9c: {  	v46 =	vld [tilespmem:$0x2E0];
	[tilespmem:$0x670] =	vst v2;
	v2 =	vmin.u32 v3, $0x7A200;
	v3 =	vsub.s32 v41, v0  }
0x9d: {  	v47 =	vld [tilespmem:$0x2F0];
	[tilespmem:$0x680] =	vst v2;
	v2 =	vmin.u32 v3, $0x7A200;
	v3 =	vsub.s32 v42, v0  }
0x9e: {  	v48 =	vld [tilespmem:$0x300];
	[tilespmem:$0x690] =	vst v2;
	v2 =	vmin.u32 v3, $0x7A200;
	v3 =	vsub.s32 v43, v0  }
0x9f: {  	v49 =	vld [tilespmem:$0x310];
	[tilespmem:$0x6A0] =	vst v2;
	v2 =	vmin.u32 v3, $0x7A200;
	v3 =	vsub.s32 v44, v0  }
0xa0: {  	v50 =	vld [tilespmem:$0x320];
	[tilespmem:$0x6B0] =	vst v2;
	v2 =	vmin.u32 v3, $0x7A200;
	v3 =	vsub.s32 v45, v0  }
0xa1: {  	v51 =	vld [tilespmem:$0x330];
	[tilespmem:$0x6C0] =	vst v2;
	v2 =	vmin.u32 v3, $0x7A200;
	v3 =	vsub.s32 v46, v0  }
0xa2: {  	v52 =	vld [tilespmem:$0x340];
	[tilespmem:$0x6D0] =	vst v2;
	v2 =	vmin.u32 v3, $0x7A200;
	v3 =	vsub.s32 v47, v0  }
0xa3: {  	v53 =	vld [tilespmem:$0x350];
	[tilespmem:$0x6E0] =	vst v2;
	v2 =	vmin.u32 v3, $0x7A200;
	v3 =	vsub.s32 v48, v0  }
0xa4: {  	v54 =	vld [tilespmem:$0x360];
	[tilespmem:$0x6F0] =	vst v2;
	v2 =	vmin.u32 v3, $0x7A200;
	v3 =	vsub.s32 v49, v0  }
0xa5: {  	v55 =	vld [tilespmem:$0x370];
	[tilespmem:$0x700] =	vst v2;
	v2 =	vmin.u32 v3, $0x7A200;
	v3 =	vsub.s32 v50, v0  }
0xa6: {  	v56 =	vld [tilespmem:$0x380];
	[tilespmem:$0x710] =	vst v2;
	v2 =	vmin.u32 v3, $0x7A200;
	v3 =	vsub.s32 v51, v0  }
0xa7: {  	v57 =	vld [tilespmem:$0x390];
	[tilespmem:$0x720] =	vst v2;
	v2 =	vmin.u32 v3, $0x7A200;
	v3 =	vsub.s32 v52, v0  }
0xa8: {  	v58 =	vld [tilespmem:$0x3A0];
	[tilespmem:$0x730] =	vst v2;
	v2 =	vmin.u32 v3, $0x7A200;
	v3 =	vsub.s32 v53, v0  }
0xa9: {  	v59 =	vld [tilespmem:$0x3B0];
	[tilespmem:$0x740] =	vst v2;
	v2 =	vmin.u32 v3, $0x7A200;
	v3 =	vsub.s32 v54, v0  }
0xaa: {  	v60 =	vld [tilespmem:$0x3C0];
	[tilespmem:$0x750] =	vst v2;
	v2 =	vmin.u32 v3, $0x7A200;
	v3 =	vsub.s32 v55, v0  }
0xab: {  	v61 =	vld [tilespmem:$0x3D0];
	[tilespmem:$0x760] =	vst v2;
	v2 =	vmin.u32 v3, $0x7A200;
	v3 =	vsub.s32 v56, v0  }
0xac: {  	v62 =	vld [tilespmem:$0x3E0];
	[tilespmem:$0x770] =	vst v2;
	v2 =	vmin.u32 v3, $0x7A200;
	v3 =	vsub.s32 v57, v0  }
0xad: {  	v63 =	vld [tilespmem:$0x3F0];
	[tilespmem:$0x780] =	vst v2;
	v2 =	vmin.u32 v3, $0x7A200;
	v3 =	vsub.s32 v58, v0  }
0xae: {  	[tilespmem:$0x790] =	vst v2;
	v2 =	vmin.u32 v3, $0x7A200;
	v3 =	vsub.s32 v59, v0  }
0xaf: {  	[tilespmem:$0x7A0] =	vst v2;
	v2 =	vmin.u32 v3, $0x7A200;
	v3 =	vsub.s32 v60, v0  }
.Ltmp2:
0xb0: {  	[tilespmem:$0x7B0] =	vst v2;
	v2 =	vmin.u32 v3, $0x7A200;
	v3 =	vsub.s32 v61, v0;
	(pc) =	sbr.rel @!p0 .LBB2_2-.Ltmp2, $4  }
0xb1: {  	[tilespmem:$0x7C0] =	vst v2;
	v2 =	vmin.u32 v3, $0x7A200;
	v3 =	vsub.s32 v62, v0  }
0xb2: {  	[tilespmem:$0x7D0] =	vst v2;
	v2 =	vmin.u32 v3, $0x7A200;
	v3 =	vsub.s32 v63, v0  }
0xb3: {  	[tilespmem:$0x7E0] =	vst v2;
	v2 =	vmin.u32 v3, $0x7A200  }
0xb4: {  	[tilespmem:$0x7F0] =	vst v2  }
.Ltmp3:
0xb5: {  	(pc) =	sbr.rel @p2 .LBB2_5-.Ltmp3, $2  }
0xb6: {  	_ =	sdelay $0x1  }
0xb7: {  	[bflag:$0x0] =	sbarrier.arrive $0xFFFF;
	_ =	sdelay $0x1  }
0xb8: {  	[spmem:s2] =	stream.indirect.scatter.add.f32 [tilespmem:s13], [sflag:$0x1], $0x1, s12, s11, $0xb8;
	[tilespmem:$0xFD30] =	vst v63  }
0xb9: {  	_ =	swait.ge [sflag:s10], $0x80  }
0xba: {  	[sflag:s10] =	ssyncset.done $0x0  }
0xbb: {  	[sflag:s10] =	ssyncadd.s32 $0xFFFFFF80  }
0xbc: {  	[spmem:s2] =	stream.indirect.scatter.add.f32 [tilespmem:s13], [sflag:$0x1], $0x1, s14, s11, $0xb8;
	[tilespmem:$0xFD30] =	vst v63  }
0xbd: {  	_ =	swait.ge [sflag:s10], $0x80  }
0xbe: {  	[sflag:s10] =	ssyncset.done $0x0  }
0xbf: {  	[sflag:s10] =	ssyncadd.s32 $0xFFFFFF80  }
0xc0: {  	[spmem:s2] =	stream.indirect.scatter.add.f32 [tilespmem:s13], [sflag:$0x1], $0x1, s15, s11, $0xb8;
	[tilespmem:$0xFD30] =	vst v63  }
0xc1: {  	_ =	swait.ge [sflag:s10], $0x80  }
0xc2: {  	[sflag:s10] =	ssyncset.done $0x0  }
0xc3: {  	[sflag:s10] =	ssyncadd.s32 $0xFFFFFF80  }
0xc4: {  	[spmem:s2] =	stream.indirect.scatter.add.f32 [tilespmem:s13], [sflag:$0x1], $0x1, s16, s11, $0xb8;
	[tilespmem:$0xFD30] =	vst v63  }
0xc5: {  	_ =	swait.ge [sflag:s10], $0x80  }
0xc6: {  	[sflag:s10] =	ssyncset.done $0x0  }
0xc7: {  	[sflag:s10] =	ssyncadd.s32 $0xFFFFFF80  }
0xc8: {  	[spmem:s2] =	stream.indirect.scatter.add.f32 [tilespmem:s13], [sflag:$0x1], $0x1, s17, s11, $0xb8;
	[tilespmem:$0xFD30] =	vst v63  }
0xc9: {  	_ =	swait.ge [sflag:s10], $0x80  }
0xca: {  	[sflag:s10] =	ssyncset.done $0x0  }
0xcb: {  	[sflag:s10] =	ssyncadd.s32 $0xFFFFFF80  }
0xcc: {  	[spmem:s2] =	stream.indirect.scatter.add.f32 [tilespmem:s13], [sflag:$0x1], $0x1, s18, s11, $0xb8;
	[tilespmem:$0xFD30] =	vst v63  }
0xcd: {  	_ =	swait.ge [sflag:s10], $0x80  }
0xce: {  	[sflag:s10] =	ssyncset.done $0x0  }
0xcf: {  	[sflag:s10] =	ssyncadd.s32 $0xFFFFFF80  }
0xd0: {  	[spmem:s2] =	stream.indirect.scatter.add.f32 [tilespmem:s13], [sflag:$0x1], $0x1, s19, s11, $0xb8;
	[tilespmem:$0xFD30] =	vst v63  }
0xd1: {  	_ =	swait.ge [sflag:s10], $0x80  }
0xd2: {  	[sflag:s10] =	ssyncset.done $0x0  }
0xd3: {  	[sflag:s10] =	ssyncadd.s32 $0xFFFFFF80  }
0xd4: {  	[spmem:s2] =	stream.indirect.scatter.add.f32 [tilespmem:s13], [sflag:$0x1], $0x1, s20, s11, $0xb8;
	[tilespmem:$0xFD30] =	vst v63  }
0xd5: {  	_ =	swait.ge [sflag:s10], $0x80  }
0xd6: {  	[sflag:s10] =	ssyncset.done $0x0  }
0xd7: {  	[sflag:s10] =	ssyncadd.s32 $0xFFFFFF80  }
0xd8: {  	[bflag:$0x0] =	sbarrier.arrive $0xFFFF  }
0xd9: {  	[bflag:$0x0] =	sbarrier.arrive $0xFFFF  }
0xda: {  	[bflag:$0x0] =	sbarrier.arrive $0xFFFF  }
0xdb: {  	[bflag:$0x0] =	sbarrier.arrive $0xFFFF  }
0xdc: {  	[bflag:$0x0] =	sbarrier.arrive $0xFFFF  }
0xdd: {  	[bflag:$0x0] =	sbarrier.arrive $0xFFFF  }
0xde: {  	[bflag:$0x0] =	sbarrier.arrive $0xFFFF  }
0xdf: {  	[bflag:$0x0] =	sbarrier.arrive $0xFFFF  }
0xe0: {  	[bflag:$0x0] =	sbarrier.arrive $0xFFFF  }
0xe1: {  	[bflag:$0x0] =	sbarrier.arrive $0xFFFF  }
.Ltmp4:
0xe2: {  	[bflag:$0x0] =	sbarrier.arrive $0xFFFF;
	(pc) =	sbr.rel .LBB2_30-.Ltmp4, $3  }
0xe3: {  	[bflag:$0x0] =	sbarrier.arrive $0xFFFF  }
0xe4: {  	[bflag:$0x0] =	sbarrier.arrive $0xFFFF  }
0xe5: {  	[bflag:$0x0] =	sbarrier.arrive $0xFFFF;
	_ =	sdelay $0x1  }
.LBB2_5:
.Ltmp5:
0xe6: {  	(pc) =	sbr.rel @p3 .LBB2_7-.Ltmp5, $2  }
0xe7: {  	_ =	sdelay $0x1  }
0xe8: {  	[bflag:$0x0] =	sbarrier.arrive $0xFFFF;
	_ =	sdelay $0x1  }
0xe9: {  	[spmem:s2] =	stream.indirect.scatter.add.f32 [tilespmem:s13], [sflag:$0x1], $0x1, s12, s11, $0xb8;
	[tilespmem:$0xFD30] =	vst v63  }
0xea: {  	_ =	swait.ge [sflag:s10], $0x80  }
0xeb: {  	[sflag:s10] =	ssyncset.done $0x0  }
0xec: {  	[sflag:s10] =	ssyncadd.s32 $0xFFFFFF80  }
0xed: {  	[spmem:s2] =	stream.indirect.scatter.add.f32 [tilespmem:s13], [sflag:$0x1], $0x1, s14, s11, $0xb8;
	[tilespmem:$0xFD30] =	vst v63  }
0xee: {  	_ =	swait.ge [sflag:s10], $0x80  }
0xef: {  	[sflag:s10] =	ssyncset.done $0x0  }
0xf0: {  	[sflag:s10] =	ssyncadd.s32 $0xFFFFFF80  }
0xf1: {  	[spmem:s2] =	stream.indirect.scatter.add.f32 [tilespmem:s13], [sflag:$0x1], $0x1, s15, s11, $0xb8;
	[tilespmem:$0xFD30] =	vst v63  }
0xf2: {  	_ =	swait.ge [sflag:s10], $0x80  }
0xf3: {  	[sflag:s10] =	ssyncset.done $0x0  }
0xf4: {  	[sflag:s10] =	ssyncadd.s32 $0xFFFFFF80  }
0xf5: {  	[spmem:s2] =	stream.indirect.scatter.add.f32 [tilespmem:s13], [sflag:$0x1], $0x1, s16, s11, $0xb8;
	[tilespmem:$0xFD30] =	vst v63  }
0xf6: {  	_ =	swait.ge [sflag:s10], $0x80  }
0xf7: {  	[sflag:s10] =	ssyncset.done $0x0  }
0xf8: {  	[sflag:s10] =	ssyncadd.s32 $0xFFFFFF80  }
0xf9: {  	[spmem:s2] =	stream.indirect.scatter.add.f32 [tilespmem:s13], [sflag:$0x1], $0x1, s17, s11, $0xb8;
	[tilespmem:$0xFD30] =	vst v63  }
0xfa: {  	_ =	swait.ge [sflag:s10], $0x80  }
0xfb: {  	[sflag:s10] =	ssyncset.done $0x0  }
0xfc: {  	[sflag:s10] =	ssyncadd.s32 $0xFFFFFF80  }
0xfd: {  	[spmem:s2] =	stream.indirect.scatter.add.f32 [tilespmem:s13], [sflag:$0x1], $0x1, s18, s11, $0xb8;
	[tilespmem:$0xFD30] =	vst v63  }
0xfe: {  	_ =	swait.ge [sflag:s10], $0x80  }
0xff: {  	[sflag:s10] =	ssyncset.done $0x0  }
0x100: {  	[sflag:s10] =	ssyncadd.s32 $0xFFFFFF80  }
0x101: {  	[spmem:s2] =	stream.indirect.scatter.add.f32 [tilespmem:s13], [sflag:$0x1], $0x1, s19, s11, $0xb8;
	[tilespmem:$0xFD30] =	vst v63  }
0x102: {  	_ =	swait.ge [sflag:s10], $0x80  }
0x103: {  	[sflag:s10] =	ssyncset.done $0x0  }
0x104: {  	[sflag:s10] =	ssyncadd.s32 $0xFFFFFF80  }
0x105: {  	[spmem:s2] =	stream.indirect.scatter.add.f32 [tilespmem:s13], [sflag:$0x1], $0x1, s20, s11, $0xb8;
	[tilespmem:$0xFD30] =	vst v63  }
0x106: {  	_ =	swait.ge [sflag:s10], $0x80  }
0x107: {  	[sflag:s10] =	ssyncset.done $0x0  }
0x108: {  	[sflag:s10] =	ssyncadd.s32 $0xFFFFFF80  }
0x109: {  	[bflag:$0x0] =	sbarrier.arrive $0xFFFF  }
0x10a: {  	[bflag:$0x0] =	sbarrier.arrive $0xFFFF  }
0x10b: {  	[bflag:$0x0] =	sbarrier.arrive $0xFFFF  }
0x10c: {  	[bflag:$0x0] =	sbarrier.arrive $0xFFFF  }
0x10d: {  	[bflag:$0x0] =	sbarrier.arrive $0xFFFF  }
0x10e: {  	[bflag:$0x0] =	sbarrier.arrive $0xFFFF  }
0x10f: {  	[bflag:$0x0] =	sbarrier.arrive $0xFFFF  }
0x110: {  	[bflag:$0x0] =	sbarrier.arrive $0xFFFF  }
0x111: {  	[bflag:$0x0] =	sbarrier.arrive $0xFFFF  }
.Ltmp6:
0x112: {  	[bflag:$0x0] =	sbarrier.arrive $0xFFFF;
	(pc) =	sbr.rel .LBB2_30-.Ltmp6, $3  }
0x113: {  	[bflag:$0x0] =	sbarrier.arrive $0xFFFF  }
0x114: {  	[bflag:$0x0] =	sbarrier.arrive $0xFFFF  }
0x115: {  	[bflag:$0x0] =	sbarrier.arrive $0xFFFF;
	_ =	sdelay $0x1  }
.LBB2_7:
.Ltmp7:
0x116: {  	(pc) =	sbr.rel @p4 .LBB2_9-.Ltmp7, $2  }
0x117: {  	_ =	sdelay $0x1  }
0x118: {  	[bflag:$0x0] =	sbarrier.arrive $0xFFFF;
	_ =	sdelay $0x1  }
0x119: {  	[spmem:s2] =	stream.indirect.scatter.add.f32 [tilespmem:s13], [sflag:$0x1], $0x1, s12, s11, $0xb8;
	[tilespmem:$0xFD30] =	vst v63  }
0x11a: {  	_ =	swait.ge [sflag:s10], $0x80  }
0x11b: {  	[sflag:s10] =	ssyncset.done $0x0  }
0x11c: {  	[sflag:s10] =	ssyncadd.s32 $0xFFFFFF80  }
0x11d: {  	[spmem:s2] =	stream.indirect.scatter.add.f32 [tilespmem:s13], [sflag:$0x1], $0x1, s14, s11, $0xb8;
	[tilespmem:$0xFD30] =	vst v63  }
0x11e: {  	_ =	swait.ge [sflag:s10], $0x80  }
0x11f: {  	[sflag:s10] =	ssyncset.done $0x0  }
0x120: {  	[sflag:s10] =	ssyncadd.s32 $0xFFFFFF80  }
0x121: {  	[spmem:s2] =	stream.indirect.scatter.add.f32 [tilespmem:s13], [sflag:$0x1], $0x1, s15, s11, $0xb8;
	[tilespmem:$0xFD30] =	vst v63  }
0x122: {  	_ =	swait.ge [sflag:s10], $0x80  }
0x123: {  	[sflag:s10] =	ssyncset.done $0x0  }
0x124: {  	[sflag:s10] =	ssyncadd.s32 $0xFFFFFF80  }
0x125: {  	[spmem:s2] =	stream.indirect.scatter.add.f32 [tilespmem:s13], [sflag:$0x1], $0x1, s16, s11, $0xb8;
	[tilespmem:$0xFD30] =	vst v63  }
0x126: {  	_ =	swait.ge [sflag:s10], $0x80  }
0x127: {  	[sflag:s10] =	ssyncset.done $0x0  }
0x128: {  	[sflag:s10] =	ssyncadd.s32 $0xFFFFFF80  }
0x129: {  	[spmem:s2] =	stream.indirect.scatter.add.f32 [tilespmem:s13], [sflag:$0x1], $0x1, s17, s11, $0xb8;
	[tilespmem:$0xFD30] =	vst v63  }
0x12a: {  	_ =	swait.ge [sflag:s10], $0x80  }
0x12b: {  	[sflag:s10] =	ssyncset.done $0x0  }
0x12c: {  	[sflag:s10] =	ssyncadd.s32 $0xFFFFFF80  }
0x12d: {  	[spmem:s2] =	stream.indirect.scatter.add.f32 [tilespmem:s13], [sflag:$0x1], $0x1, s18, s11, $0xb8;
	[tilespmem:$0xFD30] =	vst v63  }
0x12e: {  	_ =	swait.ge [sflag:s10], $0x80  }
0x12f: {  	[sflag:s10] =	ssyncset.done $0x0  }
0x130: {  	[sflag:s10] =	ssyncadd.s32 $0xFFFFFF80  }
0x131: {  	[spmem:s2] =	stream.indirect.scatter.add.f32 [tilespmem:s13], [sflag:$0x1], $0x1, s19, s11, $0xb8;
	[tilespmem:$0xFD30] =	vst v63  }
0x132: {  	_ =	swait.ge [sflag:s10], $0x80  }
0x133: {  	[sflag:s10] =	ssyncset.done $0x0  }
0x134: {  	[sflag:s10] =	ssyncadd.s32 $0xFFFFFF80  }
0x135: {  	[spmem:s2] =	stream.indirect.scatter.add.f32 [tilespmem:s13], [sflag:$0x1], $0x1, s20, s11, $0xb8;
	[tilespmem:$0xFD30] =	vst v63  }
0x136: {  	_ =	swait.ge [sflag:s10], $0x80  }
0x137: {  	[sflag:s10] =	ssyncset.done $0x0  }
0x138: {  	[sflag:s10] =	ssyncadd.s32 $0xFFFFFF80  }
0x139: {  	[bflag:$0x0] =	sbarrier.arrive $0xFFFF  }
0x13a: {  	[bflag:$0x0] =	sbarrier.arrive $0xFFFF  }
0x13b: {  	[bflag:$0x0] =	sbarrier.arrive $0xFFFF  }
0x13c: {  	[bflag:$0x0] =	sbarrier.arrive $0xFFFF  }
0x13d: {  	[bflag:$0x0] =	sbarrier.arrive $0xFFFF  }
0x13e: {  	[bflag:$0x0] =	sbarrier.arrive $0xFFFF  }
0x13f: {  	[bflag:$0x0] =	sbarrier.arrive $0xFFFF  }
0x140: {  	[bflag:$0x0] =	sbarrier.arrive $0xFFFF  }
.Ltmp8:
0x141: {  	[bflag:$0x0] =	sbarrier.arrive $0xFFFF;
	(pc) =	sbr.rel .LBB2_30-.Ltmp8, $3  }
0x142: {  	[bflag:$0x0] =	sbarrier.arrive $0xFFFF  }
0x143: {  	[bflag:$0x0] =	sbarrier.arrive $0xFFFF  }
0x144: {  	[bflag:$0x0] =	sbarrier.arrive $0xFFFF;
	_ =	sdelay $0x1  }
.LBB2_9:
.Ltmp9:
0x145: {  	(pc) =	sbr.rel @p5 .LBB2_11-.Ltmp9, $2  }
0x146: {  	_ =	sdelay $0x1  }
0x147: {  	[bflag:$0x0] =	sbarrier.arrive $0xFFFF;
	_ =	sdelay $0x1  }
0x148: {  	[spmem:s2] =	stream.indirect.scatter.add.f32 [tilespmem:s13], [sflag:$0x1], $0x1, s12, s11, $0xb8;
	[tilespmem:$0xFD30] =	vst v63  }
0x149: {  	_ =	swait.ge [sflag:s10], $0x80  }
0x14a: {  	[sflag:s10] =	ssyncset.done $0x0  }
0x14b: {  	[sflag:s10] =	ssyncadd.s32 $0xFFFFFF80  }
0x14c: {  	[spmem:s2] =	stream.indirect.scatter.add.f32 [tilespmem:s13], [sflag:$0x1], $0x1, s14, s11, $0xb8;
	[tilespmem:$0xFD30] =	vst v63  }
0x14d: {  	_ =	swait.ge [sflag:s10], $0x80  }
0x14e: {  	[sflag:s10] =	ssyncset.done $0x0  }
0x14f: {  	[sflag:s10] =	ssyncadd.s32 $0xFFFFFF80  }
0x150: {  	[spmem:s2] =	stream.indirect.scatter.add.f32 [tilespmem:s13], [sflag:$0x1], $0x1, s15, s11, $0xb8;
	[tilespmem:$0xFD30] =	vst v63  }
0x151: {  	_ =	swait.ge [sflag:s10], $0x80  }
0x152: {  	[sflag:s10] =	ssyncset.done $0x0  }
0x153: {  	[sflag:s10] =	ssyncadd.s32 $0xFFFFFF80  }
0x154: {  	[spmem:s2] =	stream.indirect.scatter.add.f32 [tilespmem:s13], [sflag:$0x1], $0x1, s16, s11, $0xb8;
	[tilespmem:$0xFD30] =	vst v63  }
0x155: {  	_ =	swait.ge [sflag:s10], $0x80  }
0x156: {  	[sflag:s10] =	ssyncset.done $0x0  }
0x157: {  	[sflag:s10] =	ssyncadd.s32 $0xFFFFFF80  }
0x158: {  	[spmem:s2] =	stream.indirect.scatter.add.f32 [tilespmem:s13], [sflag:$0x1], $0x1, s17, s11, $0xb8;
	[tilespmem:$0xFD30] =	vst v63  }
0x159: {  	_ =	swait.ge [sflag:s10], $0x80  }
0x15a: {  	[sflag:s10] =	ssyncset.done $0x0  }
0x15b: {  	[sflag:s10] =	ssyncadd.s32 $0xFFFFFF80  }
0x15c: {  	[spmem:s2] =	stream.indirect.scatter.add.f32 [tilespmem:s13], [sflag:$0x1], $0x1, s18, s11, $0xb8;
	[tilespmem:$0xFD30] =	vst v63  }
0x15d: {  	_ =	swait.ge [sflag:s10], $0x80  }
0x15e: {  	[sflag:s10] =	ssyncset.done $0x0  }
0x15f: {  	[sflag:s10] =	ssyncadd.s32 $0xFFFFFF80  }
0x160: {  	[spmem:s2] =	stream.indirect.scatter.add.f32 [tilespmem:s13], [sflag:$0x1], $0x1, s19, s11, $0xb8;
	[tilespmem:$0xFD30] =	vst v63  }
0x161: {  	_ =	swait.ge [sflag:s10], $0x80  }
0x162: {  	[sflag:s10] =	ssyncset.done $0x0  }
0x163: {  	[sflag:s10] =	ssyncadd.s32 $0xFFFFFF80  }
0x164: {  	[spmem:s2] =	stream.indirect.scatter.add.f32 [tilespmem:s13], [sflag:$0x1], $0x1, s20, s11, $0xb8;
	[tilespmem:$0xFD30] =	vst v63  }
0x165: {  	_ =	swait.ge [sflag:s10], $0x80  }
0x166: {  	[sflag:s10] =	ssyncset.done $0x0  }
0x167: {  	[sflag:s10] =	ssyncadd.s32 $0xFFFFFF80  }
0x168: {  	[bflag:$0x0] =	sbarrier.arrive $0xFFFF  }
0x169: {  	[bflag:$0x0] =	sbarrier.arrive $0xFFFF  }
0x16a: {  	[bflag:$0x0] =	sbarrier.arrive $0xFFFF  }
0x16b: {  	[bflag:$0x0] =	sbarrier.arrive $0xFFFF  }
0x16c: {  	[bflag:$0x0] =	sbarrier.arrive $0xFFFF  }
0x16d: {  	[bflag:$0x0] =	sbarrier.arrive $0xFFFF  }
0x16e: {  	[bflag:$0x0] =	sbarrier.arrive $0xFFFF  }
.Ltmp10:
0x16f: {  	[bflag:$0x0] =	sbarrier.arrive $0xFFFF;
	(pc) =	sbr.rel .LBB2_30-.Ltmp10, $3  }
0x170: {  	[bflag:$0x0] =	sbarrier.arrive $0xFFFF  }
0x171: {  	[bflag:$0x0] =	sbarrier.arrive $0xFFFF  }
0x172: {  	[bflag:$0x0] =	sbarrier.arrive $0xFFFF;
	_ =	sdelay $0x1  }
.LBB2_11:
0x173: {  	[bflag:$0x0] =	sbarrier.arrive $0xFFFF  }
0x174: {  	s21 =	sld [smem:$0x7F5];
	_ =	sdelay $0x2  }
0x175: {  	p6 =	seq.s32 s21, $0x1  }
.Ltmp11:
0x176: {  	_ = 	snop;
	(pc) =	sbr.rel @p6 .LBB2_13-.Ltmp11, $1  }
0x177: {  	_ =	sdelay $0x3  }
0x178: {  	[spmem:s2] =	stream.indirect.scatter.add.f32 [tilespmem:s13], [sflag:$0x1], $0x1, s12, s11, $0xb8;
	[tilespmem:$0xFD30] =	vst v63  }
0x179: {  	_ =	swait.ge [sflag:s10], $0x80  }
0x17a: {  	[sflag:s10] =	ssyncset.done $0x0  }
0x17b: {  	[sflag:s10] =	ssyncadd.s32 $0xFFFFFF80  }
0x17c: {  	[spmem:s2] =	stream.indirect.scatter.add.f32 [tilespmem:s13], [sflag:$0x1], $0x1, s14, s11, $0xb8;
	[tilespmem:$0xFD30] =	vst v63  }
0x17d: {  	_ =	swait.ge [sflag:s10], $0x80  }
0x17e: {  	[sflag:s10] =	ssyncset.done $0x0  }
0x17f: {  	[sflag:s10] =	ssyncadd.s32 $0xFFFFFF80  }
0x180: {  	[spmem:s2] =	stream.indirect.scatter.add.f32 [tilespmem:s13], [sflag:$0x1], $0x1, s15, s11, $0xb8;
	[tilespmem:$0xFD30] =	vst v63  }
0x181: {  	_ =	swait.ge [sflag:s10], $0x80  }
0x182: {  	[sflag:s10] =	ssyncset.done $0x0  }
0x183: {  	[sflag:s10] =	ssyncadd.s32 $0xFFFFFF80  }
0x184: {  	[spmem:s2] =	stream.indirect.scatter.add.f32 [tilespmem:s13], [sflag:$0x1], $0x1, s16, s11, $0xb8;
	[tilespmem:$0xFD30] =	vst v63  }
0x185: {  	_ =	swait.ge [sflag:s10], $0x80  }
0x186: {  	[sflag:s10] =	ssyncset.done $0x0  }
0x187: {  	[sflag:s10] =	ssyncadd.s32 $0xFFFFFF80  }
0x188: {  	[spmem:s2] =	stream.indirect.scatter.add.f32 [tilespmem:s13], [sflag:$0x1], $0x1, s17, s11, $0xb8;
	[tilespmem:$0xFD30] =	vst v63  }
0x189: {  	_ =	swait.ge [sflag:s10], $0x80  }
0x18a: {  	[sflag:s10] =	ssyncset.done $0x0  }
0x18b: {  	[sflag:s10] =	ssyncadd.s32 $0xFFFFFF80  }
0x18c: {  	[spmem:s2] =	stream.indirect.scatter.add.f32 [tilespmem:s13], [sflag:$0x1], $0x1, s18, s11, $0xb8;
	[tilespmem:$0xFD30] =	vst v63  }
0x18d: {  	_ =	swait.ge [sflag:s10], $0x80  }
0x18e: {  	[sflag:s10] =	ssyncset.done $0x0  }
0x18f: {  	[sflag:s10] =	ssyncadd.s32 $0xFFFFFF80  }
0x190: {  	[spmem:s2] =	stream.indirect.scatter.add.f32 [tilespmem:s13], [sflag:$0x1], $0x1, s19, s11, $0xb8;
	[tilespmem:$0xFD30] =	vst v63  }
0x191: {  	_ =	swait.ge [sflag:s10], $0x80  }
0x192: {  	[sflag:s10] =	ssyncset.done $0x0  }
0x193: {  	[sflag:s10] =	ssyncadd.s32 $0xFFFFFF80  }
0x194: {  	[spmem:s2] =	stream.indirect.scatter.add.f32 [tilespmem:s13], [sflag:$0x1], $0x1, s20, s11, $0xb8;
	[tilespmem:$0xFD30] =	vst v63  }
0x195: {  	_ =	swait.ge [sflag:s10], $0x80  }
0x196: {  	[sflag:s10] =	ssyncset.done $0x0  }
0x197: {  	[sflag:s10] =	ssyncadd.s32 $0xFFFFFF80  }
0x198: {  	[bflag:$0x0] =	sbarrier.arrive $0xFFFF  }
0x199: {  	[bflag:$0x0] =	sbarrier.arrive $0xFFFF  }
0x19a: {  	[bflag:$0x0] =	sbarrier.arrive $0xFFFF  }
0x19b: {  	[bflag:$0x0] =	sbarrier.arrive $0xFFFF  }
0x19c: {  	[bflag:$0x0] =	sbarrier.arrive $0xFFFF  }
0x19d: {  	[bflag:$0x0] =	sbarrier.arrive $0xFFFF  }
.Ltmp12:
0x19e: {  	[bflag:$0x0] =	sbarrier.arrive $0xFFFF;
	(pc) =	sbr.rel .LBB2_30-.Ltmp12, $3  }
0x19f: {  	[bflag:$0x0] =	sbarrier.arrive $0xFFFF  }
0x1a0: {  	[bflag:$0x0] =	sbarrier.arrive $0xFFFF  }
0x1a1: {  	[bflag:$0x0] =	sbarrier.arrive $0xFFFF;
	_ =	sdelay $0x1  }
.LBB2_13:
0x1a2: {  	[bflag:$0x0] =	sbarrier.arrive $0xFFFF  }
0x1a3: {  	s21 =	sld [smem:$0x7F6];
	_ =	sdelay $0x2  }
0x1a4: {  	p6 =	seq.s32 s21, $0x1  }
.Ltmp13:
0x1a5: {  	_ = 	snop;
	(pc) =	sbr.rel @p6 .LBB2_15-.Ltmp13, $1  }
0x1a6: {  	_ =	sdelay $0x3  }
0x1a7: {  	[spmem:s2] =	stream.indirect.scatter.add.f32 [tilespmem:s13], [sflag:$0x1], $0x1, s12, s11, $0xb8;
	[tilespmem:$0xFD30] =	vst v63  }
0x1a8: {  	_ =	swait.ge [sflag:s10], $0x80  }
0x1a9: {  	[sflag:s10] =	ssyncset.done $0x0  }
0x1aa: {  	[sflag:s10] =	ssyncadd.s32 $0xFFFFFF80  }
0x1ab: {  	[spmem:s2] =	stream.indirect.scatter.add.f32 [tilespmem:s13], [sflag:$0x1], $0x1, s14, s11, $0xb8;
	[tilespmem:$0xFD30] =	vst v63  }
0x1ac: {  	_ =	swait.ge [sflag:s10], $0x80  }
0x1ad: {  	[sflag:s10] =	ssyncset.done $0x0  }
0x1ae: {  	[sflag:s10] =	ssyncadd.s32 $0xFFFFFF80  }
0x1af: {  	[spmem:s2] =	stream.indirect.scatter.add.f32 [tilespmem:s13], [sflag:$0x1], $0x1, s15, s11, $0xb8;
	[tilespmem:$0xFD30] =	vst v63  }
0x1b0: {  	_ =	swait.ge [sflag:s10], $0x80  }
0x1b1: {  	[sflag:s10] =	ssyncset.done $0x0  }
0x1b2: {  	[sflag:s10] =	ssyncadd.s32 $0xFFFFFF80  }
0x1b3: {  	[spmem:s2] =	stream.indirect.scatter.add.f32 [tilespmem:s13], [sflag:$0x1], $0x1, s16, s11, $0xb8;
	[tilespmem:$0xFD30] =	vst v63  }
0x1b4: {  	_ =	swait.ge [sflag:s10], $0x80  }
0x1b5: {  	[sflag:s10] =	ssyncset.done $0x0  }
0x1b6: {  	[sflag:s10] =	ssyncadd.s32 $0xFFFFFF80  }
0x1b7: {  	[spmem:s2] =	stream.indirect.scatter.add.f32 [tilespmem:s13], [sflag:$0x1], $0x1, s17, s11, $0xb8;
	[tilespmem:$0xFD30] =	vst v63  }
0x1b8: {  	_ =	swait.ge [sflag:s10], $0x80  }
0x1b9: {  	[sflag:s10] =	ssyncset.done $0x0  }
0x1ba: {  	[sflag:s10] =	ssyncadd.s32 $0xFFFFFF80  }
0x1bb: {  	[spmem:s2] =	stream.indirect.scatter.add.f32 [tilespmem:s13], [sflag:$0x1], $0x1, s18, s11, $0xb8;
	[tilespmem:$0xFD30] =	vst v63  }
0x1bc: {  	_ =	swait.ge [sflag:s10], $0x80  }
0x1bd: {  	[sflag:s10] =	ssyncset.done $0x0  }
0x1be: {  	[sflag:s10] =	ssyncadd.s32 $0xFFFFFF80  }
0x1bf: {  	[spmem:s2] =	stream.indirect.scatter.add.f32 [tilespmem:s13], [sflag:$0x1], $0x1, s19, s11, $0xb8;
	[tilespmem:$0xFD30] =	vst v63  }
0x1c0: {  	_ =	swait.ge [sflag:s10], $0x80  }
0x1c1: {  	[sflag:s10] =	ssyncset.done $0x0  }
0x1c2: {  	[sflag:s10] =	ssyncadd.s32 $0xFFFFFF80  }
0x1c3: {  	[spmem:s2] =	stream.indirect.scatter.add.f32 [tilespmem:s13], [sflag:$0x1], $0x1, s20, s11, $0xb8;
	[tilespmem:$0xFD30] =	vst v63  }
0x1c4: {  	_ =	swait.ge [sflag:s10], $0x80  }
0x1c5: {  	[sflag:s10] =	ssyncset.done $0x0  }
0x1c6: {  	[sflag:s10] =	ssyncadd.s32 $0xFFFFFF80  }
0x1c7: {  	[bflag:$0x0] =	sbarrier.arrive $0xFFFF  }
0x1c8: {  	[bflag:$0x0] =	sbarrier.arrive $0xFFFF  }
0x1c9: {  	[bflag:$0x0] =	sbarrier.arrive $0xFFFF  }
0x1ca: {  	[bflag:$0x0] =	sbarrier.arrive $0xFFFF  }
0x1cb: {  	[bflag:$0x0] =	sbarrier.arrive $0xFFFF  }
.Ltmp14:
0x1cc: {  	[bflag:$0x0] =	sbarrier.arrive $0xFFFF;
	(pc) =	sbr.rel .LBB2_30-.Ltmp14, $3  }
0x1cd: {  	[bflag:$0x0] =	sbarrier.arrive $0xFFFF  }
0x1ce: {  	[bflag:$0x0] =	sbarrier.arrive $0xFFFF  }
0x1cf: {  	[bflag:$0x0] =	sbarrier.arrive $0xFFFF;
	_ =	sdelay $0x1  }
.LBB2_15:
0x1d0: {  	[bflag:$0x0] =	sbarrier.arrive $0xFFFF  }
0x1d1: {  	s21 =	sld [smem:$0x7F7];
	_ =	sdelay $0x2  }
0x1d2: {  	p6 =	seq.s32 s21, $0x1  }
.Ltmp15:
0x1d3: {  	_ = 	snop;
	(pc) =	sbr.rel @p6 .LBB2_17-.Ltmp15, $1  }
0x1d4: {  	_ =	sdelay $0x3  }
0x1d5: {  	[spmem:s2] =	stream.indirect.scatter.add.f32 [tilespmem:s13], [sflag:$0x1], $0x1, s12, s11, $0xb8;
	[tilespmem:$0xFD30] =	vst v63  }
0x1d6: {  	_ =	swait.ge [sflag:s10], $0x80  }
0x1d7: {  	[sflag:s10] =	ssyncset.done $0x0  }
0x1d8: {  	[sflag:s10] =	ssyncadd.s32 $0xFFFFFF80  }
0x1d9: {  	[spmem:s2] =	stream.indirect.scatter.add.f32 [tilespmem:s13], [sflag:$0x1], $0x1, s14, s11, $0xb8;
	[tilespmem:$0xFD30] =	vst v63  }
0x1da: {  	_ =	swait.ge [sflag:s10], $0x80  }
0x1db: {  	[sflag:s10] =	ssyncset.done $0x0  }
0x1dc: {  	[sflag:s10] =	ssyncadd.s32 $0xFFFFFF80  }
0x1dd: {  	[spmem:s2] =	stream.indirect.scatter.add.f32 [tilespmem:s13], [sflag:$0x1], $0x1, s15, s11, $0xb8;
	[tilespmem:$0xFD30] =	vst v63  }
0x1de: {  	_ =	swait.ge [sflag:s10], $0x80  }
0x1df: {  	[sflag:s10] =	ssyncset.done $0x0  }
0x1e0: {  	[sflag:s10] =	ssyncadd.s32 $0xFFFFFF80  }
0x1e1: {  	[spmem:s2] =	stream.indirect.scatter.add.f32 [tilespmem:s13], [sflag:$0x1], $0x1, s16, s11, $0xb8;
	[tilespmem:$0xFD30] =	vst v63  }
0x1e2: {  	_ =	swait.ge [sflag:s10], $0x80  }
0x1e3: {  	[sflag:s10] =	ssyncset.done $0x0  }
0x1e4: {  	[sflag:s10] =	ssyncadd.s32 $0xFFFFFF80  }
0x1e5: {  	[spmem:s2] =	stream.indirect.scatter.add.f32 [tilespmem:s13], [sflag:$0x1], $0x1, s17, s11, $0xb8;
	[tilespmem:$0xFD30] =	vst v63  }
0x1e6: {  	_ =	swait.ge [sflag:s10], $0x80  }
0x1e7: {  	[sflag:s10] =	ssyncset.done $0x0  }
0x1e8: {  	[sflag:s10] =	ssyncadd.s32 $0xFFFFFF80  }
0x1e9: {  	[spmem:s2] =	stream.indirect.scatter.add.f32 [tilespmem:s13], [sflag:$0x1], $0x1, s18, s11, $0xb8;
	[tilespmem:$0xFD30] =	vst v63  }
0x1ea: {  	_ =	swait.ge [sflag:s10], $0x80  }
0x1eb: {  	[sflag:s10] =	ssyncset.done $0x0  }
0x1ec: {  	[sflag:s10] =	ssyncadd.s32 $0xFFFFFF80  }
0x1ed: {  	[spmem:s2] =	stream.indirect.scatter.add.f32 [tilespmem:s13], [sflag:$0x1], $0x1, s19, s11, $0xb8;
	[tilespmem:$0xFD30] =	vst v63  }
0x1ee: {  	_ =	swait.ge [sflag:s10], $0x80  }
0x1ef: {  	[sflag:s10] =	ssyncset.done $0x0  }
0x1f0: {  	[sflag:s10] =	ssyncadd.s32 $0xFFFFFF80  }
0x1f1: {  	[spmem:s2] =	stream.indirect.scatter.add.f32 [tilespmem:s13], [sflag:$0x1], $0x1, s20, s11, $0xb8;
	[tilespmem:$0xFD30] =	vst v63  }
0x1f2: {  	_ =	swait.ge [sflag:s10], $0x80  }
0x1f3: {  	[sflag:s10] =	ssyncset.done $0x0  }
0x1f4: {  	[sflag:s10] =	ssyncadd.s32 $0xFFFFFF80  }
0x1f5: {  	[bflag:$0x0] =	sbarrier.arrive $0xFFFF  }
0x1f6: {  	[bflag:$0x0] =	sbarrier.arrive $0xFFFF  }
0x1f7: {  	[bflag:$0x0] =	sbarrier.arrive $0xFFFF  }
0x1f8: {  	[bflag:$0x0] =	sbarrier.arrive $0xFFFF  }
.Ltmp16:
0x1f9: {  	[bflag:$0x0] =	sbarrier.arrive $0xFFFF;
	(pc) =	sbr.rel .LBB2_30-.Ltmp16, $3  }
0x1fa: {  	[bflag:$0x0] =	sbarrier.arrive $0xFFFF  }
0x1fb: {  	[bflag:$0x0] =	sbarrier.arrive $0xFFFF  }
0x1fc: {  	[bflag:$0x0] =	sbarrier.arrive $0xFFFF;
	_ =	sdelay $0x1  }
.LBB2_17:
0x1fd: {  	[bflag:$0x0] =	sbarrier.arrive $0xFFFF  }
0x1fe: {  	s21 =	sld [smem:$0x7F8];
	_ =	sdelay $0x2  }
0x1ff: {  	p6 =	seq.s32 s21, $0x1  }
.Ltmp17:
0x200: {  	_ = 	snop;
	(pc) =	sbr.rel @p6 .LBB2_19-.Ltmp17, $1  }
0x201: {  	_ =	sdelay $0x3  }
0x202: {  	[spmem:s2] =	stream.indirect.scatter.add.f32 [tilespmem:s13], [sflag:$0x1], $0x1, s12, s11, $0xb8;
	[tilespmem:$0xFD30] =	vst v63  }
0x203: {  	_ =	swait.ge [sflag:s10], $0x80  }
0x204: {  	[sflag:s10] =	ssyncset.done $0x0  }
0x205: {  	[sflag:s10] =	ssyncadd.s32 $0xFFFFFF80  }
0x206: {  	[spmem:s2] =	stream.indirect.scatter.add.f32 [tilespmem:s13], [sflag:$0x1], $0x1, s14, s11, $0xb8;
	[tilespmem:$0xFD30] =	vst v63  }
0x207: {  	_ =	swait.ge [sflag:s10], $0x80  }
0x208: {  	[sflag:s10] =	ssyncset.done $0x0  }
0x209: {  	[sflag:s10] =	ssyncadd.s32 $0xFFFFFF80  }
0x20a: {  	[spmem:s2] =	stream.indirect.scatter.add.f32 [tilespmem:s13], [sflag:$0x1], $0x1, s15, s11, $0xb8;
	[tilespmem:$0xFD30] =	vst v63  }
0x20b: {  	_ =	swait.ge [sflag:s10], $0x80  }
0x20c: {  	[sflag:s10] =	ssyncset.done $0x0  }
0x20d: {  	[sflag:s10] =	ssyncadd.s32 $0xFFFFFF80  }
0x20e: {  	[spmem:s2] =	stream.indirect.scatter.add.f32 [tilespmem:s13], [sflag:$0x1], $0x1, s16, s11, $0xb8;
	[tilespmem:$0xFD30] =	vst v63  }
0x20f: {  	_ =	swait.ge [sflag:s10], $0x80  }
0x210: {  	[sflag:s10] =	ssyncset.done $0x0  }
0x211: {  	[sflag:s10] =	ssyncadd.s32 $0xFFFFFF80  }
0x212: {  	[spmem:s2] =	stream.indirect.scatter.add.f32 [tilespmem:s13], [sflag:$0x1], $0x1, s17, s11, $0xb8;
	[tilespmem:$0xFD30] =	vst v63  }
0x213: {  	_ =	swait.ge [sflag:s10], $0x80  }
0x214: {  	[sflag:s10] =	ssyncset.done $0x0  }
0x215: {  	[sflag:s10] =	ssyncadd.s32 $0xFFFFFF80  }
0x216: {  	[spmem:s2] =	stream.indirect.scatter.add.f32 [tilespmem:s13], [sflag:$0x1], $0x1, s18, s11, $0xb8;
	[tilespmem:$0xFD30] =	vst v63  }
0x217: {  	_ =	swait.ge [sflag:s10], $0x80  }
0x218: {  	[sflag:s10] =	ssyncset.done $0x0  }
0x219: {  	[sflag:s10] =	ssyncadd.s32 $0xFFFFFF80  }
0x21a: {  	[spmem:s2] =	stream.indirect.scatter.add.f32 [tilespmem:s13], [sflag:$0x1], $0x1, s19, s11, $0xb8;
	[tilespmem:$0xFD30] =	vst v63  }
0x21b: {  	_ =	swait.ge [sflag:s10], $0x80  }
0x21c: {  	[sflag:s10] =	ssyncset.done $0x0  }
0x21d: {  	[sflag:s10] =	ssyncadd.s32 $0xFFFFFF80  }
0x21e: {  	[spmem:s2] =	stream.indirect.scatter.add.f32 [tilespmem:s13], [sflag:$0x1], $0x1, s20, s11, $0xb8;
	[tilespmem:$0xFD30] =	vst v63  }
0x21f: {  	_ =	swait.ge [sflag:s10], $0x80  }
0x220: {  	[sflag:s10] =	ssyncset.done $0x0  }
0x221: {  	[sflag:s10] =	ssyncadd.s32 $0xFFFFFF80  }
0x222: {  	[bflag:$0x0] =	sbarrier.arrive $0xFFFF  }
0x223: {  	[bflag:$0x0] =	sbarrier.arrive $0xFFFF  }
0x224: {  	[bflag:$0x0] =	sbarrier.arrive $0xFFFF  }
.Ltmp18:
0x225: {  	[bflag:$0x0] =	sbarrier.arrive $0xFFFF;
	(pc) =	sbr.rel .LBB2_30-.Ltmp18, $3  }
0x226: {  	[bflag:$0x0] =	sbarrier.arrive $0xFFFF  }
0x227: {  	[bflag:$0x0] =	sbarrier.arrive $0xFFFF  }
0x228: {  	[bflag:$0x0] =	sbarrier.arrive $0xFFFF;
	_ =	sdelay $0x1  }
.LBB2_19:
0x229: {  	[bflag:$0x0] =	sbarrier.arrive $0xFFFF  }
0x22a: {  	s21 =	sld [smem:$0x7F9];
	_ =	sdelay $0x2  }
0x22b: {  	p6 =	seq.s32 s21, $0x1  }
.Ltmp19:
0x22c: {  	_ = 	snop;
	(pc) =	sbr.rel @p6 .LBB2_21-.Ltmp19, $1  }
0x22d: {  	_ =	sdelay $0x3  }
0x22e: {  	[spmem:s2] =	stream.indirect.scatter.add.f32 [tilespmem:s13], [sflag:$0x1], $0x1, s12, s11, $0xb8;
	[tilespmem:$0xFD30] =	vst v63  }
0x22f: {  	_ =	swait.ge [sflag:s10], $0x80  }
0x230: {  	[sflag:s10] =	ssyncset.done $0x0  }
0x231: {  	[sflag:s10] =	ssyncadd.s32 $0xFFFFFF80  }
0x232: {  	[spmem:s2] =	stream.indirect.scatter.add.f32 [tilespmem:s13], [sflag:$0x1], $0x1, s14, s11, $0xb8;
	[tilespmem:$0xFD30] =	vst v63  }
0x233: {  	_ =	swait.ge [sflag:s10], $0x80  }
0x234: {  	[sflag:s10] =	ssyncset.done $0x0  }
0x235: {  	[sflag:s10] =	ssyncadd.s32 $0xFFFFFF80  }
0x236: {  	[spmem:s2] =	stream.indirect.scatter.add.f32 [tilespmem:s13], [sflag:$0x1], $0x1, s15, s11, $0xb8;
	[tilespmem:$0xFD30] =	vst v63  }
0x237: {  	_ =	swait.ge [sflag:s10], $0x80  }
0x238: {  	[sflag:s10] =	ssyncset.done $0x0  }
0x239: {  	[sflag:s10] =	ssyncadd.s32 $0xFFFFFF80  }
0x23a: {  	[spmem:s2] =	stream.indirect.scatter.add.f32 [tilespmem:s13], [sflag:$0x1], $0x1, s16, s11, $0xb8;
	[tilespmem:$0xFD30] =	vst v63  }
0x23b: {  	_ =	swait.ge [sflag:s10], $0x80  }
0x23c: {  	[sflag:s10] =	ssyncset.done $0x0  }
0x23d: {  	[sflag:s10] =	ssyncadd.s32 $0xFFFFFF80  }
0x23e: {  	[spmem:s2] =	stream.indirect.scatter.add.f32 [tilespmem:s13], [sflag:$0x1], $0x1, s17, s11, $0xb8;
	[tilespmem:$0xFD30] =	vst v63  }
0x23f: {  	_ =	swait.ge [sflag:s10], $0x80  }
0x240: {  	[sflag:s10] =	ssyncset.done $0x0  }
0x241: {  	[sflag:s10] =	ssyncadd.s32 $0xFFFFFF80  }
0x242: {  	[spmem:s2] =	stream.indirect.scatter.add.f32 [tilespmem:s13], [sflag:$0x1], $0x1, s18, s11, $0xb8;
	[tilespmem:$0xFD30] =	vst v63  }
0x243: {  	_ =	swait.ge [sflag:s10], $0x80  }
0x244: {  	[sflag:s10] =	ssyncset.done $0x0  }
0x245: {  	[sflag:s10] =	ssyncadd.s32 $0xFFFFFF80  }
0x246: {  	[spmem:s2] =	stream.indirect.scatter.add.f32 [tilespmem:s13], [sflag:$0x1], $0x1, s19, s11, $0xb8;
	[tilespmem:$0xFD30] =	vst v63  }
0x247: {  	_ =	swait.ge [sflag:s10], $0x80  }
0x248: {  	[sflag:s10] =	ssyncset.done $0x0  }
0x249: {  	[sflag:s10] =	ssyncadd.s32 $0xFFFFFF80  }
0x24a: {  	[spmem:s2] =	stream.indirect.scatter.add.f32 [tilespmem:s13], [sflag:$0x1], $0x1, s20, s11, $0xb8;
	[tilespmem:$0xFD30] =	vst v63  }
0x24b: {  	_ =	swait.ge [sflag:s10], $0x80  }
0x24c: {  	[sflag:s10] =	ssyncset.done $0x0  }
0x24d: {  	[sflag:s10] =	ssyncadd.s32 $0xFFFFFF80  }
0x24e: {  	[bflag:$0x0] =	sbarrier.arrive $0xFFFF  }
0x24f: {  	[bflag:$0x0] =	sbarrier.arrive $0xFFFF  }
.Ltmp20:
0x250: {  	[bflag:$0x0] =	sbarrier.arrive $0xFFFF;
	(pc) =	sbr.rel .LBB2_30-.Ltmp20, $3  }
0x251: {  	[bflag:$0x0] =	sbarrier.arrive $0xFFFF  }
0x252: {  	[bflag:$0x0] =	sbarrier.arrive $0xFFFF  }
0x253: {  	[bflag:$0x0] =	sbarrier.arrive $0xFFFF;
	_ =	sdelay $0x1  }
.LBB2_21:
0x254: {  	[bflag:$0x0] =	sbarrier.arrive $0xFFFF  }
0x255: {  	s21 =	sld [smem:$0x7FA];
	_ =	sdelay $0x2  }
0x256: {  	p6 =	seq.s32 s21, $0x1  }
.Ltmp21:
0x257: {  	_ = 	snop;
	(pc) =	sbr.rel @p6 .LBB2_23-.Ltmp21, $1  }
0x258: {  	_ =	sdelay $0x3  }
0x259: {  	[spmem:s2] =	stream.indirect.scatter.add.f32 [tilespmem:s13], [sflag:$0x1], $0x1, s12, s11, $0xb8;
	[tilespmem:$0xFD30] =	vst v63  }
0x25a: {  	_ =	swait.ge [sflag:s10], $0x80  }
0x25b: {  	[sflag:s10] =	ssyncset.done $0x0  }
0x25c: {  	[sflag:s10] =	ssyncadd.s32 $0xFFFFFF80  }
0x25d: {  	[spmem:s2] =	stream.indirect.scatter.add.f32 [tilespmem:s13], [sflag:$0x1], $0x1, s14, s11, $0xb8;
	[tilespmem:$0xFD30] =	vst v63  }
0x25e: {  	_ =	swait.ge [sflag:s10], $0x80  }
0x25f: {  	[sflag:s10] =	ssyncset.done $0x0  }
0x260: {  	[sflag:s10] =	ssyncadd.s32 $0xFFFFFF80  }
0x261: {  	[spmem:s2] =	stream.indirect.scatter.add.f32 [tilespmem:s13], [sflag:$0x1], $0x1, s15, s11, $0xb8;
	[tilespmem:$0xFD30] =	vst v63  }
0x262: {  	_ =	swait.ge [sflag:s10], $0x80  }
0x263: {  	[sflag:s10] =	ssyncset.done $0x0  }
0x264: {  	[sflag:s10] =	ssyncadd.s32 $0xFFFFFF80  }
0x265: {  	[spmem:s2] =	stream.indirect.scatter.add.f32 [tilespmem:s13], [sflag:$0x1], $0x1, s16, s11, $0xb8;
	[tilespmem:$0xFD30] =	vst v63  }
0x266: {  	_ =	swait.ge [sflag:s10], $0x80  }
0x267: {  	[sflag:s10] =	ssyncset.done $0x0  }
0x268: {  	[sflag:s10] =	ssyncadd.s32 $0xFFFFFF80  }
0x269: {  	[spmem:s2] =	stream.indirect.scatter.add.f32 [tilespmem:s13], [sflag:$0x1], $0x1, s17, s11, $0xb8;
	[tilespmem:$0xFD30] =	vst v63  }
0x26a: {  	_ =	swait.ge [sflag:s10], $0x80  }
0x26b: {  	[sflag:s10] =	ssyncset.done $0x0  }
0x26c: {  	[sflag:s10] =	ssyncadd.s32 $0xFFFFFF80  }
0x26d: {  	[spmem:s2] =	stream.indirect.scatter.add.f32 [tilespmem:s13], [sflag:$0x1], $0x1, s18, s11, $0xb8;
	[tilespmem:$0xFD30] =	vst v63  }
0x26e: {  	_ =	swait.ge [sflag:s10], $0x80  }
0x26f: {  	[sflag:s10] =	ssyncset.done $0x0  }
0x270: {  	[sflag:s10] =	ssyncadd.s32 $0xFFFFFF80  }
0x271: {  	[spmem:s2] =	stream.indirect.scatter.add.f32 [tilespmem:s13], [sflag:$0x1], $0x1, s19, s11, $0xb8;
	[tilespmem:$0xFD30] =	vst v63  }
0x272: {  	_ =	swait.ge [sflag:s10], $0x80  }
0x273: {  	[sflag:s10] =	ssyncset.done $0x0  }
0x274: {  	[sflag:s10] =	ssyncadd.s32 $0xFFFFFF80  }
0x275: {  	[spmem:s2] =	stream.indirect.scatter.add.f32 [tilespmem:s13], [sflag:$0x1], $0x1, s20, s11, $0xb8;
	[tilespmem:$0xFD30] =	vst v63  }
0x276: {  	_ =	swait.ge [sflag:s10], $0x80  }
0x277: {  	[sflag:s10] =	ssyncset.done $0x0  }
0x278: {  	[sflag:s10] =	ssyncadd.s32 $0xFFFFFF80  }
0x279: {  	[bflag:$0x0] =	sbarrier.arrive $0xFFFF  }
.Ltmp22:
0x27a: {  	[bflag:$0x0] =	sbarrier.arrive $0xFFFF;
	(pc) =	sbr.rel .LBB2_30-.Ltmp22, $3  }
0x27b: {  	[bflag:$0x0] =	sbarrier.arrive $0xFFFF  }
0x27c: {  	[bflag:$0x0] =	sbarrier.arrive $0xFFFF  }
0x27d: {  	[bflag:$0x0] =	sbarrier.arrive $0xFFFF;
	_ =	sdelay $0x1  }
.LBB2_23:
0x27e: {  	[bflag:$0x0] =	sbarrier.arrive $0xFFFF  }
0x27f: {  	s21 =	sld [smem:$0x7FB];
	_ =	sdelay $0x2  }
0x280: {  	p6 =	seq.s32 s21, $0x1  }
.Ltmp23:
0x281: {  	_ = 	snop;
	(pc) =	sbr.rel @p6 .LBB2_25-.Ltmp23, $1  }
0x282: {  	_ =	sdelay $0x3  }
0x283: {  	[spmem:s2] =	stream.indirect.scatter.add.f32 [tilespmem:s13], [sflag:$0x1], $0x1, s12, s11, $0xb8;
	[tilespmem:$0xFD30] =	vst v63  }
0x284: {  	_ =	swait.ge [sflag:s10], $0x80  }
0x285: {  	[sflag:s10] =	ssyncset.done $0x0  }
0x286: {  	[sflag:s10] =	ssyncadd.s32 $0xFFFFFF80  }
0x287: {  	[spmem:s2] =	stream.indirect.scatter.add.f32 [tilespmem:s13], [sflag:$0x1], $0x1, s14, s11, $0xb8;
	[tilespmem:$0xFD30] =	vst v63  }
0x288: {  	_ =	swait.ge [sflag:s10], $0x80  }
0x289: {  	[sflag:s10] =	ssyncset.done $0x0  }
0x28a: {  	[sflag:s10] =	ssyncadd.s32 $0xFFFFFF80  }
0x28b: {  	[spmem:s2] =	stream.indirect.scatter.add.f32 [tilespmem:s13], [sflag:$0x1], $0x1, s15, s11, $0xb8;
	[tilespmem:$0xFD30] =	vst v63  }
0x28c: {  	_ =	swait.ge [sflag:s10], $0x80  }
0x28d: {  	[sflag:s10] =	ssyncset.done $0x0  }
0x28e: {  	[sflag:s10] =	ssyncadd.s32 $0xFFFFFF80  }
0x28f: {  	[spmem:s2] =	stream.indirect.scatter.add.f32 [tilespmem:s13], [sflag:$0x1], $0x1, s16, s11, $0xb8;
	[tilespmem:$0xFD30] =	vst v63  }
0x290: {  	_ =	swait.ge [sflag:s10], $0x80  }
0x291: {  	[sflag:s10] =	ssyncset.done $0x0  }
0x292: {  	[sflag:s10] =	ssyncadd.s32 $0xFFFFFF80  }
0x293: {  	[spmem:s2] =	stream.indirect.scatter.add.f32 [tilespmem:s13], [sflag:$0x1], $0x1, s17, s11, $0xb8;
	[tilespmem:$0xFD30] =	vst v63  }
0x294: {  	_ =	swait.ge [sflag:s10], $0x80  }
0x295: {  	[sflag:s10] =	ssyncset.done $0x0  }
0x296: {  	[sflag:s10] =	ssyncadd.s32 $0xFFFFFF80  }
0x297: {  	[spmem:s2] =	stream.indirect.scatter.add.f32 [tilespmem:s13], [sflag:$0x1], $0x1, s18, s11, $0xb8;
	[tilespmem:$0xFD30] =	vst v63  }
0x298: {  	_ =	swait.ge [sflag:s10], $0x80  }
0x299: {  	[sflag:s10] =	ssyncset.done $0x0  }
0x29a: {  	[sflag:s10] =	ssyncadd.s32 $0xFFFFFF80  }
0x29b: {  	[spmem:s2] =	stream.indirect.scatter.add.f32 [tilespmem:s13], [sflag:$0x1], $0x1, s19, s11, $0xb8;
	[tilespmem:$0xFD30] =	vst v63  }
0x29c: {  	_ =	swait.ge [sflag:s10], $0x80  }
0x29d: {  	[sflag:s10] =	ssyncset.done $0x0  }
0x29e: {  	[sflag:s10] =	ssyncadd.s32 $0xFFFFFF80  }
0x29f: {  	[spmem:s2] =	stream.indirect.scatter.add.f32 [tilespmem:s13], [sflag:$0x1], $0x1, s20, s11, $0xb8;
	[tilespmem:$0xFD30] =	vst v63  }
0x2a0: {  	_ =	swait.ge [sflag:s10], $0x80  }
0x2a1: {  	[sflag:s10] =	ssyncset.done $0x0  }
0x2a2: {  	[sflag:s10] =	ssyncadd.s32 $0xFFFFFF80  }
.Ltmp24:
0x2a3: {  	[bflag:$0x0] =	sbarrier.arrive $0xFFFF;
	(pc) =	sbr.rel .LBB2_30-.Ltmp24, $3  }
0x2a4: {  	[bflag:$0x0] =	sbarrier.arrive $0xFFFF  }
0x2a5: {  	[bflag:$0x0] =	sbarrier.arrive $0xFFFF  }
0x2a6: {  	[bflag:$0x0] =	sbarrier.arrive $0xFFFF;
	_ =	sdelay $0x1  }
.LBB2_25:
0x2a7: {  	[bflag:$0x0] =	sbarrier.arrive $0xFFFF  }
0x2a8: {  	s21 =	sld [smem:$0x7FC];
	_ =	sdelay $0x2  }
0x2a9: {  	p6 =	seq.s32 s21, $0x1  }
.Ltmp25:
0x2aa: {  	_ = 	snop;
	(pc) =	sbr.rel @p6 .LBB2_27-.Ltmp25, $1  }
0x2ab: {  	_ =	sdelay $0x3  }
0x2ac: {  	[spmem:s2] =	stream.indirect.scatter.add.f32 [tilespmem:s13], [sflag:$0x1], $0x1, s12, s11, $0xb8;
	[tilespmem:$0xFD30] =	vst v63  }
0x2ad: {  	_ =	swait.ge [sflag:s10], $0x80  }
0x2ae: {  	[sflag:s10] =	ssyncset.done $0x0  }
0x2af: {  	[sflag:s10] =	ssyncadd.s32 $0xFFFFFF80  }
0x2b0: {  	[spmem:s2] =	stream.indirect.scatter.add.f32 [tilespmem:s13], [sflag:$0x1], $0x1, s14, s11, $0xb8;
	[tilespmem:$0xFD30] =	vst v63  }
0x2b1: {  	_ =	swait.ge [sflag:s10], $0x80  }
0x2b2: {  	[sflag:s10] =	ssyncset.done $0x0  }
0x2b3: {  	[sflag:s10] =	ssyncadd.s32 $0xFFFFFF80  }
0x2b4: {  	[spmem:s2] =	stream.indirect.scatter.add.f32 [tilespmem:s13], [sflag:$0x1], $0x1, s15, s11, $0xb8;
	[tilespmem:$0xFD30] =	vst v63  }
0x2b5: {  	_ =	swait.ge [sflag:s10], $0x80  }
0x2b6: {  	[sflag:s10] =	ssyncset.done $0x0  }
0x2b7: {  	[sflag:s10] =	ssyncadd.s32 $0xFFFFFF80  }
0x2b8: {  	[spmem:s2] =	stream.indirect.scatter.add.f32 [tilespmem:s13], [sflag:$0x1], $0x1, s16, s11, $0xb8;
	[tilespmem:$0xFD30] =	vst v63  }
0x2b9: {  	_ =	swait.ge [sflag:s10], $0x80  }
0x2ba: {  	[sflag:s10] =	ssyncset.done $0x0  }
0x2bb: {  	[sflag:s10] =	ssyncadd.s32 $0xFFFFFF80  }
0x2bc: {  	[spmem:s2] =	stream.indirect.scatter.add.f32 [tilespmem:s13], [sflag:$0x1], $0x1, s17, s11, $0xb8;
	[tilespmem:$0xFD30] =	vst v63  }
0x2bd: {  	_ =	swait.ge [sflag:s10], $0x80  }
0x2be: {  	[sflag:s10] =	ssyncset.done $0x0  }
0x2bf: {  	[sflag:s10] =	ssyncadd.s32 $0xFFFFFF80  }
0x2c0: {  	[spmem:s2] =	stream.indirect.scatter.add.f32 [tilespmem:s13], [sflag:$0x1], $0x1, s18, s11, $0xb8;
	[tilespmem:$0xFD30] =	vst v63  }
0x2c1: {  	_ =	swait.ge [sflag:s10], $0x80  }
0x2c2: {  	[sflag:s10] =	ssyncset.done $0x0  }
0x2c3: {  	[sflag:s10] =	ssyncadd.s32 $0xFFFFFF80  }
0x2c4: {  	[spmem:s2] =	stream.indirect.scatter.add.f32 [tilespmem:s13], [sflag:$0x1], $0x1, s19, s11, $0xb8;
	[tilespmem:$0xFD30] =	vst v63  }
0x2c5: {  	_ =	swait.ge [sflag:s10], $0x80  }
0x2c6: {  	[sflag:s10] =	ssyncset.done $0x0  }
0x2c7: {  	[sflag:s10] =	ssyncadd.s32 $0xFFFFFF80  }
0x2c8: {  	[spmem:s2] =	stream.indirect.scatter.add.f32 [tilespmem:s13], [sflag:$0x1], $0x1, s20, s11, $0xb8;
	[tilespmem:$0xFD30] =	vst v63  }
0x2c9: {  	_ =	swait.ge [sflag:s10], $0x80  }
0x2ca: {  	[sflag:s10] =	ssyncset.done $0x0  }
.Ltmp26:
0x2cb: {  	[sflag:s10] =	ssyncadd.s32 $0xFFFFFF80;
	(pc) =	sbr.rel .LBB2_30-.Ltmp26, $3  }
0x2cc: {  	[bflag:$0x0] =	sbarrier.arrive $0xFFFF  }
0x2cd: {  	[bflag:$0x0] =	sbarrier.arrive $0xFFFF  }
0x2ce: {  	[bflag:$0x0] =	sbarrier.arrive $0xFFFF;
	_ =	sdelay $0x1  }
.LBB2_27:
0x2cf: {  	[bflag:$0x0] =	sbarrier.arrive $0xFFFF  }
0x2d0: {  	s21 =	sld [smem:$0x7FD];
	_ =	sdelay $0x2  }
0x2d1: {  	p6 =	seq.s32 s21, $0x1  }
.Ltmp27:
0x2d2: {  	_ = 	snop;
	(pc) =	sbr.rel @p6 .LBB2_29-.Ltmp27, $1  }
0x2d3: {  	_ =	sdelay $0x3  }
0x2d4: {  	[spmem:s2] =	stream.indirect.scatter.add.f32 [tilespmem:s13], [sflag:$0x1], $0x1, s12, s11, $0xb8;
	[tilespmem:$0xFD30] =	vst v63  }
0x2d5: {  	_ =	swait.ge [sflag:s10], $0x80  }
0x2d6: {  	[sflag:s10] =	ssyncset.done $0x0  }
0x2d7: {  	[sflag:s10] =	ssyncadd.s32 $0xFFFFFF80  }
0x2d8: {  	[spmem:s2] =	stream.indirect.scatter.add.f32 [tilespmem:s13], [sflag:$0x1], $0x1, s14, s11, $0xb8;
	[tilespmem:$0xFD30] =	vst v63  }
0x2d9: {  	_ =	swait.ge [sflag:s10], $0x80  }
0x2da: {  	[sflag:s10] =	ssyncset.done $0x0  }
0x2db: {  	[sflag:s10] =	ssyncadd.s32 $0xFFFFFF80  }
0x2dc: {  	[spmem:s2] =	stream.indirect.scatter.add.f32 [tilespmem:s13], [sflag:$0x1], $0x1, s15, s11, $0xb8;
	[tilespmem:$0xFD30] =	vst v63  }
0x2dd: {  	_ =	swait.ge [sflag:s10], $0x80  }
0x2de: {  	[sflag:s10] =	ssyncset.done $0x0  }
0x2df: {  	[sflag:s10] =	ssyncadd.s32 $0xFFFFFF80  }
0x2e0: {  	[spmem:s2] =	stream.indirect.scatter.add.f32 [tilespmem:s13], [sflag:$0x1], $0x1, s16, s11, $0xb8;
	[tilespmem:$0xFD30] =	vst v63  }
0x2e1: {  	_ =	swait.ge [sflag:s10], $0x80  }
0x2e2: {  	[sflag:s10] =	ssyncset.done $0x0  }
0x2e3: {  	[sflag:s10] =	ssyncadd.s32 $0xFFFFFF80  }
0x2e4: {  	[spmem:s2] =	stream.indirect.scatter.add.f32 [tilespmem:s13], [sflag:$0x1], $0x1, s17, s11, $0xb8;
	[tilespmem:$0xFD30] =	vst v63  }
0x2e5: {  	_ =	swait.ge [sflag:s10], $0x80  }
0x2e6: {  	[sflag:s10] =	ssyncset.done $0x0  }
0x2e7: {  	[sflag:s10] =	ssyncadd.s32 $0xFFFFFF80  }
0x2e8: {  	[spmem:s2] =	stream.indirect.scatter.add.f32 [tilespmem:s13], [sflag:$0x1], $0x1, s18, s11, $0xb8;
	[tilespmem:$0xFD30] =	vst v63  }
0x2e9: {  	_ =	swait.ge [sflag:s10], $0x80  }
0x2ea: {  	[sflag:s10] =	ssyncset.done $0x0  }
0x2eb: {  	[sflag:s10] =	ssyncadd.s32 $0xFFFFFF80  }
0x2ec: {  	[spmem:s2] =	stream.indirect.scatter.add.f32 [tilespmem:s13], [sflag:$0x1], $0x1, s19, s11, $0xb8;
	[tilespmem:$0xFD30] =	vst v63  }
0x2ed: {  	_ =	swait.ge [sflag:s10], $0x80  }
0x2ee: {  	[sflag:s10] =	ssyncset.done $0x0  }
0x2ef: {  	[sflag:s10] =	ssyncadd.s32 $0xFFFFFF80  }
0x2f0: {  	[spmem:s2] =	stream.indirect.scatter.add.f32 [tilespmem:s13], [sflag:$0x1], $0x1, s20, s11, $0xb8;
	[tilespmem:$0xFD30] =	vst v63  }
0x2f1: {  	_ =	swait.ge [sflag:s10], $0x80  }
.Ltmp28:
0x2f2: {  	[sflag:s10] =	ssyncset.done $0x0;
	(pc) =	sbr.rel .LBB2_30-.Ltmp28, $3  }
0x2f3: {  	[sflag:s10] =	ssyncadd.s32 $0xFFFFFF80  }
0x2f4: {  	[bflag:$0x0] =	sbarrier.arrive $0xFFFF  }
0x2f5: {  	[bflag:$0x0] =	sbarrier.arrive $0xFFFF;
	_ =	sdelay $0x1  }
.LBB2_29:
0x2f6: {  	[bflag:$0x0] =	sbarrier.arrive $0xFFFF  }
0x2f7: {  	[bflag:$0x0] =	sbarrier.arrive @p1 $0xFFFF  }
0x2f8: {  	s21 =	sld [smem:$0x7F4];
	_ =	sdelay $0x2  }
0x2f9: {  	p6 =	seq.s32 s21, $0x1  }
0x2fa: {  	s21 =	simm.s32 @!p6 $0x80;
	s22 =	simm.s32 @!p6 $0x400;
	s23 =	simm.s32 @!p6 $0x800  }
0x2fb: {  	[spmem:s2] =	stream.indirect.scatter.add.f32 @!p6 [tilespmem:s23], [sflag:$0x1], $0x1, s22, s21, $0xb8;
	[tilespmem:$0xFD30] =	vst v63  }
0x2fc: {  	s22 =	simm.s32 @!p6 $0x1  }
0x2fd: {  	_ =	swait.ge @!p6 [sflag:s22], $0x80  }
0x2fe: {  	[sflag:s22] =	ssyncset.done @!p6 $0x0  }
0x2ff: {  	s24 =	simm.s32 @!p6 $0x480;
	[sflag:s22] =	ssyncadd.s32 @!p6 $0xFFFFFF80  }
0x300: {  	[spmem:s2] =	stream.indirect.scatter.add.f32 @!p6 [tilespmem:s23], [sflag:$0x1], $0x1, s24, s21, $0xb8;
	[tilespmem:$0xFD30] =	vst v63  }
0x301: {  	_ =	swait.ge @!p6 [sflag:s22], $0x80  }
0x302: {  	[sflag:s22] =	ssyncset.done @!p6 $0x0  }
0x303: {  	s24 =	simm.s32 @!p6 $0x500;
	[sflag:s22] =	ssyncadd.s32 @!p6 $0xFFFFFF80  }
0x304: {  	[spmem:s2] =	stream.indirect.scatter.add.f32 @!p6 [tilespmem:s23], [sflag:$0x1], $0x1, s24, s21, $0xb8;
	[tilespmem:$0xFD30] =	vst v63  }
0x305: {  	_ =	swait.ge @!p6 [sflag:s22], $0x80  }
0x306: {  	[sflag:s22] =	ssyncset.done @!p6 $0x0  }
0x307: {  	s24 =	simm.s32 @!p6 $0x580;
	[sflag:s22] =	ssyncadd.s32 @!p6 $0xFFFFFF80  }
0x308: {  	[spmem:s2] =	stream.indirect.scatter.add.f32 @!p6 [tilespmem:s23], [sflag:$0x1], $0x1, s24, s21, $0xb8;
	[tilespmem:$0xFD30] =	vst v63  }
0x309: {  	_ =	swait.ge @!p6 [sflag:s22], $0x80  }
0x30a: {  	[sflag:s22] =	ssyncset.done @!p6 $0x0  }
0x30b: {  	s24 =	simm.s32 @!p6 $0x600;
	[sflag:s22] =	ssyncadd.s32 @!p6 $0xFFFFFF80  }
0x30c: {  	[spmem:s2] =	stream.indirect.scatter.add.f32 @!p6 [tilespmem:s23], [sflag:$0x1], $0x1, s24, s21, $0xb8;
	[tilespmem:$0xFD30] =	vst v63  }
0x30d: {  	_ =	swait.ge @!p6 [sflag:s22], $0x80  }
0x30e: {  	[sflag:s22] =	ssyncset.done @!p6 $0x0  }
0x30f: {  	s24 =	simm.s32 @!p6 $0x680;
	[sflag:s22] =	ssyncadd.s32 @!p6 $0xFFFFFF80  }
0x310: {  	[spmem:s2] =	stream.indirect.scatter.add.f32 @!p6 [tilespmem:s23], [sflag:$0x1], $0x1, s24, s21, $0xb8;
	[tilespmem:$0xFD30] =	vst v63  }
0x311: {  	_ =	swait.ge @!p6 [sflag:s22], $0x80  }
0x312: {  	[sflag:s22] =	ssyncset.done @!p6 $0x0  }
0x313: {  	s24 =	simm.s32 @!p6 $0x700;
	[sflag:s22] =	ssyncadd.s32 @!p6 $0xFFFFFF80  }
0x314: {  	[spmem:s2] =	stream.indirect.scatter.add.f32 @!p6 [tilespmem:s23], [sflag:$0x1], $0x1, s24, s21, $0xb8;
	[tilespmem:$0xFD30] =	vst v63  }
0x315: {  	_ =	swait.ge @!p6 [sflag:s22], $0x80  }
0x316: {  	[sflag:s22] =	ssyncset.done @!p6 $0x0  }
0x317: {  	s24 =	simm.s32 @!p6 $0x780;
	[sflag:s22] =	ssyncadd.s32 @!p6 $0xFFFFFF80  }
0x318: {  	[spmem:s2] =	stream.indirect.scatter.add.f32 @!p6 [tilespmem:s23], [sflag:$0x1], $0x1, s24, s21, $0xb8;
	[tilespmem:$0xFD30] =	vst v63  }
0x319: {  	_ =	swait.ge @!p6 [sflag:s22], $0x80  }
0x31a: {  	s21 =	simm.s32 @!p1 $0x80;
	[sflag:s22] =	ssyncset.done @!p6 $0x0  }
0x31b: {  	s23 =	simm.s32 @!p1 $0x800;
	[sflag:s22] =	ssyncadd.s32 @!p6 $0xFFFFFF80;
	s22 =	simm.s32 @!p1 $0x400  }
0x31c: {  	[spmem:s2] =	stream.indirect.scatter.add.f32 @!p1 [tilespmem:s23], [sflag:$0x1], $0x1, s22, s21, $0xb8;
	[tilespmem:$0xFD30] =	vst v63  }
0x31d: {  	s22 =	simm.s32 @!p1 $0x1  }
0x31e: {  	_ =	swait.ge @!p1 [sflag:s22], $0x80  }
0x31f: {  	[sflag:s22] =	ssyncset.done @!p1 $0x0  }
0x320: {  	s24 =	simm.s32 @!p1 $0x480;
	[sflag:s22] =	ssyncadd.s32 @!p1 $0xFFFFFF80  }
0x321: {  	[spmem:s2] =	stream.indirect.scatter.add.f32 @!p1 [tilespmem:s23], [sflag:$0x1], $0x1, s24, s21, $0xb8;
	[tilespmem:$0xFD30] =	vst v63  }
0x322: {  	_ =	swait.ge @!p1 [sflag:s22], $0x80  }
0x323: {  	[sflag:s22] =	ssyncset.done @!p1 $0x0  }
0x324: {  	s24 =	simm.s32 @!p1 $0x500;
	[sflag:s22] =	ssyncadd.s32 @!p1 $0xFFFFFF80  }
0x325: {  	[spmem:s2] =	stream.indirect.scatter.add.f32 @!p1 [tilespmem:s23], [sflag:$0x1], $0x1, s24, s21, $0xb8;
	[tilespmem:$0xFD30] =	vst v63  }
0x326: {  	_ =	swait.ge @!p1 [sflag:s22], $0x80  }
0x327: {  	[sflag:s22] =	ssyncset.done @!p1 $0x0  }
0x328: {  	s24 =	simm.s32 @!p1 $0x580;
	[sflag:s22] =	ssyncadd.s32 @!p1 $0xFFFFFF80  }
0x329: {  	[spmem:s2] =	stream.indirect.scatter.add.f32 @!p1 [tilespmem:s23], [sflag:$0x1], $0x1, s24, s21, $0xb8;
	[tilespmem:$0xFD30] =	vst v63  }
0x32a: {  	_ =	swait.ge @!p1 [sflag:s22], $0x80  }
0x32b: {  	[sflag:s22] =	ssyncset.done @!p1 $0x0  }
0x32c: {  	s24 =	simm.s32 @!p1 $0x600;
	[sflag:s22] =	ssyncadd.s32 @!p1 $0xFFFFFF80  }
0x32d: {  	[spmem:s2] =	stream.indirect.scatter.add.f32 @!p1 [tilespmem:s23], [sflag:$0x1], $0x1, s24, s21, $0xb8;
	[tilespmem:$0xFD30] =	vst v63  }
0x32e: {  	_ =	swait.ge @!p1 [sflag:s22], $0x80  }
0x32f: {  	[sflag:s22] =	ssyncset.done @!p1 $0x0  }
0x330: {  	s24 =	simm.s32 @!p1 $0x680;
	[sflag:s22] =	ssyncadd.s32 @!p1 $0xFFFFFF80  }
0x331: {  	[spmem:s2] =	stream.indirect.scatter.add.f32 @!p1 [tilespmem:s23], [sflag:$0x1], $0x1, s24, s21, $0xb8;
	[tilespmem:$0xFD30] =	vst v63  }
0x332: {  	_ =	swait.ge @!p1 [sflag:s22], $0x80  }
0x333: {  	[sflag:s22] =	ssyncset.done @!p1 $0x0  }
0x334: {  	s24 =	simm.s32 @!p1 $0x700;
	[sflag:s22] =	ssyncadd.s32 @!p1 $0xFFFFFF80  }
0x335: {  	[spmem:s2] =	stream.indirect.scatter.add.f32 @!p1 [tilespmem:s23], [sflag:$0x1], $0x1, s24, s21, $0xb8;
	[tilespmem:$0xFD30] =	vst v63  }
0x336: {  	_ =	swait.ge @!p1 [sflag:s22], $0x80  }
0x337: {  	[sflag:s22] =	ssyncset.done @!p1 $0x0  }
0x338: {  	s24 =	simm.s32 @!p1 $0x780;
	[sflag:s22] =	ssyncadd.s32 @!p1 $0xFFFFFF80  }
0x339: {  	[spmem:s2] =	stream.indirect.scatter.add.f32 @!p1 [tilespmem:s23], [sflag:$0x1], $0x1, s24, s21, $0xb8;
	[tilespmem:$0xFD30] =	vst v63  }
.Ltmp29:
0x33a: {  	_ =	swait.ge @!p1 [sflag:s22], $0x80;
	(pc) =	sbr.rel .LBB2_30-.Ltmp29, $3  }
0x33b: {  	[sflag:s22] =	ssyncset.done @!p1 $0x0  }
0x33c: {  	[sflag:s22] =	ssyncadd.s32 @!p1 $0xFFFFFF80  }
0x33d: {  	[bflag:$0x0] =	sbarrier.arrive @!p1 $0xFFFF;
	_ =	sdelay $0x1  }
.LBB2_31:
0x33e: {  	_ =	sfence.sel $0x180000  }
0x33f: {  	[bflag:$0x0] =	sbarrier.arrive $0xFFFF  }
0x340: {  	_ =	strace $0x90000047  }
0x341: {  	s0 =	sadd.s32 @!p0 $0x100000, s1;
	[bflag:$0x2] =	sbarrier.arrive $0xFFFF  }
0x342: {  	[sflag:s0] =	ssyncadd.tile.s32 @!p0 $0x1;
	_ =	shalt  }
.Lfunc_end2:
_tile_overlayer_lowered:
.L_overlay_start_2:
0x343: {  	(tag) =	ssettag $0x2  }
0x344: {  	s0 =	rddreg [dreg:$0x0];
	s2 =	stileid.u32  }
0x345: {  	s1 =	rddreg [dreg:$0x1];
	p0 =	sne.s32 s2, $0x0  }
0x346: {  	s3 =	rddreg [dreg:$0x2];
	[bflag:$0x3] =	sbarrier.arrive $0xFFFF;
	s2 =	simm.s32 @!p0 $0x1C01  }
0x347: {  	[timem:s3], [sflag:s2] =	dma.local @!p0 [hbm:s0], s1  }
0x348: {  	s0 =	simm.s32 @!p0 $0x1  }
0x349: {  	_ =	swait.ge @!p0 [sflag:s0], s1  }
0x34a: {  	s1 =	ssub.s32 @!p0 $0x0, s1;
	[sflag:s0] =	ssyncset.done @!p0 $0x0  }
0x34b: {  	[sflag:s0] =	ssyncadd.s32 @!p0 s1  }
0x34c: {  	[bflag:$0x3] =	sbarrier.arrive $0xFFFF  }
0x34d: {  	_ =	shalt  }

</sc_bundles>
